<compile_context>
chip_gen: v7x
topology: tpu7x:2x2x1
jax: 0.10.2.dev20260603
libtpu: 0.0.44.dev20260713+nightly
codegen_flags: <defaults>
</compile_context>

<pallas_src>
import functools

import jax
import jax.numpy as jnp
from jax import lax
from jax.experimental import pallas as pl
from jax.experimental.pallas import tpu as pltpu
from jax.experimental.pallas import tpu_sc as plsc

N = 10000
E = 320000
D = 128

NC = 2
NS = 16
NW = NC * NS

C = 128
NCH = 2560
EPAD = NCH * C
NPAD = 10240
ROWS_PER_TILE = NPAD // NS

PASS_CH = 40
PASSES = 2

RB = 1024



def _dotT(a, w):
    return lax.dot_general(a, w, (((1,), (1,)), ((), ())),
                           preferred_element_type=jnp.float32)


def _tc1_body(x_ref, wl_ref, wr_ref, bl_ref, y1_ref, r1_ref):
    xb = x_ref[...]
    y1_ref[...] = _dotT(xb, wl_ref[...])
    r1_ref[...] = _dotT(xb, wr_ref[...]) + bl_ref[...]


def _cnt_col(c_ref):
    i = pl.program_id(0)
    seg = c_ref[0, pl.ds(i * RB, RB)] + c_ref[1, pl.ds(i * RB, RB)]
    return jnp.maximum(seg, 1.0).reshape(RB, 1)


def _tc2_body(p_ref, c_ref, r1_ref, g_ref, b_ref, wl2_ref, wr2_ref, bl2_ref,
              y2_ref, r2_ref):
    p = p_ref[0] + p_ref[1]
    cnt = _cnt_col(c_ref)
    h = p / cnt + r1_ref[...]
    mu = jnp.mean(h, axis=1, keepdims=True)
    var = jnp.mean((h - mu) ** 2, axis=1, keepdims=True)
    hn = (h - mu) / jnp.sqrt(var + 1e-5) * g_ref[...] + b_ref[...]
    ge = 0.5 * hn * (1.0 + lax.erf(hn * 0.7071067811865476))
    y2_ref[...] = _dotT(ge, wl2_ref[...])
    r2_ref[...] = _dotT(ge, wr2_ref[...]) + bl2_ref[...]


def _tc3_body(p_ref, c_ref, r2_ref, out_ref):
    p = p_ref[0] + p_ref[1]
    cnt = _cnt_col(c_ref)
    o = p / cnt + r2_ref[...]
    m = jnp.max(o, axis=1, keepdims=True)
    s = jnp.sum(jnp.exp(o - m), axis=1, keepdims=True)
    out_ref[...] = (o - m) - jnp.log(s)


_row_spec = pl.BlockSpec((RB, D), lambda i: (i, 0))
_w_spec = pl.BlockSpec((D, D), lambda i: (0, 0))
_b_spec = pl.BlockSpec((1, D), lambda i: (0, 0))
_p_spec = pl.BlockSpec((2, RB, D), lambda i: (0, i, 0))
_c_spec = pl.BlockSpec((2, NPAD), lambda i: (0, 0))

_tc1 = pl.pallas_call(
    _tc1_body,
    grid=(NPAD // RB,),
    in_specs=[_row_spec, _w_spec, _w_spec, _b_spec],
    out_specs=[_row_spec, _row_spec],
    out_shape=[jax.ShapeDtypeStruct((NPAD, D), jnp.float32)] * 2,
)

_tc2 = pl.pallas_call(
    _tc2_body,
    grid=(NPAD // RB,),
    in_specs=[_p_spec, _c_spec, _row_spec, _b_spec, _b_spec, _w_spec, _w_spec,
              _b_spec],
    out_specs=[_row_spec, _row_spec],
    out_shape=[jax.ShapeDtypeStruct((NPAD, D), jnp.float32)] * 2,
)

_tc3 = pl.pallas_call(
    _tc3_body,
    grid=(NPAD // RB,),
    in_specs=[_p_spec, _c_spec, _row_spec],
    out_specs=_row_spec,
    out_shape=jax.ShapeDtypeStruct((NPAD, D), jnp.float32),
)



def _make_sc_agg(with_counts):
    scratch = [
        pltpu.VMEM((PASS_CH, C), jnp.int32),
        pltpu.VMEM((PASS_CH, C), jnp.int32),
        pltpu.VMEM((C, D), jnp.float32),
        pltpu.VMEM((C, D), jnp.float32),
        pltpu.VMEM((16, D), jnp.float32),
        pltpu.VMEM_SHARED((NPAD, D), jnp.float32),
        pltpu.SemaphoreType.DMA,
        pltpu.SemaphoreType.DMA,
    ]
    out_type = jax.ShapeDtypeStruct((NC * NPAD, D), jnp.float32)
    if with_counts:
        scratch += [
            pltpu.VMEM((C,), jnp.float32),
            pltpu.VMEM((ROWS_PER_TILE,), jnp.float32),
            pltpu.VMEM_SHARED((NPAD,), jnp.float32),
        ]
        out_type = [out_type, jax.ShapeDtypeStruct((NC * NPAD,), jnp.float32)]

    def body(y_hbm, src_hbm, dst_hbm, *rest):
        if with_counts:
            (part_out, cnt_out, sidx, didx, rows0, rows1, zrow, acc, sem0,
             sem1, ones_v, zcnt, cacc) = rest
        else:
            part_out, sidx, didx, rows0, rows1, zrow, acc, sem0, sem1 = rest
        cid = lax.axis_index("c")
        sid = lax.axis_index("s")
        wid = sid * NC + cid

        z16 = jnp.zeros((16,), jnp.float32)
        for r in range(16):
            for c in range(D // 16):
                zrow[r, pl.ds(c * 16, 16)] = z16
        if with_counts:
            o16 = jnp.ones((16,), jnp.float32)
            for c in range(C // 16):
                ones_v[pl.ds(c * 16, 16)] = o16
            for c in range(ROWS_PER_TILE // 16):
                zcnt[pl.ds(c * 16, 16)] = z16

        base = sid * ROWS_PER_TILE
        for t in range(ROWS_PER_TILE // 16):
            pltpu.sync_copy(zrow, acc.at[pl.ds(base + t * 16, 16)])
        if with_counts:
            pltpu.sync_copy(zcnt, cacc.at[pl.ds(base, ROWS_PER_TILE)])

        plsc.subcore_barrier()

        def pair(t, carry):
            j0 = 2 * t
            j1 = 2 * t + 1
            pltpu.async_copy(y_hbm.at[sidx.at[j1]], rows1, sem1)
            pltpu.make_async_copy(y_hbm.at[sidx.at[j0]], rows0, sem0).wait()
            pltpu.sync_copy(rows0, acc.at[didx.at[j0]], add=True)
            if with_counts:
                pltpu.sync_copy(ones_v, cacc.at[didx.at[j0]], add=True)
            jn = jnp.minimum(j0 + 2, PASS_CH - 1)
            pltpu.async_copy(y_hbm.at[sidx.at[jn]], rows0, sem0)
            pltpu.make_async_copy(y_hbm.at[sidx.at[j1]], rows1, sem1).wait()
            pltpu.sync_copy(rows1, acc.at[didx.at[j1]], add=True)
            if with_counts:
                pltpu.sync_copy(ones_v, cacc.at[didx.at[j1]], add=True)
            return carry

        def do_pass(p, carry):
            base = pl.multiple_of(wid * (PASSES * PASS_CH) + p * PASS_CH, 8)
            pltpu.async_copy(src_hbm.at[pl.ds(base, PASS_CH)], sidx, sem0).wait()
            pltpu.async_copy(dst_hbm.at[pl.ds(base, PASS_CH)], didx, sem1).wait()
            pltpu.async_copy(y_hbm.at[sidx.at[0]], rows0, sem0)
            lax.fori_loop(0, PASS_CH // 2, pair, 0)
            pltpu.make_async_copy(y_hbm.at[sidx.at[0]], rows0, sem0).wait()
            return carry

        lax.fori_loop(0, PASSES, do_pass, 0)

        plsc.subcore_barrier()

        obase = cid * NPAD + base
        pltpu.sync_copy(acc.at[pl.ds(base, ROWS_PER_TILE)],
                        part_out.at[pl.ds(obase, ROWS_PER_TILE)])
        if with_counts:
            pltpu.sync_copy(cacc.at[pl.ds(base, ROWS_PER_TILE)],
                            cnt_out.at[pl.ds(obase, ROWS_PER_TILE)])

    mesh = plsc.VectorSubcoreMesh(core_axis_name="c", subcore_axis_name="s")
    return pl.kernel(body, out_type=out_type, mesh=mesh, scratch_types=scratch)


@functools.lru_cache(maxsize=None)
def _sc_aggs():
    return _make_sc_agg(True), _make_sc_agg(False)



def kernel(x, edge_index, Wl1, bl1, Wr1, gamma, beta, Wl2, bl2, Wr2):
    src = edge_index[0]
    dst = edge_index[1]
    pad = EPAD - E
    src_p = jnp.concatenate(
        [src, jnp.zeros((pad,), jnp.int32)]).reshape(NCH, C)
    pad_dst = N + jnp.arange(pad, dtype=jnp.int32) % (NPAD - N)
    dst_p = jnp.concatenate([dst, pad_dst]).reshape(NCH, C)

    bl1r = bl1.reshape(1, D)
    bl2r = bl2.reshape(1, D)
    gr = gamma.reshape(1, D)
    br = beta.reshape(1, D)

    sc_agg_cnt, sc_agg = _sc_aggs()
    xp = jnp.concatenate([x, jnp.zeros((NPAD - N, D), jnp.float32)])
    y1, r1 = _tc1(xp, Wl1, Wr1, bl1r)
    part1, cnt = sc_agg_cnt(y1, src_p, dst_p)
    part1 = part1.reshape(NC, NPAD, D)
    cnt = cnt.reshape(NC, NPAD)
    y2, r2 = _tc2(part1, cnt, r1, gr, br, Wl2, Wr2, bl2r)
    part2 = sc_agg(y2, src_p, dst_p)
    part2 = part2.reshape(NC, NPAD, D)
    return _tc3(part2, cnt, r2)[:N]

# --- scband reference (transcript-rebuilt; emitter-appended) ---
"""Pipeline reference for scband-sage-31112743092754 (READ-ONLY COPY).

The authoritative reference and input builder live on the scoring server;
editing this copy changes nothing except your own understanding.
"""

import jax, jax.numpy as jnp
import numpy as np

N = 10000
E = 320000
D_IN = 128
D_HID = 128
D_OUT = 128


def setup_inputs(seed: int = 0) -> dict:
    key = jax.random.key(seed)
    ks = jax.random.split(key, 12)
    s = 0.05
    x = jax.random.normal(ks[0], (N, D_IN), dtype=jnp.float32)
    edge_index = jax.random.randint(ks[1], (2, E), 0, N, dtype=jnp.int32)
    # SAGEConv 1: lin_l (applied to aggregated neighbors, with bias), lin_r (root, no bias)
    Wl1 = jax.random.normal(ks[2], (D_HID, D_IN), dtype=jnp.float32) * s
    bl1 = jax.random.normal(ks[3], (D_HID,), dtype=jnp.float32) * s
    Wr1 = jax.random.normal(ks[4], (D_HID, D_IN), dtype=jnp.float32) * s
    # Trans norm (LayerNorm affine)
    gamma = jnp.ones((D_HID,), dtype=jnp.float32)
    beta = jnp.zeros((D_HID,), dtype=jnp.float32)
    # SAGEConv 2
    Wl2 = jax.random.normal(ks[5], (D_OUT, D_HID), dtype=jnp.float32) * s
    bl2 = jax.random.normal(ks[6], (D_OUT,), dtype=jnp.float32) * s
    Wr2 = jax.random.normal(ks[7], (D_OUT, D_HID), dtype=jnp.float32) * s
    return {"x": x, "edge_index": edge_index, "Wl1": Wl1, "bl1": bl1, "Wr1": Wr1,
            "gamma": gamma, "beta": beta, "Wl2": Wl2, "bl2": bl2, "Wr2": Wr2}


def _sage_conv(x, src, dst, Wl, bl, Wr):
    # PyG SAGEConv (aggr='mean'): out = lin_l(mean_{j in N(i)} x_j) + lin_r(x_i)
    msgs = jnp.take(x, src, axis=0)
    agg = jax.ops.segment_sum(msgs, dst, num_segments=N)
    cnt = jax.ops.segment_sum(jnp.ones((src.shape[0],), x.dtype), dst, num_segments=N)
    agg = agg / jnp.maximum(cnt, 1.0)[:, None]
    return agg @ Wl.T + bl + x @ Wr.T


def _trans(h, gamma, beta):
    # LayerNorm -> GELU (exact) -> Dropout(p=0.0, eval) == identity
    mu = jnp.mean(h, axis=-1, keepdims=True)
    var = jnp.mean((h - mu) ** 2, axis=-1, keepdims=True)
    hn = (h - mu) / jnp.sqrt(var + 1e-5) * gamma + beta
    return jax.nn.gelu(hn, approximate=False)


def reference(x, edge_index, Wl1, bl1, Wr1, gamma, beta, Wl2, bl2, Wr2):
    src = edge_index[0]
    dst = edge_index[1]
    h = _sage_conv(x, src, dst, Wl1, bl1, Wr1)
    h = _trans(h, gamma, beta)
    h = _sage_conv(h, src, dst, Wl2, bl2, Wr2)
    return jax.nn.log_softmax(h, axis=1)

if __name__ == "__main__":
    import jax
    _d = setup_inputs()
    print(jax.jit(kernel)(*tuple(_d.values())))

</pallas_src>

<mosaic_0001>
#map = affine_map<(d0, d1) -> (0, 0)>
#map1 = affine_map<(d0, d1) -> (0)>
module attributes {stable_mosaic.version = 14 : i64} {
  func.func @body(%arg0: i32, %arg1: i32, %arg2: memref<10240x128xf32, #tpu.memory_space<hbm>>, %arg3: memref<2560x128xi32, #tpu.memory_space<hbm>>, %arg4: memref<2560x128xi32, #tpu.memory_space<hbm>>, %arg5: memref<20480x128xf32, #tpu.memory_space<hbm>>, %arg6: memref<20480xf32, #tpu.memory_space<hbm>>, %arg7: memref<40x128xi32, #tpu.memory_space<vmem>>, %arg8: memref<40x128xi32, #tpu.memory_space<vmem>>, %arg9: memref<128x128xf32, #tpu.memory_space<vmem>>, %arg10: memref<128x128xf32, #tpu.memory_space<vmem>>, %arg11: memref<16x128xf32, #tpu.memory_space<vmem>>, %arg12: memref<10240x128xf32, #tpu.memory_space<vmem_shared>>, %arg13: memref<!tpu.dma_semaphore, #tpu.memory_space<semaphore_mem>>, %arg14: memref<!tpu.dma_semaphore, #tpu.memory_space<semaphore_mem>>, %arg15: memref<128xf32, #tpu.memory_space<vmem>>, %arg16: memref<640xf32, #tpu.memory_space<vmem>>, %arg17: memref<10240xf32, #tpu.memory_space<vmem_shared>>) attributes {dimension_semantics = [#tpu.dimension_semantics<core_parallel>, #tpu.dimension_semantics<subcore_parallel>], iteration_bounds = array<i64: 2, 16>, scalar_prefetch = 0 : i64, scratch_operands = 11 : i64, tpu.core_type = #tpu.core_type<sc_vector_subcore>, window_params = [{transform_indices = #map}, {transform_indices = #map}, {transform_indices = #map}, {transform_indices = #map}, {transform_indices = #map1}]} {
    %mul3A = arith.constant 2 : i32
    %mul3A_0 = arith.muli %arg1, %mul3A : i32
    %add3A = arith.addi %mul3A_0, %arg0 : i32
    %broadcast_in_dim3A = arith.constant 0.000000e+00 : f32
    %broadcast_in_dim3A_1 = vector.broadcast %broadcast_in_dim3A : f32 to vector<16xf32>
    %swap3A = arith.constant 0 : i32
    %swap3A_2 = arith.index_cast %swap3A : i32 to index
    %swap3A_3 = arith.constant 0 : index
    %swap3A_4 = tpu.vector_load %arg11[%swap3A_2, %swap3A_3] {strides = array<i32>} : memref<16x128xf32, #tpu.memory_space<vmem>>, vector<1x16xf32>,
    %swap3A_5 = vector.shape_cast %swap3A_4 : vector<1x16xf32> to vector<16xf32>
    %swap3A_6 = vector.shape_cast %broadcast_in_dim3A_1 : vector<16xf32> to vector<1x16xf32>
    tpu.vector_store %arg11[%swap3A_2, %swap3A_3], %swap3A_6 {strides = array<i32>} : memref<16x128xf32, #tpu.memory_space<vmem>>, vector<1x16xf32>,
    %swap3A_7 = arith.constant 0 : i32
    %swap3A_8 = arith.index_cast %swap3A_7 : i32 to index
    %swap3A_9 = arith.constant 16 : index
    %swap3A_10 = tpu.vector_load %arg11[%swap3A_8, %swap3A_9] {strides = array<i32>} : memref<16x128xf32, #tpu.memory_space<vmem>>, vector<1x16xf32>,
    %swap3A_11 = vector.shape_cast %swap3A_10 : vector<1x16xf32> to vector<16xf32>
    %swap3A_12 = vector.shape_cast %broadcast_in_dim3A_1 : vector<16xf32> to vector<1x16xf32>
    tpu.vector_store %arg11[%swap3A_8, %swap3A_9], %swap3A_12 {strides = array<i32>} : memref<16x128xf32, #tpu.memory_space<vmem>>, vector<1x16xf32>,
    %swap3A_13 = arith.constant 0 : i32
    %swap3A_14 = arith.index_cast %swap3A_13 : i32 to index
    %swap3A_15 = arith.constant 32 : index
    %swap3A_16 = tpu.vector_load %arg11[%swap3A_14, %swap3A_15] {strides = array<i32>} : memref<16x128xf32, #tpu.memory_space<vmem>>, vector<1x16xf32>,
    %swap3A_17 = vector.shape_cast %swap3A_16 : vector<1x16xf32> to vector<16xf32>
    %swap3A_18 = vector.shape_cast %broadcast_in_dim3A_1 : vector<16xf32> to vector<1x16xf32>
    tpu.vector_store %arg11[%swap3A_14, %swap3A_15], %swap3A_18 {strides = array<i32>} : memref<16x128xf32, #tpu.memory_space<vmem>>, vector<1x16xf32>,
    %swap3A_19 = arith.constant 0 : i32
    %swap3A_20 = arith.index_cast %swap3A_19 : i32 to index
    %swap3A_21 = arith.constant 48 : index
    %swap3A_22 = tpu.vector_load %arg11[%swap3A_20, %swap3A_21] {strides = array<i32>} : memref<16x128xf32, #tpu.memory_space<vmem>>, vector<1x16xf32>,
    %swap3A_23 = vector.shape_cast %swap3A_22 : vector<1x16xf32> to vector<16xf32>
    %swap3A_24 = vector.shape_cast %broadcast_in_dim3A_1 : vector<16xf32> to vector<1x16xf32>
    tpu.vector_store %arg11[%swap3A_20, %swap3A_21], %swap3A_24 {strides = array<i32>} : memref<16x128xf32, #tpu.memory_space<vmem>>, vector<1x16xf32>,
    %swap3A_25 = arith.constant 0 : i32
    %swap3A_26 = arith.index_cast %swap3A_25 : i32 to index
    %swap3A_27 = arith.constant 64 : index
    %swap3A_28 = tpu.vector_load %arg11[%swap3A_26, %swap3A_27] {strides = array<i32>} : memref<16x128xf32, #tpu.memory_space<vmem>>, vector<1x16xf32>,
    %swap3A_29 = vector.shape_cast %swap3A_28 : vector<1x16xf32> to vector<16xf32>
    %swap3A_30 = vector.shape_cast %broadcast_in_dim3A_1 : vector<16xf32> to vector<1x16xf32>
    tpu.vector_store %arg11[%swap3A_26, %swap3A_27], %swap3A_30 {strides = array<i32>} : memref<16x128xf32, #tpu.memory_space<vmem>>, vector<1x16xf32>,
    %swap3A_31 = arith.constant 0 : i32
    %swap3A_32 = arith.index_cast %swap3A_31 : i32 to index
    %swap3A_33 = arith.constant 80 : index
    %swap3A_34 = tpu.vector_load %arg11[%swap3A_32, %swap3A_33] {strides = array<i32>} : memref<16x128xf32, #tpu.memory_space<vmem>>, vector<1x16xf32>,
    %swap3A_35 = vector.shape_cast %swap3A_34 : vector<1x16xf32> to vector<16xf32>
    %swap3A_36 = vector.shape_cast %broadcast_in_dim3A_1 : vector<16xf32> to vector<1x16xf32>
    tpu.vector_store %arg11[%swap3A_32, %swap3A_33], %swap3A_36 {strides = array<i32>} : memref<16x128xf32, #tpu.memory_space<vmem>>, vector<1x16xf32>,
    %swap3A_37 = arith.constant 0 : i32
    %swap3A_38 = arith.index_cast %swap3A_37 : i32 to index
    %swap3A_39 = arith.constant 96 : index
    %swap3A_40 = tpu.vector_load %arg11[%swap3A_38, %swap3A_39] {strides = array<i32>} : memref<16x128xf32, #tpu.memory_space<vmem>>, vector<1x16xf32>,
    %swap3A_41 = vector.shape_cast %swap3A_40 : vector<1x16xf32> to vector<16xf32>
    %swap3A_42 = vector.shape_cast %broadcast_in_dim3A_1 : vector<16xf32> to vector<1x16xf32>
    tpu.vector_store %arg11[%swap3A_38, %swap3A_39], %swap3A_42 {strides = array<i32>} : memref<16x128xf32, #tpu.memory_space<vmem>>, vector<1x16xf32>,
    %swap3A_43 = arith.constant 0 : i32
    %swap3A_44 = arith.index_cast %swap3A_43 : i32 to index
    %swap3A_45 = arith.constant 112 : index
    %swap3A_46 = tpu.vector_load %arg11[%swap3A_44, %swap3A_45] {strides = array<i32>} : memref<16x128xf32, #tpu.memory_space<vmem>>, vector<1x16xf32>,
    %swap3A_47 = vector.shape_cast %swap3A_46 : vector<1x16xf32> to vector<16xf32>
    %swap3A_48 = vector.shape_cast %broadcast_in_dim3A_1 : vector<16xf32> to vector<1x16xf32>
    tpu.vector_store %arg11[%swap3A_44, %swap3A_45], %swap3A_48 {strides = array<i32>} : memref<16x128xf32, #tpu.memory_space<vmem>>, vector<1x16xf32>,
    %swap3A_49 = arith.constant 1 : i32
    %swap3A_50 = arith.index_cast %swap3A_49 : i32 to index
    %swap3A_51 = arith.constant 0 : index
    %swap3A_52 = tpu.vector_load %arg11[%swap3A_50, %swap3A_51] {strides = array<i32>} : memref<16x128xf32, #tpu.memory_space<vmem>>, vector<1x16xf32>,
    %swap3A_53 = vector.shape_cast %swap3A_52 : vector<1x16xf32> to vector<16xf32>
    %swap3A_54 = vector.shape_cast %broadcast_in_dim3A_1 : vector<16xf32> to vector<1x16xf32>
    tpu.vector_store %arg11[%swap3A_50, %swap3A_51], %swap3A_54 {strides = array<i32>} : memref<16x128xf32, #tpu.memory_space<vmem>>, vector<1x16xf32>,
    %swap3A_55 = arith.constant 1 : i32
    %swap3A_56 = arith.index_cast %swap3A_55 : i32 to index
    %swap3A_57 = arith.constant 16 : index
    %swap3A_58 = tpu.vector_load %arg11[%swap3A_56, %swap3A_57] {strides = array<i32>} : memref<16x128xf32, #tpu.memory_space<vmem>>, vector<1x16xf32>,
    %swap3A_59 = vector.shape_cast %swap3A_58 : vector<1x16xf32> to vector<16xf32>
    %swap3A_60 = vector.shape_cast %broadcast_in_dim3A_1 : vector<16xf32> to vector<1x16xf32>
    tpu.vector_store %arg11[%swap3A_56, %swap3A_57], %swap3A_60 {strides = array<i32>} : memref<16x128xf32, #tpu.memory_space<vmem>>, vector<1x16xf32>,
    %swap3A_61 = arith.constant 1 : i32
    %swap3A_62 = arith.index_cast %swap3A_61 : i32 to index
    %swap3A_63 = arith.constant 32 : index
    %swap3A_64 = tpu.vector_load %arg11[%swap3A_62, %swap3A_63] {strides = array<i32>} : memref<16x128xf32, #tpu.memory_space<vmem>>, vector<1x16xf32>,
    %swap3A_65 = vector.shape_cast %swap3A_64 : vector<1x16xf32> to vector<16xf32>
    %swap3A_66 = vector.shape_cast %broadcast_in_dim3A_1 : vector<16xf32> to vector<1x16xf32>
    tpu.vector_store %arg11[%swap3A_62, %swap3A_63], %swap3A_66 {strides = array<i32>} : memref<16x128xf32, #tpu.memory_space<vmem>>, vector<1x16xf32>,
    %swap3A_67 = arith.constant 1 : i32
    %swap3A_68 = arith.index_cast %swap3A_67 : i32 to index
    %swap3A_69 = arith.constant 48 : index
    %swap3A_70 = tpu.vector_load %arg11[%swap3A_68, %swap3A_69] {strides = array<i32>} : memref<16x128xf32, #tpu.memory_space<vmem>>, vector<1x16xf32>,
    %swap3A_71 = vector.shape_cast %swap3A_70 : vector<1x16xf32> to vector<16xf32>
    %swap3A_72 = vector.shape_cast %broadcast_in_dim3A_1 : vector<16xf32> to vector<1x16xf32>
    tpu.vector_store %arg11[%swap3A_68, %swap3A_69], %swap3A_72 {strides = array<i32>} : memref<16x128xf32, #tpu.memory_space<vmem>>, vector<1x16xf32>,
    %swap3A_73 = arith.constant 1 : i32
    %swap3A_74 = arith.index_cast %swap3A_73 : i32 to index
    %swap3A_75 = arith.constant 64 : index
    %swap3A_76 = tpu.vector_load %arg11[%swap3A_74, %swap3A_75] {strides = array<i32>} : memref<16x128xf32, #tpu.memory_space<vmem>>, vector<1x16xf32>,
    %swap3A_77 = vector.shape_cast %swap3A_76 : vector<1x16xf32> to vector<16xf32>
    %swap3A_78 = vector.shape_cast %broadcast_in_dim3A_1 : vector<16xf32> to vector<1x16xf32>
    tpu.vector_store %arg11[%swap3A_74, %swap3A_75], %swap3A_78 {strides = array<i32>} : memref<16x128xf32, #tpu.memory_space<vmem>>, vector<1x16xf32>,
    %swap3A_79 = arith.constant 1 : i32
    %swap3A_80 = arith.index_cast %swap3A_79 : i32 to index
    %swap3A_81 = arith.constant 80 : index
    %swap3A_82 = tpu.vector_load %arg11[%swap3A_80, %swap3A_81] {strides = array<i32>} : memref<16x128xf32, #tpu.memory_space<vmem>>, vector<1x16xf32>,
    %swap3A_83 = vector.shape_cast %swap3A_82 : vector<1x16xf32> to vector<16xf32>
    %swap3A_84 = vector.shape_cast %broadcast_in_dim3A_1 : vector<16xf32> to vector<1x16xf32>
    tpu.vector_store %arg11[%swap3A_80, %swap3A_81], %swap3A_84 {strides = array<i32>} : memref<16x128xf32, #tpu.memory_space<vmem>>, vector<1x16xf32>,
    %swap3A_85 = arith.constant 1 : i32
    %swap3A_86 = arith.index_cast %swap3A_85 : i32 to index
    %swap3A_87 = arith.constant 96 : index
    %swap3A_88 = tpu.vector_load %arg11[%swap3A_86, %swap3A_87] {strides = array<i32>} : memref<16x128xf32, #tpu.memory_space<vmem>>, vector<1x16xf32>,
    %swap3A_89 = vector.shape_cast %swap3A_88 : vector<1x16xf32> to vector<16xf32>
    %swap3A_90 = vector.shape_cast %broadcast_in_dim3A_1 : vector<16xf32> to vector<1x16xf32>
    tpu.vector_store %arg11[%swap3A_86, %swap3A_87], %swap3A_90 {strides = array<i32>} : memref<16x128xf32, #tpu.memory_space<vmem>>, vector<1x16xf32>,
    %swap3A_91 = arith.constant 1 : i32
    %swap3A_92 = arith.index_cast %swap3A_91 : i32 to index
    %swap3A_93 = arith.constant 112 : index
    %swap3A_94 = tpu.vector_load %arg11[%swap3A_92, %swap3A_93] {strides = array<i32>} : memref<16x128xf32, #tpu.memory_space<vmem>>, vector<1x16xf32>,
    %swap3A_95 = vector.shape_cast %swap3A_94 : vector<1x16xf32> to vector<16xf32>
    %swap3A_96 = vector.shape_cast %broadcast_in_dim3A_1 : vector<16xf32> to vector<1x16xf32>
    tpu.vector_store %arg11[%swap3A_92, %swap3A_93], %swap3A_96 {strides = array<i32>} : memref<16x128xf32, #tpu.memory_space<vmem>>, vector<1x16xf32>,
    %swap3A_97 = arith.constant 2 : i32
    %swap3A_98 = arith.index_cast %swap3A_97 : i32 to index
    %swap3A_99 = arith.constant 0 : index
    %swap3A_100 = tpu.vector_load %arg11[%swap3A_98, %swap3A_99] {strides = array<i32>} : memref<16x128xf32, #tpu.memory_space<vmem>>, vector<1x16xf32>,
    %swap3A_101 = vector.shape_cast %swap3A_100 : vector<1x16xf32> to vector<16xf32>
    %swap3A_102 = vector.shape_cast %broadcast_in_dim3A_1 : vector<16xf32> to vector<1x16xf32>
    tpu.vector_store %arg11[%swap3A_98, %swap3A_99], %swap3A_102 {strides = array<i32>} : memref<16x128xf32, #tpu.memory_space<vmem>>, vector<1x16xf32>,
    %swap3A_103 = arith.constant 2 : i32
    %swap3A_104 = arith.index_cast %swap3A_103 : i32 to index
    %swap3A_105 = arith.constant 16 : index
    %swap3A_106 = tpu.vector_load %arg11[%swap3A_104, %swap3A_105] {strides = array<i32>} : memref<16x128xf32, #tpu.memory_space<vmem>>, vector<1x16xf32>,
    %swap3A_107 = vector.shape_cast %swap3A_106 : vector<1x16xf32> to vector<16xf32>
    %swap3A_108 = vector.shape_cast %broadcast_in_dim3A_1 : vector<16xf32> to vector<1x16xf32>
    tpu.vector_store %arg11[%swap3A_104, %swap3A_105], %swap3A_108 {strides = array<i32>} : memref<16x128xf32, #tpu.memory_space<vmem>>, vector<1x16xf32>,
    %swap3A_109 = arith.constant 2 : i32
    %swap3A_110 = arith.index_cast %swap3A_109 : i32 to index
    %swap3A_111 = arith.constant 32 : index
    %swap3A_112 = tpu.vector_load %arg11[%swap3A_110, %swap3A_111] {strides = array<i32>} : memref<16x128xf32, #tpu.memory_space<vmem>>, vector<1x16xf32>,
    %swap3A_113 = vector.shape_cast %swap3A_112 : vector<1x16xf32> to vector<16xf32>
    %swap3A_114 = vector.shape_cast %broadcast_in_dim3A_1 : vector<16xf32> to vector<1x16xf32>
    tpu.vector_store %arg11[%swap3A_110, %swap3A_111], %swap3A_114 {strides = array<i32>} : memref<16x128xf32, #tpu.memory_space<vmem>>, vector<1x16xf32>,
    %swap3A_115 = arith.constant 2 : i32
    %swap3A_116 = arith.index_cast %swap3A_115 : i32 to index
    %swap3A_117 = arith.constant 48 : index
    %swap3A_118 = tpu.vector_load %arg11[%swap3A_116, %swap3A_117] {strides = array<i32>} : memref<16x128xf32, #tpu.memory_space<vmem>>, vector<1x16xf32>,
    %swap3A_119 = vector.shape_cast %swap3A_118 : vector<1x16xf32> to vector<16xf32>
    %swap3A_120 = vector.shape_cast %broadcast_in_dim3A_1 : vector<16xf32> to vector<1x16xf32>
    tpu.vector_store %arg11[%swap3A_116, %swap3A_117], %swap3A_120 {strides = array<i32>} : memref<16x128xf32, #tpu.memory_space<vmem>>, vector<1x16xf32>,
    %swap3A_121 = arith.constant 2 : i32
    %swap3A_122 = arith.index_cast %swap3A_121 : i32 to index
    %swap3A_123 = arith.constant 64 : index
    %swap3A_124 = tpu.vector_load %arg11[%swap3A_122, %swap3A_123] {strides = array<i32>} : memref<16x128xf32, #tpu.memory_space<vmem>>, vector<1x16xf32>,
    %swap3A_125 = vector.shape_cast %swap3A_124 : vector<1x16xf32> to vector<16xf32>
    %swap3A_126 = vector.shape_cast %broadcast_in_dim3A_1 : vector<16xf32> to vector<1x16xf32>
    tpu.vector_store %arg11[%swap3A_122, %swap3A_123], %swap3A_126 {strides = array<i32>} : memref<16x128xf32, #tpu.memory_space<vmem>>, vector<1x16xf32>,
    %swap3A_127 = arith.constant 2 : i32
    %swap3A_128 = arith.index_cast %swap3A_127 : i32 to index
    %swap3A_129 = arith.constant 80 : index
    %swap3A_130 = tpu.vector_load %arg11[%swap3A_128, %swap3A_129] {strides = array<i32>} : memref<16x128xf32, #tpu.memory_space<vmem>>, vector<1x16xf32>,
    %swap3A_131 = vector.shape_cast %swap3A_130 : vector<1x16xf32> to vector<16xf32>
    %swap3A_132 = vector.shape_cast %broadcast_in_dim3A_1 : vector<16xf32> to vector<1x16xf32>
    tpu.vector_store %arg11[%swap3A_128, %swap3A_129], %swap3A_132 {strides = array<i32>} : memref<16x128xf32, #tpu.memory_space<vmem>>, vector<1x16xf32>,
    %swap3A_133 = arith.constant 2 : i32
    %swap3A_134 = arith.index_cast %swap3A_133 : i32 to index
    %swap3A_135 = arith.constant 96 : index
    %swap3A_136 = tpu.vector_load %arg11[%swap3A_134, %swap3A_135] {strides = array<i32>} : memref<16x128xf32, #tpu.memory_space<vmem>>, vector<1x16xf32>,
    %swap3A_137 = vector.shape_cast %swap3A_136 : vector<1x16xf32> to vector<16xf32>
    %swap3A_138 = vector.shape_cast %broadcast_in_dim3A_1 : vector<16xf32> to vector<1x16xf32>
    tpu.vector_store %arg11[%swap3A_134, %swap3A_135], %swap3A_138 {strides = array<i32>} : memref<16x128xf32, #tpu.memory_space<vmem>>, vector<1x16xf32>,
    %swap3A_139 = arith.constant 2 : i32
    %swap3A_140 = arith.index_cast %swap3A_139 : i32 to index
    %swap3A_141 = arith.constant 112 : index
    %swap3A_142 = tpu.vector_load %arg11[%swap3A_140, %swap3A_141] {strides = array<i32>} : memref<16x128xf32, #tpu.memory_space<vmem>>, vector<1x16xf32>,
    %swap3A_143 = vector.shape_cast %swap3A_142 : vector<1x16xf32> to vector<16xf32>
    %swap3A_144 = vector.shape_cast %broadcast_in_dim3A_1 : vector<16xf32> to vector<1x16xf32>
    tpu.vector_store %arg11[%swap3A_140, %swap3A_141], %swap3A_144 {strides = array<i32>} : memref<16x128xf32, #tpu.memory_space<vmem>>, vector<1x16xf32>,
    %swap3A_145 = arith.constant 3 : i32
    %swap3A_146 = arith.index_cast %swap3A_145 : i32 to index
    %swap3A_147 = arith.constant 0 : index
    %swap3A_148 = tpu.vector_load %arg11[%swap3A_146, %swap3A_147] {strides = array<i32>} : memref<16x128xf32, #tpu.memory_space<vmem>>, vector<1x16xf32>,
    %swap3A_149 = vector.shape_cast %swap3A_148 : vector<1x16xf32> to vector<16xf32>
    %swap3A_150 = vector.shape_cast %broadcast_in_dim3A_1 : vector<16xf32> to vector<1x16xf32>
    tpu.vector_store %arg11[%swap3A_146, %swap3A_147], %swap3A_150 {strides = array<i32>} : memref<16x128xf32, #tpu.memory_space<vmem>>, vector<1x16xf32>,
    %swap3A_151 = arith.constant 3 : i32
    %swap3A_152 = arith.index_cast %swap3A_151 : i32 to index
    %swap3A_153 = arith.constant 16 : index
    %swap3A_154 = tpu.vector_load %arg11[%swap3A_152, %swap3A_153] {strides = array<i32>} : memref<16x128xf32, #tpu.memory_space<vmem>>, vector<1x16xf32>,
    %swap3A_155 = vector.shape_cast %swap3A_154 : vector<1x16xf32> to vector<16xf32>
    %swap3A_156 = vector.shape_cast %broadcast_in_dim3A_1 : vector<16xf32> to vector<1x16xf32>
    tpu.vector_store %arg11[%swap3A_152, %swap3A_153], %swap3A_156 {strides = array<i32>} : memref<16x128xf32, #tpu.memory_space<vmem>>, vector<1x16xf32>,
    %swap3A_157 = arith.constant 3 : i32
    %swap3A_158 = arith.index_cast %swap3A_157 : i32 to index
    %swap3A_159 = arith.constant 32 : index
    %swap3A_160 = tpu.vector_load %arg11[%swap3A_158, %swap3A_159] {strides = array<i32>} : memref<16x128xf32, #tpu.memory_space<vmem>>, vector<1x16xf32>,
    %swap3A_161 = vector.shape_cast %swap3A_160 : vector<1x16xf32> to vector<16xf32>
    %swap3A_162 = vector.shape_cast %broadcast_in_dim3A_1 : vector<16xf32> to vector<1x16xf32>
    tpu.vector_store %arg11[%swap3A_158, %swap3A_159], %swap3A_162 {strides = array<i32>} : memref<16x128xf32, #tpu.memory_space<vmem>>, vector<1x16xf32>,
    %swap3A_163 = arith.constant 3 : i32
    %swap3A_164 = arith.index_cast %swap3A_163 : i32 to index
    %swap3A_165 = arith.constant 48 : index
    %swap3A_166 = tpu.vector_load %arg11[%swap3A_164, %swap3A_165] {strides = array<i32>} : memref<16x128xf32, #tpu.memory_space<vmem>>, vector<1x16xf32>,
    %swap3A_167 = vector.shape_cast %swap3A_166 : vector<1x16xf32> to vector<16xf32>
    %swap3A_168 = vector.shape_cast %broadcast_in_dim3A_1 : vector<16xf32> to vector<1x16xf32>
    tpu.vector_store %arg11[%swap3A_164, %swap3A_165], %swap3A_168 {strides = array<i32>} : memref<16x128xf32, #tpu.memory_space<vmem>>, vector<1x16xf32>,
    %swap3A_169 = arith.constant 3 : i32
    %swap3A_170 = arith.index_cast %swap3A_169 : i32 to index
    %swap3A_171 = arith.constant 64 : index
    %swap3A_172 = tpu.vector_load %arg11[%swap3A_170, %swap3A_171] {strides = array<i32>} : memref<16x128xf32, #tpu.memory_space<vmem>>, vector<1x16xf32>,
    %swap3A_173 = vector.shape_cast %swap3A_172 : vector<1x16xf32> to vector<16xf32>
    %swap3A_174 = vector.shape_cast %broadcast_in_dim3A_1 : vector<16xf32> to vector<1x16xf32>
    tpu.vector_store %arg11[%swap3A_170, %swap3A_171], %swap3A_174 {strides = array<i32>} : memref<16x128xf32, #tpu.memory_space<vmem>>, vector<1x16xf32>,
    %swap3A_175 = arith.constant 3 : i32
    %swap3A_176 = arith.index_cast %swap3A_175 : i32 to index
    %swap3A_177 = arith.constant 80 : index
    %swap3A_178 = tpu.vector_load %arg11[%swap3A_176, %swap3A_177] {strides = array<i32>} : memref<16x128xf32, #tpu.memory_space<vmem>>, vector<1x16xf32>,
    %swap3A_179 = vector.shape_cast %swap3A_178 : vector<1x16xf32> to vector<16xf32>
    %swap3A_180 = vector.shape_cast %broadcast_in_dim3A_1 : vector<16xf32> to vector<1x16xf32>
    tpu.vector_store %arg11[%swap3A_176, %swap3A_177], %swap3A_180 {strides = array<i32>} : memref<16x128xf32, #tpu.memory_space<vmem>>, vector<1x16xf32>,
    %swap3A_181 = arith.constant 3 : i32
    %swap3A_182 = arith.index_cast %swap3A_181 : i32 to index
    %swap3A_183 = arith.constant 96 : index
    %swap3A_184 = tpu.vector_load %arg11[%swap3A_182, %swap3A_183] {strides = array<i32>} : memref<16x128xf32, #tpu.memory_space<vmem>>, vector<1x16xf32>,
    %swap3A_185 = vector.shape_cast %swap3A_184 : vector<1x16xf32> to vector<16xf32>
    %swap3A_186 = vector.shape_cast %broadcast_in_dim3A_1 : vector<16xf32> to vector<1x16xf32>
    tpu.vector_store %arg11[%swap3A_182, %swap3A_183], %swap3A_186 {strides = array<i32>} : memref<16x128xf32, #tpu.memory_space<vmem>>, vector<1x16xf32>,
    %swap3A_187 = arith.constant 3 : i32
    %swap3A_188 = arith.index_cast %swap3A_187 : i32 to index
    %swap3A_189 = arith.constant 112 : index
    %swap3A_190 = tpu.vector_load %arg11[%swap3A_188, %swap3A_189] {strides = array<i32>} : memref<16x128xf32, #tpu.memory_space<vmem>>, vector<1x16xf32>,
    %swap3A_191 = vector.shape_cast %swap3A_190 : vector<1x16xf32> to vector<16xf32>
    %swap3A_192 = vector.shape_cast %broadcast_in_dim3A_1 : vector<16xf32> to vector<1x16xf32>
    tpu.vector_store %arg11[%swap3A_188, %swap3A_189], %swap3A_192 {strides = array<i32>} : memref<16x128xf32, #tpu.memory_space<vmem>>, vector<1x16xf32>,
    %swap3A_193 = arith.constant 4 : i32
    %swap3A_194 = arith.index_cast %swap3A_193 : i32 to index
    %swap3A_195 = arith.constant 0 : index
    %swap3A_196 = tpu.vector_load %arg11[%swap3A_194, %swap3A_195] {strides = array<i32>} : memref<16x128xf32, #tpu.memory_space<vmem>>, vector<1x16xf32>,
    %swap3A_197 = vector.shape_cast %swap3A_196 : vector<1x16xf32> to vector<16xf32>
    %swap3A_198 = vector.shape_cast %broadcast_in_dim3A_1 : vector<16xf32> to vector<1x16xf32>
    tpu.vector_store %arg11[%swap3A_194, %swap3A_195], %swap3A_198 {strides = array<i32>} : memref<16x128xf32, #tpu.memory_space<vmem>>, vector<1x16xf32>,
    %swap3A_199 = arith.constant 4 : i32
    %swap3A_200 = arith.index_cast %swap3A_199 : i32 to index
    %swap3A_201 = arith.constant 16 : index
    %swap3A_202 = tpu.vector_load %arg11[%swap3A_200, %swap3A_201] {strides = array<i32>} : memref<16x128xf32, #tpu.memory_space<vmem>>, vector<1x16xf32>,
    %swap3A_203 = vector.shape_cast %swap3A_202 : vector<1x16xf32> to vector<16xf32>
    %swap3A_204 = vector.shape_cast %broadcast_in_dim3A_1 : vector<16xf32> to vector<1x16xf32>
    tpu.vector_store %arg11[%swap3A_200, %swap3A_201], %swap3A_204 {strides = array<i32>} : memref<16x128xf32, #tpu.memory_space<vmem>>, vector<1x16xf32>,
    %swap3A_205 = arith.constant 4 : i32
    %swap3A_206 = arith.index_cast %swap3A_205 : i32 to index
    %swap3A_207 = arith.constant 32 : index
    %swap3A_208 = tpu.vector_load %arg11[%swap3A_206, %swap3A_207] {strides = array<i32>} : memref<16x128xf32, #tpu.memory_space<vmem>>, vector<1x16xf32>,
    %swap3A_209 = vector.shape_cast %swap3A_208 : vector<1x16xf32> to vector<16xf32>
    %swap3A_210 = vector.shape_cast %broadcast_in_dim3A_1 : vector<16xf32> to vector<1x16xf32>
    tpu.vector_store %arg11[%swap3A_206, %swap3A_207], %swap3A_210 {strides = array<i32>} : memref<16x128xf32, #tpu.memory_space<vmem>>, vector<1x16xf32>,
    %swap3A_211 = arith.constant 4 : i32
    %swap3A_212 = arith.index_cast %swap3A_211 : i32 to index
    %swap3A_213 = arith.constant 48 : index
    %swap3A_214 = tpu.vector_load %arg11[%swap3A_212, %swap3A_213] {strides = array<i32>} : memref<16x128xf32, #tpu.memory_space<vmem>>, vector<1x16xf32>,
    %swap3A_215 = vector.shape_cast %swap3A_214 : vector<1x16xf32> to vector<16xf32>
    %swap3A_216 = vector.shape_cast %broadcast_in_dim3A_1 : vector<16xf32> to vector<1x16xf32>
    tpu.vector_store %arg11[%swap3A_212, %swap3A_213], %swap3A_216 {strides = array<i32>} : memref<16x128xf32, #tpu.memory_space<vmem>>, vector<1x16xf32>,
    %swap3A_217 = arith.constant 4 : i32
    %swap3A_218 = arith.index_cast %swap3A_217 : i32 to index
    %swap3A_219 = arith.constant 64 : index
    %swap3A_220 = tpu.vector_load %arg11[%swap3A_218, %swap3A_219] {strides = array<i32>} : memref<16x128xf32, #tpu.memory_space<vmem>>, vector<1x16xf32>,
    %swap3A_221 = vector.shape_cast %swap3A_220 : vector<1x16xf32> to vector<16xf32>
    %swap3A_222 = vector.shape_cast %broadcast_in_dim3A_1 : vector<16xf32> to vector<1x16xf32>
    tpu.vector_store %arg11[%swap3A_218, %swap3A_219], %swap3A_222 {strides = array<i32>} : memref<16x128xf32, #tpu.memory_space<vmem>>, vector<1x16xf32>,
    %swap3A_223 = arith.constant 4 : i32
    %swap3A_224 = arith.index_cast %swap3A_223 : i32 to index
    %swap3A_225 = arith.constant 80 : index
    %swap3A_226 = tpu.vector_load %arg11[%swap3A_224, %swap3A_225] {strides = array<i32>} : memref<16x128xf32, #tpu.memory_space<vmem>>, vector<1x16xf32>,
    %swap3A_227 = vector.shape_cast %swap3A_226 : vector<1x16xf32> to vector<16xf32>
    %swap3A_228 = vector.shape_cast %broadcast_in_dim3A_1 : vector<16xf32> to vector<1x16xf32>
    tpu.vector_store %arg11[%swap3A_224, %swap3A_225], %swap3A_228 {strides = array<i32>} : memref<16x128xf32, #tpu.memory_space<vmem>>, vector<1x16xf32>,
    %swap3A_229 = arith.constant 4 : i32
    %swap3A_230 = arith.index_cast %swap3A_229 : i32 to index
    %swap3A_231 = arith.constant 96 : index
    %swap3A_232 = tpu.vector_load %arg11[%swap3A_230, %swap3A_231] {strides = array<i32>} : memref<16x128xf32, #tpu.memory_space<vmem>>, vector<1x16xf32>,
    %swap3A_233 = vector.shape_cast %swap3A_232 : vector<1x16xf32> to vector<16xf32>
    %swap3A_234 = vector.shape_cast %broadcast_in_dim3A_1 : vector<16xf32> to vector<1x16xf32>
    tpu.vector_store %arg11[%swap3A_230, %swap3A_231], %swap3A_234 {strides = array<i32>} : memref<16x128xf32, #tpu.memory_space<vmem>>, vector<1x16xf32>,
    %swap3A_235 = arith.constant 4 : i32
    %swap3A_236 = arith.index_cast %swap3A_235 : i32 to index
    %swap3A_237 = arith.constant 112 : index
    %swap3A_238 = tpu.vector_load %arg11[%swap3A_236, %swap3A_237] {strides = array<i32>} : memref<16x128xf32, #tpu.memory_space<vmem>>, vector<1x16xf32>,
    %swap3A_239 = vector.shape_cast %swap3A_238 : vector<1x16xf32> to vector<16xf32>
    %swap3A_240 = vector.shape_cast %broadcast_in_dim3A_1 : vector<16xf32> to vector<1x16xf32>
    tpu.vector_store %arg11[%swap3A_236, %swap3A_237], %swap3A_240 {strides = array<i32>} : memref<16x128xf32, #tpu.memory_space<vmem>>, vector<1x16xf32>,
    %swap3A_241 = arith.constant 5 : i32
    %swap3A_242 = arith.index_cast %swap3A_241 : i32 to index
    %swap3A_243 = arith.constant 0 : index
    %swap3A_244 = tpu.vector_load %arg11[%swap3A_242, %swap3A_243] {strides = array<i32>} : memref<16x128xf32, #tpu.memory_space<vmem>>, vector<1x16xf32>,
    %swap3A_245 = vector.shape_cast %swap3A_244 : vector<1x16xf32> to vector<16xf32>
    %swap3A_246 = vector.shape_cast %broadcast_in_dim3A_1 : vector<16xf32> to vector<1x16xf32>
    tpu.vector_store %arg11[%swap3A_242, %swap3A_243], %swap3A_246 {strides = array<i32>} : memref<16x128xf32, #tpu.memory_space<vmem>>, vector<1x16xf32>,
    %swap3A_247 = arith.constant 5 : i32
    %swap3A_248 = arith.index_cast %swap3A_247 : i32 to index
    %swap3A_249 = arith.constant 16 : index
    %swap3A_250 = tpu.vector_load %arg11[%swap3A_248, %swap3A_249] {strides = array<i32>} : memref<16x128xf32, #tpu.memory_space<vmem>>, vector<1x16xf32>,
    %swap3A_251 = vector.shape_cast %swap3A_250 : vector<1x16xf32> to vector<16xf32>
    %swap3A_252 = vector.shape_cast %broadcast_in_dim3A_1 : vector<16xf32> to vector<1x16xf32>
    tpu.vector_store %arg11[%swap3A_248, %swap3A_249], %swap3A_252 {strides = array<i32>} : memref<16x128xf32, #tpu.memory_space<vmem>>, vector<1x16xf32>,
    %swap3A_253 = arith.constant 5 : i32
    %swap3A_254 = arith.index_cast %swap3A_253 : i32 to index
    %swap3A_255 = arith.constant 32 : index
    %swap3A_256 = tpu.vector_load %arg11[%swap3A_254, %swap3A_255] {strides = array<i32>} : memref<16x128xf32, #tpu.memory_space<vmem>>, vector<1x16xf32>,
    %swap3A_257 = vector.shape_cast %swap3A_256 : vector<1x16xf32> to vector<16xf32>
    %swap3A_258 = vector.shape_cast %broadcast_in_dim3A_1 : vector<16xf32> to vector<1x16xf32>
    tpu.vector_store %arg11[%swap3A_254, %swap3A_255], %swap3A_258 {strides = array<i32>} : memref<16x128xf32, #tpu.memory_space<vmem>>, vector<1x16xf32>,
    %swap3A_259 = arith.constant 5 : i32
    %swap3A_260 = arith.index_cast %swap3A_259 : i32 to index
    %swap3A_261 = arith.constant 48 : index
    %swap3A_262 = tpu.vector_load %arg11[%swap3A_260, %swap3A_261] {strides = array<i32>} : memref<16x128xf32, #tpu.memory_space<vmem>>, vector<1x16xf32>,
    %swap3A_263 = vector.shape_cast %swap3A_262 : vector<1x16xf32> to vector<16xf32>
    %swap3A_264 = vector.shape_cast %broadcast_in_dim3A_1 : vector<16xf32> to vector<1x16xf32>
    tpu.vector_store %arg11[%swap3A_260, %swap3A_261], %swap3A_264 {strides = array<i32>} : memref<16x128xf32, #tpu.memory_space<vmem>>, vector<1x16xf32>,
    %swap3A_265 = arith.constant 5 : i32
    %swap3A_266 = arith.index_cast %swap3A_265 : i32 to index
    %swap3A_267 = arith.constant 64 : index
    %swap3A_268 = tpu.vector_load %arg11[%swap3A_266, %swap3A_267] {strides = array<i32>} : memref<16x128xf32, #tpu.memory_space<vmem>>, vector<1x16xf32>,
    %swap3A_269 = vector.shape_cast %swap3A_268 : vector<1x16xf32> to vector<16xf32>
    %swap3A_270 = vector.shape_cast %broadcast_in_dim3A_1 : vector<16xf32> to vector<1x16xf32>
    tpu.vector_store %arg11[%swap3A_266, %swap3A_267], %swap3A_270 {strides = array<i32>} : memref<16x128xf32, #tpu.memory_space<vmem>>, vector<1x16xf32>,
    %swap3A_271 = arith.constant 5 : i32
    %swap3A_272 = arith.index_cast %swap3A_271 : i32 to index
    %swap3A_273 = arith.constant 80 : index
    %swap3A_274 = tpu.vector_load %arg11[%swap3A_272, %swap3A_273] {strides = array<i32>} : memref<16x128xf32, #tpu.memory_space<vmem>>, vector<1x16xf32>,
    %swap3A_275 = vector.shape_cast %swap3A_274 : vector<1x16xf32> to vector<16xf32>
    %swap3A_276 = vector.shape_cast %broadcast_in_dim3A_1 : vector<16xf32> to vector<1x16xf32>
    tpu.vector_store %arg11[%swap3A_272, %swap3A_273], %swap3A_276 {strides = array<i32>} : memref<16x128xf32, #tpu.memory_space<vmem>>, vector<1x16xf32>,
    %swap3A_277 = arith.constant 5 : i32
    %swap3A_278 = arith.index_cast %swap3A_277 : i32 to index
    %swap3A_279 = arith.constant 96 : index
    %swap3A_280 = tpu.vector_load %arg11[%swap3A_278, %swap3A_279] {strides = array<i32>} : memref<16x128xf32, #tpu.memory_space<vmem>>, vector<1x16xf32>,
    %swap3A_281 = vector.shape_cast %swap3A_280 : vector<1x16xf32> to vector<16xf32>
    %swap3A_282 = vector.shape_cast %broadcast_in_dim3A_1 : vector<16xf32> to vector<1x16xf32>
    tpu.vector_store %arg11[%swap3A_278, %swap3A_279], %swap3A_282 {strides = array<i32>} : memref<16x128xf32, #tpu.memory_space<vmem>>, vector<1x16xf32>,
    %swap3A_283 = arith.constant 5 : i32
    %swap3A_284 = arith.index_cast %swap3A_283 : i32 to index
    %swap3A_285 = arith.constant 112 : index
    %swap3A_286 = tpu.vector_load %arg11[%swap3A_284, %swap3A_285] {strides = array<i32>} : memref<16x128xf32, #tpu.memory_space<vmem>>, vector<1x16xf32>,
    %swap3A_287 = vector.shape_cast %swap3A_286 : vector<1x16xf32> to vector<16xf32>
    %swap3A_288 = vector.shape_cast %broadcast_in_dim3A_1 : vector<16xf32> to vector<1x16xf32>
    tpu.vector_store %arg11[%swap3A_284, %swap3A_285], %swap3A_288 {strides = array<i32>} : memref<16x128xf32, #tpu.memory_space<vmem>>, vector<1x16xf32>,
    %swap3A_289 = arith.constant 6 : i32
    %swap3A_290 = arith.index_cast %swap3A_289 : i32 to index
    %swap3A_291 = arith.constant 0 : index
    %swap3A_292 = tpu.vector_load %arg11[%swap3A_290, %swap3A_291] {strides = array<i32>} : memref<16x128xf32, #tpu.memory_space<vmem>>, vector<1x16xf32>,
    %swap3A_293 = vector.shape_cast %swap3A_292 : vector<1x16xf32> to vector<16xf32>
    %swap3A_294 = vector.shape_cast %broadcast_in_dim3A_1 : vector<16xf32> to vector<1x16xf32>
    tpu.vector_store %arg11[%swap3A_290, %swap3A_291], %swap3A_294 {strides = array<i32>} : memref<16x128xf32, #tpu.memory_space<vmem>>, vector<1x16xf32>,
    %swap3A_295 = arith.constant 6 : i32
    %swap3A_296 = arith.index_cast %swap3A_295 : i32 to index
    %swap3A_297 = arith.constant 16 : index
    %swap3A_298 = tpu.vector_load %arg11[%swap3A_296, %swap3A_297] {strides = array<i32>} : memref<16x128xf32, #tpu.memory_space<vmem>>, vector<1x16xf32>,
    %swap3A_299 = vector.shape_cast %swap3A_298 : vector<1x16xf32> to vector<16xf32>
    %swap3A_300 = vector.shape_cast %broadcast_in_dim3A_1 : vector<16xf32> to vector<1x16xf32>
    tpu.vector_store %arg11[%swap3A_296, %swap3A_297], %swap3A_300 {strides = array<i32>} : memref<16x128xf32, #tpu.memory_space<vmem>>, vector<1x16xf32>,
    %swap3A_301 = arith.constant 6 : i32
    %swap3A_302 = arith.index_cast %swap3A_301 : i32 to index
    %swap3A_303 = arith.constant 32 : index
    %swap3A_304 = tpu.vector_load %arg11[%swap3A_302, %swap3A_303] {strides = array<i32>} : memref<16x128xf32, #tpu.memory_space<vmem>>, vector<1x16xf32>,
    %swap3A_305 = vector.shape_cast %swap3A_304 : vector<1x16xf32> to vector<16xf32>
    %swap3A_306 = vector.shape_cast %broadcast_in_dim3A_1 : vector<16xf32> to vector<1x16xf32>
    tpu.vector_store %arg11[%swap3A_302, %swap3A_303], %swap3A_306 {strides = array<i32>} : memref<16x128xf32, #tpu.memory_space<vmem>>, vector<1x16xf32>,
    %swap3A_307 = arith.constant 6 : i32
    %swap3A_308 = arith.index_cast %swap3A_307 : i32 to index
    %swap3A_309 = arith.constant 48 : index
    %swap3A_310 = tpu.vector_load %arg11[%swap3A_308, %swap3A_309] {strides = array<i32>} : memref<16x128xf32, #tpu.memory_space<vmem>>, vector<1x16xf32>,
    %swap3A_311 = vector.shape_cast %swap3A_310 : vector<1x16xf32> to vector<16xf32>
    %swap3A_312 = vector.shape_cast %broadcast_in_dim3A_1 : vector<16xf32> to vector<1x16xf32>
    tpu.vector_store %arg11[%swap3A_308, %swap3A_309], %swap3A_312 {strides = array<i32>} : memref<16x128xf32, #tpu.memory_space<vmem>>, vector<1x16xf32>,
    %swap3A_313 = arith.constant 6 : i32
    %swap3A_314 = arith.index_cast %swap3A_313 : i32 to index
    %swap3A_315 = arith.constant 64 : index
    %swap3A_316 = tpu.vector_load %arg11[%swap3A_314, %swap3A_315] {strides = array<i32>} : memref<16x128xf32, #tpu.memory_space<vmem>>, vector<1x16xf32>,
    %swap3A_317 = vector.shape_cast %swap3A_316 : vector<1x16xf32> to vector<16xf32>
    %swap3A_318 = vector.shape_cast %broadcast_in_dim3A_1 : vector<16xf32> to vector<1x16xf32>
    tpu.vector_store %arg11[%swap3A_314, %swap3A_315], %swap3A_318 {strides = array<i32>} : memref<16x128xf32, #tpu.memory_space<vmem>>, vector<1x16xf32>,
    %swap3A_319 = arith.constant 6 : i32
    %swap3A_320 = arith.index_cast %swap3A_319 : i32 to index
    %swap3A_321 = arith.constant 80 : index
    %swap3A_322 = tpu.vector_load %arg11[%swap3A_320, %swap3A_321] {strides = array<i32>} : memref<16x128xf32, #tpu.memory_space<vmem>>, vector<1x16xf32>,
    %swap3A_323 = vector.shape_cast %swap3A_322 : vector<1x16xf32> to vector<16xf32>
    %swap3A_324 = vector.shape_cast %broadcast_in_dim3A_1 : vector<16xf32> to vector<1x16xf32>
    tpu.vector_store %arg11[%swap3A_320, %swap3A_321], %swap3A_324 {strides = array<i32>} : memref<16x128xf32, #tpu.memory_space<vmem>>, vector<1x16xf32>,
    %swap3A_325 = arith.constant 6 : i32
    %swap3A_326 = arith.index_cast %swap3A_325 : i32 to index
    %swap3A_327 = arith.constant 96 : index
    %swap3A_328 = tpu.vector_load %arg11[%swap3A_326, %swap3A_327] {strides = array<i32>} : memref<16x128xf32, #tpu.memory_space<vmem>>, vector<1x16xf32>,
    %swap3A_329 = vector.shape_cast %swap3A_328 : vector<1x16xf32> to vector<16xf32>
    %swap3A_330 = vector.shape_cast %broadcast_in_dim3A_1 : vector<16xf32> to vector<1x16xf32>
    tpu.vector_store %arg11[%swap3A_326, %swap3A_327], %swap3A_330 {strides = array<i32>} : memref<16x128xf32, #tpu.memory_space<vmem>>, vector<1x16xf32>,
    %swap3A_331 = arith.constant 6 : i32
    %swap3A_332 = arith.index_cast %swap3A_331 : i32 to index
    %swap3A_333 = arith.constant 112 : index
    %swap3A_334 = tpu.vector_load %arg11[%swap3A_332, %swap3A_333] {strides = array<i32>} : memref<16x128xf32, #tpu.memory_space<vmem>>, vector<1x16xf32>,
    %swap3A_335 = vector.shape_cast %swap3A_334 : vector<1x16xf32> to vector<16xf32>
    %swap3A_336 = vector.shape_cast %broadcast_in_dim3A_1 : vector<16xf32> to vector<1x16xf32>
    tpu.vector_store %arg11[%swap3A_332, %swap3A_333], %swap3A_336 {strides = array<i32>} : memref<16x128xf32, #tpu.memory_space<vmem>>, vector<1x16xf32>,
    %swap3A_337 = arith.constant 7 : i32
    %swap3A_338 = arith.index_cast %swap3A_337 : i32 to index
    %swap3A_339 = arith.constant 0 : index
    %swap3A_340 = tpu.vector_load %arg11[%swap3A_338, %swap3A_339] {strides = array<i32>} : memref<16x128xf32, #tpu.memory_space<vmem>>, vector<1x16xf32>,
    %swap3A_341 = vector.shape_cast %swap3A_340 : vector<1x16xf32> to vector<16xf32>
    %swap3A_342 = vector.shape_cast %broadcast_in_dim3A_1 : vector<16xf32> to vector<1x16xf32>
    tpu.vector_store %arg11[%swap3A_338, %swap3A_339], %swap3A_342 {strides = array<i32>} : memref<16x128xf32, #tpu.memory_space<vmem>>, vector<1x16xf32>,
    %swap3A_343 = arith.constant 7 : i32
    %swap3A_344 = arith.index_cast %swap3A_343 : i32 to index
    %swap3A_345 = arith.constant 16 : index
    %swap3A_346 = tpu.vector_load %arg11[%swap3A_344, %swap3A_345] {strides = array<i32>} : memref<16x128xf32, #tpu.memory_space<vmem>>, vector<1x16xf32>,
    %swap3A_347 = vector.shape_cast %swap3A_346 : vector<1x16xf32> to vector<16xf32>
    %swap3A_348 = vector.shape_cast %broadcast_in_dim3A_1 : vector<16xf32> to vector<1x16xf32>
    tpu.vector_store %arg11[%swap3A_344, %swap3A_345], %swap3A_348 {strides = array<i32>} : memref<16x128xf32, #tpu.memory_space<vmem>>, vector<1x16xf32>,
    %swap3A_349 = arith.constant 7 : i32
    %swap3A_350 = arith.index_cast %swap3A_349 : i32 to index
    %swap3A_351 = arith.constant 32 : index
    %swap3A_352 = tpu.vector_load %arg11[%swap3A_350, %swap3A_351] {strides = array<i32>} : memref<16x128xf32, #tpu.memory_space<vmem>>, vector<1x16xf32>,
    %swap3A_353 = vector.shape_cast %swap3A_352 : vector<1x16xf32> to vector<16xf32>
    %swap3A_354 = vector.shape_cast %broadcast_in_dim3A_1 : vector<16xf32> to vector<1x16xf32>
    tpu.vector_store %arg11[%swap3A_350, %swap3A_351], %swap3A_354 {strides = array<i32>} : memref<16x128xf32, #tpu.memory_space<vmem>>, vector<1x16xf32>,
    %swap3A_355 = arith.constant 7 : i32
    %swap3A_356 = arith.index_cast %swap3A_355 : i32 to index
    %swap3A_357 = arith.constant 48 : index
    %swap3A_358 = tpu.vector_load %arg11[%swap3A_356, %swap3A_357] {strides = array<i32>} : memref<16x128xf32, #tpu.memory_space<vmem>>, vector<1x16xf32>,
    %swap3A_359 = vector.shape_cast %swap3A_358 : vector<1x16xf32> to vector<16xf32>
    %swap3A_360 = vector.shape_cast %broadcast_in_dim3A_1 : vector<16xf32> to vector<1x16xf32>
    tpu.vector_store %arg11[%swap3A_356, %swap3A_357], %swap3A_360 {strides = array<i32>} : memref<16x128xf32, #tpu.memory_space<vmem>>, vector<1x16xf32>,
    %swap3A_361 = arith.constant 7 : i32
    %swap3A_362 = arith.index_cast %swap3A_361 : i32 to index
    %swap3A_363 = arith.constant 64 : index
    %swap3A_364 = tpu.vector_load %arg11[%swap3A_362, %swap3A_363] {strides = array<i32>} : memref<16x128xf32, #tpu.memory_space<vmem>>, vector<1x16xf32>,
    %swap3A_365 = vector.shape_cast %swap3A_364 : vector<1x16xf32> to vector<16xf32>
    %swap3A_366 = vector.shape_cast %broadcast_in_dim3A_1 : vector<16xf32> to vector<1x16xf32>
    tpu.vector_store %arg11[%swap3A_362, %swap3A_363], %swap3A_366 {strides = array<i32>} : memref<16x128xf32, #tpu.memory_space<vmem>>, vector<1x16xf32>,
    %swap3A_367 = arith.constant 7 : i32
    %swap3A_368 = arith.index_cast %swap3A_367 : i32 to index
    %swap3A_369 = arith.constant 80 : index
    %swap3A_370 = tpu.vector_load %arg11[%swap3A_368, %swap3A_369] {strides = array<i32>} : memref<16x128xf32, #tpu.memory_space<vmem>>, vector<1x16xf32>,
    %swap3A_371 = vector.shape_cast %swap3A_370 : vector<1x16xf32> to vector<16xf32>
    %swap3A_372 = vector.shape_cast %broadcast_in_dim3A_1 : vector<16xf32> to vector<1x16xf32>
    tpu.vector_store %arg11[%swap3A_368, %swap3A_369], %swap3A_372 {strides = array<i32>} : memref<16x128xf32, #tpu.memory_space<vmem>>, vector<1x16xf32>,
    %swap3A_373 = arith.constant 7 : i32
    %swap3A_374 = arith.index_cast %swap3A_373 : i32 to index
    %swap3A_375 = arith.constant 96 : index
    %swap3A_376 = tpu.vector_load %arg11[%swap3A_374, %swap3A_375] {strides = array<i32>} : memref<16x128xf32, #tpu.memory_space<vmem>>, vector<1x16xf32>,
    %swap3A_377 = vector.shape_cast %swap3A_376 : vector<1x16xf32> to vector<16xf32>
    %swap3A_378 = vector.shape_cast %broadcast_in_dim3A_1 : vector<16xf32> to vector<1x16xf32>
    tpu.vector_store %arg11[%swap3A_374, %swap3A_375], %swap3A_378 {strides = array<i32>} : memref<16x128xf32, #tpu.memory_space<vmem>>, vector<1x16xf32>,
    %swap3A_379 = arith.constant 7 : i32
    %swap3A_380 = arith.index_cast %swap3A_379 : i32 to index
    %swap3A_381 = arith.constant 112 : index
    %swap3A_382 = tpu.vector_load %arg11[%swap3A_380, %swap3A_381] {strides = array<i32>} : memref<16x128xf32, #tpu.memory_space<vmem>>, vector<1x16xf32>,
    %swap3A_383 = vector.shape_cast %swap3A_382 : vector<1x16xf32> to vector<16xf32>
    %swap3A_384 = vector.shape_cast %broadcast_in_dim3A_1 : vector<16xf32> to vector<1x16xf32>
    tpu.vector_store %arg11[%swap3A_380, %swap3A_381], %swap3A_384 {strides = array<i32>} : memref<16x128xf32, #tpu.memory_space<vmem>>, vector<1x16xf32>,
    %swap3A_385 = arith.constant 8 : i32
    %swap3A_386 = arith.index_cast %swap3A_385 : i32 to index
    %swap3A_387 = arith.constant 0 : index
    %swap3A_388 = tpu.vector_load %arg11[%swap3A_386, %swap3A_387] {strides = array<i32>} : memref<16x128xf32, #tpu.memory_space<vmem>>, vector<1x16xf32>,
    %swap3A_389 = vector.shape_cast %swap3A_388 : vector<1x16xf32> to vector<16xf32>
    %swap3A_390 = vector.shape_cast %broadcast_in_dim3A_1 : vector<16xf32> to vector<1x16xf32>
    tpu.vector_store %arg11[%swap3A_386, %swap3A_387], %swap3A_390 {strides = array<i32>} : memref<16x128xf32, #tpu.memory_space<vmem>>, vector<1x16xf32>,
    %swap3A_391 = arith.constant 8 : i32
    %swap3A_392 = arith.index_cast %swap3A_391 : i32 to index
    %swap3A_393 = arith.constant 16 : index
    %swap3A_394 = tpu.vector_load %arg11[%swap3A_392, %swap3A_393] {strides = array<i32>} : memref<16x128xf32, #tpu.memory_space<vmem>>, vector<1x16xf32>,
    %swap3A_395 = vector.shape_cast %swap3A_394 : vector<1x16xf32> to vector<16xf32>
    %swap3A_396 = vector.shape_cast %broadcast_in_dim3A_1 : vector<16xf32> to vector<1x16xf32>
    tpu.vector_store %arg11[%swap3A_392, %swap3A_393], %swap3A_396 {strides = array<i32>} : memref<16x128xf32, #tpu.memory_space<vmem>>, vector<1x16xf32>,
    %swap3A_397 = arith.constant 8 : i32
    %swap3A_398 = arith.index_cast %swap3A_397 : i32 to index
    %swap3A_399 = arith.constant 32 : index
    %swap3A_400 = tpu.vector_load %arg11[%swap3A_398, %swap3A_399] {strides = array<i32>} : memref<16x128xf32, #tpu.memory_space<vmem>>, vector<1x16xf32>,
    %swap3A_401 = vector.shape_cast %swap3A_400 : vector<1x16xf32> to vector<16xf32>
    %swap3A_402 = vector.shape_cast %broadcast_in_dim3A_1 : vector<16xf32> to vector<1x16xf32>
    tpu.vector_store %arg11[%swap3A_398, %swap3A_399], %swap3A_402 {strides = array<i32>} : memref<16x128xf32, #tpu.memory_space<vmem>>, vector<1x16xf32>,
    %swap3A_403 = arith.constant 8 : i32
    %swap3A_404 = arith.index_cast %swap3A_403 : i32 to index
    %swap3A_405 = arith.constant 48 : index
    %swap3A_406 = tpu.vector_load %arg11[%swap3A_404, %swap3A_405] {strides = array<i32>} : memref<16x128xf32, #tpu.memory_space<vmem>>, vector<1x16xf32>,
    %swap3A_407 = vector.shape_cast %swap3A_406 : vector<1x16xf32> to vector<16xf32>
    %swap3A_408 = vector.shape_cast %broadcast_in_dim3A_1 : vector<16xf32> to vector<1x16xf32>
    tpu.vector_store %arg11[%swap3A_404, %swap3A_405], %swap3A_408 {strides = array<i32>} : memref<16x128xf32, #tpu.memory_space<vmem>>, vector<1x16xf32>,
    %swap3A_409 = arith.constant 8 : i32
    %swap3A_410 = arith.index_cast %swap3A_409 : i32 to index
    %swap3A_411 = arith.constant 64 : index
    %swap3A_412 = tpu.vector_load %arg11[%swap3A_410, %swap3A_411] {strides = array<i32>} : memref<16x128xf32, #tpu.memory_space<vmem>>, vector<1x16xf32>,
    %swap3A_413 = vector.shape_cast %swap3A_412 : vector<1x16xf32> to vector<16xf32>
    %swap3A_414 = vector.shape_cast %broadcast_in_dim3A_1 : vector<16xf32> to vector<1x16xf32>
    tpu.vector_store %arg11[%swap3A_410, %swap3A_411], %swap3A_414 {strides = array<i32>} : memref<16x128xf32, #tpu.memory_space<vmem>>, vector<1x16xf32>,
    %swap3A_415 = arith.constant 8 : i32
    %swap3A_416 = arith.index_cast %swap3A_415 : i32 to index
    %swap3A_417 = arith.constant 80 : index
    %swap3A_418 = tpu.vector_load %arg11[%swap3A_416, %swap3A_417] {strides = array<i32>} : memref<16x128xf32, #tpu.memory_space<vmem>>, vector<1x16xf32>,
    %swap3A_419 = vector.shape_cast %swap3A_418 : vector<1x16xf32> to vector<16xf32>
    %swap3A_420 = vector.shape_cast %broadcast_in_dim3A_1 : vector<16xf32> to vector<1x16xf32>
    tpu.vector_store %arg11[%swap3A_416, %swap3A_417], %swap3A_420 {strides = array<i32>} : memref<16x128xf32, #tpu.memory_space<vmem>>, vector<1x16xf32>,
    %swap3A_421 = arith.constant 8 : i32
    %swap3A_422 = arith.index_cast %swap3A_421 : i32 to index
    %swap3A_423 = arith.constant 96 : index
    %swap3A_424 = tpu.vector_load %arg11[%swap3A_422, %swap3A_423] {strides = array<i32>} : memref<16x128xf32, #tpu.memory_space<vmem>>, vector<1x16xf32>,
    %swap3A_425 = vector.shape_cast %swap3A_424 : vector<1x16xf32> to vector<16xf32>
    %swap3A_426 = vector.shape_cast %broadcast_in_dim3A_1 : vector<16xf32> to vector<1x16xf32>
    tpu.vector_store %arg11[%swap3A_422, %swap3A_423], %swap3A_426 {strides = array<i32>} : memref<16x128xf32, #tpu.memory_space<vmem>>, vector<1x16xf32>,
    %swap3A_427 = arith.constant 8 : i32
    %swap3A_428 = arith.index_cast %swap3A_427 : i32 to index
    %swap3A_429 = arith.constant 112 : index
    %swap3A_430 = tpu.vector_load %arg11[%swap3A_428, %swap3A_429] {strides = array<i32>} : memref<16x128xf32, #tpu.memory_space<vmem>>, vector<1x16xf32>,
    %swap3A_431 = vector.shape_cast %swap3A_430 : vector<1x16xf32> to vector<16xf32>
    %swap3A_432 = vector.shape_cast %broadcast_in_dim3A_1 : vector<16xf32> to vector<1x16xf32>
    tpu.vector_store %arg11[%swap3A_428, %swap3A_429], %swap3A_432 {strides = array<i32>} : memref<16x128xf32, #tpu.memory_space<vmem>>, vector<1x16xf32>,
    %swap3A_433 = arith.constant 9 : i32
    %swap3A_434 = arith.index_cast %swap3A_433 : i32 to index
    %swap3A_435 = arith.constant 0 : index
    %swap3A_436 = tpu.vector_load %arg11[%swap3A_434, %swap3A_435] {strides = array<i32>} : memref<16x128xf32, #tpu.memory_space<vmem>>, vector<1x16xf32>,
    %swap3A_437 = vector.shape_cast %swap3A_436 : vector<1x16xf32> to vector<16xf32>
    %swap3A_438 = vector.shape_cast %broadcast_in_dim3A_1 : vector<16xf32> to vector<1x16xf32>
    tpu.vector_store %arg11[%swap3A_434, %swap3A_435], %swap3A_438 {strides = array<i32>} : memref<16x128xf32, #tpu.memory_space<vmem>>, vector<1x16xf32>,
    %swap3A_439 = arith.constant 9 : i32
    %swap3A_440 = arith.index_cast %swap3A_439 : i32 to index
    %swap3A_441 = arith.constant 16 : index
    %swap3A_442 = tpu.vector_load %arg11[%swap3A_440, %swap3A_441] {strides = array<i32>} : memref<16x128xf32, #tpu.memory_space<vmem>>, vector<1x16xf32>,
    %swap3A_443 = vector.shape_cast %swap3A_442 : vector<1x16xf32> to vector<16xf32>
    %swap3A_444 = vector.shape_cast %broadcast_in_dim3A_1 : vector<16xf32> to vector<1x16xf32>
    tpu.vector_store %arg11[%swap3A_440, %swap3A_441], %swap3A_444 {strides = array<i32>} : memref<16x128xf32, #tpu.memory_space<vmem>>, vector<1x16xf32>,
    %swap3A_445 = arith.constant 9 : i32
    %swap3A_446 = arith.index_cast %swap3A_445 : i32 to index
    %swap3A_447 = arith.constant 32 : index
    %swap3A_448 = tpu.vector_load %arg11[%swap3A_446, %swap3A_447] {strides = array<i32>} : memref<16x128xf32, #tpu.memory_space<vmem>>, vector<1x16xf32>,
    %swap3A_449 = vector.shape_cast %swap3A_448 : vector<1x16xf32> to vector<16xf32>
    %swap3A_450 = vector.shape_cast %broadcast_in_dim3A_1 : vector<16xf32> to vector<1x16xf32>
    tpu.vector_store %arg11[%swap3A_446, %swap3A_447], %swap3A_450 {strides = array<i32>} : memref<16x128xf32, #tpu.memory_space<vmem>>, vector<1x16xf32>,
    %swap3A_451 = arith.constant 9 : i32
    %swap3A_452 = arith.index_cast %swap3A_451 : i32 to index
    %swap3A_453 = arith.constant 48 : index
    %swap3A_454 = tpu.vector_load %arg11[%swap3A_452, %swap3A_453] {strides = array<i32>} : memref<16x128xf32, #tpu.memory_space<vmem>>, vector<1x16xf32>,
    %swap3A_455 = vector.shape_cast %swap3A_454 : vector<1x16xf32> to vector<16xf32>
    %swap3A_456 = vector.shape_cast %broadcast_in_dim3A_1 : vector<16xf32> to vector<1x16xf32>
    tpu.vector_store %arg11[%swap3A_452, %swap3A_453], %swap3A_456 {strides = array<i32>} : memref<16x128xf32, #tpu.memory_space<vmem>>, vector<1x16xf32>,
    %swap3A_457 = arith.constant 9 : i32
    %swap3A_458 = arith.index_cast %swap3A_457 : i32 to index
    %swap3A_459 = arith.constant 64 : index
    %swap3A_460 = tpu.vector_load %arg11[%swap3A_458, %swap3A_459] {strides = array<i32>} : memref<16x128xf32, #tpu.memory_space<vmem>>, vector<1x16xf32>,
    %swap3A_461 = vector.shape_cast %swap3A_460 : vector<1x16xf32> to vector<16xf32>
    %swap3A_462 = vector.shape_cast %broadcast_in_dim3A_1 : vector<16xf32> to vector<1x16xf32>
    tpu.vector_store %arg11[%swap3A_458, %swap3A_459], %swap3A_462 {strides = array<i32>} : memref<16x128xf32, #tpu.memory_space<vmem>>, vector<1x16xf32>,
    %swap3A_463 = arith.constant 9 : i32
    %swap3A_464 = arith.index_cast %swap3A_463 : i32 to index
    %swap3A_465 = arith.constant 80 : index
    %swap3A_466 = tpu.vector_load %arg11[%swap3A_464, %swap3A_465] {strides = array<i32>} : memref<16x128xf32, #tpu.memory_space<vmem>>, vector<1x16xf32>,
    %swap3A_467 = vector.shape_cast %swap3A_466 : vector<1x16xf32> to vector<16xf32>
    %swap3A_468 = vector.shape_cast %broadcast_in_dim3A_1 : vector<16xf32> to vector<1x16xf32>
    tpu.vector_store %arg11[%swap3A_464, %swap3A_465], %swap3A_468 {strides = array<i32>} : memref<16x128xf32, #tpu.memory_space<vmem>>, vector<1x16xf32>,
    %swap3A_469 = arith.constant 9 : i32
    %swap3A_470 = arith.index_cast %swap3A_469 : i32 to index
    %swap3A_471 = arith.constant 96 : index
    %swap3A_472 = tpu.vector_load %arg11[%swap3A_470, %swap3A_471] {strides = array<i32>} : memref<16x128xf32, #tpu.memory_space<vmem>>, vector<1x16xf32>,
    %swap3A_473 = vector.shape_cast %swap3A_472 : vector<1x16xf32> to vector<16xf32>
    %swap3A_474 = vector.shape_cast %broadcast_in_dim3A_1 : vector<16xf32> to vector<1x16xf32>
    tpu.vector_store %arg11[%swap3A_470, %swap3A_471], %swap3A_474 {strides = array<i32>} : memref<16x128xf32, #tpu.memory_space<vmem>>, vector<1x16xf32>,
    %swap3A_475 = arith.constant 9 : i32
    %swap3A_476 = arith.index_cast %swap3A_475 : i32 to index
    %swap3A_477 = arith.constant 112 : index
    %swap3A_478 = tpu.vector_load %arg11[%swap3A_476, %swap3A_477] {strides = array<i32>} : memref<16x128xf32, #tpu.memory_space<vmem>>, vector<1x16xf32>,
    %swap3A_479 = vector.shape_cast %swap3A_478 : vector<1x16xf32> to vector<16xf32>
    %swap3A_480 = vector.shape_cast %broadcast_in_dim3A_1 : vector<16xf32> to vector<1x16xf32>
    tpu.vector_store %arg11[%swap3A_476, %swap3A_477], %swap3A_480 {strides = array<i32>} : memref<16x128xf32, #tpu.memory_space<vmem>>, vector<1x16xf32>,
    %swap3A_481 = arith.constant 10 : i32
    %swap3A_482 = arith.index_cast %swap3A_481 : i32 to index
    %swap3A_483 = arith.constant 0 : index
    %swap3A_484 = tpu.vector_load %arg11[%swap3A_482, %swap3A_483] {strides = array<i32>} : memref<16x128xf32, #tpu.memory_space<vmem>>, vector<1x16xf32>,
    %swap3A_485 = vector.shape_cast %swap3A_484 : vector<1x16xf32> to vector<16xf32>
    %swap3A_486 = vector.shape_cast %broadcast_in_dim3A_1 : vector<16xf32> to vector<1x16xf32>
    tpu.vector_store %arg11[%swap3A_482, %swap3A_483], %swap3A_486 {strides = array<i32>} : memref<16x128xf32, #tpu.memory_space<vmem>>, vector<1x16xf32>,
    %swap3A_487 = arith.constant 10 : i32
    %swap3A_488 = arith.index_cast %swap3A_487 : i32 to index
    %swap3A_489 = arith.constant 16 : index
    %swap3A_490 = tpu.vector_load %arg11[%swap3A_488, %swap3A_489] {strides = array<i32>} : memref<16x128xf32, #tpu.memory_space<vmem>>, vector<1x16xf32>,
    %swap3A_491 = vector.shape_cast %swap3A_490 : vector<1x16xf32> to vector<16xf32>
    %swap3A_492 = vector.shape_cast %broadcast_in_dim3A_1 : vector<16xf32> to vector<1x16xf32>
    tpu.vector_store %arg11[%swap3A_488, %swap3A_489], %swap3A_492 {strides = array<i32>} : memref<16x128xf32, #tpu.memory_space<vmem>>, vector<1x16xf32>,
    %swap3A_493 = arith.constant 10 : i32
    %swap3A_494 = arith.index_cast %swap3A_493 : i32 to index
    %swap3A_495 = arith.constant 32 : index
    %swap3A_496 = tpu.vector_load %arg11[%swap3A_494, %swap3A_495] {strides = array<i32>} : memref<16x128xf32, #tpu.memory_space<vmem>>, vector<1x16xf32>,
    %swap3A_497 = vector.shape_cast %swap3A_496 : vector<1x16xf32> to vector<16xf32>
    %swap3A_498 = vector.shape_cast %broadcast_in_dim3A_1 : vector<16xf32> to vector<1x16xf32>
    tpu.vector_store %arg11[%swap3A_494, %swap3A_495], %swap3A_498 {strides = array<i32>} : memref<16x128xf32, #tpu.memory_space<vmem>>, vector<1x16xf32>,
    %swap3A_499 = arith.constant 10 : i32
    %swap3A_500 = arith.index_cast %swap3A_499 : i32 to index
    %swap3A_501 = arith.constant 48 : index
    %swap3A_502 = tpu.vector_load %arg11[%swap3A_500, %swap3A_501] {strides = array<i32>} : memref<16x128xf32, #tpu.memory_space<vmem>>, vector<1x16xf32>,
    %swap3A_503 = vector.shape_cast %swap3A_502 : vector<1x16xf32> to vector<16xf32>
    %swap3A_504 = vector.shape_cast %broadcast_in_dim3A_1 : vector<16xf32> to vector<1x16xf32>
    tpu.vector_store %arg11[%swap3A_500, %swap3A_501], %swap3A_504 {strides = array<i32>} : memref<16x128xf32, #tpu.memory_space<vmem>>, vector<1x16xf32>,
    %swap3A_505 = arith.constant 10 : i32
    %swap3A_506 = arith.index_cast %swap3A_505 : i32 to index
    %swap3A_507 = arith.constant 64 : index
    %swap3A_508 = tpu.vector_load %arg11[%swap3A_506, %swap3A_507] {strides = array<i32>} : memref<16x128xf32, #tpu.memory_space<vmem>>, vector<1x16xf32>,
    %swap3A_509 = vector.shape_cast %swap3A_508 : vector<1x16xf32> to vector<16xf32>
    %swap3A_510 = vector.shape_cast %broadcast_in_dim3A_1 : vector<16xf32> to vector<1x16xf32>
    tpu.vector_store %arg11[%swap3A_506, %swap3A_507], %swap3A_510 {strides = array<i32>} : memref<16x128xf32, #tpu.memory_space<vmem>>, vector<1x16xf32>,
    %swap3A_511 = arith.constant 10 : i32
    %swap3A_512 = arith.index_cast %swap3A_511 : i32 to index
    %swap3A_513 = arith.constant 80 : index
    %swap3A_514 = tpu.vector_load %arg11[%swap3A_512, %swap3A_513] {strides = array<i32>} : memref<16x128xf32, #tpu.memory_space<vmem>>, vector<1x16xf32>,
    %swap3A_515 = vector.shape_cast %swap3A_514 : vector<1x16xf32> to vector<16xf32>
    %swap3A_516 = vector.shape_cast %broadcast_in_dim3A_1 : vector<16xf32> to vector<1x16xf32>
    tpu.vector_store %arg11[%swap3A_512, %swap3A_513], %swap3A_516 {strides = array<i32>} : memref<16x128xf32, #tpu.memory_space<vmem>>, vector<1x16xf32>,
    %swap3A_517 = arith.constant 10 : i32
    %swap3A_518 = arith.index_cast %swap3A_517 : i32 to index
    %swap3A_519 = arith.constant 96 : index
    %swap3A_520 = tpu.vector_load %arg11[%swap3A_518, %swap3A_519] {strides = array<i32>} : memref<16x128xf32, #tpu.memory_space<vmem>>, vector<1x16xf32>,
    %swap3A_521 = vector.shape_cast %swap3A_520 : vector<1x16xf32> to vector<16xf32>
    %swap3A_522 = vector.shape_cast %broadcast_in_dim3A_1 : vector<16xf32> to vector<1x16xf32>
    tpu.vector_store %arg11[%swap3A_518, %swap3A_519], %swap3A_522 {strides = array<i32>} : memref<16x128xf32, #tpu.memory_space<vmem>>, vector<1x16xf32>,
    %swap3A_523 = arith.constant 10 : i32
    %swap3A_524 = arith.index_cast %swap3A_523 : i32 to index
    %swap3A_525 = arith.constant 112 : index
    %swap3A_526 = tpu.vector_load %arg11[%swap3A_524, %swap3A_525] {strides = array<i32>} : memref<16x128xf32, #tpu.memory_space<vmem>>, vector<1x16xf32>,
    %swap3A_527 = vector.shape_cast %swap3A_526 : vector<1x16xf32> to vector<16xf32>
    %swap3A_528 = vector.shape_cast %broadcast_in_dim3A_1 : vector<16xf32> to vector<1x16xf32>
    tpu.vector_store %arg11[%swap3A_524, %swap3A_525], %swap3A_528 {strides = array<i32>} : memref<16x128xf32, #tpu.memory_space<vmem>>, vector<1x16xf32>,
    %swap3A_529 = arith.constant 11 : i32
    %swap3A_530 = arith.index_cast %swap3A_529 : i32 to index
    %swap3A_531 = arith.constant 0 : index
    %swap3A_532 = tpu.vector_load %arg11[%swap3A_530, %swap3A_531] {strides = array<i32>} : memref<16x128xf32, #tpu.memory_space<vmem>>, vector<1x16xf32>,
    %swap3A_533 = vector.shape_cast %swap3A_532 : vector<1x16xf32> to vector<16xf32>
    %swap3A_534 = vector.shape_cast %broadcast_in_dim3A_1 : vector<16xf32> to vector<1x16xf32>
    tpu.vector_store %arg11[%swap3A_530, %swap3A_531], %swap3A_534 {strides = array<i32>} : memref<16x128xf32, #tpu.memory_space<vmem>>, vector<1x16xf32>,
    %swap3A_535 = arith.constant 11 : i32
    %swap3A_536 = arith.index_cast %swap3A_535 : i32 to index
    %swap3A_537 = arith.constant 16 : index
    %swap3A_538 = tpu.vector_load %arg11[%swap3A_536, %swap3A_537] {strides = array<i32>} : memref<16x128xf32, #tpu.memory_space<vmem>>, vector<1x16xf32>,
    %swap3A_539 = vector.shape_cast %swap3A_538 : vector<1x16xf32> to vector<16xf32>
    %swap3A_540 = vector.shape_cast %broadcast_in_dim3A_1 : vector<16xf32> to vector<1x16xf32>
    tpu.vector_store %arg11[%swap3A_536, %swap3A_537], %swap3A_540 {strides = array<i32>} : memref<16x128xf32, #tpu.memory_space<vmem>>, vector<1x16xf32>,
    %swap3A_541 = arith.constant 11 : i32
    %swap3A_542 = arith.index_cast %swap3A_541 : i32 to index
    %swap3A_543 = arith.constant 32 : index
    %swap3A_544 = tpu.vector_load %arg11[%swap3A_542, %swap3A_543] {strides = array<i32>} : memref<16x128xf32, #tpu.memory_space<vmem>>, vector<1x16xf32>,
    %swap3A_545 = vector.shape_cast %swap3A_544 : vector<1x16xf32> to vector<16xf32>
    %swap3A_546 = vector.shape_cast %broadcast_in_dim3A_1 : vector<16xf32> to vector<1x16xf32>
    tpu.vector_store %arg11[%swap3A_542, %swap3A_543], %swap3A_546 {strides = array<i32>} : memref<16x128xf32, #tpu.memory_space<vmem>>, vector<1x16xf32>,
    %swap3A_547 = arith.constant 11 : i32
    %swap3A_548 = arith.index_cast %swap3A_547 : i32 to index
    %swap3A_549 = arith.constant 48 : index
    %swap3A_550 = tpu.vector_load %arg11[%swap3A_548, %swap3A_549] {strides = array<i32>} : memref<16x128xf32, #tpu.memory_space<vmem>>, vector<1x16xf32>,
    %swap3A_551 = vector.shape_cast %swap3A_550 : vector<1x16xf32> to vector<16xf32>
    %swap3A_552 = vector.shape_cast %broadcast_in_dim3A_1 : vector<16xf32> to vector<1x16xf32>
    tpu.vector_store %arg11[%swap3A_548, %swap3A_549], %swap3A_552 {strides = array<i32>} : memref<16x128xf32, #tpu.memory_space<vmem>>, vector<1x16xf32>,
    %swap3A_553 = arith.constant 11 : i32
    %swap3A_554 = arith.index_cast %swap3A_553 : i32 to index
    %swap3A_555 = arith.constant 64 : index
    %swap3A_556 = tpu.vector_load %arg11[%swap3A_554, %swap3A_555] {strides = array<i32>} : memref<16x128xf32, #tpu.memory_space<vmem>>, vector<1x16xf32>,
    %swap3A_557 = vector.shape_cast %swap3A_556 : vector<1x16xf32> to vector<16xf32>
    %swap3A_558 = vector.shape_cast %broadcast_in_dim3A_1 : vector<16xf32> to vector<1x16xf32>
    tpu.vector_store %arg11[%swap3A_554, %swap3A_555], %swap3A_558 {strides = array<i32>} : memref<16x128xf32, #tpu.memory_space<vmem>>, vector<1x16xf32>,
    %swap3A_559 = arith.constant 11 : i32
    %swap3A_560 = arith.index_cast %swap3A_559 : i32 to index
    %swap3A_561 = arith.constant 80 : index
    %swap3A_562 = tpu.vector_load %arg11[%swap3A_560, %swap3A_561] {strides = array<i32>} : memref<16x128xf32, #tpu.memory_space<vmem>>, vector<1x16xf32>,
    %swap3A_563 = vector.shape_cast %swap3A_562 : vector<1x16xf32> to vector<16xf32>
    %swap3A_564 = vector.shape_cast %broadcast_in_dim3A_1 : vector<16xf32> to vector<1x16xf32>
    tpu.vector_store %arg11[%swap3A_560, %swap3A_561], %swap3A_564 {strides = array<i32>} : memref<16x128xf32, #tpu.memory_space<vmem>>, vector<1x16xf32>,
    %swap3A_565 = arith.constant 11 : i32
    %swap3A_566 = arith.index_cast %swap3A_565 : i32 to index
    %swap3A_567 = arith.constant 96 : index
    %swap3A_568 = tpu.vector_load %arg11[%swap3A_566, %swap3A_567] {strides = array<i32>} : memref<16x128xf32, #tpu.memory_space<vmem>>, vector<1x16xf32>,
    %swap3A_569 = vector.shape_cast %swap3A_568 : vector<1x16xf32> to vector<16xf32>
    %swap3A_570 = vector.shape_cast %broadcast_in_dim3A_1 : vector<16xf32> to vector<1x16xf32>
    tpu.vector_store %arg11[%swap3A_566, %swap3A_567], %swap3A_570 {strides = array<i32>} : memref<16x128xf32, #tpu.memory_space<vmem>>, vector<1x16xf32>,
    %swap3A_571 = arith.constant 11 : i32
    %swap3A_572 = arith.index_cast %swap3A_571 : i32 to index
    %swap3A_573 = arith.constant 112 : index
    %swap3A_574 = tpu.vector_load %arg11[%swap3A_572, %swap3A_573] {strides = array<i32>} : memref<16x128xf32, #tpu.memory_space<vmem>>, vector<1x16xf32>,
    %swap3A_575 = vector.shape_cast %swap3A_574 : vector<1x16xf32> to vector<16xf32>
    %swap3A_576 = vector.shape_cast %broadcast_in_dim3A_1 : vector<16xf32> to vector<1x16xf32>
    tpu.vector_store %arg11[%swap3A_572, %swap3A_573], %swap3A_576 {strides = array<i32>} : memref<16x128xf32, #tpu.memory_space<vmem>>, vector<1x16xf32>,
    %swap3A_577 = arith.constant 12 : i32
    %swap3A_578 = arith.index_cast %swap3A_577 : i32 to index
    %swap3A_579 = arith.constant 0 : index
    %swap3A_580 = tpu.vector_load %arg11[%swap3A_578, %swap3A_579] {strides = array<i32>} : memref<16x128xf32, #tpu.memory_space<vmem>>, vector<1x16xf32>,
    %swap3A_581 = vector.shape_cast %swap3A_580 : vector<1x16xf32> to vector<16xf32>
    %swap3A_582 = vector.shape_cast %broadcast_in_dim3A_1 : vector<16xf32> to vector<1x16xf32>
    tpu.vector_store %arg11[%swap3A_578, %swap3A_579], %swap3A_582 {strides = array<i32>} : memref<16x128xf32, #tpu.memory_space<vmem>>, vector<1x16xf32>,
    %swap3A_583 = arith.constant 12 : i32
    %swap3A_584 = arith.index_cast %swap3A_583 : i32 to index
    %swap3A_585 = arith.constant 16 : index
    %swap3A_586 = tpu.vector_load %arg11[%swap3A_584, %swap3A_585] {strides = array<i32>} : memref<16x128xf32, #tpu.memory_space<vmem>>, vector<1x16xf32>,
    %swap3A_587 = vector.shape_cast %swap3A_586 : vector<1x16xf32> to vector<16xf32>
    %swap3A_588 = vector.shape_cast %broadcast_in_dim3A_1 : vector<16xf32> to vector<1x16xf32>
    tpu.vector_store %arg11[%swap3A_584, %swap3A_585], %swap3A_588 {strides = array<i32>} : memref<16x128xf32, #tpu.memory_space<vmem>>, vector<1x16xf32>,
    %swap3A_589 = arith.constant 12 : i32
    %swap3A_590 = arith.index_cast %swap3A_589 : i32 to index
    %swap3A_591 = arith.constant 32 : index
    %swap3A_592 = tpu.vector_load %arg11[%swap3A_590, %swap3A_591] {strides = array<i32>} : memref<16x128xf32, #tpu.memory_space<vmem>>, vector<1x16xf32>,
    %swap3A_593 = vector.shape_cast %swap3A_592 : vector<1x16xf32> to vector<16xf32>
    %swap3A_594 = vector.shape_cast %broadcast_in_dim3A_1 : vector<16xf32> to vector<1x16xf32>
    tpu.vector_store %arg11[%swap3A_590, %swap3A_591], %swap3A_594 {strides = array<i32>} : memref<16x128xf32, #tpu.memory_space<vmem>>, vector<1x16xf32>,
    %swap3A_595 = arith.constant 12 : i32
    %swap3A_596 = arith.index_cast %swap3A_595 : i32 to index
    %swap3A_597 = arith.constant 48 : index
    %swap3A_598 = tpu.vector_load %arg11[%swap3A_596, %swap3A_597] {strides = array<i32>} : memref<16x128xf32, #tpu.memory_space<vmem>>, vector<1x16xf32>,
    %swap3A_599 = vector.shape_cast %swap3A_598 : vector<1x16xf32> to vector<16xf32>
    %swap3A_600 = vector.shape_cast %broadcast_in_dim3A_1 : vector<16xf32> to vector<1x16xf32>
    tpu.vector_store %arg11[%swap3A_596, %swap3A_597], %swap3A_600 {strides = array<i32>} : memref<16x128xf32, #tpu.memory_space<vmem>>, vector<1x16xf32>,
    %swap3A_601 = arith.constant 12 : i32
    %swap3A_602 = arith.index_cast %swap3A_601 : i32 to index
    %swap3A_603 = arith.constant 64 : index
    %swap3A_604 = tpu.vector_load %arg11[%swap3A_602, %swap3A_603] {strides = array<i32>} : memref<16x128xf32, #tpu.memory_space<vmem>>, vector<1x16xf32>,
    %swap3A_605 = vector.shape_cast %swap3A_604 : vector<1x16xf32> to vector<16xf32>
    %swap3A_606 = vector.shape_cast %broadcast_in_dim3A_1 : vector<16xf32> to vector<1x16xf32>
    tpu.vector_store %arg11[%swap3A_602, %swap3A_603], %swap3A_606 {strides = array<i32>} : memref<16x128xf32, #tpu.memory_space<vmem>>, vector<1x16xf32>,
    %swap3A_607 = arith.constant 12 : i32
    %swap3A_608 = arith.index_cast %swap3A_607 : i32 to index
    %swap3A_609 = arith.constant 80 : index
    %swap3A_610 = tpu.vector_load %arg11[%swap3A_608, %swap3A_609] {strides = array<i32>} : memref<16x128xf32, #tpu.memory_space<vmem>>, vector<1x16xf32>,
    %swap3A_611 = vector.shape_cast %swap3A_610 : vector<1x16xf32> to vector<16xf32>
    %swap3A_612 = vector.shape_cast %broadcast_in_dim3A_1 : vector<16xf32> to vector<1x16xf32>
    tpu.vector_store %arg11[%swap3A_608, %swap3A_609], %swap3A_612 {strides = array<i32>} : memref<16x128xf32, #tpu.memory_space<vmem>>, vector<1x16xf32>,
    %swap3A_613 = arith.constant 12 : i32
    %swap3A_614 = arith.index_cast %swap3A_613 : i32 to index
    %swap3A_615 = arith.constant 96 : index
    %swap3A_616 = tpu.vector_load %arg11[%swap3A_614, %swap3A_615] {strides = array<i32>} : memref<16x128xf32, #tpu.memory_space<vmem>>, vector<1x16xf32>,
    %swap3A_617 = vector.shape_cast %swap3A_616 : vector<1x16xf32> to vector<16xf32>
    %swap3A_618 = vector.shape_cast %broadcast_in_dim3A_1 : vector<16xf32> to vector<1x16xf32>
    tpu.vector_store %arg11[%swap3A_614, %swap3A_615], %swap3A_618 {strides = array<i32>} : memref<16x128xf32, #tpu.memory_space<vmem>>, vector<1x16xf32>,
    %swap3A_619 = arith.constant 12 : i32
    %swap3A_620 = arith.index_cast %swap3A_619 : i32 to index
    %swap3A_621 = arith.constant 112 : index
    %swap3A_622 = tpu.vector_load %arg11[%swap3A_620, %swap3A_621] {strides = array<i32>} : memref<16x128xf32, #tpu.memory_space<vmem>>, vector<1x16xf32>,
    %swap3A_623 = vector.shape_cast %swap3A_622 : vector<1x16xf32> to vector<16xf32>
    %swap3A_624 = vector.shape_cast %broadcast_in_dim3A_1 : vector<16xf32> to vector<1x16xf32>
    tpu.vector_store %arg11[%swap3A_620, %swap3A_621], %swap3A_624 {strides = array<i32>} : memref<16x128xf32, #tpu.memory_space<vmem>>, vector<1x16xf32>,
    %swap3A_625 = arith.constant 13 : i32
    %swap3A_626 = arith.index_cast %swap3A_625 : i32 to index
    %swap3A_627 = arith.constant 0 : index
    %swap3A_628 = tpu.vector_load %arg11[%swap3A_626, %swap3A_627] {strides = array<i32>} : memref<16x128xf32, #tpu.memory_space<vmem>>, vector<1x16xf32>,
    %swap3A_629 = vector.shape_cast %swap3A_628 : vector<1x16xf32> to vector<16xf32>
    %swap3A_630 = vector.shape_cast %broadcast_in_dim3A_1 : vector<16xf32> to vector<1x16xf32>
    tpu.vector_store %arg11[%swap3A_626, %swap3A_627], %swap3A_630 {strides = array<i32>} : memref<16x128xf32, #tpu.memory_space<vmem>>, vector<1x16xf32>,
    %swap3A_631 = arith.constant 13 : i32
    %swap3A_632 = arith.index_cast %swap3A_631 : i32 to index
    %swap3A_633 = arith.constant 16 : index
    %swap3A_634 = tpu.vector_load %arg11[%swap3A_632, %swap3A_633] {strides = array<i32>} : memref<16x128xf32, #tpu.memory_space<vmem>>, vector<1x16xf32>,
    %swap3A_635 = vector.shape_cast %swap3A_634 : vector<1x16xf32> to vector<16xf32>
    %swap3A_636 = vector.shape_cast %broadcast_in_dim3A_1 : vector<16xf32> to vector<1x16xf32>
    tpu.vector_store %arg11[%swap3A_632, %swap3A_633], %swap3A_636 {strides = array<i32>} : memref<16x128xf32, #tpu.memory_space<vmem>>, vector<1x16xf32>,
    %swap3A_637 = arith.constant 13 : i32
    %swap3A_638 = arith.index_cast %swap3A_637 : i32 to index
    %swap3A_639 = arith.constant 32 : index
    %swap3A_640 = tpu.vector_load %arg11[%swap3A_638, %swap3A_639] {strides = array<i32>} : memref<16x128xf32, #tpu.memory_space<vmem>>, vector<1x16xf32>,
    %swap3A_641 = vector.shape_cast %swap3A_640 : vector<1x16xf32> to vector<16xf32>
    %swap3A_642 = vector.shape_cast %broadcast_in_dim3A_1 : vector<16xf32> to vector<1x16xf32>
    tpu.vector_store %arg11[%swap3A_638, %swap3A_639], %swap3A_642 {strides = array<i32>} : memref<16x128xf32, #tpu.memory_space<vmem>>, vector<1x16xf32>,
    %swap3A_643 = arith.constant 13 : i32
    %swap3A_644 = arith.index_cast %swap3A_643 : i32 to index
    %swap3A_645 = arith.constant 48 : index
    %swap3A_646 = tpu.vector_load %arg11[%swap3A_644, %swap3A_645] {strides = array<i32>} : memref<16x128xf32, #tpu.memory_space<vmem>>, vector<1x16xf32>,
    %swap3A_647 = vector.shape_cast %swap3A_646 : vector<1x16xf32> to vector<16xf32>
    %swap3A_648 = vector.shape_cast %broadcast_in_dim3A_1 : vector<16xf32> to vector<1x16xf32>
    tpu.vector_store %arg11[%swap3A_644, %swap3A_645], %swap3A_648 {strides = array<i32>} : memref<16x128xf32, #tpu.memory_space<vmem>>, vector<1x16xf32>,
    %swap3A_649 = arith.constant 13 : i32
    %swap3A_650 = arith.index_cast %swap3A_649 : i32 to index
    %swap3A_651 = arith.constant 64 : index
    %swap3A_652 = tpu.vector_load %arg11[%swap3A_650, %swap3A_651] {strides = array<i32>} : memref<16x128xf32, #tpu.memory_space<vmem>>, vector<1x16xf32>,
    %swap3A_653 = vector.shape_cast %swap3A_652 : vector<1x16xf32> to vector<16xf32>
    %swap3A_654 = vector.shape_cast %broadcast_in_dim3A_1 : vector<16xf32> to vector<1x16xf32>
    tpu.vector_store %arg11[%swap3A_650, %swap3A_651], %swap3A_654 {strides = array<i32>} : memref<16x128xf32, #tpu.memory_space<vmem>>, vector<1x16xf32>,
    %swap3A_655 = arith.constant 13 : i32
    %swap3A_656 = arith.index_cast %swap3A_655 : i32 to index
    %swap3A_657 = arith.constant 80 : index
    %swap3A_658 = tpu.vector_load %arg11[%swap3A_656, %swap3A_657] {strides = array<i32>} : memref<16x128xf32, #tpu.memory_space<vmem>>, vector<1x16xf32>,
    %swap3A_659 = vector.shape_cast %swap3A_658 : vector<1x16xf32> to vector<16xf32>
    %swap3A_660 = vector.shape_cast %broadcast_in_dim3A_1 : vector<16xf32> to vector<1x16xf32>
    tpu.vector_store %arg11[%swap3A_656, %swap3A_657], %swap3A_660 {strides = array<i32>} : memref<16x128xf32, #tpu.memory_space<vmem>>, vector<1x16xf32>,
    %swap3A_661 = arith.constant 13 : i32
    %swap3A_662 = arith.index_cast %swap3A_661 : i32 to index
    %swap3A_663 = arith.constant 96 : index
    %swap3A_664 = tpu.vector_load %arg11[%swap3A_662, %swap3A_663] {strides = array<i32>} : memref<16x128xf32, #tpu.memory_space<vmem>>, vector<1x16xf32>,
    %swap3A_665 = vector.shape_cast %swap3A_664 : vector<1x16xf32> to vector<16xf32>
    %swap3A_666 = vector.shape_cast %broadcast_in_dim3A_1 : vector<16xf32> to vector<1x16xf32>
    tpu.vector_store %arg11[%swap3A_662, %swap3A_663], %swap3A_666 {strides = array<i32>} : memref<16x128xf32, #tpu.memory_space<vmem>>, vector<1x16xf32>,
    %swap3A_667 = arith.constant 13 : i32
    %swap3A_668 = arith.index_cast %swap3A_667 : i32 to index
    %swap3A_669 = arith.constant 112 : index
    %swap3A_670 = tpu.vector_load %arg11[%swap3A_668, %swap3A_669] {strides = array<i32>} : memref<16x128xf32, #tpu.memory_space<vmem>>, vector<1x16xf32>,
    %swap3A_671 = vector.shape_cast %swap3A_670 : vector<1x16xf32> to vector<16xf32>
    %swap3A_672 = vector.shape_cast %broadcast_in_dim3A_1 : vector<16xf32> to vector<1x16xf32>
    tpu.vector_store %arg11[%swap3A_668, %swap3A_669], %swap3A_672 {strides = array<i32>} : memref<16x128xf32, #tpu.memory_space<vmem>>, vector<1x16xf32>,
    %swap3A_673 = arith.constant 14 : i32
    %swap3A_674 = arith.index_cast %swap3A_673 : i32 to index
    %swap3A_675 = arith.constant 0 : index
    %swap3A_676 = tpu.vector_load %arg11[%swap3A_674, %swap3A_675] {strides = array<i32>} : memref<16x128xf32, #tpu.memory_space<vmem>>, vector<1x16xf32>,
    %swap3A_677 = vector.shape_cast %swap3A_676 : vector<1x16xf32> to vector<16xf32>
    %swap3A_678 = vector.shape_cast %broadcast_in_dim3A_1 : vector<16xf32> to vector<1x16xf32>
    tpu.vector_store %arg11[%swap3A_674, %swap3A_675], %swap3A_678 {strides = array<i32>} : memref<16x128xf32, #tpu.memory_space<vmem>>, vector<1x16xf32>,
    %swap3A_679 = arith.constant 14 : i32
    %swap3A_680 = arith.index_cast %swap3A_679 : i32 to index
    %swap3A_681 = arith.constant 16 : index
    %swap3A_682 = tpu.vector_load %arg11[%swap3A_680, %swap3A_681] {strides = array<i32>} : memref<16x128xf32, #tpu.memory_space<vmem>>, vector<1x16xf32>,
    %swap3A_683 = vector.shape_cast %swap3A_682 : vector<1x16xf32> to vector<16xf32>
    %swap3A_684 = vector.shape_cast %broadcast_in_dim3A_1 : vector<16xf32> to vector<1x16xf32>
    tpu.vector_store %arg11[%swap3A_680, %swap3A_681], %swap3A_684 {strides = array<i32>} : memref<16x128xf32, #tpu.memory_space<vmem>>, vector<1x16xf32>,
    %swap3A_685 = arith.constant 14 : i32
    %swap3A_686 = arith.index_cast %swap3A_685 : i32 to index
    %swap3A_687 = arith.constant 32 : index
    %swap3A_688 = tpu.vector_load %arg11[%swap3A_686, %swap3A_687] {strides = array<i32>} : memref<16x128xf32, #tpu.memory_space<vmem>>, vector<1x16xf32>,
    %swap3A_689 = vector.shape_cast %swap3A_688 : vector<1x16xf32> to vector<16xf32>
    %swap3A_690 = vector.shape_cast %broadcast_in_dim3A_1 : vector<16xf32> to vector<1x16xf32>
    tpu.vector_store %arg11[%swap3A_686, %swap3A_687], %swap3A_690 {strides = array<i32>} : memref<16x128xf32, #tpu.memory_space<vmem>>, vector<1x16xf32>,
    %swap3A_691 = arith.constant 14 : i32
    %swap3A_692 = arith.index_cast %swap3A_691 : i32 to index
    %swap3A_693 = arith.constant 48 : index
    %swap3A_694 = tpu.vector_load %arg11[%swap3A_692, %swap3A_693] {strides = array<i32>} : memref<16x128xf32, #tpu.memory_space<vmem>>, vector<1x16xf32>,
    %swap3A_695 = vector.shape_cast %swap3A_694 : vector<1x16xf32> to vector<16xf32>
    %swap3A_696 = vector.shape_cast %broadcast_in_dim3A_1 : vector<16xf32> to vector<1x16xf32>
    tpu.vector_store %arg11[%swap3A_692, %swap3A_693], %swap3A_696 {strides = array<i32>} : memref<16x128xf32, #tpu.memory_space<vmem>>, vector<1x16xf32>,
    %swap3A_697 = arith.constant 14 : i32
    %swap3A_698 = arith.index_cast %swap3A_697 : i32 to index
    %swap3A_699 = arith.constant 64 : index
    %swap3A_700 = tpu.vector_load %arg11[%swap3A_698, %swap3A_699] {strides = array<i32>} : memref<16x128xf32, #tpu.memory_space<vmem>>, vector<1x16xf32>,
    %swap3A_701 = vector.shape_cast %swap3A_700 : vector<1x16xf32> to vector<16xf32>
    %swap3A_702 = vector.shape_cast %broadcast_in_dim3A_1 : vector<16xf32> to vector<1x16xf32>
    tpu.vector_store %arg11[%swap3A_698, %swap3A_699], %swap3A_702 {strides = array<i32>} : memref<16x128xf32, #tpu.memory_space<vmem>>, vector<1x16xf32>,
    %swap3A_703 = arith.constant 14 : i32
    %swap3A_704 = arith.index_cast %swap3A_703 : i32 to index
    %swap3A_705 = arith.constant 80 : index
    %swap3A_706 = tpu.vector_load %arg11[%swap3A_704, %swap3A_705] {strides = array<i32>} : memref<16x128xf32, #tpu.memory_space<vmem>>, vector<1x16xf32>,
    %swap3A_707 = vector.shape_cast %swap3A_706 : vector<1x16xf32> to vector<16xf32>
    %swap3A_708 = vector.shape_cast %broadcast_in_dim3A_1 : vector<16xf32> to vector<1x16xf32>
    tpu.vector_store %arg11[%swap3A_704, %swap3A_705], %swap3A_708 {strides = array<i32>} : memref<16x128xf32, #tpu.memory_space<vmem>>, vector<1x16xf32>,
    %swap3A_709 = arith.constant 14 : i32
    %swap3A_710 = arith.index_cast %swap3A_709 : i32 to index
    %swap3A_711 = arith.constant 96 : index
    %swap3A_712 = tpu.vector_load %arg11[%swap3A_710, %swap3A_711] {strides = array<i32>} : memref<16x128xf32, #tpu.memory_space<vmem>>, vector<1x16xf32>,
    %swap3A_713 = vector.shape_cast %swap3A_712 : vector<1x16xf32> to vector<16xf32>
    %swap3A_714 = vector.shape_cast %broadcast_in_dim3A_1 : vector<16xf32> to vector<1x16xf32>
    tpu.vector_store %arg11[%swap3A_710, %swap3A_711], %swap3A_714 {strides = array<i32>} : memref<16x128xf32, #tpu.memory_space<vmem>>, vector<1x16xf32>,
    %swap3A_715 = arith.constant 14 : i32
    %swap3A_716 = arith.index_cast %swap3A_715 : i32 to index
    %swap3A_717 = arith.constant 112 : index
    %swap3A_718 = tpu.vector_load %arg11[%swap3A_716, %swap3A_717] {strides = array<i32>} : memref<16x128xf32, #tpu.memory_space<vmem>>, vector<1x16xf32>,
    %swap3A_719 = vector.shape_cast %swap3A_718 : vector<1x16xf32> to vector<16xf32>
    %swap3A_720 = vector.shape_cast %broadcast_in_dim3A_1 : vector<16xf32> to vector<1x16xf32>
    tpu.vector_store %arg11[%swap3A_716, %swap3A_717], %swap3A_720 {strides = array<i32>} : memref<16x128xf32, #tpu.memory_space<vmem>>, vector<1x16xf32>,
    %swap3A_721 = arith.constant 15 : i32
    %swap3A_722 = arith.index_cast %swap3A_721 : i32 to index
    %swap3A_723 = arith.constant 0 : index
    %swap3A_724 = tpu.vector_load %arg11[%swap3A_722, %swap3A_723] {strides = array<i32>} : memref<16x128xf32, #tpu.memory_space<vmem>>, vector<1x16xf32>,
    %swap3A_725 = vector.shape_cast %swap3A_724 : vector<1x16xf32> to vector<16xf32>
    %swap3A_726 = vector.shape_cast %broadcast_in_dim3A_1 : vector<16xf32> to vector<1x16xf32>
    tpu.vector_store %arg11[%swap3A_722, %swap3A_723], %swap3A_726 {strides = array<i32>} : memref<16x128xf32, #tpu.memory_space<vmem>>, vector<1x16xf32>,
    %swap3A_727 = arith.constant 15 : i32
    %swap3A_728 = arith.index_cast %swap3A_727 : i32 to index
    %swap3A_729 = arith.constant 16 : index
    %swap3A_730 = tpu.vector_load %arg11[%swap3A_728, %swap3A_729] {strides = array<i32>} : memref<16x128xf32, #tpu.memory_space<vmem>>, vector<1x16xf32>,
    %swap3A_731 = vector.shape_cast %swap3A_730 : vector<1x16xf32> to vector<16xf32>
    %swap3A_732 = vector.shape_cast %broadcast_in_dim3A_1 : vector<16xf32> to vector<1x16xf32>
    tpu.vector_store %arg11[%swap3A_728, %swap3A_729], %swap3A_732 {strides = array<i32>} : memref<16x128xf32, #tpu.memory_space<vmem>>, vector<1x16xf32>,
    %swap3A_733 = arith.constant 15 : i32
    %swap3A_734 = arith.index_cast %swap3A_733 : i32 to index
    %swap3A_735 = arith.constant 32 : index
    %swap3A_736 = tpu.vector_load %arg11[%swap3A_734, %swap3A_735] {strides = array<i32>} : memref<16x128xf32, #tpu.memory_space<vmem>>, vector<1x16xf32>,
    %swap3A_737 = vector.shape_cast %swap3A_736 : vector<1x16xf32> to vector<16xf32>
    %swap3A_738 = vector.shape_cast %broadcast_in_dim3A_1 : vector<16xf32> to vector<1x16xf32>
    tpu.vector_store %arg11[%swap3A_734, %swap3A_735], %swap3A_738 {strides = array<i32>} : memref<16x128xf32, #tpu.memory_space<vmem>>, vector<1x16xf32>,
    %swap3A_739 = arith.constant 15 : i32
    %swap3A_740 = arith.index_cast %swap3A_739 : i32 to index
    %swap3A_741 = arith.constant 48 : index
    %swap3A_742 = tpu.vector_load %arg11[%swap3A_740, %swap3A_741] {strides = array<i32>} : memref<16x128xf32, #tpu.memory_space<vmem>>, vector<1x16xf32>,
    %swap3A_743 = vector.shape_cast %swap3A_742 : vector<1x16xf32> to vector<16xf32>
    %swap3A_744 = vector.shape_cast %broadcast_in_dim3A_1 : vector<16xf32> to vector<1x16xf32>
    tpu.vector_store %arg11[%swap3A_740, %swap3A_741], %swap3A_744 {strides = array<i32>} : memref<16x128xf32, #tpu.memory_space<vmem>>, vector<1x16xf32>,
    %swap3A_745 = arith.constant 15 : i32
    %swap3A_746 = arith.index_cast %swap3A_745 : i32 to index
    %swap3A_747 = arith.constant 64 : index
    %swap3A_748 = tpu.vector_load %arg11[%swap3A_746, %swap3A_747] {strides = array<i32>} : memref<16x128xf32, #tpu.memory_space<vmem>>, vector<1x16xf32>,
    %swap3A_749 = vector.shape_cast %swap3A_748 : vector<1x16xf32> to vector<16xf32>
    %swap3A_750 = vector.shape_cast %broadcast_in_dim3A_1 : vector<16xf32> to vector<1x16xf32>
    tpu.vector_store %arg11[%swap3A_746, %swap3A_747], %swap3A_750 {strides = array<i32>} : memref<16x128xf32, #tpu.memory_space<vmem>>, vector<1x16xf32>,
    %swap3A_751 = arith.constant 15 : i32
    %swap3A_752 = arith.index_cast %swap3A_751 : i32 to index
    %swap3A_753 = arith.constant 80 : index
    %swap3A_754 = tpu.vector_load %arg11[%swap3A_752, %swap3A_753] {strides = array<i32>} : memref<16x128xf32, #tpu.memory_space<vmem>>, vector<1x16xf32>,
    %swap3A_755 = vector.shape_cast %swap3A_754 : vector<1x16xf32> to vector<16xf32>
    %swap3A_756 = vector.shape_cast %broadcast_in_dim3A_1 : vector<16xf32> to vector<1x16xf32>
    tpu.vector_store %arg11[%swap3A_752, %swap3A_753], %swap3A_756 {strides = array<i32>} : memref<16x128xf32, #tpu.memory_space<vmem>>, vector<1x16xf32>,
    %swap3A_757 = arith.constant 15 : i32
    %swap3A_758 = arith.index_cast %swap3A_757 : i32 to index
    %swap3A_759 = arith.constant 96 : index
    %swap3A_760 = tpu.vector_load %arg11[%swap3A_758, %swap3A_759] {strides = array<i32>} : memref<16x128xf32, #tpu.memory_space<vmem>>, vector<1x16xf32>,
    %swap3A_761 = vector.shape_cast %swap3A_760 : vector<1x16xf32> to vector<16xf32>
    %swap3A_762 = vector.shape_cast %broadcast_in_dim3A_1 : vector<16xf32> to vector<1x16xf32>
    tpu.vector_store %arg11[%swap3A_758, %swap3A_759], %swap3A_762 {strides = array<i32>} : memref<16x128xf32, #tpu.memory_space<vmem>>, vector<1x16xf32>,
    %swap3A_763 = arith.constant 15 : i32
    %swap3A_764 = arith.index_cast %swap3A_763 : i32 to index
    %swap3A_765 = arith.constant 112 : index
    %swap3A_766 = tpu.vector_load %arg11[%swap3A_764, %swap3A_765] {strides = array<i32>} : memref<16x128xf32, #tpu.memory_space<vmem>>, vector<1x16xf32>,
    %swap3A_767 = vector.shape_cast %swap3A_766 : vector<1x16xf32> to vector<16xf32>
    %swap3A_768 = vector.shape_cast %broadcast_in_dim3A_1 : vector<16xf32> to vector<1x16xf32>
    tpu.vector_store %arg11[%swap3A_764, %swap3A_765], %swap3A_768 {strides = array<i32>} : memref<16x128xf32, #tpu.memory_space<vmem>>, vector<1x16xf32>,
    %broadcast_in_dim3A_769 = arith.constant 1.000000e+00 : f32
    %broadcast_in_dim3A_770 = vector.broadcast %broadcast_in_dim3A_769 : f32 to vector<16xf32>
    %swap3A_771 = arith.constant 0 : index
    %swap3A_772 = tpu.vector_load %arg15[%swap3A_771] {strides = array<i32>} : memref<128xf32, #tpu.memory_space<vmem>>, vector<16xf32>,
    %swap3A_773 = vector.shape_cast %swap3A_772 : vector<16xf32> to vector<16xf32>
    %swap3A_774 = vector.shape_cast %broadcast_in_dim3A_770 : vector<16xf32> to vector<16xf32>
    tpu.vector_store %arg15[%swap3A_771], %swap3A_774 {strides = array<i32>} : memref<128xf32, #tpu.memory_space<vmem>>, vector<16xf32>,
    %swap3A_775 = arith.constant 16 : index
    %swap3A_776 = tpu.vector_load %arg15[%swap3A_775] {strides = array<i32>} : memref<128xf32, #tpu.memory_space<vmem>>, vector<16xf32>,
    %swap3A_777 = vector.shape_cast %swap3A_776 : vector<16xf32> to vector<16xf32>
    %swap3A_778 = vector.shape_cast %broadcast_in_dim3A_770 : vector<16xf32> to vector<16xf32>
    tpu.vector_store %arg15[%swap3A_775], %swap3A_778 {strides = array<i32>} : memref<128xf32, #tpu.memory_space<vmem>>, vector<16xf32>,
    %swap3A_779 = arith.constant 32 : index
    %swap3A_780 = tpu.vector_load %arg15[%swap3A_779] {strides = array<i32>} : memref<128xf32, #tpu.memory_space<vmem>>, vector<16xf32>,
    %swap3A_781 = vector.shape_cast %swap3A_780 : vector<16xf32> to vector<16xf32>
    %swap3A_782 = vector.shape_cast %broadcast_in_dim3A_770 : vector<16xf32> to vector<16xf32>
    tpu.vector_store %arg15[%swap3A_779], %swap3A_782 {strides = array<i32>} : memref<128xf32, #tpu.memory_space<vmem>>, vector<16xf32>,
    %swap3A_783 = arith.constant 48 : index
    %swap3A_784 = tpu.vector_load %arg15[%swap3A_783] {strides = array<i32>} : memref<128xf32, #tpu.memory_space<vmem>>, vector<16xf32>,
    %swap3A_785 = vector.shape_cast %swap3A_784 : vector<16xf32> to vector<16xf32>
    %swap3A_786 = vector.shape_cast %broadcast_in_dim3A_770 : vector<16xf32> to vector<16xf32>
    tpu.vector_store %arg15[%swap3A_783], %swap3A_786 {strides = array<i32>} : memref<128xf32, #tpu.memory_space<vmem>>, vector<16xf32>,
    %swap3A_787 = arith.constant 64 : index
    %swap3A_788 = tpu.vector_load %arg15[%swap3A_787] {strides = array<i32>} : memref<128xf32, #tpu.memory_space<vmem>>, vector<16xf32>,
    %swap3A_789 = vector.shape_cast %swap3A_788 : vector<16xf32> to vector<16xf32>
    %swap3A_790 = vector.shape_cast %broadcast_in_dim3A_770 : vector<16xf32> to vector<16xf32>
    tpu.vector_store %arg15[%swap3A_787], %swap3A_790 {strides = array<i32>} : memref<128xf32, #tpu.memory_space<vmem>>, vector<16xf32>,
    %swap3A_791 = arith.constant 80 : index
    %swap3A_792 = tpu.vector_load %arg15[%swap3A_791] {strides = array<i32>} : memref<128xf32, #tpu.memory_space<vmem>>, vector<16xf32>,
    %swap3A_793 = vector.shape_cast %swap3A_792 : vector<16xf32> to vector<16xf32>
    %swap3A_794 = vector.shape_cast %broadcast_in_dim3A_770 : vector<16xf32> to vector<16xf32>
    tpu.vector_store %arg15[%swap3A_791], %swap3A_794 {strides = array<i32>} : memref<128xf32, #tpu.memory_space<vmem>>, vector<16xf32>,
    %swap3A_795 = arith.constant 96 : index
    %swap3A_796 = tpu.vector_load %arg15[%swap3A_795] {strides = array<i32>} : memref<128xf32, #tpu.memory_space<vmem>>, vector<16xf32>,
    %swap3A_797 = vector.shape_cast %swap3A_796 : vector<16xf32> to vector<16xf32>
    %swap3A_798 = vector.shape_cast %broadcast_in_dim3A_770 : vector<16xf32> to vector<16xf32>
    tpu.vector_store %arg15[%swap3A_795], %swap3A_798 {strides = array<i32>} : memref<128xf32, #tpu.memory_space<vmem>>, vector<16xf32>,
    %swap3A_799 = arith.constant 112 : index
    %swap3A_800 = tpu.vector_load %arg15[%swap3A_799] {strides = array<i32>} : memref<128xf32, #tpu.memory_space<vmem>>, vector<16xf32>,
    %swap3A_801 = vector.shape_cast %swap3A_800 : vector<16xf32> to vector<16xf32>
    %swap3A_802 = vector.shape_cast %broadcast_in_dim3A_770 : vector<16xf32> to vector<16xf32>
    tpu.vector_store %arg15[%swap3A_799], %swap3A_802 {strides = array<i32>} : memref<128xf32, #tpu.memory_space<vmem>>, vector<16xf32>,
    %swap3A_803 = arith.constant 0 : index
    %swap3A_804 = tpu.vector_load %arg16[%swap3A_803] {strides = array<i32>} : memref<640xf32, #tpu.memory_space<vmem>>, vector<16xf32>,
    %swap3A_805 = vector.shape_cast %swap3A_804 : vector<16xf32> to vector<16xf32>
    %swap3A_806 = vector.shape_cast %broadcast_in_dim3A_1 : vector<16xf32> to vector<16xf32>
    tpu.vector_store %arg16[%swap3A_803], %swap3A_806 {strides = array<i32>} : memref<640xf32, #tpu.memory_space<vmem>>, vector<16xf32>,
    %swap3A_807 = arith.constant 16 : index
    %swap3A_808 = tpu.vector_load %arg16[%swap3A_807] {strides = array<i32>} : memref<640xf32, #tpu.memory_space<vmem>>, vector<16xf32>,
    %swap3A_809 = vector.shape_cast %swap3A_808 : vector<16xf32> to vector<16xf32>
    %swap3A_810 = vector.shape_cast %broadcast_in_dim3A_1 : vector<16xf32> to vector<16xf32>
    tpu.vector_store %arg16[%swap3A_807], %swap3A_810 {strides = array<i32>} : memref<640xf32, #tpu.memory_space<vmem>>, vector<16xf32>,
    %swap3A_811 = arith.constant 32 : index
    %swap3A_812 = tpu.vector_load %arg16[%swap3A_811] {strides = array<i32>} : memref<640xf32, #tpu.memory_space<vmem>>, vector<16xf32>,
    %swap3A_813 = vector.shape_cast %swap3A_812 : vector<16xf32> to vector<16xf32>
    %swap3A_814 = vector.shape_cast %broadcast_in_dim3A_1 : vector<16xf32> to vector<16xf32>
    tpu.vector_store %arg16[%swap3A_811], %swap3A_814 {strides = array<i32>} : memref<640xf32, #tpu.memory_space<vmem>>, vector<16xf32>,
    %swap3A_815 = arith.constant 48 : index
    %swap3A_816 = tpu.vector_load %arg16[%swap3A_815] {strides = array<i32>} : memref<640xf32, #tpu.memory_space<vmem>>, vector<16xf32>,
    %swap3A_817 = vector.shape_cast %swap3A_816 : vector<16xf32> to vector<16xf32>
    %swap3A_818 = vector.shape_cast %broadcast_in_dim3A_1 : vector<16xf32> to vector<16xf32>
    tpu.vector_store %arg16[%swap3A_815], %swap3A_818 {strides = array<i32>} : memref<640xf32, #tpu.memory_space<vmem>>, vector<16xf32>,
    %swap3A_819 = arith.constant 64 : index
    %swap3A_820 = tpu.vector_load %arg16[%swap3A_819] {strides = array<i32>} : memref<640xf32, #tpu.memory_space<vmem>>, vector<16xf32>,
    %swap3A_821 = vector.shape_cast %swap3A_820 : vector<16xf32> to vector<16xf32>
    %swap3A_822 = vector.shape_cast %broadcast_in_dim3A_1 : vector<16xf32> to vector<16xf32>
    tpu.vector_store %arg16[%swap3A_819], %swap3A_822 {strides = array<i32>} : memref<640xf32, #tpu.memory_space<vmem>>, vector<16xf32>,
    %swap3A_823 = arith.constant 80 : index
    %swap3A_824 = tpu.vector_load %arg16[%swap3A_823] {strides = array<i32>} : memref<640xf32, #tpu.memory_space<vmem>>, vector<16xf32>,
    %swap3A_825 = vector.shape_cast %swap3A_824 : vector<16xf32> to vector<16xf32>
    %swap3A_826 = vector.shape_cast %broadcast_in_dim3A_1 : vector<16xf32> to vector<16xf32>
    tpu.vector_store %arg16[%swap3A_823], %swap3A_826 {strides = array<i32>} : memref<640xf32, #tpu.memory_space<vmem>>, vector<16xf32>,
    %swap3A_827 = arith.constant 96 : index
    %swap3A_828 = tpu.vector_load %arg16[%swap3A_827] {strides = array<i32>} : memref<640xf32, #tpu.memory_space<vmem>>, vector<16xf32>,
    %swap3A_829 = vector.shape_cast %swap3A_828 : vector<16xf32> to vector<16xf32>
    %swap3A_830 = vector.shape_cast %broadcast_in_dim3A_1 : vector<16xf32> to vector<16xf32>
    tpu.vector_store %arg16[%swap3A_827], %swap3A_830 {strides = array<i32>} : memref<640xf32, #tpu.memory_space<vmem>>, vector<16xf32>,
    %swap3A_831 = arith.constant 112 : index
    %swap3A_832 = tpu.vector_load %arg16[%swap3A_831] {strides = array<i32>} : memref<640xf32, #tpu.memory_space<vmem>>, vector<16xf32>,
    %swap3A_833 = vector.shape_cast %swap3A_832 : vector<16xf32> to vector<16xf32>
    %swap3A_834 = vector.shape_cast %broadcast_in_dim3A_1 : vector<16xf32> to vector<16xf32>
    tpu.vector_store %arg16[%swap3A_831], %swap3A_834 {strides = array<i32>} : memref<640xf32, #tpu.memory_space<vmem>>, vector<16xf32>,
    %swap3A_835 = arith.constant 128 : index
    %swap3A_836 = tpu.vector_load %arg16[%swap3A_835] {strides = array<i32>} : memref<640xf32, #tpu.memory_space<vmem>>, vector<16xf32>,
    %swap3A_837 = vector.shape_cast %swap3A_836 : vector<16xf32> to vector<16xf32>
    %swap3A_838 = vector.shape_cast %broadcast_in_dim3A_1 : vector<16xf32> to vector<16xf32>
    tpu.vector_store %arg16[%swap3A_835], %swap3A_838 {strides = array<i32>} : memref<640xf32, #tpu.memory_space<vmem>>, vector<16xf32>,
    %swap3A_839 = arith.constant 144 : index
    %swap3A_840 = tpu.vector_load %arg16[%swap3A_839] {strides = array<i32>} : memref<640xf32, #tpu.memory_space<vmem>>, vector<16xf32>,
    %swap3A_841 = vector.shape_cast %swap3A_840 : vector<16xf32> to vector<16xf32>
    %swap3A_842 = vector.shape_cast %broadcast_in_dim3A_1 : vector<16xf32> to vector<16xf32>
    tpu.vector_store %arg16[%swap3A_839], %swap3A_842 {strides = array<i32>} : memref<640xf32, #tpu.memory_space<vmem>>, vector<16xf32>,
    %swap3A_843 = arith.constant 160 : index
    %swap3A_844 = tpu.vector_load %arg16[%swap3A_843] {strides = array<i32>} : memref<640xf32, #tpu.memory_space<vmem>>, vector<16xf32>,
    %swap3A_845 = vector.shape_cast %swap3A_844 : vector<16xf32> to vector<16xf32>
    %swap3A_846 = vector.shape_cast %broadcast_in_dim3A_1 : vector<16xf32> to vector<16xf32>
    tpu.vector_store %arg16[%swap3A_843], %swap3A_846 {strides = array<i32>} : memref<640xf32, #tpu.memory_space<vmem>>, vector<16xf32>,
    %swap3A_847 = arith.constant 176 : index
    %swap3A_848 = tpu.vector_load %arg16[%swap3A_847] {strides = array<i32>} : memref<640xf32, #tpu.memory_space<vmem>>, vector<16xf32>,
    %swap3A_849 = vector.shape_cast %swap3A_848 : vector<16xf32> to vector<16xf32>
    %swap3A_850 = vector.shape_cast %broadcast_in_dim3A_1 : vector<16xf32> to vector<16xf32>
    tpu.vector_store %arg16[%swap3A_847], %swap3A_850 {strides = array<i32>} : memref<640xf32, #tpu.memory_space<vmem>>, vector<16xf32>,
    %swap3A_851 = arith.constant 192 : index
    %swap3A_852 = tpu.vector_load %arg16[%swap3A_851] {strides = array<i32>} : memref<640xf32, #tpu.memory_space<vmem>>, vector<16xf32>,
    %swap3A_853 = vector.shape_cast %swap3A_852 : vector<16xf32> to vector<16xf32>
    %swap3A_854 = vector.shape_cast %broadcast_in_dim3A_1 : vector<16xf32> to vector<16xf32>
    tpu.vector_store %arg16[%swap3A_851], %swap3A_854 {strides = array<i32>} : memref<640xf32, #tpu.memory_space<vmem>>, vector<16xf32>,
    %swap3A_855 = arith.constant 208 : index
    %swap3A_856 = tpu.vector_load %arg16[%swap3A_855] {strides = array<i32>} : memref<640xf32, #tpu.memory_space<vmem>>, vector<16xf32>,
    %swap3A_857 = vector.shape_cast %swap3A_856 : vector<16xf32> to vector<16xf32>
    %swap3A_858 = vector.shape_cast %broadcast_in_dim3A_1 : vector<16xf32> to vector<16xf32>
    tpu.vector_store %arg16[%swap3A_855], %swap3A_858 {strides = array<i32>} : memref<640xf32, #tpu.memory_space<vmem>>, vector<16xf32>,
    %swap3A_859 = arith.constant 224 : index
    %swap3A_860 = tpu.vector_load %arg16[%swap3A_859] {strides = array<i32>} : memref<640xf32, #tpu.memory_space<vmem>>, vector<16xf32>,
    %swap3A_861 = vector.shape_cast %swap3A_860 : vector<16xf32> to vector<16xf32>
    %swap3A_862 = vector.shape_cast %broadcast_in_dim3A_1 : vector<16xf32> to vector<16xf32>
    tpu.vector_store %arg16[%swap3A_859], %swap3A_862 {strides = array<i32>} : memref<640xf32, #tpu.memory_space<vmem>>, vector<16xf32>,
    %swap3A_863 = arith.constant 240 : index
    %swap3A_864 = tpu.vector_load %arg16[%swap3A_863] {strides = array<i32>} : memref<640xf32, #tpu.memory_space<vmem>>, vector<16xf32>,
    %swap3A_865 = vector.shape_cast %swap3A_864 : vector<16xf32> to vector<16xf32>
    %swap3A_866 = vector.shape_cast %broadcast_in_dim3A_1 : vector<16xf32> to vector<16xf32>
    tpu.vector_store %arg16[%swap3A_863], %swap3A_866 {strides = array<i32>} : memref<640xf32, #tpu.memory_space<vmem>>, vector<16xf32>,
    %swap3A_867 = arith.constant 256 : index
    %swap3A_868 = tpu.vector_load %arg16[%swap3A_867] {strides = array<i32>} : memref<640xf32, #tpu.memory_space<vmem>>, vector<16xf32>,
    %swap3A_869 = vector.shape_cast %swap3A_868 : vector<16xf32> to vector<16xf32>
    %swap3A_870 = vector.shape_cast %broadcast_in_dim3A_1 : vector<16xf32> to vector<16xf32>
    tpu.vector_store %arg16[%swap3A_867], %swap3A_870 {strides = array<i32>} : memref<640xf32, #tpu.memory_space<vmem>>, vector<16xf32>,
    %swap3A_871 = arith.constant 272 : index
    %swap3A_872 = tpu.vector_load %arg16[%swap3A_871] {strides = array<i32>} : memref<640xf32, #tpu.memory_space<vmem>>, vector<16xf32>,
    %swap3A_873 = vector.shape_cast %swap3A_872 : vector<16xf32> to vector<16xf32>
    %swap3A_874 = vector.shape_cast %broadcast_in_dim3A_1 : vector<16xf32> to vector<16xf32>
    tpu.vector_store %arg16[%swap3A_871], %swap3A_874 {strides = array<i32>} : memref<640xf32, #tpu.memory_space<vmem>>, vector<16xf32>,
    %swap3A_875 = arith.constant 288 : index
    %swap3A_876 = tpu.vector_load %arg16[%swap3A_875] {strides = array<i32>} : memref<640xf32, #tpu.memory_space<vmem>>, vector<16xf32>,
    %swap3A_877 = vector.shape_cast %swap3A_876 : vector<16xf32> to vector<16xf32>
    %swap3A_878 = vector.shape_cast %broadcast_in_dim3A_1 : vector<16xf32> to vector<16xf32>
    tpu.vector_store %arg16[%swap3A_875], %swap3A_878 {strides = array<i32>} : memref<640xf32, #tpu.memory_space<vmem>>, vector<16xf32>,
    %swap3A_879 = arith.constant 304 : index
    %swap3A_880 = tpu.vector_load %arg16[%swap3A_879] {strides = array<i32>} : memref<640xf32, #tpu.memory_space<vmem>>, vector<16xf32>,
    %swap3A_881 = vector.shape_cast %swap3A_880 : vector<16xf32> to vector<16xf32>
    %swap3A_882 = vector.shape_cast %broadcast_in_dim3A_1 : vector<16xf32> to vector<16xf32>
    tpu.vector_store %arg16[%swap3A_879], %swap3A_882 {strides = array<i32>} : memref<640xf32, #tpu.memory_space<vmem>>, vector<16xf32>,
    %swap3A_883 = arith.constant 320 : index
    %swap3A_884 = tpu.vector_load %arg16[%swap3A_883] {strides = array<i32>} : memref<640xf32, #tpu.memory_space<vmem>>, vector<16xf32>,
    %swap3A_885 = vector.shape_cast %swap3A_884 : vector<16xf32> to vector<16xf32>
    %swap3A_886 = vector.shape_cast %broadcast_in_dim3A_1 : vector<16xf32> to vector<16xf32>
    tpu.vector_store %arg16[%swap3A_883], %swap3A_886 {strides = array<i32>} : memref<640xf32, #tpu.memory_space<vmem>>, vector<16xf32>,
    %swap3A_887 = arith.constant 336 : index
    %swap3A_888 = tpu.vector_load %arg16[%swap3A_887] {strides = array<i32>} : memref<640xf32, #tpu.memory_space<vmem>>, vector<16xf32>,
    %swap3A_889 = vector.shape_cast %swap3A_888 : vector<16xf32> to vector<16xf32>
    %swap3A_890 = vector.shape_cast %broadcast_in_dim3A_1 : vector<16xf32> to vector<16xf32>
    tpu.vector_store %arg16[%swap3A_887], %swap3A_890 {strides = array<i32>} : memref<640xf32, #tpu.memory_space<vmem>>, vector<16xf32>,
    %swap3A_891 = arith.constant 352 : index
    %swap3A_892 = tpu.vector_load %arg16[%swap3A_891] {strides = array<i32>} : memref<640xf32, #tpu.memory_space<vmem>>, vector<16xf32>,
    %swap3A_893 = vector.shape_cast %swap3A_892 : vector<16xf32> to vector<16xf32>
    %swap3A_894 = vector.shape_cast %broadcast_in_dim3A_1 : vector<16xf32> to vector<16xf32>
    tpu.vector_store %arg16[%swap3A_891], %swap3A_894 {strides = array<i32>} : memref<640xf32, #tpu.memory_space<vmem>>, vector<16xf32>,
    %swap3A_895 = arith.constant 368 : index
    %swap3A_896 = tpu.vector_load %arg16[%swap3A_895] {strides = array<i32>} : memref<640xf32, #tpu.memory_space<vmem>>, vector<16xf32>,
    %swap3A_897 = vector.shape_cast %swap3A_896 : vector<16xf32> to vector<16xf32>
    %swap3A_898 = vector.shape_cast %broadcast_in_dim3A_1 : vector<16xf32> to vector<16xf32>
    tpu.vector_store %arg16[%swap3A_895], %swap3A_898 {strides = array<i32>} : memref<640xf32, #tpu.memory_space<vmem>>, vector<16xf32>,
    %swap3A_899 = arith.constant 384 : index
    %swap3A_900 = tpu.vector_load %arg16[%swap3A_899] {strides = array<i32>} : memref<640xf32, #tpu.memory_space<vmem>>, vector<16xf32>,
    %swap3A_901 = vector.shape_cast %swap3A_900 : vector<16xf32> to vector<16xf32>
    %swap3A_902 = vector.shape_cast %broadcast_in_dim3A_1 : vector<16xf32> to vector<16xf32>
    tpu.vector_store %arg16[%swap3A_899], %swap3A_902 {strides = array<i32>} : memref<640xf32, #tpu.memory_space<vmem>>, vector<16xf32>,
    %swap3A_903 = arith.constant 400 : index
    %swap3A_904 = tpu.vector_load %arg16[%swap3A_903] {strides = array<i32>} : memref<640xf32, #tpu.memory_space<vmem>>, vector<16xf32>,
    %swap3A_905 = vector.shape_cast %swap3A_904 : vector<16xf32> to vector<16xf32>
    %swap3A_906 = vector.shape_cast %broadcast_in_dim3A_1 : vector<16xf32> to vector<16xf32>
    tpu.vector_store %arg16[%swap3A_903], %swap3A_906 {strides = array<i32>} : memref<640xf32, #tpu.memory_space<vmem>>, vector<16xf32>,
    %swap3A_907 = arith.constant 416 : index
    %swap3A_908 = tpu.vector_load %arg16[%swap3A_907] {strides = array<i32>} : memref<640xf32, #tpu.memory_space<vmem>>, vector<16xf32>,
    %swap3A_909 = vector.shape_cast %swap3A_908 : vector<16xf32> to vector<16xf32>
    %swap3A_910 = vector.shape_cast %broadcast_in_dim3A_1 : vector<16xf32> to vector<16xf32>
    tpu.vector_store %arg16[%swap3A_907], %swap3A_910 {strides = array<i32>} : memref<640xf32, #tpu.memory_space<vmem>>, vector<16xf32>,
    %swap3A_911 = arith.constant 432 : index
    %swap3A_912 = tpu.vector_load %arg16[%swap3A_911] {strides = array<i32>} : memref<640xf32, #tpu.memory_space<vmem>>, vector<16xf32>,
    %swap3A_913 = vector.shape_cast %swap3A_912 : vector<16xf32> to vector<16xf32>
    %swap3A_914 = vector.shape_cast %broadcast_in_dim3A_1 : vector<16xf32> to vector<16xf32>
    tpu.vector_store %arg16[%swap3A_911], %swap3A_914 {strides = array<i32>} : memref<640xf32, #tpu.memory_space<vmem>>, vector<16xf32>,
    %swap3A_915 = arith.constant 448 : index
    %swap3A_916 = tpu.vector_load %arg16[%swap3A_915] {strides = array<i32>} : memref<640xf32, #tpu.memory_space<vmem>>, vector<16xf32>,
    %swap3A_917 = vector.shape_cast %swap3A_916 : vector<16xf32> to vector<16xf32>
    %swap3A_918 = vector.shape_cast %broadcast_in_dim3A_1 : vector<16xf32> to vector<16xf32>
    tpu.vector_store %arg16[%swap3A_915], %swap3A_918 {strides = array<i32>} : memref<640xf32, #tpu.memory_space<vmem>>, vector<16xf32>,
    %swap3A_919 = arith.constant 464 : index
    %swap3A_920 = tpu.vector_load %arg16[%swap3A_919] {strides = array<i32>} : memref<640xf32, #tpu.memory_space<vmem>>, vector<16xf32>,
    %swap3A_921 = vector.shape_cast %swap3A_920 : vector<16xf32> to vector<16xf32>
    %swap3A_922 = vector.shape_cast %broadcast_in_dim3A_1 : vector<16xf32> to vector<16xf32>
    tpu.vector_store %arg16[%swap3A_919], %swap3A_922 {strides = array<i32>} : memref<640xf32, #tpu.memory_space<vmem>>, vector<16xf32>,
    %swap3A_923 = arith.constant 480 : index
    %swap3A_924 = tpu.vector_load %arg16[%swap3A_923] {strides = array<i32>} : memref<640xf32, #tpu.memory_space<vmem>>, vector<16xf32>,
    %swap3A_925 = vector.shape_cast %swap3A_924 : vector<16xf32> to vector<16xf32>
    %swap3A_926 = vector.shape_cast %broadcast_in_dim3A_1 : vector<16xf32> to vector<16xf32>
    tpu.vector_store %arg16[%swap3A_923], %swap3A_926 {strides = array<i32>} : memref<640xf32, #tpu.memory_space<vmem>>, vector<16xf32>,
    %swap3A_927 = arith.constant 496 : index
    %swap3A_928 = tpu.vector_load %arg16[%swap3A_927] {strides = array<i32>} : memref<640xf32, #tpu.memory_space<vmem>>, vector<16xf32>,
    %swap3A_929 = vector.shape_cast %swap3A_928 : vector<16xf32> to vector<16xf32>
    %swap3A_930 = vector.shape_cast %broadcast_in_dim3A_1 : vector<16xf32> to vector<16xf32>
    tpu.vector_store %arg16[%swap3A_927], %swap3A_930 {strides = array<i32>} : memref<640xf32, #tpu.memory_space<vmem>>, vector<16xf32>,
    %swap3A_931 = arith.constant 512 : index
    %swap3A_932 = tpu.vector_load %arg16[%swap3A_931] {strides = array<i32>} : memref<640xf32, #tpu.memory_space<vmem>>, vector<16xf32>,
    %swap3A_933 = vector.shape_cast %swap3A_932 : vector<16xf32> to vector<16xf32>
    %swap3A_934 = vector.shape_cast %broadcast_in_dim3A_1 : vector<16xf32> to vector<16xf32>
    tpu.vector_store %arg16[%swap3A_931], %swap3A_934 {strides = array<i32>} : memref<640xf32, #tpu.memory_space<vmem>>, vector<16xf32>,
    %swap3A_935 = arith.constant 528 : index
    %swap3A_936 = tpu.vector_load %arg16[%swap3A_935] {strides = array<i32>} : memref<640xf32, #tpu.memory_space<vmem>>, vector<16xf32>,
    %swap3A_937 = vector.shape_cast %swap3A_936 : vector<16xf32> to vector<16xf32>
    %swap3A_938 = vector.shape_cast %broadcast_in_dim3A_1 : vector<16xf32> to vector<16xf32>
    tpu.vector_store %arg16[%swap3A_935], %swap3A_938 {strides = array<i32>} : memref<640xf32, #tpu.memory_space<vmem>>, vector<16xf32>,
    %swap3A_939 = arith.constant 544 : index
    %swap3A_940 = tpu.vector_load %arg16[%swap3A_939] {strides = array<i32>} : memref<640xf32, #tpu.memory_space<vmem>>, vector<16xf32>,
    %swap3A_941 = vector.shape_cast %swap3A_940 : vector<16xf32> to vector<16xf32>
    %swap3A_942 = vector.shape_cast %broadcast_in_dim3A_1 : vector<16xf32> to vector<16xf32>
    tpu.vector_store %arg16[%swap3A_939], %swap3A_942 {strides = array<i32>} : memref<640xf32, #tpu.memory_space<vmem>>, vector<16xf32>,
    %swap3A_943 = arith.constant 560 : index
    %swap3A_944 = tpu.vector_load %arg16[%swap3A_943] {strides = array<i32>} : memref<640xf32, #tpu.memory_space<vmem>>, vector<16xf32>,
    %swap3A_945 = vector.shape_cast %swap3A_944 : vector<16xf32> to vector<16xf32>
    %swap3A_946 = vector.shape_cast %broadcast_in_dim3A_1 : vector<16xf32> to vector<16xf32>
    tpu.vector_store %arg16[%swap3A_943], %swap3A_946 {strides = array<i32>} : memref<640xf32, #tpu.memory_space<vmem>>, vector<16xf32>,
    %swap3A_947 = arith.constant 576 : index
    %swap3A_948 = tpu.vector_load %arg16[%swap3A_947] {strides = array<i32>} : memref<640xf32, #tpu.memory_space<vmem>>, vector<16xf32>,
    %swap3A_949 = vector.shape_cast %swap3A_948 : vector<16xf32> to vector<16xf32>
    %swap3A_950 = vector.shape_cast %broadcast_in_dim3A_1 : vector<16xf32> to vector<16xf32>
    tpu.vector_store %arg16[%swap3A_947], %swap3A_950 {strides = array<i32>} : memref<640xf32, #tpu.memory_space<vmem>>, vector<16xf32>,
    %swap3A_951 = arith.constant 592 : index
    %swap3A_952 = tpu.vector_load %arg16[%swap3A_951] {strides = array<i32>} : memref<640xf32, #tpu.memory_space<vmem>>, vector<16xf32>,
    %swap3A_953 = vector.shape_cast %swap3A_952 : vector<16xf32> to vector<16xf32>
    %swap3A_954 = vector.shape_cast %broadcast_in_dim3A_1 : vector<16xf32> to vector<16xf32>
    tpu.vector_store %arg16[%swap3A_951], %swap3A_954 {strides = array<i32>} : memref<640xf32, #tpu.memory_space<vmem>>, vector<16xf32>,
    %swap3A_955 = arith.constant 608 : index
    %swap3A_956 = tpu.vector_load %arg16[%swap3A_955] {strides = array<i32>} : memref<640xf32, #tpu.memory_space<vmem>>, vector<16xf32>,
    %swap3A_957 = vector.shape_cast %swap3A_956 : vector<16xf32> to vector<16xf32>
    %swap3A_958 = vector.shape_cast %broadcast_in_dim3A_1 : vector<16xf32> to vector<16xf32>
    tpu.vector_store %arg16[%swap3A_955], %swap3A_958 {strides = array<i32>} : memref<640xf32, #tpu.memory_space<vmem>>, vector<16xf32>,
    %swap3A_959 = arith.constant 624 : index
    %swap3A_960 = tpu.vector_load %arg16[%swap3A_959] {strides = array<i32>} : memref<640xf32, #tpu.memory_space<vmem>>, vector<16xf32>,
    %swap3A_961 = vector.shape_cast %swap3A_960 : vector<16xf32> to vector<16xf32>
    %swap3A_962 = vector.shape_cast %broadcast_in_dim3A_1 : vector<16xf32> to vector<16xf32>
    tpu.vector_store %arg16[%swap3A_959], %swap3A_962 {strides = array<i32>} : memref<640xf32, #tpu.memory_space<vmem>>, vector<16xf32>,
    %mul3A_963 = arith.constant 640 : i32
    %mul3A_964 = arith.muli %arg1, %mul3A_963 : i32
    %add3A_965 = arith.constant 0 : i32
    %add3A_966 = arith.addi %mul3A_964, %add3A_965 : i32
    "tpu.region"() ({
      %run_scoped3A = tpu.sem_alloc : memref<!tpu.dma_semaphore, #tpu.memory_space<semaphore_mem>>
      %dma_start3A = arith.constant 0 : i32
      %dma_start3A_1054 = tpu.memref_slice %arg12[%add3A_966, %dma_start3A] : memref<10240x128xf32, #tpu.memory_space<vmem_shared>> -> memref<16x128xf32, #tpu.memory_space<vmem_shared>>
      %dma_start3A_1055 = arith.constant 0 : i32
      %dma_start3A_1056 = tpu.memref_slice %arg12[%add3A_966, %dma_start3A_1055] : memref<10240x128xf32, #tpu.memory_space<vmem_shared>> -> memref<16x128xf32, #tpu.memory_space<vmem_shared>>
      tpu.enqueue_dma source(%arg11 : memref<16x128xf32, #tpu.memory_space<vmem>>) target(%dma_start3A_1056 : memref<16x128xf32, #tpu.memory_space<vmem_shared>>) target_semaphore(%run_scoped3A : memref<!tpu.dma_semaphore, #tpu.memory_space<semaphore_mem>>)
      %dma_wait3A = arith.constant 0 : i32
      %dma_wait3A_1057 = tpu.memref_slice %arg12[%add3A_966, %dma_wait3A] : memref<10240x128xf32, #tpu.memory_space<vmem_shared>> -> memref<16x128xf32, #tpu.memory_space<vmem_shared>>
      %dma_wait3A_1058 = arith.constant 0 : i32
      %dma_wait3A_1059 = tpu.memref_slice %arg12[%add3A_966, %dma_wait3A_1058] : memref<10240x128xf32, #tpu.memory_space<vmem_shared>> -> memref<16x128xf32, #tpu.memory_space<vmem_shared>>
      tpu.wait_dma2 semaphore(%run_scoped3A : memref<!tpu.dma_semaphore, #tpu.memory_space<semaphore_mem>>) src(%arg11 : memref<16x128xf32, #tpu.memory_space<vmem>>) dst(%dma_wait3A_1059 : memref<16x128xf32, #tpu.memory_space<vmem_shared>>)
      tpu.yield
    }) : () -> ()
    %add3A_967 = arith.constant 16 : i32
    %add3A_968 = arith.addi %mul3A_964, %add3A_967 : i32
    "tpu.region"() ({
      %run_scoped3A = tpu.sem_alloc : memref<!tpu.dma_semaphore, #tpu.memory_space<semaphore_mem>>
      %dma_start3A = arith.constant 0 : i32
      %dma_start3A_1054 = tpu.memref_slice %arg12[%add3A_968, %dma_start3A] : memref<10240x128xf32, #tpu.memory_space<vmem_shared>> -> memref<16x128xf32, #tpu.memory_space<vmem_shared>>
      %dma_start3A_1055 = arith.constant 0 : i32
      %dma_start3A_1056 = tpu.memref_slice %arg12[%add3A_968, %dma_start3A_1055] : memref<10240x128xf32, #tpu.memory_space<vmem_shared>> -> memref<16x128xf32, #tpu.memory_space<vmem_shared>>
      tpu.enqueue_dma source(%arg11 : memref<16x128xf32, #tpu.memory_space<vmem>>) target(%dma_start3A_1056 : memref<16x128xf32, #tpu.memory_space<vmem_shared>>) target_semaphore(%run_scoped3A : memref<!tpu.dma_semaphore, #tpu.memory_space<semaphore_mem>>)
      %dma_wait3A = arith.constant 0 : i32
      %dma_wait3A_1057 = tpu.memref_slice %arg12[%add3A_968, %dma_wait3A] : memref<10240x128xf32, #tpu.memory_space<vmem_shared>> -> memref<16x128xf32, #tpu.memory_space<vmem_shared>>
      %dma_wait3A_1058 = arith.constant 0 : i32
      %dma_wait3A_1059 = tpu.memref_slice %arg12[%add3A_968, %dma_wait3A_1058] : memref<10240x128xf32, #tpu.memory_space<vmem_shared>> -> memref<16x128xf32, #tpu.memory_space<vmem_shared>>
      tpu.wait_dma2 semaphore(%run_scoped3A : memref<!tpu.dma_semaphore, #tpu.memory_space<semaphore_mem>>) src(%arg11 : memref<16x128xf32, #tpu.memory_space<vmem>>) dst(%dma_wait3A_1059 : memref<16x128xf32, #tpu.memory_space<vmem_shared>>)
      tpu.yield
    }) : () -> ()
    %add3A_969 = arith.constant 32 : i32
    %add3A_970 = arith.addi %mul3A_964, %add3A_969 : i32
    "tpu.region"() ({
      %run_scoped3A = tpu.sem_alloc : memref<!tpu.dma_semaphore, #tpu.memory_space<semaphore_mem>>
      %dma_start3A = arith.constant 0 : i32
      %dma_start3A_1054 = tpu.memref_slice %arg12[%add3A_970, %dma_start3A] : memref<10240x128xf32, #tpu.memory_space<vmem_shared>> -> memref<16x128xf32, #tpu.memory_space<vmem_shared>>
      %dma_start3A_1055 = arith.constant 0 : i32
      %dma_start3A_1056 = tpu.memref_slice %arg12[%add3A_970, %dma_start3A_1055] : memref<10240x128xf32, #tpu.memory_space<vmem_shared>> -> memref<16x128xf32, #tpu.memory_space<vmem_shared>>
      tpu.enqueue_dma source(%arg11 : memref<16x128xf32, #tpu.memory_space<vmem>>) target(%dma_start3A_1056 : memref<16x128xf32, #tpu.memory_space<vmem_shared>>) target_semaphore(%run_scoped3A : memref<!tpu.dma_semaphore, #tpu.memory_space<semaphore_mem>>)
      %dma_wait3A = arith.constant 0 : i32
      %dma_wait3A_1057 = tpu.memref_slice %arg12[%add3A_970, %dma_wait3A] : memref<10240x128xf32, #tpu.memory_space<vmem_shared>> -> memref<16x128xf32, #tpu.memory_space<vmem_shared>>
      %dma_wait3A_1058 = arith.constant 0 : i32
      %dma_wait3A_1059 = tpu.memref_slice %arg12[%add3A_970, %dma_wait3A_1058] : memref<10240x128xf32, #tpu.memory_space<vmem_shared>> -> memref<16x128xf32, #tpu.memory_space<vmem_shared>>
      tpu.wait_dma2 semaphore(%run_scoped3A : memref<!tpu.dma_semaphore, #tpu.memory_space<semaphore_mem>>) src(%arg11 : memref<16x128xf32, #tpu.memory_space<vmem>>) dst(%dma_wait3A_1059 : memref<16x128xf32, #tpu.memory_space<vmem_shared>>)
      tpu.yield
    }) : () -> ()
    %add3A_971 = arith.constant 48 : i32
    %add3A_972 = arith.addi %mul3A_964, %add3A_971 : i32
    "tpu.region"() ({
      %run_scoped3A = tpu.sem_alloc : memref<!tpu.dma_semaphore, #tpu.memory_space<semaphore_mem>>
      %dma_start3A = arith.constant 0 : i32
      %dma_start3A_1054 = tpu.memref_slice %arg12[%add3A_972, %dma_start3A] : memref<10240x128xf32, #tpu.memory_space<vmem_shared>> -> memref<16x128xf32, #tpu.memory_space<vmem_shared>>
      %dma_start3A_1055 = arith.constant 0 : i32
      %dma_start3A_1056 = tpu.memref_slice %arg12[%add3A_972, %dma_start3A_1055] : memref<10240x128xf32, #tpu.memory_space<vmem_shared>> -> memref<16x128xf32, #tpu.memory_space<vmem_shared>>
      tpu.enqueue_dma source(%arg11 : memref<16x128xf32, #tpu.memory_space<vmem>>) target(%dma_start3A_1056 : memref<16x128xf32, #tpu.memory_space<vmem_shared>>) target_semaphore(%run_scoped3A : memref<!tpu.dma_semaphore, #tpu.memory_space<semaphore_mem>>)
      %dma_wait3A = arith.constant 0 : i32
      %dma_wait3A_1057 = tpu.memref_slice %arg12[%add3A_972, %dma_wait3A] : memref<10240x128xf32, #tpu.memory_space<vmem_shared>> -> memref<16x128xf32, #tpu.memory_space<vmem_shared>>
      %dma_wait3A_1058 = arith.constant 0 : i32
      %dma_wait3A_1059 = tpu.memref_slice %arg12[%add3A_972, %dma_wait3A_1058] : memref<10240x128xf32, #tpu.memory_space<vmem_shared>> -> memref<16x128xf32, #tpu.memory_space<vmem_shared>>
      tpu.wait_dma2 semaphore(%run_scoped3A : memref<!tpu.dma_semaphore, #tpu.memory_space<semaphore_mem>>) src(%arg11 : memref<16x128xf32, #tpu.memory_space<vmem>>) dst(%dma_wait3A_1059 : memref<16x128xf32, #tpu.memory_space<vmem_shared>>)
      tpu.yield
    }) : () -> ()
    %add3A_973 = arith.constant 64 : i32
    %add3A_974 = arith.addi %mul3A_964, %add3A_973 : i32
    "tpu.region"() ({
      %run_scoped3A = tpu.sem_alloc : memref<!tpu.dma_semaphore, #tpu.memory_space<semaphore_mem>>
      %dma_start3A = arith.constant 0 : i32
      %dma_start3A_1054 = tpu.memref_slice %arg12[%add3A_974, %dma_start3A] : memref<10240x128xf32, #tpu.memory_space<vmem_shared>> -> memref<16x128xf32, #tpu.memory_space<vmem_shared>>
      %dma_start3A_1055 = arith.constant 0 : i32
      %dma_start3A_1056 = tpu.memref_slice %arg12[%add3A_974, %dma_start3A_1055] : memref<10240x128xf32, #tpu.memory_space<vmem_shared>> -> memref<16x128xf32, #tpu.memory_space<vmem_shared>>
      tpu.enqueue_dma source(%arg11 : memref<16x128xf32, #tpu.memory_space<vmem>>) target(%dma_start3A_1056 : memref<16x128xf32, #tpu.memory_space<vmem_shared>>) target_semaphore(%run_scoped3A : memref<!tpu.dma_semaphore, #tpu.memory_space<semaphore_mem>>)
      %dma_wait3A = arith.constant 0 : i32
      %dma_wait3A_1057 = tpu.memref_slice %arg12[%add3A_974, %dma_wait3A] : memref<10240x128xf32, #tpu.memory_space<vmem_shared>> -> memref<16x128xf32, #tpu.memory_space<vmem_shared>>
      %dma_wait3A_1058 = arith.constant 0 : i32
      %dma_wait3A_1059 = tpu.memref_slice %arg12[%add3A_974, %dma_wait3A_1058] : memref<10240x128xf32, #tpu.memory_space<vmem_shared>> -> memref<16x128xf32, #tpu.memory_space<vmem_shared>>
      tpu.wait_dma2 semaphore(%run_scoped3A : memref<!tpu.dma_semaphore, #tpu.memory_space<semaphore_mem>>) src(%arg11 : memref<16x128xf32, #tpu.memory_space<vmem>>) dst(%dma_wait3A_1059 : memref<16x128xf32, #tpu.memory_space<vmem_shared>>)
      tpu.yield
    }) : () -> ()
    %add3A_975 = arith.constant 80 : i32
    %add3A_976 = arith.addi %mul3A_964, %add3A_975 : i32
    "tpu.region"() ({
      %run_scoped3A = tpu.sem_alloc : memref<!tpu.dma_semaphore, #tpu.memory_space<semaphore_mem>>
      %dma_start3A = arith.constant 0 : i32
      %dma_start3A_1054 = tpu.memref_slice %arg12[%add3A_976, %dma_start3A] : memref<10240x128xf32, #tpu.memory_space<vmem_shared>> -> memref<16x128xf32, #tpu.memory_space<vmem_shared>>
      %dma_start3A_1055 = arith.constant 0 : i32
      %dma_start3A_1056 = tpu.memref_slice %arg12[%add3A_976, %dma_start3A_1055] : memref<10240x128xf32, #tpu.memory_space<vmem_shared>> -> memref<16x128xf32, #tpu.memory_space<vmem_shared>>
      tpu.enqueue_dma source(%arg11 : memref<16x128xf32, #tpu.memory_space<vmem>>) target(%dma_start3A_1056 : memref<16x128xf32, #tpu.memory_space<vmem_shared>>) target_semaphore(%run_scoped3A : memref<!tpu.dma_semaphore, #tpu.memory_space<semaphore_mem>>)
      %dma_wait3A = arith.constant 0 : i32
      %dma_wait3A_1057 = tpu.memref_slice %arg12[%add3A_976, %dma_wait3A] : memref<10240x128xf32, #tpu.memory_space<vmem_shared>> -> memref<16x128xf32, #tpu.memory_space<vmem_shared>>
      %dma_wait3A_1058 = arith.constant 0 : i32
      %dma_wait3A_1059 = tpu.memref_slice %arg12[%add3A_976, %dma_wait3A_1058] : memref<10240x128xf32, #tpu.memory_space<vmem_shared>> -> memref<16x128xf32, #tpu.memory_space<vmem_shared>>
      tpu.wait_dma2 semaphore(%run_scoped3A : memref<!tpu.dma_semaphore, #tpu.memory_space<semaphore_mem>>) src(%arg11 : memref<16x128xf32, #tpu.memory_space<vmem>>) dst(%dma_wait3A_1059 : memref<16x128xf32, #tpu.memory_space<vmem_shared>>)
      tpu.yield
    }) : () -> ()
    %add3A_977 = arith.constant 96 : i32
    %add3A_978 = arith.addi %mul3A_964, %add3A_977 : i32
    "tpu.region"() ({
      %run_scoped3A = tpu.sem_alloc : memref<!tpu.dma_semaphore, #tpu.memory_space<semaphore_mem>>
      %dma_start3A = arith.constant 0 : i32
      %dma_start3A_1054 = tpu.memref_slice %arg12[%add3A_978, %dma_start3A] : memref<10240x128xf32, #tpu.memory_space<vmem_shared>> -> memref<16x128xf32, #tpu.memory_space<vmem_shared>>
      %dma_start3A_1055 = arith.constant 0 : i32
      %dma_start3A_1056 = tpu.memref_slice %arg12[%add3A_978, %dma_start3A_1055] : memref<10240x128xf32, #tpu.memory_space<vmem_shared>> -> memref<16x128xf32, #tpu.memory_space<vmem_shared>>
      tpu.enqueue_dma source(%arg11 : memref<16x128xf32, #tpu.memory_space<vmem>>) target(%dma_start3A_1056 : memref<16x128xf32, #tpu.memory_space<vmem_shared>>) target_semaphore(%run_scoped3A : memref<!tpu.dma_semaphore, #tpu.memory_space<semaphore_mem>>)
      %dma_wait3A = arith.constant 0 : i32
      %dma_wait3A_1057 = tpu.memref_slice %arg12[%add3A_978, %dma_wait3A] : memref<10240x128xf32, #tpu.memory_space<vmem_shared>> -> memref<16x128xf32, #tpu.memory_space<vmem_shared>>
      %dma_wait3A_1058 = arith.constant 0 : i32
      %dma_wait3A_1059 = tpu.memref_slice %arg12[%add3A_978, %dma_wait3A_1058] : memref<10240x128xf32, #tpu.memory_space<vmem_shared>> -> memref<16x128xf32, #tpu.memory_space<vmem_shared>>
      tpu.wait_dma2 semaphore(%run_scoped3A : memref<!tpu.dma_semaphore, #tpu.memory_space<semaphore_mem>>) src(%arg11 : memref<16x128xf32, #tpu.memory_space<vmem>>) dst(%dma_wait3A_1059 : memref<16x128xf32, #tpu.memory_space<vmem_shared>>)
      tpu.yield
    }) : () -> ()
    %add3A_979 = arith.constant 112 : i32
    %add3A_980 = arith.addi %mul3A_964, %add3A_979 : i32
    "tpu.region"() ({
      %run_scoped3A = tpu.sem_alloc : memref<!tpu.dma_semaphore, #tpu.memory_space<semaphore_mem>>
      %dma_start3A = arith.constant 0 : i32
      %dma_start3A_1054 = tpu.memref_slice %arg12[%add3A_980, %dma_start3A] : memref<10240x128xf32, #tpu.memory_space<vmem_shared>> -> memref<16x128xf32, #tpu.memory_space<vmem_shared>>
      %dma_start3A_1055 = arith.constant 0 : i32
      %dma_start3A_1056 = tpu.memref_slice %arg12[%add3A_980, %dma_start3A_1055] : memref<10240x128xf32, #tpu.memory_space<vmem_shared>> -> memref<16x128xf32, #tpu.memory_space<vmem_shared>>
      tpu.enqueue_dma source(%arg11 : memref<16x128xf32, #tpu.memory_space<vmem>>) target(%dma_start3A_1056 : memref<16x128xf32, #tpu.memory_space<vmem_shared>>) target_semaphore(%run_scoped3A : memref<!tpu.dma_semaphore, #tpu.memory_space<semaphore_mem>>)
      %dma_wait3A = arith.constant 0 : i32
      %dma_wait3A_1057 = tpu.memref_slice %arg12[%add3A_980, %dma_wait3A] : memref<10240x128xf32, #tpu.memory_space<vmem_shared>> -> memref<16x128xf32, #tpu.memory_space<vmem_shared>>
      %dma_wait3A_1058 = arith.constant 0 : i32
      %dma_wait3A_1059 = tpu.memref_slice %arg12[%add3A_980, %dma_wait3A_1058] : memref<10240x128xf32, #tpu.memory_space<vmem_shared>> -> memref<16x128xf32, #tpu.memory_space<vmem_shared>>
      tpu.wait_dma2 semaphore(%run_scoped3A : memref<!tpu.dma_semaphore, #tpu.memory_space<semaphore_mem>>) src(%arg11 : memref<16x128xf32, #tpu.memory_space<vmem>>) dst(%dma_wait3A_1059 : memref<16x128xf32, #tpu.memory_space<vmem_shared>>)
      tpu.yield
    }) : () -> ()
    %add3A_981 = arith.constant 128 : i32
    %add3A_982 = arith.addi %mul3A_964, %add3A_981 : i32
    "tpu.region"() ({
      %run_scoped3A = tpu.sem_alloc : memref<!tpu.dma_semaphore, #tpu.memory_space<semaphore_mem>>
      %dma_start3A = arith.constant 0 : i32
      %dma_start3A_1054 = tpu.memref_slice %arg12[%add3A_982, %dma_start3A] : memref<10240x128xf32, #tpu.memory_space<vmem_shared>> -> memref<16x128xf32, #tpu.memory_space<vmem_shared>>
      %dma_start3A_1055 = arith.constant 0 : i32
      %dma_start3A_1056 = tpu.memref_slice %arg12[%add3A_982, %dma_start3A_1055] : memref<10240x128xf32, #tpu.memory_space<vmem_shared>> -> memref<16x128xf32, #tpu.memory_space<vmem_shared>>
      tpu.enqueue_dma source(%arg11 : memref<16x128xf32, #tpu.memory_space<vmem>>) target(%dma_start3A_1056 : memref<16x128xf32, #tpu.memory_space<vmem_shared>>) target_semaphore(%run_scoped3A : memref<!tpu.dma_semaphore, #tpu.memory_space<semaphore_mem>>)
      %dma_wait3A = arith.constant 0 : i32
      %dma_wait3A_1057 = tpu.memref_slice %arg12[%add3A_982, %dma_wait3A] : memref<10240x128xf32, #tpu.memory_space<vmem_shared>> -> memref<16x128xf32, #tpu.memory_space<vmem_shared>>
      %dma_wait3A_1058 = arith.constant 0 : i32
      %dma_wait3A_1059 = tpu.memref_slice %arg12[%add3A_982, %dma_wait3A_1058] : memref<10240x128xf32, #tpu.memory_space<vmem_shared>> -> memref<16x128xf32, #tpu.memory_space<vmem_shared>>
      tpu.wait_dma2 semaphore(%run_scoped3A : memref<!tpu.dma_semaphore, #tpu.memory_space<semaphore_mem>>) src(%arg11 : memref<16x128xf32, #tpu.memory_space<vmem>>) dst(%dma_wait3A_1059 : memref<16x128xf32, #tpu.memory_space<vmem_shared>>)
      tpu.yield
    }) : () -> ()
    %add3A_983 = arith.constant 144 : i32
    %add3A_984 = arith.addi %mul3A_964, %add3A_983 : i32
    "tpu.region"() ({
      %run_scoped3A = tpu.sem_alloc : memref<!tpu.dma_semaphore, #tpu.memory_space<semaphore_mem>>
      %dma_start3A = arith.constant 0 : i32
      %dma_start3A_1054 = tpu.memref_slice %arg12[%add3A_984, %dma_start3A] : memref<10240x128xf32, #tpu.memory_space<vmem_shared>> -> memref<16x128xf32, #tpu.memory_space<vmem_shared>>
      %dma_start3A_1055 = arith.constant 0 : i32
      %dma_start3A_1056 = tpu.memref_slice %arg12[%add3A_984, %dma_start3A_1055] : memref<10240x128xf32, #tpu.memory_space<vmem_shared>> -> memref<16x128xf32, #tpu.memory_space<vmem_shared>>
      tpu.enqueue_dma source(%arg11 : memref<16x128xf32, #tpu.memory_space<vmem>>) target(%dma_start3A_1056 : memref<16x128xf32, #tpu.memory_space<vmem_shared>>) target_semaphore(%run_scoped3A : memref<!tpu.dma_semaphore, #tpu.memory_space<semaphore_mem>>)
      %dma_wait3A = arith.constant 0 : i32
      %dma_wait3A_1057 = tpu.memref_slice %arg12[%add3A_984, %dma_wait3A] : memref<10240x128xf32, #tpu.memory_space<vmem_shared>> -> memref<16x128xf32, #tpu.memory_space<vmem_shared>>
      %dma_wait3A_1058 = arith.constant 0 : i32
      %dma_wait3A_1059 = tpu.memref_slice %arg12[%add3A_984, %dma_wait3A_1058] : memref<10240x128xf32, #tpu.memory_space<vmem_shared>> -> memref<16x128xf32, #tpu.memory_space<vmem_shared>>
      tpu.wait_dma2 semaphore(%run_scoped3A : memref<!tpu.dma_semaphore, #tpu.memory_space<semaphore_mem>>) src(%arg11 : memref<16x128xf32, #tpu.memory_space<vmem>>) dst(%dma_wait3A_1059 : memref<16x128xf32, #tpu.memory_space<vmem_shared>>)
      tpu.yield
    }) : () -> ()
    %add3A_985 = arith.constant 160 : i32
    %add3A_986 = arith.addi %mul3A_964, %add3A_985 : i32
    "tpu.region"() ({
      %run_scoped3A = tpu.sem_alloc : memref<!tpu.dma_semaphore, #tpu.memory_space<semaphore_mem>>
      %dma_start3A = arith.constant 0 : i32
      %dma_start3A_1054 = tpu.memref_slice %arg12[%add3A_986, %dma_start3A] : memref<10240x128xf32, #tpu.memory_space<vmem_shared>> -> memref<16x128xf32, #tpu.memory_space<vmem_shared>>
      %dma_start3A_1055 = arith.constant 0 : i32
      %dma_start3A_1056 = tpu.memref_slice %arg12[%add3A_986, %dma_start3A_1055] : memref<10240x128xf32, #tpu.memory_space<vmem_shared>> -> memref<16x128xf32, #tpu.memory_space<vmem_shared>>
      tpu.enqueue_dma source(%arg11 : memref<16x128xf32, #tpu.memory_space<vmem>>) target(%dma_start3A_1056 : memref<16x128xf32, #tpu.memory_space<vmem_shared>>) target_semaphore(%run_scoped3A : memref<!tpu.dma_semaphore, #tpu.memory_space<semaphore_mem>>)
      %dma_wait3A = arith.constant 0 : i32
      %dma_wait3A_1057 = tpu.memref_slice %arg12[%add3A_986, %dma_wait3A] : memref<10240x128xf32, #tpu.memory_space<vmem_shared>> -> memref<16x128xf32, #tpu.memory_space<vmem_shared>>
      %dma_wait3A_1058 = arith.constant 0 : i32
      %dma_wait3A_1059 = tpu.memref_slice %arg12[%add3A_986, %dma_wait3A_1058] : memref<10240x128xf32, #tpu.memory_space<vmem_shared>> -> memref<16x128xf32, #tpu.memory_space<vmem_shared>>
      tpu.wait_dma2 semaphore(%run_scoped3A : memref<!tpu.dma_semaphore, #tpu.memory_space<semaphore_mem>>) src(%arg11 : memref<16x128xf32, #tpu.memory_space<vmem>>) dst(%dma_wait3A_1059 : memref<16x128xf32, #tpu.memory_space<vmem_shared>>)
      tpu.yield
    }) : () -> ()
    %add3A_987 = arith.constant 176 : i32
    %add3A_988 = arith.addi %mul3A_964, %add3A_987 : i32
    "tpu.region"() ({
      %run_scoped3A = tpu.sem_alloc : memref<!tpu.dma_semaphore, #tpu.memory_space<semaphore_mem>>
      %dma_start3A = arith.constant 0 : i32
      %dma_start3A_1054 = tpu.memref_slice %arg12[%add3A_988, %dma_start3A] : memref<10240x128xf32, #tpu.memory_space<vmem_shared>> -> memref<16x128xf32, #tpu.memory_space<vmem_shared>>
      %dma_start3A_1055 = arith.constant 0 : i32
      %dma_start3A_1056 = tpu.memref_slice %arg12[%add3A_988, %dma_start3A_1055] : memref<10240x128xf32, #tpu.memory_space<vmem_shared>> -> memref<16x128xf32, #tpu.memory_space<vmem_shared>>
      tpu.enqueue_dma source(%arg11 : memref<16x128xf32, #tpu.memory_space<vmem>>) target(%dma_start3A_1056 : memref<16x128xf32, #tpu.memory_space<vmem_shared>>) target_semaphore(%run_scoped3A : memref<!tpu.dma_semaphore, #tpu.memory_space<semaphore_mem>>)
      %dma_wait3A = arith.constant 0 : i32
      %dma_wait3A_1057 = tpu.memref_slice %arg12[%add3A_988, %dma_wait3A] : memref<10240x128xf32, #tpu.memory_space<vmem_shared>> -> memref<16x128xf32, #tpu.memory_space<vmem_shared>>
      %dma_wait3A_1058 = arith.constant 0 : i32
      %dma_wait3A_1059 = tpu.memref_slice %arg12[%add3A_988, %dma_wait3A_1058] : memref<10240x128xf32, #tpu.memory_space<vmem_shared>> -> memref<16x128xf32, #tpu.memory_space<vmem_shared>>
      tpu.wait_dma2 semaphore(%run_scoped3A : memref<!tpu.dma_semaphore, #tpu.memory_space<semaphore_mem>>) src(%arg11 : memref<16x128xf32, #tpu.memory_space<vmem>>) dst(%dma_wait3A_1059 : memref<16x128xf32, #tpu.memory_space<vmem_shared>>)
      tpu.yield
    }) : () -> ()
    %add3A_989 = arith.constant 192 : i32
    %add3A_990 = arith.addi %mul3A_964, %add3A_989 : i32
    "tpu.region"() ({
      %run_scoped3A = tpu.sem_alloc : memref<!tpu.dma_semaphore, #tpu.memory_space<semaphore_mem>>
      %dma_start3A = arith.constant 0 : i32
      %dma_start3A_1054 = tpu.memref_slice %arg12[%add3A_990, %dma_start3A] : memref<10240x128xf32, #tpu.memory_space<vmem_shared>> -> memref<16x128xf32, #tpu.memory_space<vmem_shared>>
      %dma_start3A_1055 = arith.constant 0 : i32
      %dma_start3A_1056 = tpu.memref_slice %arg12[%add3A_990, %dma_start3A_1055] : memref<10240x128xf32, #tpu.memory_space<vmem_shared>> -> memref<16x128xf32, #tpu.memory_space<vmem_shared>>
      tpu.enqueue_dma source(%arg11 : memref<16x128xf32, #tpu.memory_space<vmem>>) target(%dma_start3A_1056 : memref<16x128xf32, #tpu.memory_space<vmem_shared>>) target_semaphore(%run_scoped3A : memref<!tpu.dma_semaphore, #tpu.memory_space<semaphore_mem>>)
      %dma_wait3A = arith.constant 0 : i32
      %dma_wait3A_1057 = tpu.memref_slice %arg12[%add3A_990, %dma_wait3A] : memref<10240x128xf32, #tpu.memory_space<vmem_shared>> -> memref<16x128xf32, #tpu.memory_space<vmem_shared>>
      %dma_wait3A_1058 = arith.constant 0 : i32
      %dma_wait3A_1059 = tpu.memref_slice %arg12[%add3A_990, %dma_wait3A_1058] : memref<10240x128xf32, #tpu.memory_space<vmem_shared>> -> memref<16x128xf32, #tpu.memory_space<vmem_shared>>
      tpu.wait_dma2 semaphore(%run_scoped3A : memref<!tpu.dma_semaphore, #tpu.memory_space<semaphore_mem>>) src(%arg11 : memref<16x128xf32, #tpu.memory_space<vmem>>) dst(%dma_wait3A_1059 : memref<16x128xf32, #tpu.memory_space<vmem_shared>>)
      tpu.yield
    }) : () -> ()
    %add3A_991 = arith.constant 208 : i32
    %add3A_992 = arith.addi %mul3A_964, %add3A_991 : i32
    "tpu.region"() ({
      %run_scoped3A = tpu.sem_alloc : memref<!tpu.dma_semaphore, #tpu.memory_space<semaphore_mem>>
      %dma_start3A = arith.constant 0 : i32
      %dma_start3A_1054 = tpu.memref_slice %arg12[%add3A_992, %dma_start3A] : memref<10240x128xf32, #tpu.memory_space<vmem_shared>> -> memref<16x128xf32, #tpu.memory_space<vmem_shared>>
      %dma_start3A_1055 = arith.constant 0 : i32
      %dma_start3A_1056 = tpu.memref_slice %arg12[%add3A_992, %dma_start3A_1055] : memref<10240x128xf32, #tpu.memory_space<vmem_shared>> -> memref<16x128xf32, #tpu.memory_space<vmem_shared>>
      tpu.enqueue_dma source(%arg11 : memref<16x128xf32, #tpu.memory_space<vmem>>) target(%dma_start3A_1056 : memref<16x128xf32, #tpu.memory_space<vmem_shared>>) target_semaphore(%run_scoped3A : memref<!tpu.dma_semaphore, #tpu.memory_space<semaphore_mem>>)
      %dma_wait3A = arith.constant 0 : i32
      %dma_wait3A_1057 = tpu.memref_slice %arg12[%add3A_992, %dma_wait3A] : memref<10240x128xf32, #tpu.memory_space<vmem_shared>> -> memref<16x128xf32, #tpu.memory_space<vmem_shared>>
      %dma_wait3A_1058 = arith.constant 0 : i32
      %dma_wait3A_1059 = tpu.memref_slice %arg12[%add3A_992, %dma_wait3A_1058] : memref<10240x128xf32, #tpu.memory_space<vmem_shared>> -> memref<16x128xf32, #tpu.memory_space<vmem_shared>>
      tpu.wait_dma2 semaphore(%run_scoped3A : memref<!tpu.dma_semaphore, #tpu.memory_space<semaphore_mem>>) src(%arg11 : memref<16x128xf32, #tpu.memory_space<vmem>>) dst(%dma_wait3A_1059 : memref<16x128xf32, #tpu.memory_space<vmem_shared>>)
      tpu.yield
    }) : () -> ()
    %add3A_993 = arith.constant 224 : i32
    %add3A_994 = arith.addi %mul3A_964, %add3A_993 : i32
    "tpu.region"() ({
      %run_scoped3A = tpu.sem_alloc : memref<!tpu.dma_semaphore, #tpu.memory_space<semaphore_mem>>
      %dma_start3A = arith.constant 0 : i32
      %dma_start3A_1054 = tpu.memref_slice %arg12[%add3A_994, %dma_start3A] : memref<10240x128xf32, #tpu.memory_space<vmem_shared>> -> memref<16x128xf32, #tpu.memory_space<vmem_shared>>
      %dma_start3A_1055 = arith.constant 0 : i32
      %dma_start3A_1056 = tpu.memref_slice %arg12[%add3A_994, %dma_start3A_1055] : memref<10240x128xf32, #tpu.memory_space<vmem_shared>> -> memref<16x128xf32, #tpu.memory_space<vmem_shared>>
      tpu.enqueue_dma source(%arg11 : memref<16x128xf32, #tpu.memory_space<vmem>>) target(%dma_start3A_1056 : memref<16x128xf32, #tpu.memory_space<vmem_shared>>) target_semaphore(%run_scoped3A : memref<!tpu.dma_semaphore, #tpu.memory_space<semaphore_mem>>)
      %dma_wait3A = arith.constant 0 : i32
      %dma_wait3A_1057 = tpu.memref_slice %arg12[%add3A_994, %dma_wait3A] : memref<10240x128xf32, #tpu.memory_space<vmem_shared>> -> memref<16x128xf32, #tpu.memory_space<vmem_shared>>
      %dma_wait3A_1058 = arith.constant 0 : i32
      %dma_wait3A_1059 = tpu.memref_slice %arg12[%add3A_994, %dma_wait3A_1058] : memref<10240x128xf32, #tpu.memory_space<vmem_shared>> -> memref<16x128xf32, #tpu.memory_space<vmem_shared>>
      tpu.wait_dma2 semaphore(%run_scoped3A : memref<!tpu.dma_semaphore, #tpu.memory_space<semaphore_mem>>) src(%arg11 : memref<16x128xf32, #tpu.memory_space<vmem>>) dst(%dma_wait3A_1059 : memref<16x128xf32, #tpu.memory_space<vmem_shared>>)
      tpu.yield
    }) : () -> ()
    %add3A_995 = arith.constant 240 : i32
    %add3A_996 = arith.addi %mul3A_964, %add3A_995 : i32
    "tpu.region"() ({
      %run_scoped3A = tpu.sem_alloc : memref<!tpu.dma_semaphore, #tpu.memory_space<semaphore_mem>>
      %dma_start3A = arith.constant 0 : i32
      %dma_start3A_1054 = tpu.memref_slice %arg12[%add3A_996, %dma_start3A] : memref<10240x128xf32, #tpu.memory_space<vmem_shared>> -> memref<16x128xf32, #tpu.memory_space<vmem_shared>>
      %dma_start3A_1055 = arith.constant 0 : i32
      %dma_start3A_1056 = tpu.memref_slice %arg12[%add3A_996, %dma_start3A_1055] : memref<10240x128xf32, #tpu.memory_space<vmem_shared>> -> memref<16x128xf32, #tpu.memory_space<vmem_shared>>
      tpu.enqueue_dma source(%arg11 : memref<16x128xf32, #tpu.memory_space<vmem>>) target(%dma_start3A_1056 : memref<16x128xf32, #tpu.memory_space<vmem_shared>>) target_semaphore(%run_scoped3A : memref<!tpu.dma_semaphore, #tpu.memory_space<semaphore_mem>>)
      %dma_wait3A = arith.constant 0 : i32
      %dma_wait3A_1057 = tpu.memref_slice %arg12[%add3A_996, %dma_wait3A] : memref<10240x128xf32, #tpu.memory_space<vmem_shared>> -> memref<16x128xf32, #tpu.memory_space<vmem_shared>>
      %dma_wait3A_1058 = arith.constant 0 : i32
      %dma_wait3A_1059 = tpu.memref_slice %arg12[%add3A_996, %dma_wait3A_1058] : memref<10240x128xf32, #tpu.memory_space<vmem_shared>> -> memref<16x128xf32, #tpu.memory_space<vmem_shared>>
      tpu.wait_dma2 semaphore(%run_scoped3A : memref<!tpu.dma_semaphore, #tpu.memory_space<semaphore_mem>>) src(%arg11 : memref<16x128xf32, #tpu.memory_space<vmem>>) dst(%dma_wait3A_1059 : memref<16x128xf32, #tpu.memory_space<vmem_shared>>)
      tpu.yield
    }) : () -> ()
    %add3A_997 = arith.constant 256 : i32
    %add3A_998 = arith.addi %mul3A_964, %add3A_997 : i32
    "tpu.region"() ({
      %run_scoped3A = tpu.sem_alloc : memref<!tpu.dma_semaphore, #tpu.memory_space<semaphore_mem>>
      %dma_start3A = arith.constant 0 : i32
      %dma_start3A_1054 = tpu.memref_slice %arg12[%add3A_998, %dma_start3A] : memref<10240x128xf32, #tpu.memory_space<vmem_shared>> -> memref<16x128xf32, #tpu.memory_space<vmem_shared>>
      %dma_start3A_1055 = arith.constant 0 : i32
      %dma_start3A_1056 = tpu.memref_slice %arg12[%add3A_998, %dma_start3A_1055] : memref<10240x128xf32, #tpu.memory_space<vmem_shared>> -> memref<16x128xf32, #tpu.memory_space<vmem_shared>>
      tpu.enqueue_dma source(%arg11 : memref<16x128xf32, #tpu.memory_space<vmem>>) target(%dma_start3A_1056 : memref<16x128xf32, #tpu.memory_space<vmem_shared>>) target_semaphore(%run_scoped3A : memref<!tpu.dma_semaphore, #tpu.memory_space<semaphore_mem>>)
      %dma_wait3A = arith.constant 0 : i32
      %dma_wait3A_1057 = tpu.memref_slice %arg12[%add3A_998, %dma_wait3A] : memref<10240x128xf32, #tpu.memory_space<vmem_shared>> -> memref<16x128xf32, #tpu.memory_space<vmem_shared>>
      %dma_wait3A_1058 = arith.constant 0 : i32
      %dma_wait3A_1059 = tpu.memref_slice %arg12[%add3A_998, %dma_wait3A_1058] : memref<10240x128xf32, #tpu.memory_space<vmem_shared>> -> memref<16x128xf32, #tpu.memory_space<vmem_shared>>
      tpu.wait_dma2 semaphore(%run_scoped3A : memref<!tpu.dma_semaphore, #tpu.memory_space<semaphore_mem>>) src(%arg11 : memref<16x128xf32, #tpu.memory_space<vmem>>) dst(%dma_wait3A_1059 : memref<16x128xf32, #tpu.memory_space<vmem_shared>>)
      tpu.yield
    }) : () -> ()
    %add3A_999 = arith.constant 272 : i32
    %add3A_1000 = arith.addi %mul3A_964, %add3A_999 : i32
    "tpu.region"() ({
      %run_scoped3A = tpu.sem_alloc : memref<!tpu.dma_semaphore, #tpu.memory_space<semaphore_mem>>
      %dma_start3A = arith.constant 0 : i32
      %dma_start3A_1054 = tpu.memref_slice %arg12[%add3A_1000, %dma_start3A] : memref<10240x128xf32, #tpu.memory_space<vmem_shared>> -> memref<16x128xf32, #tpu.memory_space<vmem_shared>>
      %dma_start3A_1055 = arith.constant 0 : i32
      %dma_start3A_1056 = tpu.memref_slice %arg12[%add3A_1000, %dma_start3A_1055] : memref<10240x128xf32, #tpu.memory_space<vmem_shared>> -> memref<16x128xf32, #tpu.memory_space<vmem_shared>>
      tpu.enqueue_dma source(%arg11 : memref<16x128xf32, #tpu.memory_space<vmem>>) target(%dma_start3A_1056 : memref<16x128xf32, #tpu.memory_space<vmem_shared>>) target_semaphore(%run_scoped3A : memref<!tpu.dma_semaphore, #tpu.memory_space<semaphore_mem>>)
      %dma_wait3A = arith.constant 0 : i32
      %dma_wait3A_1057 = tpu.memref_slice %arg12[%add3A_1000, %dma_wait3A] : memref<10240x128xf32, #tpu.memory_space<vmem_shared>> -> memref<16x128xf32, #tpu.memory_space<vmem_shared>>
      %dma_wait3A_1058 = arith.constant 0 : i32
      %dma_wait3A_1059 = tpu.memref_slice %arg12[%add3A_1000, %dma_wait3A_1058] : memref<10240x128xf32, #tpu.memory_space<vmem_shared>> -> memref<16x128xf32, #tpu.memory_space<vmem_shared>>
      tpu.wait_dma2 semaphore(%run_scoped3A : memref<!tpu.dma_semaphore, #tpu.memory_space<semaphore_mem>>) src(%arg11 : memref<16x128xf32, #tpu.memory_space<vmem>>) dst(%dma_wait3A_1059 : memref<16x128xf32, #tpu.memory_space<vmem_shared>>)
      tpu.yield
    }) : () -> ()
    %add3A_1001 = arith.constant 288 : i32
    %add3A_1002 = arith.addi %mul3A_964, %add3A_1001 : i32
    "tpu.region"() ({
      %run_scoped3A = tpu.sem_alloc : memref<!tpu.dma_semaphore, #tpu.memory_space<semaphore_mem>>
      %dma_start3A = arith.constant 0 : i32
      %dma_start3A_1054 = tpu.memref_slice %arg12[%add3A_1002, %dma_start3A] : memref<10240x128xf32, #tpu.memory_space<vmem_shared>> -> memref<16x128xf32, #tpu.memory_space<vmem_shared>>
      %dma_start3A_1055 = arith.constant 0 : i32
      %dma_start3A_1056 = tpu.memref_slice %arg12[%add3A_1002, %dma_start3A_1055] : memref<10240x128xf32, #tpu.memory_space<vmem_shared>> -> memref<16x128xf32, #tpu.memory_space<vmem_shared>>
      tpu.enqueue_dma source(%arg11 : memref<16x128xf32, #tpu.memory_space<vmem>>) target(%dma_start3A_1056 : memref<16x128xf32, #tpu.memory_space<vmem_shared>>) target_semaphore(%run_scoped3A : memref<!tpu.dma_semaphore, #tpu.memory_space<semaphore_mem>>)
      %dma_wait3A = arith.constant 0 : i32
      %dma_wait3A_1057 = tpu.memref_slice %arg12[%add3A_1002, %dma_wait3A] : memref<10240x128xf32, #tpu.memory_space<vmem_shared>> -> memref<16x128xf32, #tpu.memory_space<vmem_shared>>
      %dma_wait3A_1058 = arith.constant 0 : i32
      %dma_wait3A_1059 = tpu.memref_slice %arg12[%add3A_1002, %dma_wait3A_1058] : memref<10240x128xf32, #tpu.memory_space<vmem_shared>> -> memref<16x128xf32, #tpu.memory_space<vmem_shared>>
      tpu.wait_dma2 semaphore(%run_scoped3A : memref<!tpu.dma_semaphore, #tpu.memory_space<semaphore_mem>>) src(%arg11 : memref<16x128xf32, #tpu.memory_space<vmem>>) dst(%dma_wait3A_1059 : memref<16x128xf32, #tpu.memory_space<vmem_shared>>)
      tpu.yield
    }) : () -> ()
    %add3A_1003 = arith.constant 304 : i32
    %add3A_1004 = arith.addi %mul3A_964, %add3A_1003 : i32
    "tpu.region"() ({
      %run_scoped3A = tpu.sem_alloc : memref<!tpu.dma_semaphore, #tpu.memory_space<semaphore_mem>>
      %dma_start3A = arith.constant 0 : i32
      %dma_start3A_1054 = tpu.memref_slice %arg12[%add3A_1004, %dma_start3A] : memref<10240x128xf32, #tpu.memory_space<vmem_shared>> -> memref<16x128xf32, #tpu.memory_space<vmem_shared>>
      %dma_start3A_1055 = arith.constant 0 : i32
      %dma_start3A_1056 = tpu.memref_slice %arg12[%add3A_1004, %dma_start3A_1055] : memref<10240x128xf32, #tpu.memory_space<vmem_shared>> -> memref<16x128xf32, #tpu.memory_space<vmem_shared>>
      tpu.enqueue_dma source(%arg11 : memref<16x128xf32, #tpu.memory_space<vmem>>) target(%dma_start3A_1056 : memref<16x128xf32, #tpu.memory_space<vmem_shared>>) target_semaphore(%run_scoped3A : memref<!tpu.dma_semaphore, #tpu.memory_space<semaphore_mem>>)
      %dma_wait3A = arith.constant 0 : i32
      %dma_wait3A_1057 = tpu.memref_slice %arg12[%add3A_1004, %dma_wait3A] : memref<10240x128xf32, #tpu.memory_space<vmem_shared>> -> memref<16x128xf32, #tpu.memory_space<vmem_shared>>
      %dma_wait3A_1058 = arith.constant 0 : i32
      %dma_wait3A_1059 = tpu.memref_slice %arg12[%add3A_1004, %dma_wait3A_1058] : memref<10240x128xf32, #tpu.memory_space<vmem_shared>> -> memref<16x128xf32, #tpu.memory_space<vmem_shared>>
      tpu.wait_dma2 semaphore(%run_scoped3A : memref<!tpu.dma_semaphore, #tpu.memory_space<semaphore_mem>>) src(%arg11 : memref<16x128xf32, #tpu.memory_space<vmem>>) dst(%dma_wait3A_1059 : memref<16x128xf32, #tpu.memory_space<vmem_shared>>)
      tpu.yield
    }) : () -> ()
    %add3A_1005 = arith.constant 320 : i32
    %add3A_1006 = arith.addi %mul3A_964, %add3A_1005 : i32
    "tpu.region"() ({
      %run_scoped3A = tpu.sem_alloc : memref<!tpu.dma_semaphore, #tpu.memory_space<semaphore_mem>>
      %dma_start3A = arith.constant 0 : i32
      %dma_start3A_1054 = tpu.memref_slice %arg12[%add3A_1006, %dma_start3A] : memref<10240x128xf32, #tpu.memory_space<vmem_shared>> -> memref<16x128xf32, #tpu.memory_space<vmem_shared>>
      %dma_start3A_1055 = arith.constant 0 : i32
      %dma_start3A_1056 = tpu.memref_slice %arg12[%add3A_1006, %dma_start3A_1055] : memref<10240x128xf32, #tpu.memory_space<vmem_shared>> -> memref<16x128xf32, #tpu.memory_space<vmem_shared>>
      tpu.enqueue_dma source(%arg11 : memref<16x128xf32, #tpu.memory_space<vmem>>) target(%dma_start3A_1056 : memref<16x128xf32, #tpu.memory_space<vmem_shared>>) target_semaphore(%run_scoped3A : memref<!tpu.dma_semaphore, #tpu.memory_space<semaphore_mem>>)
      %dma_wait3A = arith.constant 0 : i32
      %dma_wait3A_1057 = tpu.memref_slice %arg12[%add3A_1006, %dma_wait3A] : memref<10240x128xf32, #tpu.memory_space<vmem_shared>> -> memref<16x128xf32, #tpu.memory_space<vmem_shared>>
      %dma_wait3A_1058 = arith.constant 0 : i32
      %dma_wait3A_1059 = tpu.memref_slice %arg12[%add3A_1006, %dma_wait3A_1058] : memref<10240x128xf32, #tpu.memory_space<vmem_shared>> -> memref<16x128xf32, #tpu.memory_space<vmem_shared>>
      tpu.wait_dma2 semaphore(%run_scoped3A : memref<!tpu.dma_semaphore, #tpu.memory_space<semaphore_mem>>) src(%arg11 : memref<16x128xf32, #tpu.memory_space<vmem>>) dst(%dma_wait3A_1059 : memref<16x128xf32, #tpu.memory_space<vmem_shared>>)
      tpu.yield
    }) : () -> ()
    %add3A_1007 = arith.constant 336 : i32
    %add3A_1008 = arith.addi %mul3A_964, %add3A_1007 : i32
    "tpu.region"() ({
      %run_scoped3A = tpu.sem_alloc : memref<!tpu.dma_semaphore, #tpu.memory_space<semaphore_mem>>
      %dma_start3A = arith.constant 0 : i32
      %dma_start3A_1054 = tpu.memref_slice %arg12[%add3A_1008, %dma_start3A] : memref<10240x128xf32, #tpu.memory_space<vmem_shared>> -> memref<16x128xf32, #tpu.memory_space<vmem_shared>>
      %dma_start3A_1055 = arith.constant 0 : i32
      %dma_start3A_1056 = tpu.memref_slice %arg12[%add3A_1008, %dma_start3A_1055] : memref<10240x128xf32, #tpu.memory_space<vmem_shared>> -> memref<16x128xf32, #tpu.memory_space<vmem_shared>>
      tpu.enqueue_dma source(%arg11 : memref<16x128xf32, #tpu.memory_space<vmem>>) target(%dma_start3A_1056 : memref<16x128xf32, #tpu.memory_space<vmem_shared>>) target_semaphore(%run_scoped3A : memref<!tpu.dma_semaphore, #tpu.memory_space<semaphore_mem>>)
      %dma_wait3A = arith.constant 0 : i32
      %dma_wait3A_1057 = tpu.memref_slice %arg12[%add3A_1008, %dma_wait3A] : memref<10240x128xf32, #tpu.memory_space<vmem_shared>> -> memref<16x128xf32, #tpu.memory_space<vmem_shared>>
      %dma_wait3A_1058 = arith.constant 0 : i32
      %dma_wait3A_1059 = tpu.memref_slice %arg12[%add3A_1008, %dma_wait3A_1058] : memref<10240x128xf32, #tpu.memory_space<vmem_shared>> -> memref<16x128xf32, #tpu.memory_space<vmem_shared>>
      tpu.wait_dma2 semaphore(%run_scoped3A : memref<!tpu.dma_semaphore, #tpu.memory_space<semaphore_mem>>) src(%arg11 : memref<16x128xf32, #tpu.memory_space<vmem>>) dst(%dma_wait3A_1059 : memref<16x128xf32, #tpu.memory_space<vmem_shared>>)
      tpu.yield
    }) : () -> ()
    %add3A_1009 = arith.constant 352 : i32
    %add3A_1010 = arith.addi %mul3A_964, %add3A_1009 : i32
    "tpu.region"() ({
      %run_scoped3A = tpu.sem_alloc : memref<!tpu.dma_semaphore, #tpu.memory_space<semaphore_mem>>
      %dma_start3A = arith.constant 0 : i32
      %dma_start3A_1054 = tpu.memref_slice %arg12[%add3A_1010, %dma_start3A] : memref<10240x128xf32, #tpu.memory_space<vmem_shared>> -> memref<16x128xf32, #tpu.memory_space<vmem_shared>>
      %dma_start3A_1055 = arith.constant 0 : i32
      %dma_start3A_1056 = tpu.memref_slice %arg12[%add3A_1010, %dma_start3A_1055] : memref<10240x128xf32, #tpu.memory_space<vmem_shared>> -> memref<16x128xf32, #tpu.memory_space<vmem_shared>>
      tpu.enqueue_dma source(%arg11 : memref<16x128xf32, #tpu.memory_space<vmem>>) target(%dma_start3A_1056 : memref<16x128xf32, #tpu.memory_space<vmem_shared>>) target_semaphore(%run_scoped3A : memref<!tpu.dma_semaphore, #tpu.memory_space<semaphore_mem>>)
      %dma_wait3A = arith.constant 0 : i32
      %dma_wait3A_1057 = tpu.memref_slice %arg12[%add3A_1010, %dma_wait3A] : memref<10240x128xf32, #tpu.memory_space<vmem_shared>> -> memref<16x128xf32, #tpu.memory_space<vmem_shared>>
      %dma_wait3A_1058 = arith.constant 0 : i32
      %dma_wait3A_1059 = tpu.memref_slice %arg12[%add3A_1010, %dma_wait3A_1058] : memref<10240x128xf32, #tpu.memory_space<vmem_shared>> -> memref<16x128xf32, #tpu.memory_space<vmem_shared>>
      tpu.wait_dma2 semaphore(%run_scoped3A : memref<!tpu.dma_semaphore, #tpu.memory_space<semaphore_mem>>) src(%arg11 : memref<16x128xf32, #tpu.memory_space<vmem>>) dst(%dma_wait3A_1059 : memref<16x128xf32, #tpu.memory_space<vmem_shared>>)
      tpu.yield
    }) : () -> ()
    %add3A_1011 = arith.constant 368 : i32
    %add3A_1012 = arith.addi %mul3A_964, %add3A_1011 : i32
    "tpu.region"() ({
      %run_scoped3A = tpu.sem_alloc : memref<!tpu.dma_semaphore, #tpu.memory_space<semaphore_mem>>
      %dma_start3A = arith.constant 0 : i32
      %dma_start3A_1054 = tpu.memref_slice %arg12[%add3A_1012, %dma_start3A] : memref<10240x128xf32, #tpu.memory_space<vmem_shared>> -> memref<16x128xf32, #tpu.memory_space<vmem_shared>>
      %dma_start3A_1055 = arith.constant 0 : i32
      %dma_start3A_1056 = tpu.memref_slice %arg12[%add3A_1012, %dma_start3A_1055] : memref<10240x128xf32, #tpu.memory_space<vmem_shared>> -> memref<16x128xf32, #tpu.memory_space<vmem_shared>>
      tpu.enqueue_dma source(%arg11 : memref<16x128xf32, #tpu.memory_space<vmem>>) target(%dma_start3A_1056 : memref<16x128xf32, #tpu.memory_space<vmem_shared>>) target_semaphore(%run_scoped3A : memref<!tpu.dma_semaphore, #tpu.memory_space<semaphore_mem>>)
      %dma_wait3A = arith.constant 0 : i32
      %dma_wait3A_1057 = tpu.memref_slice %arg12[%add3A_1012, %dma_wait3A] : memref<10240x128xf32, #tpu.memory_space<vmem_shared>> -> memref<16x128xf32, #tpu.memory_space<vmem_shared>>
      %dma_wait3A_1058 = arith.constant 0 : i32
      %dma_wait3A_1059 = tpu.memref_slice %arg12[%add3A_1012, %dma_wait3A_1058] : memref<10240x128xf32, #tpu.memory_space<vmem_shared>> -> memref<16x128xf32, #tpu.memory_space<vmem_shared>>
      tpu.wait_dma2 semaphore(%run_scoped3A : memref<!tpu.dma_semaphore, #tpu.memory_space<semaphore_mem>>) src(%arg11 : memref<16x128xf32, #tpu.memory_space<vmem>>) dst(%dma_wait3A_1059 : memref<16x128xf32, #tpu.memory_space<vmem_shared>>)
      tpu.yield
    }) : () -> ()
    %add3A_1013 = arith.constant 384 : i32
    %add3A_1014 = arith.addi %mul3A_964, %add3A_1013 : i32
    "tpu.region"() ({
      %run_scoped3A = tpu.sem_alloc : memref<!tpu.dma_semaphore, #tpu.memory_space<semaphore_mem>>
      %dma_start3A = arith.constant 0 : i32
      %dma_start3A_1054 = tpu.memref_slice %arg12[%add3A_1014, %dma_start3A] : memref<10240x128xf32, #tpu.memory_space<vmem_shared>> -> memref<16x128xf32, #tpu.memory_space<vmem_shared>>
      %dma_start3A_1055 = arith.constant 0 : i32
      %dma_start3A_1056 = tpu.memref_slice %arg12[%add3A_1014, %dma_start3A_1055] : memref<10240x128xf32, #tpu.memory_space<vmem_shared>> -> memref<16x128xf32, #tpu.memory_space<vmem_shared>>
      tpu.enqueue_dma source(%arg11 : memref<16x128xf32, #tpu.memory_space<vmem>>) target(%dma_start3A_1056 : memref<16x128xf32, #tpu.memory_space<vmem_shared>>) target_semaphore(%run_scoped3A : memref<!tpu.dma_semaphore, #tpu.memory_space<semaphore_mem>>)
      %dma_wait3A = arith.constant 0 : i32
      %dma_wait3A_1057 = tpu.memref_slice %arg12[%add3A_1014, %dma_wait3A] : memref<10240x128xf32, #tpu.memory_space<vmem_shared>> -> memref<16x128xf32, #tpu.memory_space<vmem_shared>>
      %dma_wait3A_1058 = arith.constant 0 : i32
      %dma_wait3A_1059 = tpu.memref_slice %arg12[%add3A_1014, %dma_wait3A_1058] : memref<10240x128xf32, #tpu.memory_space<vmem_shared>> -> memref<16x128xf32, #tpu.memory_space<vmem_shared>>
      tpu.wait_dma2 semaphore(%run_scoped3A : memref<!tpu.dma_semaphore, #tpu.memory_space<semaphore_mem>>) src(%arg11 : memref<16x128xf32, #tpu.memory_space<vmem>>) dst(%dma_wait3A_1059 : memref<16x128xf32, #tpu.memory_space<vmem_shared>>)
      tpu.yield
    }) : () -> ()
    %add3A_1015 = arith.constant 400 : i32
    %add3A_1016 = arith.addi %mul3A_964, %add3A_1015 : i32
    "tpu.region"() ({
      %run_scoped3A = tpu.sem_alloc : memref<!tpu.dma_semaphore, #tpu.memory_space<semaphore_mem>>
      %dma_start3A = arith.constant 0 : i32
      %dma_start3A_1054 = tpu.memref_slice %arg12[%add3A_1016, %dma_start3A] : memref<10240x128xf32, #tpu.memory_space<vmem_shared>> -> memref<16x128xf32, #tpu.memory_space<vmem_shared>>
      %dma_start3A_1055 = arith.constant 0 : i32
      %dma_start3A_1056 = tpu.memref_slice %arg12[%add3A_1016, %dma_start3A_1055] : memref<10240x128xf32, #tpu.memory_space<vmem_shared>> -> memref<16x128xf32, #tpu.memory_space<vmem_shared>>
      tpu.enqueue_dma source(%arg11 : memref<16x128xf32, #tpu.memory_space<vmem>>) target(%dma_start3A_1056 : memref<16x128xf32, #tpu.memory_space<vmem_shared>>) target_semaphore(%run_scoped3A : memref<!tpu.dma_semaphore, #tpu.memory_space<semaphore_mem>>)
      %dma_wait3A = arith.constant 0 : i32
      %dma_wait3A_1057 = tpu.memref_slice %arg12[%add3A_1016, %dma_wait3A] : memref<10240x128xf32, #tpu.memory_space<vmem_shared>> -> memref<16x128xf32, #tpu.memory_space<vmem_shared>>
      %dma_wait3A_1058 = arith.constant 0 : i32
      %dma_wait3A_1059 = tpu.memref_slice %arg12[%add3A_1016, %dma_wait3A_1058] : memref<10240x128xf32, #tpu.memory_space<vmem_shared>> -> memref<16x128xf32, #tpu.memory_space<vmem_shared>>
      tpu.wait_dma2 semaphore(%run_scoped3A : memref<!tpu.dma_semaphore, #tpu.memory_space<semaphore_mem>>) src(%arg11 : memref<16x128xf32, #tpu.memory_space<vmem>>) dst(%dma_wait3A_1059 : memref<16x128xf32, #tpu.memory_space<vmem_shared>>)
      tpu.yield
    }) : () -> ()
    %add3A_1017 = arith.constant 416 : i32
    %add3A_1018 = arith.addi %mul3A_964, %add3A_1017 : i32
    "tpu.region"() ({
      %run_scoped3A = tpu.sem_alloc : memref<!tpu.dma_semaphore, #tpu.memory_space<semaphore_mem>>
      %dma_start3A = arith.constant 0 : i32
      %dma_start3A_1054 = tpu.memref_slice %arg12[%add3A_1018, %dma_start3A] : memref<10240x128xf32, #tpu.memory_space<vmem_shared>> -> memref<16x128xf32, #tpu.memory_space<vmem_shared>>
      %dma_start3A_1055 = arith.constant 0 : i32
      %dma_start3A_1056 = tpu.memref_slice %arg12[%add3A_1018, %dma_start3A_1055] : memref<10240x128xf32, #tpu.memory_space<vmem_shared>> -> memref<16x128xf32, #tpu.memory_space<vmem_shared>>
      tpu.enqueue_dma source(%arg11 : memref<16x128xf32, #tpu.memory_space<vmem>>) target(%dma_start3A_1056 : memref<16x128xf32, #tpu.memory_space<vmem_shared>>) target_semaphore(%run_scoped3A : memref<!tpu.dma_semaphore, #tpu.memory_space<semaphore_mem>>)
      %dma_wait3A = arith.constant 0 : i32
      %dma_wait3A_1057 = tpu.memref_slice %arg12[%add3A_1018, %dma_wait3A] : memref<10240x128xf32, #tpu.memory_space<vmem_shared>> -> memref<16x128xf32, #tpu.memory_space<vmem_shared>>
      %dma_wait3A_1058 = arith.constant 0 : i32
      %dma_wait3A_1059 = tpu.memref_slice %arg12[%add3A_1018, %dma_wait3A_1058] : memref<10240x128xf32, #tpu.memory_space<vmem_shared>> -> memref<16x128xf32, #tpu.memory_space<vmem_shared>>
      tpu.wait_dma2 semaphore(%run_scoped3A : memref<!tpu.dma_semaphore, #tpu.memory_space<semaphore_mem>>) src(%arg11 : memref<16x128xf32, #tpu.memory_space<vmem>>) dst(%dma_wait3A_1059 : memref<16x128xf32, #tpu.memory_space<vmem_shared>>)
      tpu.yield
    }) : () -> ()
    %add3A_1019 = arith.constant 432 : i32
    %add3A_1020 = arith.addi %mul3A_964, %add3A_1019 : i32
    "tpu.region"() ({
      %run_scoped3A = tpu.sem_alloc : memref<!tpu.dma_semaphore, #tpu.memory_space<semaphore_mem>>
      %dma_start3A = arith.constant 0 : i32
      %dma_start3A_1054 = tpu.memref_slice %arg12[%add3A_1020, %dma_start3A] : memref<10240x128xf32, #tpu.memory_space<vmem_shared>> -> memref<16x128xf32, #tpu.memory_space<vmem_shared>>
      %dma_start3A_1055 = arith.constant 0 : i32
      %dma_start3A_1056 = tpu.memref_slice %arg12[%add3A_1020, %dma_start3A_1055] : memref<10240x128xf32, #tpu.memory_space<vmem_shared>> -> memref<16x128xf32, #tpu.memory_space<vmem_shared>>
      tpu.enqueue_dma source(%arg11 : memref<16x128xf32, #tpu.memory_space<vmem>>) target(%dma_start3A_1056 : memref<16x128xf32, #tpu.memory_space<vmem_shared>>) target_semaphore(%run_scoped3A : memref<!tpu.dma_semaphore, #tpu.memory_space<semaphore_mem>>)
      %dma_wait3A = arith.constant 0 : i32
      %dma_wait3A_1057 = tpu.memref_slice %arg12[%add3A_1020, %dma_wait3A] : memref<10240x128xf32, #tpu.memory_space<vmem_shared>> -> memref<16x128xf32, #tpu.memory_space<vmem_shared>>
      %dma_wait3A_1058 = arith.constant 0 : i32
      %dma_wait3A_1059 = tpu.memref_slice %arg12[%add3A_1020, %dma_wait3A_1058] : memref<10240x128xf32, #tpu.memory_space<vmem_shared>> -> memref<16x128xf32, #tpu.memory_space<vmem_shared>>
      tpu.wait_dma2 semaphore(%run_scoped3A : memref<!tpu.dma_semaphore, #tpu.memory_space<semaphore_mem>>) src(%arg11 : memref<16x128xf32, #tpu.memory_space<vmem>>) dst(%dma_wait3A_1059 : memref<16x128xf32, #tpu.memory_space<vmem_shared>>)
      tpu.yield
    }) : () -> ()
    %add3A_1021 = arith.constant 448 : i32
    %add3A_1022 = arith.addi %mul3A_964, %add3A_1021 : i32
    "tpu.region"() ({
      %run_scoped3A = tpu.sem_alloc : memref<!tpu.dma_semaphore, #tpu.memory_space<semaphore_mem>>
      %dma_start3A = arith.constant 0 : i32
      %dma_start3A_1054 = tpu.memref_slice %arg12[%add3A_1022, %dma_start3A] : memref<10240x128xf32, #tpu.memory_space<vmem_shared>> -> memref<16x128xf32, #tpu.memory_space<vmem_shared>>
      %dma_start3A_1055 = arith.constant 0 : i32
      %dma_start3A_1056 = tpu.memref_slice %arg12[%add3A_1022, %dma_start3A_1055] : memref<10240x128xf32, #tpu.memory_space<vmem_shared>> -> memref<16x128xf32, #tpu.memory_space<vmem_shared>>
      tpu.enqueue_dma source(%arg11 : memref<16x128xf32, #tpu.memory_space<vmem>>) target(%dma_start3A_1056 : memref<16x128xf32, #tpu.memory_space<vmem_shared>>) target_semaphore(%run_scoped3A : memref<!tpu.dma_semaphore, #tpu.memory_space<semaphore_mem>>)
      %dma_wait3A = arith.constant 0 : i32
      %dma_wait3A_1057 = tpu.memref_slice %arg12[%add3A_1022, %dma_wait3A] : memref<10240x128xf32, #tpu.memory_space<vmem_shared>> -> memref<16x128xf32, #tpu.memory_space<vmem_shared>>
      %dma_wait3A_1058 = arith.constant 0 : i32
      %dma_wait3A_1059 = tpu.memref_slice %arg12[%add3A_1022, %dma_wait3A_1058] : memref<10240x128xf32, #tpu.memory_space<vmem_shared>> -> memref<16x128xf32, #tpu.memory_space<vmem_shared>>
      tpu.wait_dma2 semaphore(%run_scoped3A : memref<!tpu.dma_semaphore, #tpu.memory_space<semaphore_mem>>) src(%arg11 : memref<16x128xf32, #tpu.memory_space<vmem>>) dst(%dma_wait3A_1059 : memref<16x128xf32, #tpu.memory_space<vmem_shared>>)
      tpu.yield
    }) : () -> ()
    %add3A_1023 = arith.constant 464 : i32
    %add3A_1024 = arith.addi %mul3A_964, %add3A_1023 : i32
    "tpu.region"() ({
      %run_scoped3A = tpu.sem_alloc : memref<!tpu.dma_semaphore, #tpu.memory_space<semaphore_mem>>
      %dma_start3A = arith.constant 0 : i32
      %dma_start3A_1054 = tpu.memref_slice %arg12[%add3A_1024, %dma_start3A] : memref<10240x128xf32, #tpu.memory_space<vmem_shared>> -> memref<16x128xf32, #tpu.memory_space<vmem_shared>>
      %dma_start3A_1055 = arith.constant 0 : i32
      %dma_start3A_1056 = tpu.memref_slice %arg12[%add3A_1024, %dma_start3A_1055] : memref<10240x128xf32, #tpu.memory_space<vmem_shared>> -> memref<16x128xf32, #tpu.memory_space<vmem_shared>>
      tpu.enqueue_dma source(%arg11 : memref<16x128xf32, #tpu.memory_space<vmem>>) target(%dma_start3A_1056 : memref<16x128xf32, #tpu.memory_space<vmem_shared>>) target_semaphore(%run_scoped3A : memref<!tpu.dma_semaphore, #tpu.memory_space<semaphore_mem>>)
      %dma_wait3A = arith.constant 0 : i32
      %dma_wait3A_1057 = tpu.memref_slice %arg12[%add3A_1024, %dma_wait3A] : memref<10240x128xf32, #tpu.memory_space<vmem_shared>> -> memref<16x128xf32, #tpu.memory_space<vmem_shared>>
      %dma_wait3A_1058 = arith.constant 0 : i32
      %dma_wait3A_1059 = tpu.memref_slice %arg12[%add3A_1024, %dma_wait3A_1058] : memref<10240x128xf32, #tpu.memory_space<vmem_shared>> -> memref<16x128xf32, #tpu.memory_space<vmem_shared>>
      tpu.wait_dma2 semaphore(%run_scoped3A : memref<!tpu.dma_semaphore, #tpu.memory_space<semaphore_mem>>) src(%arg11 : memref<16x128xf32, #tpu.memory_space<vmem>>) dst(%dma_wait3A_1059 : memref<16x128xf32, #tpu.memory_space<vmem_shared>>)
      tpu.yield
    }) : () -> ()
    %add3A_1025 = arith.constant 480 : i32
    %add3A_1026 = arith.addi %mul3A_964, %add3A_1025 : i32
    "tpu.region"() ({
      %run_scoped3A = tpu.sem_alloc : memref<!tpu.dma_semaphore, #tpu.memory_space<semaphore_mem>>
      %dma_start3A = arith.constant 0 : i32
      %dma_start3A_1054 = tpu.memref_slice %arg12[%add3A_1026, %dma_start3A] : memref<10240x128xf32, #tpu.memory_space<vmem_shared>> -> memref<16x128xf32, #tpu.memory_space<vmem_shared>>
      %dma_start3A_1055 = arith.constant 0 : i32
      %dma_start3A_1056 = tpu.memref_slice %arg12[%add3A_1026, %dma_start3A_1055] : memref<10240x128xf32, #tpu.memory_space<vmem_shared>> -> memref<16x128xf32, #tpu.memory_space<vmem_shared>>
      tpu.enqueue_dma source(%arg11 : memref<16x128xf32, #tpu.memory_space<vmem>>) target(%dma_start3A_1056 : memref<16x128xf32, #tpu.memory_space<vmem_shared>>) target_semaphore(%run_scoped3A : memref<!tpu.dma_semaphore, #tpu.memory_space<semaphore_mem>>)
      %dma_wait3A = arith.constant 0 : i32
      %dma_wait3A_1057 = tpu.memref_slice %arg12[%add3A_1026, %dma_wait3A] : memref<10240x128xf32, #tpu.memory_space<vmem_shared>> -> memref<16x128xf32, #tpu.memory_space<vmem_shared>>
      %dma_wait3A_1058 = arith.constant 0 : i32
      %dma_wait3A_1059 = tpu.memref_slice %arg12[%add3A_1026, %dma_wait3A_1058] : memref<10240x128xf32, #tpu.memory_space<vmem_shared>> -> memref<16x128xf32, #tpu.memory_space<vmem_shared>>
      tpu.wait_dma2 semaphore(%run_scoped3A : memref<!tpu.dma_semaphore, #tpu.memory_space<semaphore_mem>>) src(%arg11 : memref<16x128xf32, #tpu.memory_space<vmem>>) dst(%dma_wait3A_1059 : memref<16x128xf32, #tpu.memory_space<vmem_shared>>)
      tpu.yield
    }) : () -> ()
    %add3A_1027 = arith.constant 496 : i32
    %add3A_1028 = arith.addi %mul3A_964, %add3A_1027 : i32
    "tpu.region"() ({
      %run_scoped3A = tpu.sem_alloc : memref<!tpu.dma_semaphore, #tpu.memory_space<semaphore_mem>>
      %dma_start3A = arith.constant 0 : i32
      %dma_start3A_1054 = tpu.memref_slice %arg12[%add3A_1028, %dma_start3A] : memref<10240x128xf32, #tpu.memory_space<vmem_shared>> -> memref<16x128xf32, #tpu.memory_space<vmem_shared>>
      %dma_start3A_1055 = arith.constant 0 : i32
      %dma_start3A_1056 = tpu.memref_slice %arg12[%add3A_1028, %dma_start3A_1055] : memref<10240x128xf32, #tpu.memory_space<vmem_shared>> -> memref<16x128xf32, #tpu.memory_space<vmem_shared>>
      tpu.enqueue_dma source(%arg11 : memref<16x128xf32, #tpu.memory_space<vmem>>) target(%dma_start3A_1056 : memref<16x128xf32, #tpu.memory_space<vmem_shared>>) target_semaphore(%run_scoped3A : memref<!tpu.dma_semaphore, #tpu.memory_space<semaphore_mem>>)
      %dma_wait3A = arith.constant 0 : i32
      %dma_wait3A_1057 = tpu.memref_slice %arg12[%add3A_1028, %dma_wait3A] : memref<10240x128xf32, #tpu.memory_space<vmem_shared>> -> memref<16x128xf32, #tpu.memory_space<vmem_shared>>
      %dma_wait3A_1058 = arith.constant 0 : i32
      %dma_wait3A_1059 = tpu.memref_slice %arg12[%add3A_1028, %dma_wait3A_1058] : memref<10240x128xf32, #tpu.memory_space<vmem_shared>> -> memref<16x128xf32, #tpu.memory_space<vmem_shared>>
      tpu.wait_dma2 semaphore(%run_scoped3A : memref<!tpu.dma_semaphore, #tpu.memory_space<semaphore_mem>>) src(%arg11 : memref<16x128xf32, #tpu.memory_space<vmem>>) dst(%dma_wait3A_1059 : memref<16x128xf32, #tpu.memory_space<vmem_shared>>)
      tpu.yield
    }) : () -> ()
    %add3A_1029 = arith.constant 512 : i32
    %add3A_1030 = arith.addi %mul3A_964, %add3A_1029 : i32
    "tpu.region"() ({
      %run_scoped3A = tpu.sem_alloc : memref<!tpu.dma_semaphore, #tpu.memory_space<semaphore_mem>>
      %dma_start3A = arith.constant 0 : i32
      %dma_start3A_1054 = tpu.memref_slice %arg12[%add3A_1030, %dma_start3A] : memref<10240x128xf32, #tpu.memory_space<vmem_shared>> -> memref<16x128xf32, #tpu.memory_space<vmem_shared>>
      %dma_start3A_1055 = arith.constant 0 : i32
      %dma_start3A_1056 = tpu.memref_slice %arg12[%add3A_1030, %dma_start3A_1055] : memref<10240x128xf32, #tpu.memory_space<vmem_shared>> -> memref<16x128xf32, #tpu.memory_space<vmem_shared>>
      tpu.enqueue_dma source(%arg11 : memref<16x128xf32, #tpu.memory_space<vmem>>) target(%dma_start3A_1056 : memref<16x128xf32, #tpu.memory_space<vmem_shared>>) target_semaphore(%run_scoped3A : memref<!tpu.dma_semaphore, #tpu.memory_space<semaphore_mem>>)
      %dma_wait3A = arith.constant 0 : i32
      %dma_wait3A_1057 = tpu.memref_slice %arg12[%add3A_1030, %dma_wait3A] : memref<10240x128xf32, #tpu.memory_space<vmem_shared>> -> memref<16x128xf32, #tpu.memory_space<vmem_shared>>
      %dma_wait3A_1058 = arith.constant 0 : i32
      %dma_wait3A_1059 = tpu.memref_slice %arg12[%add3A_1030, %dma_wait3A_1058] : memref<10240x128xf32, #tpu.memory_space<vmem_shared>> -> memref<16x128xf32, #tpu.memory_space<vmem_shared>>
      tpu.wait_dma2 semaphore(%run_scoped3A : memref<!tpu.dma_semaphore, #tpu.memory_space<semaphore_mem>>) src(%arg11 : memref<16x128xf32, #tpu.memory_space<vmem>>) dst(%dma_wait3A_1059 : memref<16x128xf32, #tpu.memory_space<vmem_shared>>)
      tpu.yield
    }) : () -> ()
    %add3A_1031 = arith.constant 528 : i32
    %add3A_1032 = arith.addi %mul3A_964, %add3A_1031 : i32
    "tpu.region"() ({
      %run_scoped3A = tpu.sem_alloc : memref<!tpu.dma_semaphore, #tpu.memory_space<semaphore_mem>>
      %dma_start3A = arith.constant 0 : i32
      %dma_start3A_1054 = tpu.memref_slice %arg12[%add3A_1032, %dma_start3A] : memref<10240x128xf32, #tpu.memory_space<vmem_shared>> -> memref<16x128xf32, #tpu.memory_space<vmem_shared>>
      %dma_start3A_1055 = arith.constant 0 : i32
      %dma_start3A_1056 = tpu.memref_slice %arg12[%add3A_1032, %dma_start3A_1055] : memref<10240x128xf32, #tpu.memory_space<vmem_shared>> -> memref<16x128xf32, #tpu.memory_space<vmem_shared>>
      tpu.enqueue_dma source(%arg11 : memref<16x128xf32, #tpu.memory_space<vmem>>) target(%dma_start3A_1056 : memref<16x128xf32, #tpu.memory_space<vmem_shared>>) target_semaphore(%run_scoped3A : memref<!tpu.dma_semaphore, #tpu.memory_space<semaphore_mem>>)
      %dma_wait3A = arith.constant 0 : i32
      %dma_wait3A_1057 = tpu.memref_slice %arg12[%add3A_1032, %dma_wait3A] : memref<10240x128xf32, #tpu.memory_space<vmem_shared>> -> memref<16x128xf32, #tpu.memory_space<vmem_shared>>
      %dma_wait3A_1058 = arith.constant 0 : i32
      %dma_wait3A_1059 = tpu.memref_slice %arg12[%add3A_1032, %dma_wait3A_1058] : memref<10240x128xf32, #tpu.memory_space<vmem_shared>> -> memref<16x128xf32, #tpu.memory_space<vmem_shared>>
      tpu.wait_dma2 semaphore(%run_scoped3A : memref<!tpu.dma_semaphore, #tpu.memory_space<semaphore_mem>>) src(%arg11 : memref<16x128xf32, #tpu.memory_space<vmem>>) dst(%dma_wait3A_1059 : memref<16x128xf32, #tpu.memory_space<vmem_shared>>)
      tpu.yield
    }) : () -> ()
    %add3A_1033 = arith.constant 544 : i32
    %add3A_1034 = arith.addi %mul3A_964, %add3A_1033 : i32
    "tpu.region"() ({
      %run_scoped3A = tpu.sem_alloc : memref<!tpu.dma_semaphore, #tpu.memory_space<semaphore_mem>>
      %dma_start3A = arith.constant 0 : i32
      %dma_start3A_1054 = tpu.memref_slice %arg12[%add3A_1034, %dma_start3A] : memref<10240x128xf32, #tpu.memory_space<vmem_shared>> -> memref<16x128xf32, #tpu.memory_space<vmem_shared>>
      %dma_start3A_1055 = arith.constant 0 : i32
      %dma_start3A_1056 = tpu.memref_slice %arg12[%add3A_1034, %dma_start3A_1055] : memref<10240x128xf32, #tpu.memory_space<vmem_shared>> -> memref<16x128xf32, #tpu.memory_space<vmem_shared>>
      tpu.enqueue_dma source(%arg11 : memref<16x128xf32, #tpu.memory_space<vmem>>) target(%dma_start3A_1056 : memref<16x128xf32, #tpu.memory_space<vmem_shared>>) target_semaphore(%run_scoped3A : memref<!tpu.dma_semaphore, #tpu.memory_space<semaphore_mem>>)
      %dma_wait3A = arith.constant 0 : i32
      %dma_wait3A_1057 = tpu.memref_slice %arg12[%add3A_1034, %dma_wait3A] : memref<10240x128xf32, #tpu.memory_space<vmem_shared>> -> memref<16x128xf32, #tpu.memory_space<vmem_shared>>
      %dma_wait3A_1058 = arith.constant 0 : i32
      %dma_wait3A_1059 = tpu.memref_slice %arg12[%add3A_1034, %dma_wait3A_1058] : memref<10240x128xf32, #tpu.memory_space<vmem_shared>> -> memref<16x128xf32, #tpu.memory_space<vmem_shared>>
      tpu.wait_dma2 semaphore(%run_scoped3A : memref<!tpu.dma_semaphore, #tpu.memory_space<semaphore_mem>>) src(%arg11 : memref<16x128xf32, #tpu.memory_space<vmem>>) dst(%dma_wait3A_1059 : memref<16x128xf32, #tpu.memory_space<vmem_shared>>)
      tpu.yield
    }) : () -> ()
    %add3A_1035 = arith.constant 560 : i32
    %add3A_1036 = arith.addi %mul3A_964, %add3A_1035 : i32
    "tpu.region"() ({
      %run_scoped3A = tpu.sem_alloc : memref<!tpu.dma_semaphore, #tpu.memory_space<semaphore_mem>>
      %dma_start3A = arith.constant 0 : i32
      %dma_start3A_1054 = tpu.memref_slice %arg12[%add3A_1036, %dma_start3A] : memref<10240x128xf32, #tpu.memory_space<vmem_shared>> -> memref<16x128xf32, #tpu.memory_space<vmem_shared>>
      %dma_start3A_1055 = arith.constant 0 : i32
      %dma_start3A_1056 = tpu.memref_slice %arg12[%add3A_1036, %dma_start3A_1055] : memref<10240x128xf32, #tpu.memory_space<vmem_shared>> -> memref<16x128xf32, #tpu.memory_space<vmem_shared>>
      tpu.enqueue_dma source(%arg11 : memref<16x128xf32, #tpu.memory_space<vmem>>) target(%dma_start3A_1056 : memref<16x128xf32, #tpu.memory_space<vmem_shared>>) target_semaphore(%run_scoped3A : memref<!tpu.dma_semaphore, #tpu.memory_space<semaphore_mem>>)
      %dma_wait3A = arith.constant 0 : i32
      %dma_wait3A_1057 = tpu.memref_slice %arg12[%add3A_1036, %dma_wait3A] : memref<10240x128xf32, #tpu.memory_space<vmem_shared>> -> memref<16x128xf32, #tpu.memory_space<vmem_shared>>
      %dma_wait3A_1058 = arith.constant 0 : i32
      %dma_wait3A_1059 = tpu.memref_slice %arg12[%add3A_1036, %dma_wait3A_1058] : memref<10240x128xf32, #tpu.memory_space<vmem_shared>> -> memref<16x128xf32, #tpu.memory_space<vmem_shared>>
      tpu.wait_dma2 semaphore(%run_scoped3A : memref<!tpu.dma_semaphore, #tpu.memory_space<semaphore_mem>>) src(%arg11 : memref<16x128xf32, #tpu.memory_space<vmem>>) dst(%dma_wait3A_1059 : memref<16x128xf32, #tpu.memory_space<vmem_shared>>)
      tpu.yield
    }) : () -> ()
    %add3A_1037 = arith.constant 576 : i32
    %add3A_1038 = arith.addi %mul3A_964, %add3A_1037 : i32
    "tpu.region"() ({
      %run_scoped3A = tpu.sem_alloc : memref<!tpu.dma_semaphore, #tpu.memory_space<semaphore_mem>>
      %dma_start3A = arith.constant 0 : i32
      %dma_start3A_1054 = tpu.memref_slice %arg12[%add3A_1038, %dma_start3A] : memref<10240x128xf32, #tpu.memory_space<vmem_shared>> -> memref<16x128xf32, #tpu.memory_space<vmem_shared>>
      %dma_start3A_1055 = arith.constant 0 : i32
      %dma_start3A_1056 = tpu.memref_slice %arg12[%add3A_1038, %dma_start3A_1055] : memref<10240x128xf32, #tpu.memory_space<vmem_shared>> -> memref<16x128xf32, #tpu.memory_space<vmem_shared>>
      tpu.enqueue_dma source(%arg11 : memref<16x128xf32, #tpu.memory_space<vmem>>) target(%dma_start3A_1056 : memref<16x128xf32, #tpu.memory_space<vmem_shared>>) target_semaphore(%run_scoped3A : memref<!tpu.dma_semaphore, #tpu.memory_space<semaphore_mem>>)
      %dma_wait3A = arith.constant 0 : i32
      %dma_wait3A_1057 = tpu.memref_slice %arg12[%add3A_1038, %dma_wait3A] : memref<10240x128xf32, #tpu.memory_space<vmem_shared>> -> memref<16x128xf32, #tpu.memory_space<vmem_shared>>
      %dma_wait3A_1058 = arith.constant 0 : i32
      %dma_wait3A_1059 = tpu.memref_slice %arg12[%add3A_1038, %dma_wait3A_1058] : memref<10240x128xf32, #tpu.memory_space<vmem_shared>> -> memref<16x128xf32, #tpu.memory_space<vmem_shared>>
      tpu.wait_dma2 semaphore(%run_scoped3A : memref<!tpu.dma_semaphore, #tpu.memory_space<semaphore_mem>>) src(%arg11 : memref<16x128xf32, #tpu.memory_space<vmem>>) dst(%dma_wait3A_1059 : memref<16x128xf32, #tpu.memory_space<vmem_shared>>)
      tpu.yield
    }) : () -> ()
    %add3A_1039 = arith.constant 592 : i32
    %add3A_1040 = arith.addi %mul3A_964, %add3A_1039 : i32
    "tpu.region"() ({
      %run_scoped3A = tpu.sem_alloc : memref<!tpu.dma_semaphore, #tpu.memory_space<semaphore_mem>>
      %dma_start3A = arith.constant 0 : i32
      %dma_start3A_1054 = tpu.memref_slice %arg12[%add3A_1040, %dma_start3A] : memref<10240x128xf32, #tpu.memory_space<vmem_shared>> -> memref<16x128xf32, #tpu.memory_space<vmem_shared>>
      %dma_start3A_1055 = arith.constant 0 : i32
      %dma_start3A_1056 = tpu.memref_slice %arg12[%add3A_1040, %dma_start3A_1055] : memref<10240x128xf32, #tpu.memory_space<vmem_shared>> -> memref<16x128xf32, #tpu.memory_space<vmem_shared>>
      tpu.enqueue_dma source(%arg11 : memref<16x128xf32, #tpu.memory_space<vmem>>) target(%dma_start3A_1056 : memref<16x128xf32, #tpu.memory_space<vmem_shared>>) target_semaphore(%run_scoped3A : memref<!tpu.dma_semaphore, #tpu.memory_space<semaphore_mem>>)
      %dma_wait3A = arith.constant 0 : i32
      %dma_wait3A_1057 = tpu.memref_slice %arg12[%add3A_1040, %dma_wait3A] : memref<10240x128xf32, #tpu.memory_space<vmem_shared>> -> memref<16x128xf32, #tpu.memory_space<vmem_shared>>
      %dma_wait3A_1058 = arith.constant 0 : i32
      %dma_wait3A_1059 = tpu.memref_slice %arg12[%add3A_1040, %dma_wait3A_1058] : memref<10240x128xf32, #tpu.memory_space<vmem_shared>> -> memref<16x128xf32, #tpu.memory_space<vmem_shared>>
      tpu.wait_dma2 semaphore(%run_scoped3A : memref<!tpu.dma_semaphore, #tpu.memory_space<semaphore_mem>>) src(%arg11 : memref<16x128xf32, #tpu.memory_space<vmem>>) dst(%dma_wait3A_1059 : memref<16x128xf32, #tpu.memory_space<vmem_shared>>)
      tpu.yield
    }) : () -> ()
    %add3A_1041 = arith.constant 608 : i32
    %add3A_1042 = arith.addi %mul3A_964, %add3A_1041 : i32
    "tpu.region"() ({
      %run_scoped3A = tpu.sem_alloc : memref<!tpu.dma_semaphore, #tpu.memory_space<semaphore_mem>>
      %dma_start3A = arith.constant 0 : i32
      %dma_start3A_1054 = tpu.memref_slice %arg12[%add3A_1042, %dma_start3A] : memref<10240x128xf32, #tpu.memory_space<vmem_shared>> -> memref<16x128xf32, #tpu.memory_space<vmem_shared>>
      %dma_start3A_1055 = arith.constant 0 : i32
      %dma_start3A_1056 = tpu.memref_slice %arg12[%add3A_1042, %dma_start3A_1055] : memref<10240x128xf32, #tpu.memory_space<vmem_shared>> -> memref<16x128xf32, #tpu.memory_space<vmem_shared>>
      tpu.enqueue_dma source(%arg11 : memref<16x128xf32, #tpu.memory_space<vmem>>) target(%dma_start3A_1056 : memref<16x128xf32, #tpu.memory_space<vmem_shared>>) target_semaphore(%run_scoped3A : memref<!tpu.dma_semaphore, #tpu.memory_space<semaphore_mem>>)
      %dma_wait3A = arith.constant 0 : i32
      %dma_wait3A_1057 = tpu.memref_slice %arg12[%add3A_1042, %dma_wait3A] : memref<10240x128xf32, #tpu.memory_space<vmem_shared>> -> memref<16x128xf32, #tpu.memory_space<vmem_shared>>
      %dma_wait3A_1058 = arith.constant 0 : i32
      %dma_wait3A_1059 = tpu.memref_slice %arg12[%add3A_1042, %dma_wait3A_1058] : memref<10240x128xf32, #tpu.memory_space<vmem_shared>> -> memref<16x128xf32, #tpu.memory_space<vmem_shared>>
      tpu.wait_dma2 semaphore(%run_scoped3A : memref<!tpu.dma_semaphore, #tpu.memory_space<semaphore_mem>>) src(%arg11 : memref<16x128xf32, #tpu.memory_space<vmem>>) dst(%dma_wait3A_1059 : memref<16x128xf32, #tpu.memory_space<vmem_shared>>)
      tpu.yield
    }) : () -> ()
    %add3A_1043 = arith.constant 624 : i32
    %add3A_1044 = arith.addi %mul3A_964, %add3A_1043 : i32
    "tpu.region"() ({
      %run_scoped3A = tpu.sem_alloc : memref<!tpu.dma_semaphore, #tpu.memory_space<semaphore_mem>>
      %dma_start3A = arith.constant 0 : i32
      %dma_start3A_1054 = tpu.memref_slice %arg12[%add3A_1044, %dma_start3A] : memref<10240x128xf32, #tpu.memory_space<vmem_shared>> -> memref<16x128xf32, #tpu.memory_space<vmem_shared>>
      %dma_start3A_1055 = arith.constant 0 : i32
      %dma_start3A_1056 = tpu.memref_slice %arg12[%add3A_1044, %dma_start3A_1055] : memref<10240x128xf32, #tpu.memory_space<vmem_shared>> -> memref<16x128xf32, #tpu.memory_space<vmem_shared>>
      tpu.enqueue_dma source(%arg11 : memref<16x128xf32, #tpu.memory_space<vmem>>) target(%dma_start3A_1056 : memref<16x128xf32, #tpu.memory_space<vmem_shared>>) target_semaphore(%run_scoped3A : memref<!tpu.dma_semaphore, #tpu.memory_space<semaphore_mem>>)
      %dma_wait3A = arith.constant 0 : i32
      %dma_wait3A_1057 = tpu.memref_slice %arg12[%add3A_1044, %dma_wait3A] : memref<10240x128xf32, #tpu.memory_space<vmem_shared>> -> memref<16x128xf32, #tpu.memory_space<vmem_shared>>
      %dma_wait3A_1058 = arith.constant 0 : i32
      %dma_wait3A_1059 = tpu.memref_slice %arg12[%add3A_1044, %dma_wait3A_1058] : memref<10240x128xf32, #tpu.memory_space<vmem_shared>> -> memref<16x128xf32, #tpu.memory_space<vmem_shared>>
      tpu.wait_dma2 semaphore(%run_scoped3A : memref<!tpu.dma_semaphore, #tpu.memory_space<semaphore_mem>>) src(%arg11 : memref<16x128xf32, #tpu.memory_space<vmem>>) dst(%dma_wait3A_1059 : memref<16x128xf32, #tpu.memory_space<vmem_shared>>)
      tpu.yield
    }) : () -> ()
    "tpu.region"() ({
      %run_scoped3A = tpu.sem_alloc : memref<!tpu.dma_semaphore, #tpu.memory_space<semaphore_mem>>
      %dma_start3A = tpu.memref_slice %arg17[%mul3A_964] : memref<10240xf32, #tpu.memory_space<vmem_shared>> -> memref<640xf32, #tpu.memory_space<vmem_shared>>
      %dma_start3A_1054 = tpu.memref_slice %arg17[%mul3A_964] : memref<10240xf32, #tpu.memory_space<vmem_shared>> -> memref<640xf32, #tpu.memory_space<vmem_shared>>
      tpu.enqueue_dma source(%arg16 : memref<640xf32, #tpu.memory_space<vmem>>) target(%dma_start3A_1054 : memref<640xf32, #tpu.memory_space<vmem_shared>>) target_semaphore(%run_scoped3A : memref<!tpu.dma_semaphore, #tpu.memory_space<semaphore_mem>>)
      %dma_wait3A = tpu.memref_slice %arg17[%mul3A_964] : memref<10240xf32, #tpu.memory_space<vmem_shared>> -> memref<640xf32, #tpu.memory_space<vmem_shared>>
      %dma_wait3A_1055 = tpu.memref_slice %arg17[%mul3A_964] : memref<10240xf32, #tpu.memory_space<vmem_shared>> -> memref<640xf32, #tpu.memory_space<vmem_shared>>
      tpu.wait_dma2 semaphore(%run_scoped3A : memref<!tpu.dma_semaphore, #tpu.memory_space<semaphore_mem>>) src(%arg16 : memref<640xf32, #tpu.memory_space<vmem>>) dst(%dma_wait3A_1055 : memref<640xf32, #tpu.memory_space<vmem_shared>>)
      tpu.yield
    }) : () -> ()
    %barrier3A = arith.constant 0 : index
    tpu.barrier barrier_id(%barrier3A)
    %scan3A = arith.constant 0 : i32
    %scan3A_1045 = arith.constant 0 : i32
    %scan3A_1046 = arith.constant 2 : i32
    %scan3A_1047 = arith.addi %scan3A_1045, %scan3A_1046 : i32
    %scan3A_1048 = arith.constant 1 : i32
    scf.for %scan3A_1054 = %scan3A_1045 to %scan3A_1047 step %scan3A_1048  : i32 {
      %mul3A_1055 = arith.constant 80 : i32
      %mul3A_1056 = arith.muli %add3A, %mul3A_1055 : i32
      %mul3A_1057 = arith.constant 40 : i32
      %mul3A_1058 = arith.muli %scan3A_1054, %mul3A_1057 : i32
      %add3A_1059 = arith.addi %mul3A_1056, %mul3A_1058 : i32
      %multiple_of3A = tpu.assume_multiple %add3A_1059, 8 : i32
      %dma_start3A = arith.constant 0 : i32
      %dma_start3A_1060 = tpu.memref_slice %arg3[%multiple_of3A, %dma_start3A] : memref<2560x128xi32, #tpu.memory_space<hbm>> -> memref<40x128xi32, #tpu.memory_space<hbm>>
      %dma_start3A_1061 = arith.constant 0 : i32
      %dma_start3A_1062 = tpu.memref_slice %arg3[%multiple_of3A, %dma_start3A_1061] : memref<2560x128xi32, #tpu.memory_space<hbm>> -> memref<40x128xi32, #tpu.memory_space<hbm>>
      tpu.enqueue_dma source(%dma_start3A_1062 : memref<40x128xi32, #tpu.memory_space<hbm>>) target(%arg7 : memref<40x128xi32, #tpu.memory_space<vmem>>) target_semaphore(%arg13 : memref<!tpu.dma_semaphore, #tpu.memory_space<semaphore_mem>>)
      %dma_wait3A = arith.constant 0 : i32
      %dma_wait3A_1063 = tpu.memref_slice %arg3[%multiple_of3A, %dma_wait3A] : memref<2560x128xi32, #tpu.memory_space<hbm>> -> memref<40x128xi32, #tpu.memory_space<hbm>>
      %dma_wait3A_1064 = arith.constant 0 : i32
      %dma_wait3A_1065 = tpu.memref_slice %arg3[%multiple_of3A, %dma_wait3A_1064] : memref<2560x128xi32, #tpu.memory_space<hbm>> -> memref<40x128xi32, #tpu.memory_space<hbm>>
      tpu.wait_dma2 semaphore(%arg13 : memref<!tpu.dma_semaphore, #tpu.memory_space<semaphore_mem>>) src(%dma_wait3A_1065 : memref<40x128xi32, #tpu.memory_space<hbm>>) dst(%arg7 : memref<40x128xi32, #tpu.memory_space<vmem>>)
      %dma_start3A_1066 = arith.constant 0 : i32
      %dma_start3A_1067 = tpu.memref_slice %arg4[%multiple_of3A, %dma_start3A_1066] : memref<2560x128xi32, #tpu.memory_space<hbm>> -> memref<40x128xi32, #tpu.memory_space<hbm>>
      %dma_start3A_1068 = arith.constant 0 : i32
      %dma_start3A_1069 = tpu.memref_slice %arg4[%multiple_of3A, %dma_start3A_1068] : memref<2560x128xi32, #tpu.memory_space<hbm>> -> memref<40x128xi32, #tpu.memory_space<hbm>>
      tpu.enqueue_dma source(%dma_start3A_1069 : memref<40x128xi32, #tpu.memory_space<hbm>>) target(%arg8 : memref<40x128xi32, #tpu.memory_space<vmem>>) target_semaphore(%arg14 : memref<!tpu.dma_semaphore, #tpu.memory_space<semaphore_mem>>)
      %dma_wait3A_1070 = arith.constant 0 : i32
      %dma_wait3A_1071 = tpu.memref_slice %arg4[%multiple_of3A, %dma_wait3A_1070] : memref<2560x128xi32, #tpu.memory_space<hbm>> -> memref<40x128xi32, #tpu.memory_space<hbm>>
      %dma_wait3A_1072 = arith.constant 0 : i32
      %dma_wait3A_1073 = tpu.memref_slice %arg4[%multiple_of3A, %dma_wait3A_1072] : memref<2560x128xi32, #tpu.memory_space<hbm>> -> memref<40x128xi32, #tpu.memory_space<hbm>>
      tpu.wait_dma2 semaphore(%arg14 : memref<!tpu.dma_semaphore, #tpu.memory_space<semaphore_mem>>) src(%dma_wait3A_1073 : memref<40x128xi32, #tpu.memory_space<hbm>>) dst(%arg8 : memref<40x128xi32, #tpu.memory_space<vmem>>)
      %dma_start3A_1074 = arith.constant 0 : i32
      %dma_start3A_1075 = arith.constant 0 : i32
      %dma_start3A_1076 = tpu.memref_slice %arg7[%dma_start3A_1074, %dma_start3A_1075] : memref<40x128xi32, #tpu.memory_space<vmem>> -> memref<1x128xi32, #tpu.memory_space<vmem>>
      %dma_start3A_1077 = tpu.memref_squeeze %dma_start3A_1076 : memref<1x128xi32, #tpu.memory_space<vmem>> -> memref<128xi32, #tpu.memory_space<vmem>>
      %dma_start3A_1078 = arith.constant 0 : i32
      %dma_start3A_1079 = arith.constant 0 : i32
      %dma_start3A_1080 = tpu.memref_slice %arg2[%dma_start3A_1078, %dma_start3A_1079] : memref<10240x128xf32, #tpu.memory_space<hbm>> -> memref<10240x128xf32, #tpu.memory_space<hbm>>
      tpu.enqueue_indirect_dma source(%dma_start3A_1080 : memref<10240x128xf32, #tpu.memory_space<hbm>>) target(%arg9 : memref<128x128xf32, #tpu.memory_space<vmem>>) offsets(%dma_start3A_1077 : memref<128xi32, #tpu.memory_space<vmem>>) semaphore(%arg13 : memref<!tpu.dma_semaphore, #tpu.memory_space<semaphore_mem>>)
      %scan3A_1081 = arith.constant 0 : i32
      %scan3A_1082 = arith.constant 0 : i32
      %scan3A_1083 = arith.constant 20 : i32
      %scan3A_1084 = arith.addi %scan3A_1082, %scan3A_1083 : i32
      %scan3A_1085 = arith.constant 1 : i32
      scf.for %scan3A_1094 = %scan3A_1082 to %scan3A_1084 step %scan3A_1085  : i32 {
        %mul3A_1095 = arith.constant 2 : i32
        %mul3A_1096 = arith.muli %mul3A_1095, %scan3A_1094 : i32
        %mul3A_1097 = arith.constant 2 : i32
        %mul3A_1098 = arith.muli %mul3A_1097, %scan3A_1094 : i32
        %add3A_1099 = arith.constant 1 : i32
        %add3A_1100 = arith.addi %mul3A_1098, %add3A_1099 : i32
        %dma_start3A_1101 = arith.constant 0 : i32
        %dma_start3A_1102 = tpu.memref_slice %arg7[%add3A_1100, %dma_start3A_1101] : memref<40x128xi32, #tpu.memory_space<vmem>> -> memref<1x128xi32, #tpu.memory_space<vmem>>
        %dma_start3A_1103 = tpu.memref_squeeze %dma_start3A_1102 : memref<1x128xi32, #tpu.memory_space<vmem>> -> memref<128xi32, #tpu.memory_space<vmem>>
        %dma_start3A_1104 = arith.constant 0 : i32
        %dma_start3A_1105 = arith.constant 0 : i32
        %dma_start3A_1106 = tpu.memref_slice %arg2[%dma_start3A_1104, %dma_start3A_1105] : memref<10240x128xf32, #tpu.memory_space<hbm>> -> memref<10240x128xf32, #tpu.memory_space<hbm>>
        tpu.enqueue_indirect_dma source(%dma_start3A_1106 : memref<10240x128xf32, #tpu.memory_space<hbm>>) target(%arg10 : memref<128x128xf32, #tpu.memory_space<vmem>>) offsets(%dma_start3A_1103 : memref<128xi32, #tpu.memory_space<vmem>>) semaphore(%arg14 : memref<!tpu.dma_semaphore, #tpu.memory_space<semaphore_mem>>)
        %dma_wait3A_1107 = arith.constant 0 : i32
        %dma_wait3A_1108 = tpu.memref_slice %arg7[%mul3A_1096, %dma_wait3A_1107] : memref<40x128xi32, #tpu.memory_space<vmem>> -> memref<1x128xi32, #tpu.memory_space<vmem>>
        %dma_wait3A_1109 = tpu.memref_squeeze %dma_wait3A_1108 : memref<1x128xi32, #tpu.memory_space<vmem>> -> memref<128xi32, #tpu.memory_space<vmem>>
        %dma_wait3A_1110 = arith.constant 0 : i32
        %dma_wait3A_1111 = arith.constant 0 : i32
        %dma_wait3A_1112 = tpu.memref_slice %arg2[%dma_wait3A_1110, %dma_wait3A_1111] : memref<10240x128xf32, #tpu.memory_space<hbm>> -> memref<10240x128xf32, #tpu.memory_space<hbm>>
        tpu.wait_indirect_dma semaphore(%arg13 : memref<!tpu.dma_semaphore, #tpu.memory_space<semaphore_mem>>) src(%dma_wait3A_1112 : memref<10240x128xf32, #tpu.memory_space<hbm>>) dst(%arg9 : memref<128x128xf32, #tpu.memory_space<vmem>>)
        "tpu.region"() ({
          %run_scoped3A = tpu.sem_alloc : memref<!tpu.dma_semaphore, #tpu.memory_space<semaphore_mem>>
          %dma_start3A_1128 = arith.constant 0 : i32
          %dma_start3A_1129 = tpu.memref_slice %arg8[%mul3A_1096, %dma_start3A_1128] : memref<40x128xi32, #tpu.memory_space<vmem>> -> memref<1x128xi32, #tpu.memory_space<vmem>>
          %dma_start3A_1130 = tpu.memref_squeeze %dma_start3A_1129 : memref<1x128xi32, #tpu.memory_space<vmem>> -> memref<128xi32, #tpu.memory_space<vmem>>
          %dma_start3A_1131 = arith.constant 0 : i32
          %dma_start3A_1132 = arith.constant 0 : i32
          %dma_start3A_1133 = tpu.memref_slice %arg12[%dma_start3A_1131, %dma_start3A_1132] : memref<10240x128xf32, #tpu.memory_space<vmem_shared>> -> memref<10240x128xf32, #tpu.memory_space<vmem_shared>>
          tpu.enqueue_indirect_dma source(%arg9 : memref<128x128xf32, #tpu.memory_space<vmem>>) target(%dma_start3A_1133 : memref<10240x128xf32, #tpu.memory_space<vmem_shared>>) offsets(%dma_start3A_1130 : memref<128xi32, #tpu.memory_space<vmem>>) semaphore(%run_scoped3A : memref<!tpu.dma_semaphore, #tpu.memory_space<semaphore_mem>>) {add = true}
          %dma_wait3A_1134 = arith.constant 0 : i32
          %dma_wait3A_1135 = tpu.memref_slice %arg8[%mul3A_1096, %dma_wait3A_1134] : memref<40x128xi32, #tpu.memory_space<vmem>> -> memref<1x128xi32, #tpu.memory_space<vmem>>
          %dma_wait3A_1136 = tpu.memref_squeeze %dma_wait3A_1135 : memref<1x128xi32, #tpu.memory_space<vmem>> -> memref<128xi32, #tpu.memory_space<vmem>>
          %dma_wait3A_1137 = arith.constant 0 : i32
          %dma_wait3A_1138 = arith.constant 0 : i32
          %dma_wait3A_1139 = tpu.memref_slice %arg12[%dma_wait3A_1137, %dma_wait3A_1138] : memref<10240x128xf32, #tpu.memory_space<vmem_shared>> -> memref<10240x128xf32, #tpu.memory_space<vmem_shared>>
          tpu.wait_indirect_dma semaphore(%run_scoped3A : memref<!tpu.dma_semaphore, #tpu.memory_space<semaphore_mem>>) src(%arg9 : memref<128x128xf32, #tpu.memory_space<vmem>>) dst(%dma_wait3A_1139 : memref<10240x128xf32, #tpu.memory_space<vmem_shared>>)
          tpu.yield
        }) : () -> ()
        "tpu.region"() ({
          %run_scoped3A = tpu.sem_alloc : memref<!tpu.dma_semaphore, #tpu.memory_space<semaphore_mem>>
          %dma_start3A_1128 = arith.constant 0 : i32
          %dma_start3A_1129 = tpu.memref_slice %arg8[%mul3A_1096, %dma_start3A_1128] : memref<40x128xi32, #tpu.memory_space<vmem>> -> memref<1x128xi32, #tpu.memory_space<vmem>>
          %dma_start3A_1130 = tpu.memref_squeeze %dma_start3A_1129 : memref<1x128xi32, #tpu.memory_space<vmem>> -> memref<128xi32, #tpu.memory_space<vmem>>
          %dma_start3A_1131 = arith.constant 0 : i32
          %dma_start3A_1132 = tpu.memref_slice %arg17[%dma_start3A_1131] : memref<10240xf32, #tpu.memory_space<vmem_shared>> -> memref<10240xf32, #tpu.memory_space<vmem_shared>>
          tpu.enqueue_indirect_dma source(%arg15 : memref<128xf32, #tpu.memory_space<vmem>>) target(%dma_start3A_1132 : memref<10240xf32, #tpu.memory_space<vmem_shared>>) offsets(%dma_start3A_1130 : memref<128xi32, #tpu.memory_space<vmem>>) semaphore(%run_scoped3A : memref<!tpu.dma_semaphore, #tpu.memory_space<semaphore_mem>>) {add = true}
          %dma_wait3A_1133 = arith.constant 0 : i32
          %dma_wait3A_1134 = tpu.memref_slice %arg8[%mul3A_1096, %dma_wait3A_1133] : memref<40x128xi32, #tpu.memory_space<vmem>> -> memref<1x128xi32, #tpu.memory_space<vmem>>
          %dma_wait3A_1135 = tpu.memref_squeeze %dma_wait3A_1134 : memref<1x128xi32, #tpu.memory_space<vmem>> -> memref<128xi32, #tpu.memory_space<vmem>>
          %dma_wait3A_1136 = arith.constant 0 : i32
          %dma_wait3A_1137 = tpu.memref_slice %arg17[%dma_wait3A_1136] : memref<10240xf32, #tpu.memory_space<vmem_shared>> -> memref<10240xf32, #tpu.memory_space<vmem_shared>>
          tpu.wait_indirect_dma semaphore(%run_scoped3A : memref<!tpu.dma_semaphore, #tpu.memory_space<semaphore_mem>>) src(%arg15 : memref<128xf32, #tpu.memory_space<vmem>>) dst(%dma_wait3A_1137 : memref<10240xf32, #tpu.memory_space<vmem_shared>>)
          tpu.yield
        }) : () -> ()
        %add3A_1113 = arith.constant 2 : i32
        %add3A_1114 = arith.addi %mul3A_1096, %add3A_1113 : i32
        %min3A = arith.constant 39 : i32
        %min3A_1115 = arith.minsi %add3A_1114, %min3A : i32
        %dma_start3A_1116 = arith.constant 0 : i32
        %dma_start3A_1117 = tpu.memref_slice %arg7[%min3A_1115, %dma_start3A_1116] : memref<40x128xi32, #tpu.memory_space<vmem>> -> memref<1x128xi32, #tpu.memory_space<vmem>>
        %dma_start3A_1118 = tpu.memref_squeeze %dma_start3A_1117 : memref<1x128xi32, #tpu.memory_space<vmem>> -> memref<128xi32, #tpu.memory_space<vmem>>
        %dma_start3A_1119 = arith.constant 0 : i32
        %dma_start3A_1120 = arith.constant 0 : i32
        %dma_start3A_1121 = tpu.memref_slice %arg2[%dma_start3A_1119, %dma_start3A_1120] : memref<10240x128xf32, #tpu.memory_space<hbm>> -> memref<10240x128xf32, #tpu.memory_space<hbm>>
        tpu.enqueue_indirect_dma source(%dma_start3A_1121 : memref<10240x128xf32, #tpu.memory_space<hbm>>) target(%arg9 : memref<128x128xf32, #tpu.memory_space<vmem>>) offsets(%dma_start3A_1118 : memref<128xi32, #tpu.memory_space<vmem>>) semaphore(%arg13 : memref<!tpu.dma_semaphore, #tpu.memory_space<semaphore_mem>>)
        %dma_wait3A_1122 = arith.constant 0 : i32
        %dma_wait3A_1123 = tpu.memref_slice %arg7[%add3A_1100, %dma_wait3A_1122] : memref<40x128xi32, #tpu.memory_space<vmem>> -> memref<1x128xi32, #tpu.memory_space<vmem>>
        %dma_wait3A_1124 = tpu.memref_squeeze %dma_wait3A_1123 : memref<1x128xi32, #tpu.memory_space<vmem>> -> memref<128xi32, #tpu.memory_space<vmem>>
        %dma_wait3A_1125 = arith.constant 0 : i32
        %dma_wait3A_1126 = arith.constant 0 : i32
        %dma_wait3A_1127 = tpu.memref_slice %arg2[%dma_wait3A_1125, %dma_wait3A_1126] : memref<10240x128xf32, #tpu.memory_space<hbm>> -> memref<10240x128xf32, #tpu.memory_space<hbm>>
        tpu.wait_indirect_dma semaphore(%arg14 : memref<!tpu.dma_semaphore, #tpu.memory_space<semaphore_mem>>) src(%dma_wait3A_1127 : memref<10240x128xf32, #tpu.memory_space<hbm>>) dst(%arg10 : memref<128x128xf32, #tpu.memory_space<vmem>>)
        "tpu.region"() ({
          %run_scoped3A = tpu.sem_alloc : memref<!tpu.dma_semaphore, #tpu.memory_space<semaphore_mem>>
          %dma_start3A_1128 = arith.constant 0 : i32
          %dma_start3A_1129 = tpu.memref_slice %arg8[%add3A_1100, %dma_start3A_1128] : memref<40x128xi32, #tpu.memory_space<vmem>> -> memref<1x128xi32, #tpu.memory_space<vmem>>
          %dma_start3A_1130 = tpu.memref_squeeze %dma_start3A_1129 : memref<1x128xi32, #tpu.memory_space<vmem>> -> memref<128xi32, #tpu.memory_space<vmem>>
          %dma_start3A_1131 = arith.constant 0 : i32
          %dma_start3A_1132 = arith.constant 0 : i32
          %dma_start3A_1133 = tpu.memref_slice %arg12[%dma_start3A_1131, %dma_start3A_1132] : memref<10240x128xf32, #tpu.memory_space<vmem_shared>> -> memref<10240x128xf32, #tpu.memory_space<vmem_shared>>
          tpu.enqueue_indirect_dma source(%arg10 : memref<128x128xf32, #tpu.memory_space<vmem>>) target(%dma_start3A_1133 : memref<10240x128xf32, #tpu.memory_space<vmem_shared>>) offsets(%dma_start3A_1130 : memref<128xi32, #tpu.memory_space<vmem>>) semaphore(%run_scoped3A : memref<!tpu.dma_semaphore, #tpu.memory_space<semaphore_mem>>) {add = true}
          %dma_wait3A_1134 = arith.constant 0 : i32
          %dma_wait3A_1135 = tpu.memref_slice %arg8[%add3A_1100, %dma_wait3A_1134] : memref<40x128xi32, #tpu.memory_space<vmem>> -> memref<1x128xi32, #tpu.memory_space<vmem>>
          %dma_wait3A_1136 = tpu.memref_squeeze %dma_wait3A_1135 : memref<1x128xi32, #tpu.memory_space<vmem>> -> memref<128xi32, #tpu.memory_space<vmem>>
          %dma_wait3A_1137 = arith.constant 0 : i32
          %dma_wait3A_1138 = arith.constant 0 : i32
          %dma_wait3A_1139 = tpu.memref_slice %arg12[%dma_wait3A_1137, %dma_wait3A_1138] : memref<10240x128xf32, #tpu.memory_space<vmem_shared>> -> memref<10240x128xf32, #tpu.memory_space<vmem_shared>>
          tpu.wait_indirect_dma semaphore(%run_scoped3A : memref<!tpu.dma_semaphore, #tpu.memory_space<semaphore_mem>>) src(%arg10 : memref<128x128xf32, #tpu.memory_space<vmem>>) dst(%dma_wait3A_1139 : memref<10240x128xf32, #tpu.memory_space<vmem_shared>>)
          tpu.yield
        }) : () -> ()
        "tpu.region"() ({
          %run_scoped3A = tpu.sem_alloc : memref<!tpu.dma_semaphore, #tpu.memory_space<semaphore_mem>>
          %dma_start3A_1128 = arith.constant 0 : i32
          %dma_start3A_1129 = tpu.memref_slice %arg8[%add3A_1100, %dma_start3A_1128] : memref<40x128xi32, #tpu.memory_space<vmem>> -> memref<1x128xi32, #tpu.memory_space<vmem>>
          %dma_start3A_1130 = tpu.memref_squeeze %dma_start3A_1129 : memref<1x128xi32, #tpu.memory_space<vmem>> -> memref<128xi32, #tpu.memory_space<vmem>>
          %dma_start3A_1131 = arith.constant 0 : i32
          %dma_start3A_1132 = tpu.memref_slice %arg17[%dma_start3A_1131] : memref<10240xf32, #tpu.memory_space<vmem_shared>> -> memref<10240xf32, #tpu.memory_space<vmem_shared>>
          tpu.enqueue_indirect_dma source(%arg15 : memref<128xf32, #tpu.memory_space<vmem>>) target(%dma_start3A_1132 : memref<10240xf32, #tpu.memory_space<vmem_shared>>) offsets(%dma_start3A_1130 : memref<128xi32, #tpu.memory_space<vmem>>) semaphore(%run_scoped3A : memref<!tpu.dma_semaphore, #tpu.memory_space<semaphore_mem>>) {add = true}
          %dma_wait3A_1133 = arith.constant 0 : i32
          %dma_wait3A_1134 = tpu.memref_slice %arg8[%add3A_1100, %dma_wait3A_1133] : memref<40x128xi32, #tpu.memory_space<vmem>> -> memref<1x128xi32, #tpu.memory_space<vmem>>
          %dma_wait3A_1135 = tpu.memref_squeeze %dma_wait3A_1134 : memref<1x128xi32, #tpu.memory_space<vmem>> -> memref<128xi32, #tpu.memory_space<vmem>>
          %dma_wait3A_1136 = arith.constant 0 : i32
          %dma_wait3A_1137 = tpu.memref_slice %arg17[%dma_wait3A_1136] : memref<10240xf32, #tpu.memory_space<vmem_shared>> -> memref<10240xf32, #tpu.memory_space<vmem_shared>>
          tpu.wait_indirect_dma semaphore(%run_scoped3A : memref<!tpu.dma_semaphore, #tpu.memory_space<semaphore_mem>>) src(%arg15 : memref<128xf32, #tpu.memory_space<vmem>>) dst(%dma_wait3A_1137 : memref<10240xf32, #tpu.memory_space<vmem_shared>>)
          tpu.yield
        }) : () -> ()
      }
      %scan3A_1086 = arith.constant 20 : i32
      %dma_wait3A_1087 = arith.constant 0 : i32
      %dma_wait3A_1088 = arith.constant 0 : i32
      %dma_wait3A_1089 = tpu.memref_slice %arg7[%dma_wait3A_1087, %dma_wait3A_1088] : memref<40x128xi32, #tpu.memory_space<vmem>> -> memref<1x128xi32, #tpu.memory_space<vmem>>
      %dma_wait3A_1090 = tpu.memref_squeeze %dma_wait3A_1089 : memref<1x128xi32, #tpu.memory_space<vmem>> -> memref<128xi32, #tpu.memory_space<vmem>>
      %dma_wait3A_1091 = arith.constant 0 : i32
      %dma_wait3A_1092 = arith.constant 0 : i32
      %dma_wait3A_1093 = tpu.memref_slice %arg2[%dma_wait3A_1091, %dma_wait3A_1092] : memref<10240x128xf32, #tpu.memory_space<hbm>> -> memref<10240x128xf32, #tpu.memory_space<hbm>>
      tpu.wait_indirect_dma semaphore(%arg13 : memref<!tpu.dma_semaphore, #tpu.memory_space<semaphore_mem>>) src(%dma_wait3A_1093 : memref<10240x128xf32, #tpu.memory_space<hbm>>) dst(%arg9 : memref<128x128xf32, #tpu.memory_space<vmem>>)
    }
    %scan3A_1049 = arith.constant 2 : i32
    %barrier3A_1050 = arith.constant 0 : index
    tpu.barrier barrier_id(%barrier3A_1050)
    %mul3A_1051 = arith.constant 10240 : i32
    %mul3A_1052 = arith.muli %arg0, %mul3A_1051 : i32
    %add3A_1053 = arith.addi %mul3A_1052, %mul3A_964 : i32
    "tpu.region"() ({
      %run_scoped3A = tpu.sem_alloc : memref<!tpu.dma_semaphore, #tpu.memory_space<semaphore_mem>>
      %dma_start3A = arith.constant 0 : i32
      %dma_start3A_1054 = tpu.memref_slice %arg5[%add3A_1053, %dma_start3A] : memref<20480x128xf32, #tpu.memory_space<hbm>> -> memref<640x128xf32, #tpu.memory_space<hbm>>
      %dma_start3A_1055 = arith.constant 0 : i32
      %dma_start3A_1056 = tpu.memref_slice %arg12[%mul3A_964, %dma_start3A_1055] : memref<10240x128xf32, #tpu.memory_space<vmem_shared>> -> memref<640x128xf32, #tpu.memory_space<vmem_shared>>
      tpu.enqueue_dma source(%dma_start3A_1056 : memref<640x128xf32, #tpu.memory_space<vmem_shared>>) target(%dma_start3A_1054 : memref<640x128xf32, #tpu.memory_space<hbm>>) target_semaphore(%run_scoped3A : memref<!tpu.dma_semaphore, #tpu.memory_space<semaphore_mem>>)
      %dma_wait3A = arith.constant 0 : i32
      %dma_wait3A_1057 = tpu.memref_slice %arg5[%add3A_1053, %dma_wait3A] : memref<20480x128xf32, #tpu.memory_space<hbm>> -> memref<640x128xf32, #tpu.memory_space<hbm>>
      %dma_wait3A_1058 = arith.constant 0 : i32
      %dma_wait3A_1059 = tpu.memref_slice %arg12[%mul3A_964, %dma_wait3A_1058] : memref<10240x128xf32, #tpu.memory_space<vmem_shared>> -> memref<640x128xf32, #tpu.memory_space<vmem_shared>>
      tpu.wait_dma2 semaphore(%run_scoped3A : memref<!tpu.dma_semaphore, #tpu.memory_space<semaphore_mem>>) src(%dma_wait3A_1059 : memref<640x128xf32, #tpu.memory_space<vmem_shared>>) dst(%dma_wait3A_1057 : memref<640x128xf32, #tpu.memory_space<hbm>>)
      tpu.yield
    }) : () -> ()
    "tpu.region"() ({
      %run_scoped3A = tpu.sem_alloc : memref<!tpu.dma_semaphore, #tpu.memory_space<semaphore_mem>>
      %dma_start3A = tpu.memref_slice %arg6[%add3A_1053] : memref<20480xf32, #tpu.memory_space<hbm>> -> memref<640xf32, #tpu.memory_space<hbm>>
      %dma_start3A_1054 = tpu.memref_slice %arg17[%mul3A_964] : memref<10240xf32, #tpu.memory_space<vmem_shared>> -> memref<640xf32, #tpu.memory_space<vmem_shared>>
      tpu.enqueue_dma source(%dma_start3A_1054 : memref<640xf32, #tpu.memory_space<vmem_shared>>) target(%dma_start3A : memref<640xf32, #tpu.memory_space<hbm>>) target_semaphore(%run_scoped3A : memref<!tpu.dma_semaphore, #tpu.memory_space<semaphore_mem>>)
      %dma_wait3A = tpu.memref_slice %arg6[%add3A_1053] : memref<20480xf32, #tpu.memory_space<hbm>> -> memref<640xf32, #tpu.memory_space<hbm>>
      %dma_wait3A_1055 = tpu.memref_slice %arg17[%mul3A_964] : memref<10240xf32, #tpu.memory_space<vmem_shared>> -> memref<640xf32, #tpu.memory_space<vmem_shared>>
      tpu.wait_dma2 semaphore(%run_scoped3A : memref<!tpu.dma_semaphore, #tpu.memory_space<semaphore_mem>>) src(%dma_wait3A_1055 : memref<640xf32, #tpu.memory_space<vmem_shared>>) dst(%dma_wait3A : memref<640xf32, #tpu.memory_space<hbm>>)
      tpu.yield
    }) : () -> ()
    return
  }
}

#map = affine_map<(d0, d1) -> (0, 0)>
module attributes {stable_mosaic.version = 14 : i64} {
  func.func @body(%arg0: i32, %arg1: i32, %arg2: memref<10240x128xf32, #tpu.memory_space<hbm>>, %arg3: memref<2560x128xi32, #tpu.memory_space<hbm>>, %arg4: memref<2560x128xi32, #tpu.memory_space<hbm>>, %arg5: memref<20480x128xf32, #tpu.memory_space<hbm>>, %arg6: memref<40x128xi32, #tpu.memory_space<vmem>>, %arg7: memref<40x128xi32, #tpu.memory_space<vmem>>, %arg8: memref<128x128xf32, #tpu.memory_space<vmem>>, %arg9: memref<128x128xf32, #tpu.memory_space<vmem>>, %arg10: memref<16x128xf32, #tpu.memory_space<vmem>>, %arg11: memref<10240x128xf32, #tpu.memory_space<vmem_shared>>, %arg12: memref<!tpu.dma_semaphore, #tpu.memory_space<semaphore_mem>>, %arg13: memref<!tpu.dma_semaphore, #tpu.memory_space<semaphore_mem>>) attributes {dimension_semantics = [#tpu.dimension_semantics<core_parallel>, #tpu.dimension_semantics<subcore_parallel>], iteration_bounds = array<i64: 2, 16>, scalar_prefetch = 0 : i64, scratch_operands = 8 : i64, tpu.core_type = #tpu.core_type<sc_vector_subcore>, window_params = [{transform_indices = #map}, {transform_indices = #map}, {transform_indices = #map}, {transform_indices = #map}]} {
    %mul3A = arith.constant 2 : i32
    %mul3A_0 = arith.muli %arg1, %mul3A : i32
    %add3A = arith.addi %mul3A_0, %arg0 : i32
    %broadcast_in_dim3A = arith.constant 0.000000e+00 : f32
    %broadcast_in_dim3A_1 = vector.broadcast %broadcast_in_dim3A : f32 to vector<16xf32>
    %swap3A = arith.constant 0 : i32
    %swap3A_2 = arith.index_cast %swap3A : i32 to index
    %swap3A_3 = arith.constant 0 : index
    %swap3A_4 = tpu.vector_load %arg10[%swap3A_2, %swap3A_3] {strides = array<i32>} : memref<16x128xf32, #tpu.memory_space<vmem>>, vector<1x16xf32>,
    %swap3A_5 = vector.shape_cast %swap3A_4 : vector<1x16xf32> to vector<16xf32>
    %swap3A_6 = vector.shape_cast %broadcast_in_dim3A_1 : vector<16xf32> to vector<1x16xf32>
    tpu.vector_store %arg10[%swap3A_2, %swap3A_3], %swap3A_6 {strides = array<i32>} : memref<16x128xf32, #tpu.memory_space<vmem>>, vector<1x16xf32>,
    %swap3A_7 = arith.constant 0 : i32
    %swap3A_8 = arith.index_cast %swap3A_7 : i32 to index
    %swap3A_9 = arith.constant 16 : index
    %swap3A_10 = tpu.vector_load %arg10[%swap3A_8, %swap3A_9] {strides = array<i32>} : memref<16x128xf32, #tpu.memory_space<vmem>>, vector<1x16xf32>,
    %swap3A_11 = vector.shape_cast %swap3A_10 : vector<1x16xf32> to vector<16xf32>
    %swap3A_12 = vector.shape_cast %broadcast_in_dim3A_1 : vector<16xf32> to vector<1x16xf32>
    tpu.vector_store %arg10[%swap3A_8, %swap3A_9], %swap3A_12 {strides = array<i32>} : memref<16x128xf32, #tpu.memory_space<vmem>>, vector<1x16xf32>,
    %swap3A_13 = arith.constant 0 : i32
    %swap3A_14 = arith.index_cast %swap3A_13 : i32 to index
    %swap3A_15 = arith.constant 32 : index
    %swap3A_16 = tpu.vector_load %arg10[%swap3A_14, %swap3A_15] {strides = array<i32>} : memref<16x128xf32, #tpu.memory_space<vmem>>, vector<1x16xf32>,
    %swap3A_17 = vector.shape_cast %swap3A_16 : vector<1x16xf32> to vector<16xf32>
    %swap3A_18 = vector.shape_cast %broadcast_in_dim3A_1 : vector<16xf32> to vector<1x16xf32>
    tpu.vector_store %arg10[%swap3A_14, %swap3A_15], %swap3A_18 {strides = array<i32>} : memref<16x128xf32, #tpu.memory_space<vmem>>, vector<1x16xf32>,
    %swap3A_19 = arith.constant 0 : i32
    %swap3A_20 = arith.index_cast %swap3A_19 : i32 to index
    %swap3A_21 = arith.constant 48 : index
    %swap3A_22 = tpu.vector_load %arg10[%swap3A_20, %swap3A_21] {strides = array<i32>} : memref<16x128xf32, #tpu.memory_space<vmem>>, vector<1x16xf32>,
    %swap3A_23 = vector.shape_cast %swap3A_22 : vector<1x16xf32> to vector<16xf32>
    %swap3A_24 = vector.shape_cast %broadcast_in_dim3A_1 : vector<16xf32> to vector<1x16xf32>
    tpu.vector_store %arg10[%swap3A_20, %swap3A_21], %swap3A_24 {strides = array<i32>} : memref<16x128xf32, #tpu.memory_space<vmem>>, vector<1x16xf32>,
    %swap3A_25 = arith.constant 0 : i32
    %swap3A_26 = arith.index_cast %swap3A_25 : i32 to index
    %swap3A_27 = arith.constant 64 : index
    %swap3A_28 = tpu.vector_load %arg10[%swap3A_26, %swap3A_27] {strides = array<i32>} : memref<16x128xf32, #tpu.memory_space<vmem>>, vector<1x16xf32>,
    %swap3A_29 = vector.shape_cast %swap3A_28 : vector<1x16xf32> to vector<16xf32>
    %swap3A_30 = vector.shape_cast %broadcast_in_dim3A_1 : vector<16xf32> to vector<1x16xf32>
    tpu.vector_store %arg10[%swap3A_26, %swap3A_27], %swap3A_30 {strides = array<i32>} : memref<16x128xf32, #tpu.memory_space<vmem>>, vector<1x16xf32>,
    %swap3A_31 = arith.constant 0 : i32
    %swap3A_32 = arith.index_cast %swap3A_31 : i32 to index
    %swap3A_33 = arith.constant 80 : index
    %swap3A_34 = tpu.vector_load %arg10[%swap3A_32, %swap3A_33] {strides = array<i32>} : memref<16x128xf32, #tpu.memory_space<vmem>>, vector<1x16xf32>,
    %swap3A_35 = vector.shape_cast %swap3A_34 : vector<1x16xf32> to vector<16xf32>
    %swap3A_36 = vector.shape_cast %broadcast_in_dim3A_1 : vector<16xf32> to vector<1x16xf32>
    tpu.vector_store %arg10[%swap3A_32, %swap3A_33], %swap3A_36 {strides = array<i32>} : memref<16x128xf32, #tpu.memory_space<vmem>>, vector<1x16xf32>,
    %swap3A_37 = arith.constant 0 : i32
    %swap3A_38 = arith.index_cast %swap3A_37 : i32 to index
    %swap3A_39 = arith.constant 96 : index
    %swap3A_40 = tpu.vector_load %arg10[%swap3A_38, %swap3A_39] {strides = array<i32>} : memref<16x128xf32, #tpu.memory_space<vmem>>, vector<1x16xf32>,
    %swap3A_41 = vector.shape_cast %swap3A_40 : vector<1x16xf32> to vector<16xf32>
    %swap3A_42 = vector.shape_cast %broadcast_in_dim3A_1 : vector<16xf32> to vector<1x16xf32>
    tpu.vector_store %arg10[%swap3A_38, %swap3A_39], %swap3A_42 {strides = array<i32>} : memref<16x128xf32, #tpu.memory_space<vmem>>, vector<1x16xf32>,
    %swap3A_43 = arith.constant 0 : i32
    %swap3A_44 = arith.index_cast %swap3A_43 : i32 to index
    %swap3A_45 = arith.constant 112 : index
    %swap3A_46 = tpu.vector_load %arg10[%swap3A_44, %swap3A_45] {strides = array<i32>} : memref<16x128xf32, #tpu.memory_space<vmem>>, vector<1x16xf32>,
    %swap3A_47 = vector.shape_cast %swap3A_46 : vector<1x16xf32> to vector<16xf32>
    %swap3A_48 = vector.shape_cast %broadcast_in_dim3A_1 : vector<16xf32> to vector<1x16xf32>
    tpu.vector_store %arg10[%swap3A_44, %swap3A_45], %swap3A_48 {strides = array<i32>} : memref<16x128xf32, #tpu.memory_space<vmem>>, vector<1x16xf32>,
    %swap3A_49 = arith.constant 1 : i32
    %swap3A_50 = arith.index_cast %swap3A_49 : i32 to index
    %swap3A_51 = arith.constant 0 : index
    %swap3A_52 = tpu.vector_load %arg10[%swap3A_50, %swap3A_51] {strides = array<i32>} : memref<16x128xf32, #tpu.memory_space<vmem>>, vector<1x16xf32>,
    %swap3A_53 = vector.shape_cast %swap3A_52 : vector<1x16xf32> to vector<16xf32>
    %swap3A_54 = vector.shape_cast %broadcast_in_dim3A_1 : vector<16xf32> to vector<1x16xf32>
    tpu.vector_store %arg10[%swap3A_50, %swap3A_51], %swap3A_54 {strides = array<i32>} : memref<16x128xf32, #tpu.memory_space<vmem>>, vector<1x16xf32>,
    %swap3A_55 = arith.constant 1 : i32
    %swap3A_56 = arith.index_cast %swap3A_55 : i32 to index
    %swap3A_57 = arith.constant 16 : index
    %swap3A_58 = tpu.vector_load %arg10[%swap3A_56, %swap3A_57] {strides = array<i32>} : memref<16x128xf32, #tpu.memory_space<vmem>>, vector<1x16xf32>,
    %swap3A_59 = vector.shape_cast %swap3A_58 : vector<1x16xf32> to vector<16xf32>
    %swap3A_60 = vector.shape_cast %broadcast_in_dim3A_1 : vector<16xf32> to vector<1x16xf32>
    tpu.vector_store %arg10[%swap3A_56, %swap3A_57], %swap3A_60 {strides = array<i32>} : memref<16x128xf32, #tpu.memory_space<vmem>>, vector<1x16xf32>,
    %swap3A_61 = arith.constant 1 : i32
    %swap3A_62 = arith.index_cast %swap3A_61 : i32 to index
    %swap3A_63 = arith.constant 32 : index
    %swap3A_64 = tpu.vector_load %arg10[%swap3A_62, %swap3A_63] {strides = array<i32>} : memref<16x128xf32, #tpu.memory_space<vmem>>, vector<1x16xf32>,
    %swap3A_65 = vector.shape_cast %swap3A_64 : vector<1x16xf32> to vector<16xf32>
    %swap3A_66 = vector.shape_cast %broadcast_in_dim3A_1 : vector<16xf32> to vector<1x16xf32>
    tpu.vector_store %arg10[%swap3A_62, %swap3A_63], %swap3A_66 {strides = array<i32>} : memref<16x128xf32, #tpu.memory_space<vmem>>, vector<1x16xf32>,
    %swap3A_67 = arith.constant 1 : i32
    %swap3A_68 = arith.index_cast %swap3A_67 : i32 to index
    %swap3A_69 = arith.constant 48 : index
    %swap3A_70 = tpu.vector_load %arg10[%swap3A_68, %swap3A_69] {strides = array<i32>} : memref<16x128xf32, #tpu.memory_space<vmem>>, vector<1x16xf32>,
    %swap3A_71 = vector.shape_cast %swap3A_70 : vector<1x16xf32> to vector<16xf32>
    %swap3A_72 = vector.shape_cast %broadcast_in_dim3A_1 : vector<16xf32> to vector<1x16xf32>
    tpu.vector_store %arg10[%swap3A_68, %swap3A_69], %swap3A_72 {strides = array<i32>} : memref<16x128xf32, #tpu.memory_space<vmem>>, vector<1x16xf32>,
    %swap3A_73 = arith.constant 1 : i32
    %swap3A_74 = arith.index_cast %swap3A_73 : i32 to index
    %swap3A_75 = arith.constant 64 : index
    %swap3A_76 = tpu.vector_load %arg10[%swap3A_74, %swap3A_75] {strides = array<i32>} : memref<16x128xf32, #tpu.memory_space<vmem>>, vector<1x16xf32>,
    %swap3A_77 = vector.shape_cast %swap3A_76 : vector<1x16xf32> to vector<16xf32>
    %swap3A_78 = vector.shape_cast %broadcast_in_dim3A_1 : vector<16xf32> to vector<1x16xf32>
    tpu.vector_store %arg10[%swap3A_74, %swap3A_75], %swap3A_78 {strides = array<i32>} : memref<16x128xf32, #tpu.memory_space<vmem>>, vector<1x16xf32>,
    %swap3A_79 = arith.constant 1 : i32
    %swap3A_80 = arith.index_cast %swap3A_79 : i32 to index
    %swap3A_81 = arith.constant 80 : index
    %swap3A_82 = tpu.vector_load %arg10[%swap3A_80, %swap3A_81] {strides = array<i32>} : memref<16x128xf32, #tpu.memory_space<vmem>>, vector<1x16xf32>,
    %swap3A_83 = vector.shape_cast %swap3A_82 : vector<1x16xf32> to vector<16xf32>
    %swap3A_84 = vector.shape_cast %broadcast_in_dim3A_1 : vector<16xf32> to vector<1x16xf32>
    tpu.vector_store %arg10[%swap3A_80, %swap3A_81], %swap3A_84 {strides = array<i32>} : memref<16x128xf32, #tpu.memory_space<vmem>>, vector<1x16xf32>,
    %swap3A_85 = arith.constant 1 : i32
    %swap3A_86 = arith.index_cast %swap3A_85 : i32 to index
    %swap3A_87 = arith.constant 96 : index
    %swap3A_88 = tpu.vector_load %arg10[%swap3A_86, %swap3A_87] {strides = array<i32>} : memref<16x128xf32, #tpu.memory_space<vmem>>, vector<1x16xf32>,
    %swap3A_89 = vector.shape_cast %swap3A_88 : vector<1x16xf32> to vector<16xf32>
    %swap3A_90 = vector.shape_cast %broadcast_in_dim3A_1 : vector<16xf32> to vector<1x16xf32>
    tpu.vector_store %arg10[%swap3A_86, %swap3A_87], %swap3A_90 {strides = array<i32>} : memref<16x128xf32, #tpu.memory_space<vmem>>, vector<1x16xf32>,
    %swap3A_91 = arith.constant 1 : i32
    %swap3A_92 = arith.index_cast %swap3A_91 : i32 to index
    %swap3A_93 = arith.constant 112 : index
    %swap3A_94 = tpu.vector_load %arg10[%swap3A_92, %swap3A_93] {strides = array<i32>} : memref<16x128xf32, #tpu.memory_space<vmem>>, vector<1x16xf32>,
    %swap3A_95 = vector.shape_cast %swap3A_94 : vector<1x16xf32> to vector<16xf32>
    %swap3A_96 = vector.shape_cast %broadcast_in_dim3A_1 : vector<16xf32> to vector<1x16xf32>
    tpu.vector_store %arg10[%swap3A_92, %swap3A_93], %swap3A_96 {strides = array<i32>} : memref<16x128xf32, #tpu.memory_space<vmem>>, vector<1x16xf32>,
    %swap3A_97 = arith.constant 2 : i32
    %swap3A_98 = arith.index_cast %swap3A_97 : i32 to index
    %swap3A_99 = arith.constant 0 : index
    %swap3A_100 = tpu.vector_load %arg10[%swap3A_98, %swap3A_99] {strides = array<i32>} : memref<16x128xf32, #tpu.memory_space<vmem>>, vector<1x16xf32>,
    %swap3A_101 = vector.shape_cast %swap3A_100 : vector<1x16xf32> to vector<16xf32>
    %swap3A_102 = vector.shape_cast %broadcast_in_dim3A_1 : vector<16xf32> to vector<1x16xf32>
    tpu.vector_store %arg10[%swap3A_98, %swap3A_99], %swap3A_102 {strides = array<i32>} : memref<16x128xf32, #tpu.memory_space<vmem>>, vector<1x16xf32>,
    %swap3A_103 = arith.constant 2 : i32
    %swap3A_104 = arith.index_cast %swap3A_103 : i32 to index
    %swap3A_105 = arith.constant 16 : index
    %swap3A_106 = tpu.vector_load %arg10[%swap3A_104, %swap3A_105] {strides = array<i32>} : memref<16x128xf32, #tpu.memory_space<vmem>>, vector<1x16xf32>,
    %swap3A_107 = vector.shape_cast %swap3A_106 : vector<1x16xf32> to vector<16xf32>
    %swap3A_108 = vector.shape_cast %broadcast_in_dim3A_1 : vector<16xf32> to vector<1x16xf32>
    tpu.vector_store %arg10[%swap3A_104, %swap3A_105], %swap3A_108 {strides = array<i32>} : memref<16x128xf32, #tpu.memory_space<vmem>>, vector<1x16xf32>,
    %swap3A_109 = arith.constant 2 : i32
    %swap3A_110 = arith.index_cast %swap3A_109 : i32 to index
    %swap3A_111 = arith.constant 32 : index
    %swap3A_112 = tpu.vector_load %arg10[%swap3A_110, %swap3A_111] {strides = array<i32>} : memref<16x128xf32, #tpu.memory_space<vmem>>, vector<1x16xf32>,
    %swap3A_113 = vector.shape_cast %swap3A_112 : vector<1x16xf32> to vector<16xf32>
    %swap3A_114 = vector.shape_cast %broadcast_in_dim3A_1 : vector<16xf32> to vector<1x16xf32>
    tpu.vector_store %arg10[%swap3A_110, %swap3A_111], %swap3A_114 {strides = array<i32>} : memref<16x128xf32, #tpu.memory_space<vmem>>, vector<1x16xf32>,
    %swap3A_115 = arith.constant 2 : i32
    %swap3A_116 = arith.index_cast %swap3A_115 : i32 to index
    %swap3A_117 = arith.constant 48 : index
    %swap3A_118 = tpu.vector_load %arg10[%swap3A_116, %swap3A_117] {strides = array<i32>} : memref<16x128xf32, #tpu.memory_space<vmem>>, vector<1x16xf32>,
    %swap3A_119 = vector.shape_cast %swap3A_118 : vector<1x16xf32> to vector<16xf32>
    %swap3A_120 = vector.shape_cast %broadcast_in_dim3A_1 : vector<16xf32> to vector<1x16xf32>
    tpu.vector_store %arg10[%swap3A_116, %swap3A_117], %swap3A_120 {strides = array<i32>} : memref<16x128xf32, #tpu.memory_space<vmem>>, vector<1x16xf32>,
    %swap3A_121 = arith.constant 2 : i32
    %swap3A_122 = arith.index_cast %swap3A_121 : i32 to index
    %swap3A_123 = arith.constant 64 : index
    %swap3A_124 = tpu.vector_load %arg10[%swap3A_122, %swap3A_123] {strides = array<i32>} : memref<16x128xf32, #tpu.memory_space<vmem>>, vector<1x16xf32>,
    %swap3A_125 = vector.shape_cast %swap3A_124 : vector<1x16xf32> to vector<16xf32>
    %swap3A_126 = vector.shape_cast %broadcast_in_dim3A_1 : vector<16xf32> to vector<1x16xf32>
    tpu.vector_store %arg10[%swap3A_122, %swap3A_123], %swap3A_126 {strides = array<i32>} : memref<16x128xf32, #tpu.memory_space<vmem>>, vector<1x16xf32>,
    %swap3A_127 = arith.constant 2 : i32
    %swap3A_128 = arith.index_cast %swap3A_127 : i32 to index
    %swap3A_129 = arith.constant 80 : index
    %swap3A_130 = tpu.vector_load %arg10[%swap3A_128, %swap3A_129] {strides = array<i32>} : memref<16x128xf32, #tpu.memory_space<vmem>>, vector<1x16xf32>,
    %swap3A_131 = vector.shape_cast %swap3A_130 : vector<1x16xf32> to vector<16xf32>
    %swap3A_132 = vector.shape_cast %broadcast_in_dim3A_1 : vector<16xf32> to vector<1x16xf32>
    tpu.vector_store %arg10[%swap3A_128, %swap3A_129], %swap3A_132 {strides = array<i32>} : memref<16x128xf32, #tpu.memory_space<vmem>>, vector<1x16xf32>,
    %swap3A_133 = arith.constant 2 : i32
    %swap3A_134 = arith.index_cast %swap3A_133 : i32 to index
    %swap3A_135 = arith.constant 96 : index
    %swap3A_136 = tpu.vector_load %arg10[%swap3A_134, %swap3A_135] {strides = array<i32>} : memref<16x128xf32, #tpu.memory_space<vmem>>, vector<1x16xf32>,
    %swap3A_137 = vector.shape_cast %swap3A_136 : vector<1x16xf32> to vector<16xf32>
    %swap3A_138 = vector.shape_cast %broadcast_in_dim3A_1 : vector<16xf32> to vector<1x16xf32>
    tpu.vector_store %arg10[%swap3A_134, %swap3A_135], %swap3A_138 {strides = array<i32>} : memref<16x128xf32, #tpu.memory_space<vmem>>, vector<1x16xf32>,
    %swap3A_139 = arith.constant 2 : i32
    %swap3A_140 = arith.index_cast %swap3A_139 : i32 to index
    %swap3A_141 = arith.constant 112 : index
    %swap3A_142 = tpu.vector_load %arg10[%swap3A_140, %swap3A_141] {strides = array<i32>} : memref<16x128xf32, #tpu.memory_space<vmem>>, vector<1x16xf32>,
    %swap3A_143 = vector.shape_cast %swap3A_142 : vector<1x16xf32> to vector<16xf32>
    %swap3A_144 = vector.shape_cast %broadcast_in_dim3A_1 : vector<16xf32> to vector<1x16xf32>
    tpu.vector_store %arg10[%swap3A_140, %swap3A_141], %swap3A_144 {strides = array<i32>} : memref<16x128xf32, #tpu.memory_space<vmem>>, vector<1x16xf32>,
    %swap3A_145 = arith.constant 3 : i32
    %swap3A_146 = arith.index_cast %swap3A_145 : i32 to index
    %swap3A_147 = arith.constant 0 : index
    %swap3A_148 = tpu.vector_load %arg10[%swap3A_146, %swap3A_147] {strides = array<i32>} : memref<16x128xf32, #tpu.memory_space<vmem>>, vector<1x16xf32>,
    %swap3A_149 = vector.shape_cast %swap3A_148 : vector<1x16xf32> to vector<16xf32>
    %swap3A_150 = vector.shape_cast %broadcast_in_dim3A_1 : vector<16xf32> to vector<1x16xf32>
    tpu.vector_store %arg10[%swap3A_146, %swap3A_147], %swap3A_150 {strides = array<i32>} : memref<16x128xf32, #tpu.memory_space<vmem>>, vector<1x16xf32>,
    %swap3A_151 = arith.constant 3 : i32
    %swap3A_152 = arith.index_cast %swap3A_151 : i32 to index
    %swap3A_153 = arith.constant 16 : index
    %swap3A_154 = tpu.vector_load %arg10[%swap3A_152, %swap3A_153] {strides = array<i32>} : memref<16x128xf32, #tpu.memory_space<vmem>>, vector<1x16xf32>,
    %swap3A_155 = vector.shape_cast %swap3A_154 : vector<1x16xf32> to vector<16xf32>
    %swap3A_156 = vector.shape_cast %broadcast_in_dim3A_1 : vector<16xf32> to vector<1x16xf32>
    tpu.vector_store %arg10[%swap3A_152, %swap3A_153], %swap3A_156 {strides = array<i32>} : memref<16x128xf32, #tpu.memory_space<vmem>>, vector<1x16xf32>,
    %swap3A_157 = arith.constant 3 : i32
    %swap3A_158 = arith.index_cast %swap3A_157 : i32 to index
    %swap3A_159 = arith.constant 32 : index
    %swap3A_160 = tpu.vector_load %arg10[%swap3A_158, %swap3A_159] {strides = array<i32>} : memref<16x128xf32, #tpu.memory_space<vmem>>, vector<1x16xf32>,
    %swap3A_161 = vector.shape_cast %swap3A_160 : vector<1x16xf32> to vector<16xf32>
    %swap3A_162 = vector.shape_cast %broadcast_in_dim3A_1 : vector<16xf32> to vector<1x16xf32>
    tpu.vector_store %arg10[%swap3A_158, %swap3A_159], %swap3A_162 {strides = array<i32>} : memref<16x128xf32, #tpu.memory_space<vmem>>, vector<1x16xf32>,
    %swap3A_163 = arith.constant 3 : i32
    %swap3A_164 = arith.index_cast %swap3A_163 : i32 to index
    %swap3A_165 = arith.constant 48 : index
    %swap3A_166 = tpu.vector_load %arg10[%swap3A_164, %swap3A_165] {strides = array<i32>} : memref<16x128xf32, #tpu.memory_space<vmem>>, vector<1x16xf32>,
    %swap3A_167 = vector.shape_cast %swap3A_166 : vector<1x16xf32> to vector<16xf32>
    %swap3A_168 = vector.shape_cast %broadcast_in_dim3A_1 : vector<16xf32> to vector<1x16xf32>
    tpu.vector_store %arg10[%swap3A_164, %swap3A_165], %swap3A_168 {strides = array<i32>} : memref<16x128xf32, #tpu.memory_space<vmem>>, vector<1x16xf32>,
    %swap3A_169 = arith.constant 3 : i32
    %swap3A_170 = arith.index_cast %swap3A_169 : i32 to index
    %swap3A_171 = arith.constant 64 : index
    %swap3A_172 = tpu.vector_load %arg10[%swap3A_170, %swap3A_171] {strides = array<i32>} : memref<16x128xf32, #tpu.memory_space<vmem>>, vector<1x16xf32>,
    %swap3A_173 = vector.shape_cast %swap3A_172 : vector<1x16xf32> to vector<16xf32>
    %swap3A_174 = vector.shape_cast %broadcast_in_dim3A_1 : vector<16xf32> to vector<1x16xf32>
    tpu.vector_store %arg10[%swap3A_170, %swap3A_171], %swap3A_174 {strides = array<i32>} : memref<16x128xf32, #tpu.memory_space<vmem>>, vector<1x16xf32>,
    %swap3A_175 = arith.constant 3 : i32
    %swap3A_176 = arith.index_cast %swap3A_175 : i32 to index
    %swap3A_177 = arith.constant 80 : index
    %swap3A_178 = tpu.vector_load %arg10[%swap3A_176, %swap3A_177] {strides = array<i32>} : memref<16x128xf32, #tpu.memory_space<vmem>>, vector<1x16xf32>,
    %swap3A_179 = vector.shape_cast %swap3A_178 : vector<1x16xf32> to vector<16xf32>
    %swap3A_180 = vector.shape_cast %broadcast_in_dim3A_1 : vector<16xf32> to vector<1x16xf32>
    tpu.vector_store %arg10[%swap3A_176, %swap3A_177], %swap3A_180 {strides = array<i32>} : memref<16x128xf32, #tpu.memory_space<vmem>>, vector<1x16xf32>,
    %swap3A_181 = arith.constant 3 : i32
    %swap3A_182 = arith.index_cast %swap3A_181 : i32 to index
    %swap3A_183 = arith.constant 96 : index
    %swap3A_184 = tpu.vector_load %arg10[%swap3A_182, %swap3A_183] {strides = array<i32>} : memref<16x128xf32, #tpu.memory_space<vmem>>, vector<1x16xf32>,
    %swap3A_185 = vector.shape_cast %swap3A_184 : vector<1x16xf32> to vector<16xf32>
    %swap3A_186 = vector.shape_cast %broadcast_in_dim3A_1 : vector<16xf32> to vector<1x16xf32>
    tpu.vector_store %arg10[%swap3A_182, %swap3A_183], %swap3A_186 {strides = array<i32>} : memref<16x128xf32, #tpu.memory_space<vmem>>, vector<1x16xf32>,
    %swap3A_187 = arith.constant 3 : i32
    %swap3A_188 = arith.index_cast %swap3A_187 : i32 to index
    %swap3A_189 = arith.constant 112 : index
    %swap3A_190 = tpu.vector_load %arg10[%swap3A_188, %swap3A_189] {strides = array<i32>} : memref<16x128xf32, #tpu.memory_space<vmem>>, vector<1x16xf32>,
    %swap3A_191 = vector.shape_cast %swap3A_190 : vector<1x16xf32> to vector<16xf32>
    %swap3A_192 = vector.shape_cast %broadcast_in_dim3A_1 : vector<16xf32> to vector<1x16xf32>
    tpu.vector_store %arg10[%swap3A_188, %swap3A_189], %swap3A_192 {strides = array<i32>} : memref<16x128xf32, #tpu.memory_space<vmem>>, vector<1x16xf32>,
    %swap3A_193 = arith.constant 4 : i32
    %swap3A_194 = arith.index_cast %swap3A_193 : i32 to index
    %swap3A_195 = arith.constant 0 : index
    %swap3A_196 = tpu.vector_load %arg10[%swap3A_194, %swap3A_195] {strides = array<i32>} : memref<16x128xf32, #tpu.memory_space<vmem>>, vector<1x16xf32>,
    %swap3A_197 = vector.shape_cast %swap3A_196 : vector<1x16xf32> to vector<16xf32>
    %swap3A_198 = vector.shape_cast %broadcast_in_dim3A_1 : vector<16xf32> to vector<1x16xf32>
    tpu.vector_store %arg10[%swap3A_194, %swap3A_195], %swap3A_198 {strides = array<i32>} : memref<16x128xf32, #tpu.memory_space<vmem>>, vector<1x16xf32>,
    %swap3A_199 = arith.constant 4 : i32
    %swap3A_200 = arith.index_cast %swap3A_199 : i32 to index
    %swap3A_201 = arith.constant 16 : index
    %swap3A_202 = tpu.vector_load %arg10[%swap3A_200, %swap3A_201] {strides = array<i32>} : memref<16x128xf32, #tpu.memory_space<vmem>>, vector<1x16xf32>,
    %swap3A_203 = vector.shape_cast %swap3A_202 : vector<1x16xf32> to vector<16xf32>
    %swap3A_204 = vector.shape_cast %broadcast_in_dim3A_1 : vector<16xf32> to vector<1x16xf32>
    tpu.vector_store %arg10[%swap3A_200, %swap3A_201], %swap3A_204 {strides = array<i32>} : memref<16x128xf32, #tpu.memory_space<vmem>>, vector<1x16xf32>,
    %swap3A_205 = arith.constant 4 : i32
    %swap3A_206 = arith.index_cast %swap3A_205 : i32 to index
    %swap3A_207 = arith.constant 32 : index
    %swap3A_208 = tpu.vector_load %arg10[%swap3A_206, %swap3A_207] {strides = array<i32>} : memref<16x128xf32, #tpu.memory_space<vmem>>, vector<1x16xf32>,
    %swap3A_209 = vector.shape_cast %swap3A_208 : vector<1x16xf32> to vector<16xf32>
    %swap3A_210 = vector.shape_cast %broadcast_in_dim3A_1 : vector<16xf32> to vector<1x16xf32>
    tpu.vector_store %arg10[%swap3A_206, %swap3A_207], %swap3A_210 {strides = array<i32>} : memref<16x128xf32, #tpu.memory_space<vmem>>, vector<1x16xf32>,
    %swap3A_211 = arith.constant 4 : i32
    %swap3A_212 = arith.index_cast %swap3A_211 : i32 to index
    %swap3A_213 = arith.constant 48 : index
    %swap3A_214 = tpu.vector_load %arg10[%swap3A_212, %swap3A_213] {strides = array<i32>} : memref<16x128xf32, #tpu.memory_space<vmem>>, vector<1x16xf32>,
    %swap3A_215 = vector.shape_cast %swap3A_214 : vector<1x16xf32> to vector<16xf32>
    %swap3A_216 = vector.shape_cast %broadcast_in_dim3A_1 : vector<16xf32> to vector<1x16xf32>
    tpu.vector_store %arg10[%swap3A_212, %swap3A_213], %swap3A_216 {strides = array<i32>} : memref<16x128xf32, #tpu.memory_space<vmem>>, vector<1x16xf32>,
    %swap3A_217 = arith.constant 4 : i32
    %swap3A_218 = arith.index_cast %swap3A_217 : i32 to index
    %swap3A_219 = arith.constant 64 : index
    %swap3A_220 = tpu.vector_load %arg10[%swap3A_218, %swap3A_219] {strides = array<i32>} : memref<16x128xf32, #tpu.memory_space<vmem>>, vector<1x16xf32>,
    %swap3A_221 = vector.shape_cast %swap3A_220 : vector<1x16xf32> to vector<16xf32>
    %swap3A_222 = vector.shape_cast %broadcast_in_dim3A_1 : vector<16xf32> to vector<1x16xf32>
    tpu.vector_store %arg10[%swap3A_218, %swap3A_219], %swap3A_222 {strides = array<i32>} : memref<16x128xf32, #tpu.memory_space<vmem>>, vector<1x16xf32>,
    %swap3A_223 = arith.constant 4 : i32
    %swap3A_224 = arith.index_cast %swap3A_223 : i32 to index
    %swap3A_225 = arith.constant 80 : index
    %swap3A_226 = tpu.vector_load %arg10[%swap3A_224, %swap3A_225] {strides = array<i32>} : memref<16x128xf32, #tpu.memory_space<vmem>>, vector<1x16xf32>,
    %swap3A_227 = vector.shape_cast %swap3A_226 : vector<1x16xf32> to vector<16xf32>
    %swap3A_228 = vector.shape_cast %broadcast_in_dim3A_1 : vector<16xf32> to vector<1x16xf32>
    tpu.vector_store %arg10[%swap3A_224, %swap3A_225], %swap3A_228 {strides = array<i32>} : memref<16x128xf32, #tpu.memory_space<vmem>>, vector<1x16xf32>,
    %swap3A_229 = arith.constant 4 : i32
    %swap3A_230 = arith.index_cast %swap3A_229 : i32 to index
    %swap3A_231 = arith.constant 96 : index
    %swap3A_232 = tpu.vector_load %arg10[%swap3A_230, %swap3A_231] {strides = array<i32>} : memref<16x128xf32, #tpu.memory_space<vmem>>, vector<1x16xf32>,
    %swap3A_233 = vector.shape_cast %swap3A_232 : vector<1x16xf32> to vector<16xf32>
    %swap3A_234 = vector.shape_cast %broadcast_in_dim3A_1 : vector<16xf32> to vector<1x16xf32>
    tpu.vector_store %arg10[%swap3A_230, %swap3A_231], %swap3A_234 {strides = array<i32>} : memref<16x128xf32, #tpu.memory_space<vmem>>, vector<1x16xf32>,
    %swap3A_235 = arith.constant 4 : i32
    %swap3A_236 = arith.index_cast %swap3A_235 : i32 to index
    %swap3A_237 = arith.constant 112 : index
    %swap3A_238 = tpu.vector_load %arg10[%swap3A_236, %swap3A_237] {strides = array<i32>} : memref<16x128xf32, #tpu.memory_space<vmem>>, vector<1x16xf32>,
    %swap3A_239 = vector.shape_cast %swap3A_238 : vector<1x16xf32> to vector<16xf32>
    %swap3A_240 = vector.shape_cast %broadcast_in_dim3A_1 : vector<16xf32> to vector<1x16xf32>
    tpu.vector_store %arg10[%swap3A_236, %swap3A_237], %swap3A_240 {strides = array<i32>} : memref<16x128xf32, #tpu.memory_space<vmem>>, vector<1x16xf32>,
    %swap3A_241 = arith.constant 5 : i32
    %swap3A_242 = arith.index_cast %swap3A_241 : i32 to index
    %swap3A_243 = arith.constant 0 : index
    %swap3A_244 = tpu.vector_load %arg10[%swap3A_242, %swap3A_243] {strides = array<i32>} : memref<16x128xf32, #tpu.memory_space<vmem>>, vector<1x16xf32>,
    %swap3A_245 = vector.shape_cast %swap3A_244 : vector<1x16xf32> to vector<16xf32>
    %swap3A_246 = vector.shape_cast %broadcast_in_dim3A_1 : vector<16xf32> to vector<1x16xf32>
    tpu.vector_store %arg10[%swap3A_242, %swap3A_243], %swap3A_246 {strides = array<i32>} : memref<16x128xf32, #tpu.memory_space<vmem>>, vector<1x16xf32>,
    %swap3A_247 = arith.constant 5 : i32
    %swap3A_248 = arith.index_cast %swap3A_247 : i32 to index
    %swap3A_249 = arith.constant 16 : index
    %swap3A_250 = tpu.vector_load %arg10[%swap3A_248, %swap3A_249] {strides = array<i32>} : memref<16x128xf32, #tpu.memory_space<vmem>>, vector<1x16xf32>,
    %swap3A_251 = vector.shape_cast %swap3A_250 : vector<1x16xf32> to vector<16xf32>
    %swap3A_252 = vector.shape_cast %broadcast_in_dim3A_1 : vector<16xf32> to vector<1x16xf32>
    tpu.vector_store %arg10[%swap3A_248, %swap3A_249], %swap3A_252 {strides = array<i32>} : memref<16x128xf32, #tpu.memory_space<vmem>>, vector<1x16xf32>,
    %swap3A_253 = arith.constant 5 : i32
    %swap3A_254 = arith.index_cast %swap3A_253 : i32 to index
    %swap3A_255 = arith.constant 32 : index
    %swap3A_256 = tpu.vector_load %arg10[%swap3A_254, %swap3A_255] {strides = array<i32>} : memref<16x128xf32, #tpu.memory_space<vmem>>, vector<1x16xf32>,
    %swap3A_257 = vector.shape_cast %swap3A_256 : vector<1x16xf32> to vector<16xf32>
    %swap3A_258 = vector.shape_cast %broadcast_in_dim3A_1 : vector<16xf32> to vector<1x16xf32>
    tpu.vector_store %arg10[%swap3A_254, %swap3A_255], %swap3A_258 {strides = array<i32>} : memref<16x128xf32, #tpu.memory_space<vmem>>, vector<1x16xf32>,
    %swap3A_259 = arith.constant 5 : i32
    %swap3A_260 = arith.index_cast %swap3A_259 : i32 to index
    %swap3A_261 = arith.constant 48 : index
    %swap3A_262 = tpu.vector_load %arg10[%swap3A_260, %swap3A_261] {strides = array<i32>} : memref<16x128xf32, #tpu.memory_space<vmem>>, vector<1x16xf32>,
    %swap3A_263 = vector.shape_cast %swap3A_262 : vector<1x16xf32> to vector<16xf32>
    %swap3A_264 = vector.shape_cast %broadcast_in_dim3A_1 : vector<16xf32> to vector<1x16xf32>
    tpu.vector_store %arg10[%swap3A_260, %swap3A_261], %swap3A_264 {strides = array<i32>} : memref<16x128xf32, #tpu.memory_space<vmem>>, vector<1x16xf32>,
    %swap3A_265 = arith.constant 5 : i32
    %swap3A_266 = arith.index_cast %swap3A_265 : i32 to index
    %swap3A_267 = arith.constant 64 : index
    %swap3A_268 = tpu.vector_load %arg10[%swap3A_266, %swap3A_267] {strides = array<i32>} : memref<16x128xf32, #tpu.memory_space<vmem>>, vector<1x16xf32>,
    %swap3A_269 = vector.shape_cast %swap3A_268 : vector<1x16xf32> to vector<16xf32>
    %swap3A_270 = vector.shape_cast %broadcast_in_dim3A_1 : vector<16xf32> to vector<1x16xf32>
    tpu.vector_store %arg10[%swap3A_266, %swap3A_267], %swap3A_270 {strides = array<i32>} : memref<16x128xf32, #tpu.memory_space<vmem>>, vector<1x16xf32>,
    %swap3A_271 = arith.constant 5 : i32
    %swap3A_272 = arith.index_cast %swap3A_271 : i32 to index
    %swap3A_273 = arith.constant 80 : index
    %swap3A_274 = tpu.vector_load %arg10[%swap3A_272, %swap3A_273] {strides = array<i32>} : memref<16x128xf32, #tpu.memory_space<vmem>>, vector<1x16xf32>,
    %swap3A_275 = vector.shape_cast %swap3A_274 : vector<1x16xf32> to vector<16xf32>
    %swap3A_276 = vector.shape_cast %broadcast_in_dim3A_1 : vector<16xf32> to vector<1x16xf32>
    tpu.vector_store %arg10[%swap3A_272, %swap3A_273], %swap3A_276 {strides = array<i32>} : memref<16x128xf32, #tpu.memory_space<vmem>>, vector<1x16xf32>,
    %swap3A_277 = arith.constant 5 : i32
    %swap3A_278 = arith.index_cast %swap3A_277 : i32 to index
    %swap3A_279 = arith.constant 96 : index
    %swap3A_280 = tpu.vector_load %arg10[%swap3A_278, %swap3A_279] {strides = array<i32>} : memref<16x128xf32, #tpu.memory_space<vmem>>, vector<1x16xf32>,
    %swap3A_281 = vector.shape_cast %swap3A_280 : vector<1x16xf32> to vector<16xf32>
    %swap3A_282 = vector.shape_cast %broadcast_in_dim3A_1 : vector<16xf32> to vector<1x16xf32>
    tpu.vector_store %arg10[%swap3A_278, %swap3A_279], %swap3A_282 {strides = array<i32>} : memref<16x128xf32, #tpu.memory_space<vmem>>, vector<1x16xf32>,
    %swap3A_283 = arith.constant 5 : i32
    %swap3A_284 = arith.index_cast %swap3A_283 : i32 to index
    %swap3A_285 = arith.constant 112 : index
    %swap3A_286 = tpu.vector_load %arg10[%swap3A_284, %swap3A_285] {strides = array<i32>} : memref<16x128xf32, #tpu.memory_space<vmem>>, vector<1x16xf32>,
    %swap3A_287 = vector.shape_cast %swap3A_286 : vector<1x16xf32> to vector<16xf32>
    %swap3A_288 = vector.shape_cast %broadcast_in_dim3A_1 : vector<16xf32> to vector<1x16xf32>
    tpu.vector_store %arg10[%swap3A_284, %swap3A_285], %swap3A_288 {strides = array<i32>} : memref<16x128xf32, #tpu.memory_space<vmem>>, vector<1x16xf32>,
    %swap3A_289 = arith.constant 6 : i32
    %swap3A_290 = arith.index_cast %swap3A_289 : i32 to index
    %swap3A_291 = arith.constant 0 : index
    %swap3A_292 = tpu.vector_load %arg10[%swap3A_290, %swap3A_291] {strides = array<i32>} : memref<16x128xf32, #tpu.memory_space<vmem>>, vector<1x16xf32>,
    %swap3A_293 = vector.shape_cast %swap3A_292 : vector<1x16xf32> to vector<16xf32>
    %swap3A_294 = vector.shape_cast %broadcast_in_dim3A_1 : vector<16xf32> to vector<1x16xf32>
    tpu.vector_store %arg10[%swap3A_290, %swap3A_291], %swap3A_294 {strides = array<i32>} : memref<16x128xf32, #tpu.memory_space<vmem>>, vector<1x16xf32>,
    %swap3A_295 = arith.constant 6 : i32
    %swap3A_296 = arith.index_cast %swap3A_295 : i32 to index
    %swap3A_297 = arith.constant 16 : index
    %swap3A_298 = tpu.vector_load %arg10[%swap3A_296, %swap3A_297] {strides = array<i32>} : memref<16x128xf32, #tpu.memory_space<vmem>>, vector<1x16xf32>,
    %swap3A_299 = vector.shape_cast %swap3A_298 : vector<1x16xf32> to vector<16xf32>
    %swap3A_300 = vector.shape_cast %broadcast_in_dim3A_1 : vector<16xf32> to vector<1x16xf32>
    tpu.vector_store %arg10[%swap3A_296, %swap3A_297], %swap3A_300 {strides = array<i32>} : memref<16x128xf32, #tpu.memory_space<vmem>>, vector<1x16xf32>,
    %swap3A_301 = arith.constant 6 : i32
    %swap3A_302 = arith.index_cast %swap3A_301 : i32 to index
    %swap3A_303 = arith.constant 32 : index
    %swap3A_304 = tpu.vector_load %arg10[%swap3A_302, %swap3A_303] {strides = array<i32>} : memref<16x128xf32, #tpu.memory_space<vmem>>, vector<1x16xf32>,
    %swap3A_305 = vector.shape_cast %swap3A_304 : vector<1x16xf32> to vector<16xf32>
    %swap3A_306 = vector.shape_cast %broadcast_in_dim3A_1 : vector<16xf32> to vector<1x16xf32>
    tpu.vector_store %arg10[%swap3A_302, %swap3A_303], %swap3A_306 {strides = array<i32>} : memref<16x128xf32, #tpu.memory_space<vmem>>, vector<1x16xf32>,
    %swap3A_307 = arith.constant 6 : i32
    %swap3A_308 = arith.index_cast %swap3A_307 : i32 to index
    %swap3A_309 = arith.constant 48 : index
    %swap3A_310 = tpu.vector_load %arg10[%swap3A_308, %swap3A_309] {strides = array<i32>} : memref<16x128xf32, #tpu.memory_space<vmem>>, vector<1x16xf32>,
    %swap3A_311 = vector.shape_cast %swap3A_310 : vector<1x16xf32> to vector<16xf32>
    %swap3A_312 = vector.shape_cast %broadcast_in_dim3A_1 : vector<16xf32> to vector<1x16xf32>
    tpu.vector_store %arg10[%swap3A_308, %swap3A_309], %swap3A_312 {strides = array<i32>} : memref<16x128xf32, #tpu.memory_space<vmem>>, vector<1x16xf32>,
    %swap3A_313 = arith.constant 6 : i32
    %swap3A_314 = arith.index_cast %swap3A_313 : i32 to index
    %swap3A_315 = arith.constant 64 : index
    %swap3A_316 = tpu.vector_load %arg10[%swap3A_314, %swap3A_315] {strides = array<i32>} : memref<16x128xf32, #tpu.memory_space<vmem>>, vector<1x16xf32>,
    %swap3A_317 = vector.shape_cast %swap3A_316 : vector<1x16xf32> to vector<16xf32>
    %swap3A_318 = vector.shape_cast %broadcast_in_dim3A_1 : vector<16xf32> to vector<1x16xf32>
    tpu.vector_store %arg10[%swap3A_314, %swap3A_315], %swap3A_318 {strides = array<i32>} : memref<16x128xf32, #tpu.memory_space<vmem>>, vector<1x16xf32>,
    %swap3A_319 = arith.constant 6 : i32
    %swap3A_320 = arith.index_cast %swap3A_319 : i32 to index
    %swap3A_321 = arith.constant 80 : index
    %swap3A_322 = tpu.vector_load %arg10[%swap3A_320, %swap3A_321] {strides = array<i32>} : memref<16x128xf32, #tpu.memory_space<vmem>>, vector<1x16xf32>,
    %swap3A_323 = vector.shape_cast %swap3A_322 : vector<1x16xf32> to vector<16xf32>
    %swap3A_324 = vector.shape_cast %broadcast_in_dim3A_1 : vector<16xf32> to vector<1x16xf32>
    tpu.vector_store %arg10[%swap3A_320, %swap3A_321], %swap3A_324 {strides = array<i32>} : memref<16x128xf32, #tpu.memory_space<vmem>>, vector<1x16xf32>,
    %swap3A_325 = arith.constant 6 : i32
    %swap3A_326 = arith.index_cast %swap3A_325 : i32 to index
    %swap3A_327 = arith.constant 96 : index
    %swap3A_328 = tpu.vector_load %arg10[%swap3A_326, %swap3A_327] {strides = array<i32>} : memref<16x128xf32, #tpu.memory_space<vmem>>, vector<1x16xf32>,
    %swap3A_329 = vector.shape_cast %swap3A_328 : vector<1x16xf32> to vector<16xf32>
    %swap3A_330 = vector.shape_cast %broadcast_in_dim3A_1 : vector<16xf32> to vector<1x16xf32>
    tpu.vector_store %arg10[%swap3A_326, %swap3A_327], %swap3A_330 {strides = array<i32>} : memref<16x128xf32, #tpu.memory_space<vmem>>, vector<1x16xf32>,
    %swap3A_331 = arith.constant 6 : i32
    %swap3A_332 = arith.index_cast %swap3A_331 : i32 to index
    %swap3A_333 = arith.constant 112 : index
    %swap3A_334 = tpu.vector_load %arg10[%swap3A_332, %swap3A_333] {strides = array<i32>} : memref<16x128xf32, #tpu.memory_space<vmem>>, vector<1x16xf32>,
    %swap3A_335 = vector.shape_cast %swap3A_334 : vector<1x16xf32> to vector<16xf32>
    %swap3A_336 = vector.shape_cast %broadcast_in_dim3A_1 : vector<16xf32> to vector<1x16xf32>
    tpu.vector_store %arg10[%swap3A_332, %swap3A_333], %swap3A_336 {strides = array<i32>} : memref<16x128xf32, #tpu.memory_space<vmem>>, vector<1x16xf32>,
    %swap3A_337 = arith.constant 7 : i32
    %swap3A_338 = arith.index_cast %swap3A_337 : i32 to index
    %swap3A_339 = arith.constant 0 : index
    %swap3A_340 = tpu.vector_load %arg10[%swap3A_338, %swap3A_339] {strides = array<i32>} : memref<16x128xf32, #tpu.memory_space<vmem>>, vector<1x16xf32>,
    %swap3A_341 = vector.shape_cast %swap3A_340 : vector<1x16xf32> to vector<16xf32>
    %swap3A_342 = vector.shape_cast %broadcast_in_dim3A_1 : vector<16xf32> to vector<1x16xf32>
    tpu.vector_store %arg10[%swap3A_338, %swap3A_339], %swap3A_342 {strides = array<i32>} : memref<16x128xf32, #tpu.memory_space<vmem>>, vector<1x16xf32>,
    %swap3A_343 = arith.constant 7 : i32
    %swap3A_344 = arith.index_cast %swap3A_343 : i32 to index
    %swap3A_345 = arith.constant 16 : index
    %swap3A_346 = tpu.vector_load %arg10[%swap3A_344, %swap3A_345] {strides = array<i32>} : memref<16x128xf32, #tpu.memory_space<vmem>>, vector<1x16xf32>,
    %swap3A_347 = vector.shape_cast %swap3A_346 : vector<1x16xf32> to vector<16xf32>
    %swap3A_348 = vector.shape_cast %broadcast_in_dim3A_1 : vector<16xf32> to vector<1x16xf32>
    tpu.vector_store %arg10[%swap3A_344, %swap3A_345], %swap3A_348 {strides = array<i32>} : memref<16x128xf32, #tpu.memory_space<vmem>>, vector<1x16xf32>,
    %swap3A_349 = arith.constant 7 : i32
    %swap3A_350 = arith.index_cast %swap3A_349 : i32 to index
    %swap3A_351 = arith.constant 32 : index
    %swap3A_352 = tpu.vector_load %arg10[%swap3A_350, %swap3A_351] {strides = array<i32>} : memref<16x128xf32, #tpu.memory_space<vmem>>, vector<1x16xf32>,
    %swap3A_353 = vector.shape_cast %swap3A_352 : vector<1x16xf32> to vector<16xf32>
    %swap3A_354 = vector.shape_cast %broadcast_in_dim3A_1 : vector<16xf32> to vector<1x16xf32>
    tpu.vector_store %arg10[%swap3A_350, %swap3A_351], %swap3A_354 {strides = array<i32>} : memref<16x128xf32, #tpu.memory_space<vmem>>, vector<1x16xf32>,
    %swap3A_355 = arith.constant 7 : i32
    %swap3A_356 = arith.index_cast %swap3A_355 : i32 to index
    %swap3A_357 = arith.constant 48 : index
    %swap3A_358 = tpu.vector_load %arg10[%swap3A_356, %swap3A_357] {strides = array<i32>} : memref<16x128xf32, #tpu.memory_space<vmem>>, vector<1x16xf32>,
    %swap3A_359 = vector.shape_cast %swap3A_358 : vector<1x16xf32> to vector<16xf32>
    %swap3A_360 = vector.shape_cast %broadcast_in_dim3A_1 : vector<16xf32> to vector<1x16xf32>
    tpu.vector_store %arg10[%swap3A_356, %swap3A_357], %swap3A_360 {strides = array<i32>} : memref<16x128xf32, #tpu.memory_space<vmem>>, vector<1x16xf32>,
    %swap3A_361 = arith.constant 7 : i32
    %swap3A_362 = arith.index_cast %swap3A_361 : i32 to index
    %swap3A_363 = arith.constant 64 : index
    %swap3A_364 = tpu.vector_load %arg10[%swap3A_362, %swap3A_363] {strides = array<i32>} : memref<16x128xf32, #tpu.memory_space<vmem>>, vector<1x16xf32>,
    %swap3A_365 = vector.shape_cast %swap3A_364 : vector<1x16xf32> to vector<16xf32>
    %swap3A_366 = vector.shape_cast %broadcast_in_dim3A_1 : vector<16xf32> to vector<1x16xf32>
    tpu.vector_store %arg10[%swap3A_362, %swap3A_363], %swap3A_366 {strides = array<i32>} : memref<16x128xf32, #tpu.memory_space<vmem>>, vector<1x16xf32>,
    %swap3A_367 = arith.constant 7 : i32
    %swap3A_368 = arith.index_cast %swap3A_367 : i32 to index
    %swap3A_369 = arith.constant 80 : index
    %swap3A_370 = tpu.vector_load %arg10[%swap3A_368, %swap3A_369] {strides = array<i32>} : memref<16x128xf32, #tpu.memory_space<vmem>>, vector<1x16xf32>,
    %swap3A_371 = vector.shape_cast %swap3A_370 : vector<1x16xf32> to vector<16xf32>
    %swap3A_372 = vector.shape_cast %broadcast_in_dim3A_1 : vector<16xf32> to vector<1x16xf32>
    tpu.vector_store %arg10[%swap3A_368, %swap3A_369], %swap3A_372 {strides = array<i32>} : memref<16x128xf32, #tpu.memory_space<vmem>>, vector<1x16xf32>,
    %swap3A_373 = arith.constant 7 : i32
    %swap3A_374 = arith.index_cast %swap3A_373 : i32 to index
    %swap3A_375 = arith.constant 96 : index
    %swap3A_376 = tpu.vector_load %arg10[%swap3A_374, %swap3A_375] {strides = array<i32>} : memref<16x128xf32, #tpu.memory_space<vmem>>, vector<1x16xf32>,
    %swap3A_377 = vector.shape_cast %swap3A_376 : vector<1x16xf32> to vector<16xf32>
    %swap3A_378 = vector.shape_cast %broadcast_in_dim3A_1 : vector<16xf32> to vector<1x16xf32>
    tpu.vector_store %arg10[%swap3A_374, %swap3A_375], %swap3A_378 {strides = array<i32>} : memref<16x128xf32, #tpu.memory_space<vmem>>, vector<1x16xf32>,
    %swap3A_379 = arith.constant 7 : i32
    %swap3A_380 = arith.index_cast %swap3A_379 : i32 to index
    %swap3A_381 = arith.constant 112 : index
    %swap3A_382 = tpu.vector_load %arg10[%swap3A_380, %swap3A_381] {strides = array<i32>} : memref<16x128xf32, #tpu.memory_space<vmem>>, vector<1x16xf32>,
    %swap3A_383 = vector.shape_cast %swap3A_382 : vector<1x16xf32> to vector<16xf32>
    %swap3A_384 = vector.shape_cast %broadcast_in_dim3A_1 : vector<16xf32> to vector<1x16xf32>
    tpu.vector_store %arg10[%swap3A_380, %swap3A_381], %swap3A_384 {strides = array<i32>} : memref<16x128xf32, #tpu.memory_space<vmem>>, vector<1x16xf32>,
    %swap3A_385 = arith.constant 8 : i32
    %swap3A_386 = arith.index_cast %swap3A_385 : i32 to index
    %swap3A_387 = arith.constant 0 : index
    %swap3A_388 = tpu.vector_load %arg10[%swap3A_386, %swap3A_387] {strides = array<i32>} : memref<16x128xf32, #tpu.memory_space<vmem>>, vector<1x16xf32>,
    %swap3A_389 = vector.shape_cast %swap3A_388 : vector<1x16xf32> to vector<16xf32>
    %swap3A_390 = vector.shape_cast %broadcast_in_dim3A_1 : vector<16xf32> to vector<1x16xf32>
    tpu.vector_store %arg10[%swap3A_386, %swap3A_387], %swap3A_390 {strides = array<i32>} : memref<16x128xf32, #tpu.memory_space<vmem>>, vector<1x16xf32>,
    %swap3A_391 = arith.constant 8 : i32
    %swap3A_392 = arith.index_cast %swap3A_391 : i32 to index
    %swap3A_393 = arith.constant 16 : index
    %swap3A_394 = tpu.vector_load %arg10[%swap3A_392, %swap3A_393] {strides = array<i32>} : memref<16x128xf32, #tpu.memory_space<vmem>>, vector<1x16xf32>,
    %swap3A_395 = vector.shape_cast %swap3A_394 : vector<1x16xf32> to vector<16xf32>
    %swap3A_396 = vector.shape_cast %broadcast_in_dim3A_1 : vector<16xf32> to vector<1x16xf32>
    tpu.vector_store %arg10[%swap3A_392, %swap3A_393], %swap3A_396 {strides = array<i32>} : memref<16x128xf32, #tpu.memory_space<vmem>>, vector<1x16xf32>,
    %swap3A_397 = arith.constant 8 : i32
    %swap3A_398 = arith.index_cast %swap3A_397 : i32 to index
    %swap3A_399 = arith.constant 32 : index
    %swap3A_400 = tpu.vector_load %arg10[%swap3A_398, %swap3A_399] {strides = array<i32>} : memref<16x128xf32, #tpu.memory_space<vmem>>, vector<1x16xf32>,
    %swap3A_401 = vector.shape_cast %swap3A_400 : vector<1x16xf32> to vector<16xf32>
    %swap3A_402 = vector.shape_cast %broadcast_in_dim3A_1 : vector<16xf32> to vector<1x16xf32>
    tpu.vector_store %arg10[%swap3A_398, %swap3A_399], %swap3A_402 {strides = array<i32>} : memref<16x128xf32, #tpu.memory_space<vmem>>, vector<1x16xf32>,
    %swap3A_403 = arith.constant 8 : i32
    %swap3A_404 = arith.index_cast %swap3A_403 : i32 to index
    %swap3A_405 = arith.constant 48 : index
    %swap3A_406 = tpu.vector_load %arg10[%swap3A_404, %swap3A_405] {strides = array<i32>} : memref<16x128xf32, #tpu.memory_space<vmem>>, vector<1x16xf32>,
    %swap3A_407 = vector.shape_cast %swap3A_406 : vector<1x16xf32> to vector<16xf32>
    %swap3A_408 = vector.shape_cast %broadcast_in_dim3A_1 : vector<16xf32> to vector<1x16xf32>
    tpu.vector_store %arg10[%swap3A_404, %swap3A_405], %swap3A_408 {strides = array<i32>} : memref<16x128xf32, #tpu.memory_space<vmem>>, vector<1x16xf32>,
    %swap3A_409 = arith.constant 8 : i32
    %swap3A_410 = arith.index_cast %swap3A_409 : i32 to index
    %swap3A_411 = arith.constant 64 : index
    %swap3A_412 = tpu.vector_load %arg10[%swap3A_410, %swap3A_411] {strides = array<i32>} : memref<16x128xf32, #tpu.memory_space<vmem>>, vector<1x16xf32>,
    %swap3A_413 = vector.shape_cast %swap3A_412 : vector<1x16xf32> to vector<16xf32>
    %swap3A_414 = vector.shape_cast %broadcast_in_dim3A_1 : vector<16xf32> to vector<1x16xf32>
    tpu.vector_store %arg10[%swap3A_410, %swap3A_411], %swap3A_414 {strides = array<i32>} : memref<16x128xf32, #tpu.memory_space<vmem>>, vector<1x16xf32>,
    %swap3A_415 = arith.constant 8 : i32
    %swap3A_416 = arith.index_cast %swap3A_415 : i32 to index
    %swap3A_417 = arith.constant 80 : index
    %swap3A_418 = tpu.vector_load %arg10[%swap3A_416, %swap3A_417] {strides = array<i32>} : memref<16x128xf32, #tpu.memory_space<vmem>>, vector<1x16xf32>,
    %swap3A_419 = vector.shape_cast %swap3A_418 : vector<1x16xf32> to vector<16xf32>
    %swap3A_420 = vector.shape_cast %broadcast_in_dim3A_1 : vector<16xf32> to vector<1x16xf32>
    tpu.vector_store %arg10[%swap3A_416, %swap3A_417], %swap3A_420 {strides = array<i32>} : memref<16x128xf32, #tpu.memory_space<vmem>>, vector<1x16xf32>,
    %swap3A_421 = arith.constant 8 : i32
    %swap3A_422 = arith.index_cast %swap3A_421 : i32 to index
    %swap3A_423 = arith.constant 96 : index
    %swap3A_424 = tpu.vector_load %arg10[%swap3A_422, %swap3A_423] {strides = array<i32>} : memref<16x128xf32, #tpu.memory_space<vmem>>, vector<1x16xf32>,
    %swap3A_425 = vector.shape_cast %swap3A_424 : vector<1x16xf32> to vector<16xf32>
    %swap3A_426 = vector.shape_cast %broadcast_in_dim3A_1 : vector<16xf32> to vector<1x16xf32>
    tpu.vector_store %arg10[%swap3A_422, %swap3A_423], %swap3A_426 {strides = array<i32>} : memref<16x128xf32, #tpu.memory_space<vmem>>, vector<1x16xf32>,
    %swap3A_427 = arith.constant 8 : i32
    %swap3A_428 = arith.index_cast %swap3A_427 : i32 to index
    %swap3A_429 = arith.constant 112 : index
    %swap3A_430 = tpu.vector_load %arg10[%swap3A_428, %swap3A_429] {strides = array<i32>} : memref<16x128xf32, #tpu.memory_space<vmem>>, vector<1x16xf32>,
    %swap3A_431 = vector.shape_cast %swap3A_430 : vector<1x16xf32> to vector<16xf32>
    %swap3A_432 = vector.shape_cast %broadcast_in_dim3A_1 : vector<16xf32> to vector<1x16xf32>
    tpu.vector_store %arg10[%swap3A_428, %swap3A_429], %swap3A_432 {strides = array<i32>} : memref<16x128xf32, #tpu.memory_space<vmem>>, vector<1x16xf32>,
    %swap3A_433 = arith.constant 9 : i32
    %swap3A_434 = arith.index_cast %swap3A_433 : i32 to index
    %swap3A_435 = arith.constant 0 : index
    %swap3A_436 = tpu.vector_load %arg10[%swap3A_434, %swap3A_435] {strides = array<i32>} : memref<16x128xf32, #tpu.memory_space<vmem>>, vector<1x16xf32>,
    %swap3A_437 = vector.shape_cast %swap3A_436 : vector<1x16xf32> to vector<16xf32>
    %swap3A_438 = vector.shape_cast %broadcast_in_dim3A_1 : vector<16xf32> to vector<1x16xf32>
    tpu.vector_store %arg10[%swap3A_434, %swap3A_435], %swap3A_438 {strides = array<i32>} : memref<16x128xf32, #tpu.memory_space<vmem>>, vector<1x16xf32>,
    %swap3A_439 = arith.constant 9 : i32
    %swap3A_440 = arith.index_cast %swap3A_439 : i32 to index
    %swap3A_441 = arith.constant 16 : index
    %swap3A_442 = tpu.vector_load %arg10[%swap3A_440, %swap3A_441] {strides = array<i32>} : memref<16x128xf32, #tpu.memory_space<vmem>>, vector<1x16xf32>,
    %swap3A_443 = vector.shape_cast %swap3A_442 : vector<1x16xf32> to vector<16xf32>
    %swap3A_444 = vector.shape_cast %broadcast_in_dim3A_1 : vector<16xf32> to vector<1x16xf32>
    tpu.vector_store %arg10[%swap3A_440, %swap3A_441], %swap3A_444 {strides = array<i32>} : memref<16x128xf32, #tpu.memory_space<vmem>>, vector<1x16xf32>,
    %swap3A_445 = arith.constant 9 : i32
    %swap3A_446 = arith.index_cast %swap3A_445 : i32 to index
    %swap3A_447 = arith.constant 32 : index
    %swap3A_448 = tpu.vector_load %arg10[%swap3A_446, %swap3A_447] {strides = array<i32>} : memref<16x128xf32, #tpu.memory_space<vmem>>, vector<1x16xf32>,
    %swap3A_449 = vector.shape_cast %swap3A_448 : vector<1x16xf32> to vector<16xf32>
    %swap3A_450 = vector.shape_cast %broadcast_in_dim3A_1 : vector<16xf32> to vector<1x16xf32>
    tpu.vector_store %arg10[%swap3A_446, %swap3A_447], %swap3A_450 {strides = array<i32>} : memref<16x128xf32, #tpu.memory_space<vmem>>, vector<1x16xf32>,
    %swap3A_451 = arith.constant 9 : i32
    %swap3A_452 = arith.index_cast %swap3A_451 : i32 to index
    %swap3A_453 = arith.constant 48 : index
    %swap3A_454 = tpu.vector_load %arg10[%swap3A_452, %swap3A_453] {strides = array<i32>} : memref<16x128xf32, #tpu.memory_space<vmem>>, vector<1x16xf32>,
    %swap3A_455 = vector.shape_cast %swap3A_454 : vector<1x16xf32> to vector<16xf32>
    %swap3A_456 = vector.shape_cast %broadcast_in_dim3A_1 : vector<16xf32> to vector<1x16xf32>
    tpu.vector_store %arg10[%swap3A_452, %swap3A_453], %swap3A_456 {strides = array<i32>} : memref<16x128xf32, #tpu.memory_space<vmem>>, vector<1x16xf32>,
    %swap3A_457 = arith.constant 9 : i32
    %swap3A_458 = arith.index_cast %swap3A_457 : i32 to index
    %swap3A_459 = arith.constant 64 : index
    %swap3A_460 = tpu.vector_load %arg10[%swap3A_458, %swap3A_459] {strides = array<i32>} : memref<16x128xf32, #tpu.memory_space<vmem>>, vector<1x16xf32>,
    %swap3A_461 = vector.shape_cast %swap3A_460 : vector<1x16xf32> to vector<16xf32>
    %swap3A_462 = vector.shape_cast %broadcast_in_dim3A_1 : vector<16xf32> to vector<1x16xf32>
    tpu.vector_store %arg10[%swap3A_458, %swap3A_459], %swap3A_462 {strides = array<i32>} : memref<16x128xf32, #tpu.memory_space<vmem>>, vector<1x16xf32>,
    %swap3A_463 = arith.constant 9 : i32
    %swap3A_464 = arith.index_cast %swap3A_463 : i32 to index
    %swap3A_465 = arith.constant 80 : index
    %swap3A_466 = tpu.vector_load %arg10[%swap3A_464, %swap3A_465] {strides = array<i32>} : memref<16x128xf32, #tpu.memory_space<vmem>>, vector<1x16xf32>,
    %swap3A_467 = vector.shape_cast %swap3A_466 : vector<1x16xf32> to vector<16xf32>
    %swap3A_468 = vector.shape_cast %broadcast_in_dim3A_1 : vector<16xf32> to vector<1x16xf32>
    tpu.vector_store %arg10[%swap3A_464, %swap3A_465], %swap3A_468 {strides = array<i32>} : memref<16x128xf32, #tpu.memory_space<vmem>>, vector<1x16xf32>,
    %swap3A_469 = arith.constant 9 : i32
    %swap3A_470 = arith.index_cast %swap3A_469 : i32 to index
    %swap3A_471 = arith.constant 96 : index
    %swap3A_472 = tpu.vector_load %arg10[%swap3A_470, %swap3A_471] {strides = array<i32>} : memref<16x128xf32, #tpu.memory_space<vmem>>, vector<1x16xf32>,
    %swap3A_473 = vector.shape_cast %swap3A_472 : vector<1x16xf32> to vector<16xf32>
    %swap3A_474 = vector.shape_cast %broadcast_in_dim3A_1 : vector<16xf32> to vector<1x16xf32>
    tpu.vector_store %arg10[%swap3A_470, %swap3A_471], %swap3A_474 {strides = array<i32>} : memref<16x128xf32, #tpu.memory_space<vmem>>, vector<1x16xf32>,
    %swap3A_475 = arith.constant 9 : i32
    %swap3A_476 = arith.index_cast %swap3A_475 : i32 to index
    %swap3A_477 = arith.constant 112 : index
    %swap3A_478 = tpu.vector_load %arg10[%swap3A_476, %swap3A_477] {strides = array<i32>} : memref<16x128xf32, #tpu.memory_space<vmem>>, vector<1x16xf32>,
    %swap3A_479 = vector.shape_cast %swap3A_478 : vector<1x16xf32> to vector<16xf32>
    %swap3A_480 = vector.shape_cast %broadcast_in_dim3A_1 : vector<16xf32> to vector<1x16xf32>
    tpu.vector_store %arg10[%swap3A_476, %swap3A_477], %swap3A_480 {strides = array<i32>} : memref<16x128xf32, #tpu.memory_space<vmem>>, vector<1x16xf32>,
    %swap3A_481 = arith.constant 10 : i32
    %swap3A_482 = arith.index_cast %swap3A_481 : i32 to index
    %swap3A_483 = arith.constant 0 : index
    %swap3A_484 = tpu.vector_load %arg10[%swap3A_482, %swap3A_483] {strides = array<i32>} : memref<16x128xf32, #tpu.memory_space<vmem>>, vector<1x16xf32>,
    %swap3A_485 = vector.shape_cast %swap3A_484 : vector<1x16xf32> to vector<16xf32>
    %swap3A_486 = vector.shape_cast %broadcast_in_dim3A_1 : vector<16xf32> to vector<1x16xf32>
    tpu.vector_store %arg10[%swap3A_482, %swap3A_483], %swap3A_486 {strides = array<i32>} : memref<16x128xf32, #tpu.memory_space<vmem>>, vector<1x16xf32>,
    %swap3A_487 = arith.constant 10 : i32
    %swap3A_488 = arith.index_cast %swap3A_487 : i32 to index
    %swap3A_489 = arith.constant 16 : index
    %swap3A_490 = tpu.vector_load %arg10[%swap3A_488, %swap3A_489] {strides = array<i32>} : memref<16x128xf32, #tpu.memory_space<vmem>>, vector<1x16xf32>,
    %swap3A_491 = vector.shape_cast %swap3A_490 : vector<1x16xf32> to vector<16xf32>
    %swap3A_492 = vector.shape_cast %broadcast_in_dim3A_1 : vector<16xf32> to vector<1x16xf32>
    tpu.vector_store %arg10[%swap3A_488, %swap3A_489], %swap3A_492 {strides = array<i32>} : memref<16x128xf32, #tpu.memory_space<vmem>>, vector<1x16xf32>,
    %swap3A_493 = arith.constant 10 : i32
    %swap3A_494 = arith.index_cast %swap3A_493 : i32 to index
    %swap3A_495 = arith.constant 32 : index
    %swap3A_496 = tpu.vector_load %arg10[%swap3A_494, %swap3A_495] {strides = array<i32>} : memref<16x128xf32, #tpu.memory_space<vmem>>, vector<1x16xf32>,
    %swap3A_497 = vector.shape_cast %swap3A_496 : vector<1x16xf32> to vector<16xf32>
    %swap3A_498 = vector.shape_cast %broadcast_in_dim3A_1 : vector<16xf32> to vector<1x16xf32>
    tpu.vector_store %arg10[%swap3A_494, %swap3A_495], %swap3A_498 {strides = array<i32>} : memref<16x128xf32, #tpu.memory_space<vmem>>, vector<1x16xf32>,
    %swap3A_499 = arith.constant 10 : i32
    %swap3A_500 = arith.index_cast %swap3A_499 : i32 to index
    %swap3A_501 = arith.constant 48 : index
    %swap3A_502 = tpu.vector_load %arg10[%swap3A_500, %swap3A_501] {strides = array<i32>} : memref<16x128xf32, #tpu.memory_space<vmem>>, vector<1x16xf32>,
    %swap3A_503 = vector.shape_cast %swap3A_502 : vector<1x16xf32> to vector<16xf32>
    %swap3A_504 = vector.shape_cast %broadcast_in_dim3A_1 : vector<16xf32> to vector<1x16xf32>
    tpu.vector_store %arg10[%swap3A_500, %swap3A_501], %swap3A_504 {strides = array<i32>} : memref<16x128xf32, #tpu.memory_space<vmem>>, vector<1x16xf32>,
    %swap3A_505 = arith.constant 10 : i32
    %swap3A_506 = arith.index_cast %swap3A_505 : i32 to index
    %swap3A_507 = arith.constant 64 : index
    %swap3A_508 = tpu.vector_load %arg10[%swap3A_506, %swap3A_507] {strides = array<i32>} : memref<16x128xf32, #tpu.memory_space<vmem>>, vector<1x16xf32>,
    %swap3A_509 = vector.shape_cast %swap3A_508 : vector<1x16xf32> to vector<16xf32>
    %swap3A_510 = vector.shape_cast %broadcast_in_dim3A_1 : vector<16xf32> to vector<1x16xf32>
    tpu.vector_store %arg10[%swap3A_506, %swap3A_507], %swap3A_510 {strides = array<i32>} : memref<16x128xf32, #tpu.memory_space<vmem>>, vector<1x16xf32>,
    %swap3A_511 = arith.constant 10 : i32
    %swap3A_512 = arith.index_cast %swap3A_511 : i32 to index
    %swap3A_513 = arith.constant 80 : index
    %swap3A_514 = tpu.vector_load %arg10[%swap3A_512, %swap3A_513] {strides = array<i32>} : memref<16x128xf32, #tpu.memory_space<vmem>>, vector<1x16xf32>,
    %swap3A_515 = vector.shape_cast %swap3A_514 : vector<1x16xf32> to vector<16xf32>
    %swap3A_516 = vector.shape_cast %broadcast_in_dim3A_1 : vector<16xf32> to vector<1x16xf32>
    tpu.vector_store %arg10[%swap3A_512, %swap3A_513], %swap3A_516 {strides = array<i32>} : memref<16x128xf32, #tpu.memory_space<vmem>>, vector<1x16xf32>,
    %swap3A_517 = arith.constant 10 : i32
    %swap3A_518 = arith.index_cast %swap3A_517 : i32 to index
    %swap3A_519 = arith.constant 96 : index
    %swap3A_520 = tpu.vector_load %arg10[%swap3A_518, %swap3A_519] {strides = array<i32>} : memref<16x128xf32, #tpu.memory_space<vmem>>, vector<1x16xf32>,
    %swap3A_521 = vector.shape_cast %swap3A_520 : vector<1x16xf32> to vector<16xf32>
    %swap3A_522 = vector.shape_cast %broadcast_in_dim3A_1 : vector<16xf32> to vector<1x16xf32>
    tpu.vector_store %arg10[%swap3A_518, %swap3A_519], %swap3A_522 {strides = array<i32>} : memref<16x128xf32, #tpu.memory_space<vmem>>, vector<1x16xf32>,
    %swap3A_523 = arith.constant 10 : i32
    %swap3A_524 = arith.index_cast %swap3A_523 : i32 to index
    %swap3A_525 = arith.constant 112 : index
    %swap3A_526 = tpu.vector_load %arg10[%swap3A_524, %swap3A_525] {strides = array<i32>} : memref<16x128xf32, #tpu.memory_space<vmem>>, vector<1x16xf32>,
    %swap3A_527 = vector.shape_cast %swap3A_526 : vector<1x16xf32> to vector<16xf32>
    %swap3A_528 = vector.shape_cast %broadcast_in_dim3A_1 : vector<16xf32> to vector<1x16xf32>
    tpu.vector_store %arg10[%swap3A_524, %swap3A_525], %swap3A_528 {strides = array<i32>} : memref<16x128xf32, #tpu.memory_space<vmem>>, vector<1x16xf32>,
    %swap3A_529 = arith.constant 11 : i32
    %swap3A_530 = arith.index_cast %swap3A_529 : i32 to index
    %swap3A_531 = arith.constant 0 : index
    %swap3A_532 = tpu.vector_load %arg10[%swap3A_530, %swap3A_531] {strides = array<i32>} : memref<16x128xf32, #tpu.memory_space<vmem>>, vector<1x16xf32>,
    %swap3A_533 = vector.shape_cast %swap3A_532 : vector<1x16xf32> to vector<16xf32>
    %swap3A_534 = vector.shape_cast %broadcast_in_dim3A_1 : vector<16xf32> to vector<1x16xf32>
    tpu.vector_store %arg10[%swap3A_530, %swap3A_531], %swap3A_534 {strides = array<i32>} : memref<16x128xf32, #tpu.memory_space<vmem>>, vector<1x16xf32>,
    %swap3A_535 = arith.constant 11 : i32
    %swap3A_536 = arith.index_cast %swap3A_535 : i32 to index
    %swap3A_537 = arith.constant 16 : index
    %swap3A_538 = tpu.vector_load %arg10[%swap3A_536, %swap3A_537] {strides = array<i32>} : memref<16x128xf32, #tpu.memory_space<vmem>>, vector<1x16xf32>,
    %swap3A_539 = vector.shape_cast %swap3A_538 : vector<1x16xf32> to vector<16xf32>
    %swap3A_540 = vector.shape_cast %broadcast_in_dim3A_1 : vector<16xf32> to vector<1x16xf32>
    tpu.vector_store %arg10[%swap3A_536, %swap3A_537], %swap3A_540 {strides = array<i32>} : memref<16x128xf32, #tpu.memory_space<vmem>>, vector<1x16xf32>,
    %swap3A_541 = arith.constant 11 : i32
    %swap3A_542 = arith.index_cast %swap3A_541 : i32 to index
    %swap3A_543 = arith.constant 32 : index
    %swap3A_544 = tpu.vector_load %arg10[%swap3A_542, %swap3A_543] {strides = array<i32>} : memref<16x128xf32, #tpu.memory_space<vmem>>, vector<1x16xf32>,
    %swap3A_545 = vector.shape_cast %swap3A_544 : vector<1x16xf32> to vector<16xf32>
    %swap3A_546 = vector.shape_cast %broadcast_in_dim3A_1 : vector<16xf32> to vector<1x16xf32>
    tpu.vector_store %arg10[%swap3A_542, %swap3A_543], %swap3A_546 {strides = array<i32>} : memref<16x128xf32, #tpu.memory_space<vmem>>, vector<1x16xf32>,
    %swap3A_547 = arith.constant 11 : i32
    %swap3A_548 = arith.index_cast %swap3A_547 : i32 to index
    %swap3A_549 = arith.constant 48 : index
    %swap3A_550 = tpu.vector_load %arg10[%swap3A_548, %swap3A_549] {strides = array<i32>} : memref<16x128xf32, #tpu.memory_space<vmem>>, vector<1x16xf32>,
    %swap3A_551 = vector.shape_cast %swap3A_550 : vector<1x16xf32> to vector<16xf32>
    %swap3A_552 = vector.shape_cast %broadcast_in_dim3A_1 : vector<16xf32> to vector<1x16xf32>
    tpu.vector_store %arg10[%swap3A_548, %swap3A_549], %swap3A_552 {strides = array<i32>} : memref<16x128xf32, #tpu.memory_space<vmem>>, vector<1x16xf32>,
    %swap3A_553 = arith.constant 11 : i32
    %swap3A_554 = arith.index_cast %swap3A_553 : i32 to index
    %swap3A_555 = arith.constant 64 : index
    %swap3A_556 = tpu.vector_load %arg10[%swap3A_554, %swap3A_555] {strides = array<i32>} : memref<16x128xf32, #tpu.memory_space<vmem>>, vector<1x16xf32>,
    %swap3A_557 = vector.shape_cast %swap3A_556 : vector<1x16xf32> to vector<16xf32>
    %swap3A_558 = vector.shape_cast %broadcast_in_dim3A_1 : vector<16xf32> to vector<1x16xf32>
    tpu.vector_store %arg10[%swap3A_554, %swap3A_555], %swap3A_558 {strides = array<i32>} : memref<16x128xf32, #tpu.memory_space<vmem>>, vector<1x16xf32>,
    %swap3A_559 = arith.constant 11 : i32
    %swap3A_560 = arith.index_cast %swap3A_559 : i32 to index
    %swap3A_561 = arith.constant 80 : index
    %swap3A_562 = tpu.vector_load %arg10[%swap3A_560, %swap3A_561] {strides = array<i32>} : memref<16x128xf32, #tpu.memory_space<vmem>>, vector<1x16xf32>,
    %swap3A_563 = vector.shape_cast %swap3A_562 : vector<1x16xf32> to vector<16xf32>
    %swap3A_564 = vector.shape_cast %broadcast_in_dim3A_1 : vector<16xf32> to vector<1x16xf32>
    tpu.vector_store %arg10[%swap3A_560, %swap3A_561], %swap3A_564 {strides = array<i32>} : memref<16x128xf32, #tpu.memory_space<vmem>>, vector<1x16xf32>,
    %swap3A_565 = arith.constant 11 : i32
    %swap3A_566 = arith.index_cast %swap3A_565 : i32 to index
    %swap3A_567 = arith.constant 96 : index
    %swap3A_568 = tpu.vector_load %arg10[%swap3A_566, %swap3A_567] {strides = array<i32>} : memref<16x128xf32, #tpu.memory_space<vmem>>, vector<1x16xf32>,
    %swap3A_569 = vector.shape_cast %swap3A_568 : vector<1x16xf32> to vector<16xf32>
    %swap3A_570 = vector.shape_cast %broadcast_in_dim3A_1 : vector<16xf32> to vector<1x16xf32>
    tpu.vector_store %arg10[%swap3A_566, %swap3A_567], %swap3A_570 {strides = array<i32>} : memref<16x128xf32, #tpu.memory_space<vmem>>, vector<1x16xf32>,
    %swap3A_571 = arith.constant 11 : i32
    %swap3A_572 = arith.index_cast %swap3A_571 : i32 to index
    %swap3A_573 = arith.constant 112 : index
    %swap3A_574 = tpu.vector_load %arg10[%swap3A_572, %swap3A_573] {strides = array<i32>} : memref<16x128xf32, #tpu.memory_space<vmem>>, vector<1x16xf32>,
    %swap3A_575 = vector.shape_cast %swap3A_574 : vector<1x16xf32> to vector<16xf32>
    %swap3A_576 = vector.shape_cast %broadcast_in_dim3A_1 : vector<16xf32> to vector<1x16xf32>
    tpu.vector_store %arg10[%swap3A_572, %swap3A_573], %swap3A_576 {strides = array<i32>} : memref<16x128xf32, #tpu.memory_space<vmem>>, vector<1x16xf32>,
    %swap3A_577 = arith.constant 12 : i32
    %swap3A_578 = arith.index_cast %swap3A_577 : i32 to index
    %swap3A_579 = arith.constant 0 : index
    %swap3A_580 = tpu.vector_load %arg10[%swap3A_578, %swap3A_579] {strides = array<i32>} : memref<16x128xf32, #tpu.memory_space<vmem>>, vector<1x16xf32>,
    %swap3A_581 = vector.shape_cast %swap3A_580 : vector<1x16xf32> to vector<16xf32>
    %swap3A_582 = vector.shape_cast %broadcast_in_dim3A_1 : vector<16xf32> to vector<1x16xf32>
    tpu.vector_store %arg10[%swap3A_578, %swap3A_579], %swap3A_582 {strides = array<i32>} : memref<16x128xf32, #tpu.memory_space<vmem>>, vector<1x16xf32>,
    %swap3A_583 = arith.constant 12 : i32
    %swap3A_584 = arith.index_cast %swap3A_583 : i32 to index
    %swap3A_585 = arith.constant 16 : index
    %swap3A_586 = tpu.vector_load %arg10[%swap3A_584, %swap3A_585] {strides = array<i32>} : memref<16x128xf32, #tpu.memory_space<vmem>>, vector<1x16xf32>,
    %swap3A_587 = vector.shape_cast %swap3A_586 : vector<1x16xf32> to vector<16xf32>
    %swap3A_588 = vector.shape_cast %broadcast_in_dim3A_1 : vector<16xf32> to vector<1x16xf32>
    tpu.vector_store %arg10[%swap3A_584, %swap3A_585], %swap3A_588 {strides = array<i32>} : memref<16x128xf32, #tpu.memory_space<vmem>>, vector<1x16xf32>,
    %swap3A_589 = arith.constant 12 : i32
    %swap3A_590 = arith.index_cast %swap3A_589 : i32 to index
    %swap3A_591 = arith.constant 32 : index
    %swap3A_592 = tpu.vector_load %arg10[%swap3A_590, %swap3A_591] {strides = array<i32>} : memref<16x128xf32, #tpu.memory_space<vmem>>, vector<1x16xf32>,
    %swap3A_593 = vector.shape_cast %swap3A_592 : vector<1x16xf32> to vector<16xf32>
    %swap3A_594 = vector.shape_cast %broadcast_in_dim3A_1 : vector<16xf32> to vector<1x16xf32>
    tpu.vector_store %arg10[%swap3A_590, %swap3A_591], %swap3A_594 {strides = array<i32>} : memref<16x128xf32, #tpu.memory_space<vmem>>, vector<1x16xf32>,
    %swap3A_595 = arith.constant 12 : i32
    %swap3A_596 = arith.index_cast %swap3A_595 : i32 to index
    %swap3A_597 = arith.constant 48 : index
    %swap3A_598 = tpu.vector_load %arg10[%swap3A_596, %swap3A_597] {strides = array<i32>} : memref<16x128xf32, #tpu.memory_space<vmem>>, vector<1x16xf32>,
    %swap3A_599 = vector.shape_cast %swap3A_598 : vector<1x16xf32> to vector<16xf32>
    %swap3A_600 = vector.shape_cast %broadcast_in_dim3A_1 : vector<16xf32> to vector<1x16xf32>
    tpu.vector_store %arg10[%swap3A_596, %swap3A_597], %swap3A_600 {strides = array<i32>} : memref<16x128xf32, #tpu.memory_space<vmem>>, vector<1x16xf32>,
    %swap3A_601 = arith.constant 12 : i32
    %swap3A_602 = arith.index_cast %swap3A_601 : i32 to index
    %swap3A_603 = arith.constant 64 : index
    %swap3A_604 = tpu.vector_load %arg10[%swap3A_602, %swap3A_603] {strides = array<i32>} : memref<16x128xf32, #tpu.memory_space<vmem>>, vector<1x16xf32>,
    %swap3A_605 = vector.shape_cast %swap3A_604 : vector<1x16xf32> to vector<16xf32>
    %swap3A_606 = vector.shape_cast %broadcast_in_dim3A_1 : vector<16xf32> to vector<1x16xf32>
    tpu.vector_store %arg10[%swap3A_602, %swap3A_603], %swap3A_606 {strides = array<i32>} : memref<16x128xf32, #tpu.memory_space<vmem>>, vector<1x16xf32>,
    %swap3A_607 = arith.constant 12 : i32
    %swap3A_608 = arith.index_cast %swap3A_607 : i32 to index
    %swap3A_609 = arith.constant 80 : index
    %swap3A_610 = tpu.vector_load %arg10[%swap3A_608, %swap3A_609] {strides = array<i32>} : memref<16x128xf32, #tpu.memory_space<vmem>>, vector<1x16xf32>,
    %swap3A_611 = vector.shape_cast %swap3A_610 : vector<1x16xf32> to vector<16xf32>
    %swap3A_612 = vector.shape_cast %broadcast_in_dim3A_1 : vector<16xf32> to vector<1x16xf32>
    tpu.vector_store %arg10[%swap3A_608, %swap3A_609], %swap3A_612 {strides = array<i32>} : memref<16x128xf32, #tpu.memory_space<vmem>>, vector<1x16xf32>,
    %swap3A_613 = arith.constant 12 : i32
    %swap3A_614 = arith.index_cast %swap3A_613 : i32 to index
    %swap3A_615 = arith.constant 96 : index
    %swap3A_616 = tpu.vector_load %arg10[%swap3A_614, %swap3A_615] {strides = array<i32>} : memref<16x128xf32, #tpu.memory_space<vmem>>, vector<1x16xf32>,
    %swap3A_617 = vector.shape_cast %swap3A_616 : vector<1x16xf32> to vector<16xf32>
    %swap3A_618 = vector.shape_cast %broadcast_in_dim3A_1 : vector<16xf32> to vector<1x16xf32>
    tpu.vector_store %arg10[%swap3A_614, %swap3A_615], %swap3A_618 {strides = array<i32>} : memref<16x128xf32, #tpu.memory_space<vmem>>, vector<1x16xf32>,
    %swap3A_619 = arith.constant 12 : i32
    %swap3A_620 = arith.index_cast %swap3A_619 : i32 to index
    %swap3A_621 = arith.constant 112 : index
    %swap3A_622 = tpu.vector_load %arg10[%swap3A_620, %swap3A_621] {strides = array<i32>} : memref<16x128xf32, #tpu.memory_space<vmem>>, vector<1x16xf32>,
    %swap3A_623 = vector.shape_cast %swap3A_622 : vector<1x16xf32> to vector<16xf32>
    %swap3A_624 = vector.shape_cast %broadcast_in_dim3A_1 : vector<16xf32> to vector<1x16xf32>
    tpu.vector_store %arg10[%swap3A_620, %swap3A_621], %swap3A_624 {strides = array<i32>} : memref<16x128xf32, #tpu.memory_space<vmem>>, vector<1x16xf32>,
    %swap3A_625 = arith.constant 13 : i32
    %swap3A_626 = arith.index_cast %swap3A_625 : i32 to index
    %swap3A_627 = arith.constant 0 : index
    %swap3A_628 = tpu.vector_load %arg10[%swap3A_626, %swap3A_627] {strides = array<i32>} : memref<16x128xf32, #tpu.memory_space<vmem>>, vector<1x16xf32>,
    %swap3A_629 = vector.shape_cast %swap3A_628 : vector<1x16xf32> to vector<16xf32>
    %swap3A_630 = vector.shape_cast %broadcast_in_dim3A_1 : vector<16xf32> to vector<1x16xf32>
    tpu.vector_store %arg10[%swap3A_626, %swap3A_627], %swap3A_630 {strides = array<i32>} : memref<16x128xf32, #tpu.memory_space<vmem>>, vector<1x16xf32>,
    %swap3A_631 = arith.constant 13 : i32
    %swap3A_632 = arith.index_cast %swap3A_631 : i32 to index
    %swap3A_633 = arith.constant 16 : index
    %swap3A_634 = tpu.vector_load %arg10[%swap3A_632, %swap3A_633] {strides = array<i32>} : memref<16x128xf32, #tpu.memory_space<vmem>>, vector<1x16xf32>,
    %swap3A_635 = vector.shape_cast %swap3A_634 : vector<1x16xf32> to vector<16xf32>
    %swap3A_636 = vector.shape_cast %broadcast_in_dim3A_1 : vector<16xf32> to vector<1x16xf32>
    tpu.vector_store %arg10[%swap3A_632, %swap3A_633], %swap3A_636 {strides = array<i32>} : memref<16x128xf32, #tpu.memory_space<vmem>>, vector<1x16xf32>,
    %swap3A_637 = arith.constant 13 : i32
    %swap3A_638 = arith.index_cast %swap3A_637 : i32 to index
    %swap3A_639 = arith.constant 32 : index
    %swap3A_640 = tpu.vector_load %arg10[%swap3A_638, %swap3A_639] {strides = array<i32>} : memref<16x128xf32, #tpu.memory_space<vmem>>, vector<1x16xf32>,
    %swap3A_641 = vector.shape_cast %swap3A_640 : vector<1x16xf32> to vector<16xf32>
    %swap3A_642 = vector.shape_cast %broadcast_in_dim3A_1 : vector<16xf32> to vector<1x16xf32>
    tpu.vector_store %arg10[%swap3A_638, %swap3A_639], %swap3A_642 {strides = array<i32>} : memref<16x128xf32, #tpu.memory_space<vmem>>, vector<1x16xf32>,
    %swap3A_643 = arith.constant 13 : i32
    %swap3A_644 = arith.index_cast %swap3A_643 : i32 to index
    %swap3A_645 = arith.constant 48 : index
    %swap3A_646 = tpu.vector_load %arg10[%swap3A_644, %swap3A_645] {strides = array<i32>} : memref<16x128xf32, #tpu.memory_space<vmem>>, vector<1x16xf32>,
    %swap3A_647 = vector.shape_cast %swap3A_646 : vector<1x16xf32> to vector<16xf32>
    %swap3A_648 = vector.shape_cast %broadcast_in_dim3A_1 : vector<16xf32> to vector<1x16xf32>
    tpu.vector_store %arg10[%swap3A_644, %swap3A_645], %swap3A_648 {strides = array<i32>} : memref<16x128xf32, #tpu.memory_space<vmem>>, vector<1x16xf32>,
    %swap3A_649 = arith.constant 13 : i32
    %swap3A_650 = arith.index_cast %swap3A_649 : i32 to index
    %swap3A_651 = arith.constant 64 : index
    %swap3A_652 = tpu.vector_load %arg10[%swap3A_650, %swap3A_651] {strides = array<i32>} : memref<16x128xf32, #tpu.memory_space<vmem>>, vector<1x16xf32>,
    %swap3A_653 = vector.shape_cast %swap3A_652 : vector<1x16xf32> to vector<16xf32>
    %swap3A_654 = vector.shape_cast %broadcast_in_dim3A_1 : vector<16xf32> to vector<1x16xf32>
    tpu.vector_store %arg10[%swap3A_650, %swap3A_651], %swap3A_654 {strides = array<i32>} : memref<16x128xf32, #tpu.memory_space<vmem>>, vector<1x16xf32>,
    %swap3A_655 = arith.constant 13 : i32
    %swap3A_656 = arith.index_cast %swap3A_655 : i32 to index
    %swap3A_657 = arith.constant 80 : index
    %swap3A_658 = tpu.vector_load %arg10[%swap3A_656, %swap3A_657] {strides = array<i32>} : memref<16x128xf32, #tpu.memory_space<vmem>>, vector<1x16xf32>,
    %swap3A_659 = vector.shape_cast %swap3A_658 : vector<1x16xf32> to vector<16xf32>
    %swap3A_660 = vector.shape_cast %broadcast_in_dim3A_1 : vector<16xf32> to vector<1x16xf32>
    tpu.vector_store %arg10[%swap3A_656, %swap3A_657], %swap3A_660 {strides = array<i32>} : memref<16x128xf32, #tpu.memory_space<vmem>>, vector<1x16xf32>,
    %swap3A_661 = arith.constant 13 : i32
    %swap3A_662 = arith.index_cast %swap3A_661 : i32 to index
    %swap3A_663 = arith.constant 96 : index
    %swap3A_664 = tpu.vector_load %arg10[%swap3A_662, %swap3A_663] {strides = array<i32>} : memref<16x128xf32, #tpu.memory_space<vmem>>, vector<1x16xf32>,
    %swap3A_665 = vector.shape_cast %swap3A_664 : vector<1x16xf32> to vector<16xf32>
    %swap3A_666 = vector.shape_cast %broadcast_in_dim3A_1 : vector<16xf32> to vector<1x16xf32>
    tpu.vector_store %arg10[%swap3A_662, %swap3A_663], %swap3A_666 {strides = array<i32>} : memref<16x128xf32, #tpu.memory_space<vmem>>, vector<1x16xf32>,
    %swap3A_667 = arith.constant 13 : i32
    %swap3A_668 = arith.index_cast %swap3A_667 : i32 to index
    %swap3A_669 = arith.constant 112 : index
    %swap3A_670 = tpu.vector_load %arg10[%swap3A_668, %swap3A_669] {strides = array<i32>} : memref<16x128xf32, #tpu.memory_space<vmem>>, vector<1x16xf32>,
    %swap3A_671 = vector.shape_cast %swap3A_670 : vector<1x16xf32> to vector<16xf32>
    %swap3A_672 = vector.shape_cast %broadcast_in_dim3A_1 : vector<16xf32> to vector<1x16xf32>
    tpu.vector_store %arg10[%swap3A_668, %swap3A_669], %swap3A_672 {strides = array<i32>} : memref<16x128xf32, #tpu.memory_space<vmem>>, vector<1x16xf32>,
    %swap3A_673 = arith.constant 14 : i32
    %swap3A_674 = arith.index_cast %swap3A_673 : i32 to index
    %swap3A_675 = arith.constant 0 : index
    %swap3A_676 = tpu.vector_load %arg10[%swap3A_674, %swap3A_675] {strides = array<i32>} : memref<16x128xf32, #tpu.memory_space<vmem>>, vector<1x16xf32>,
    %swap3A_677 = vector.shape_cast %swap3A_676 : vector<1x16xf32> to vector<16xf32>
    %swap3A_678 = vector.shape_cast %broadcast_in_dim3A_1 : vector<16xf32> to vector<1x16xf32>
    tpu.vector_store %arg10[%swap3A_674, %swap3A_675], %swap3A_678 {strides = array<i32>} : memref<16x128xf32, #tpu.memory_space<vmem>>, vector<1x16xf32>,
    %swap3A_679 = arith.constant 14 : i32
    %swap3A_680 = arith.index_cast %swap3A_679 : i32 to index
    %swap3A_681 = arith.constant 16 : index
    %swap3A_682 = tpu.vector_load %arg10[%swap3A_680, %swap3A_681] {strides = array<i32>} : memref<16x128xf32, #tpu.memory_space<vmem>>, vector<1x16xf32>,
    %swap3A_683 = vector.shape_cast %swap3A_682 : vector<1x16xf32> to vector<16xf32>
    %swap3A_684 = vector.shape_cast %broadcast_in_dim3A_1 : vector<16xf32> to vector<1x16xf32>
    tpu.vector_store %arg10[%swap3A_680, %swap3A_681], %swap3A_684 {strides = array<i32>} : memref<16x128xf32, #tpu.memory_space<vmem>>, vector<1x16xf32>,
    %swap3A_685 = arith.constant 14 : i32
    %swap3A_686 = arith.index_cast %swap3A_685 : i32 to index
    %swap3A_687 = arith.constant 32 : index
    %swap3A_688 = tpu.vector_load %arg10[%swap3A_686, %swap3A_687] {strides = array<i32>} : memref<16x128xf32, #tpu.memory_space<vmem>>, vector<1x16xf32>,
    %swap3A_689 = vector.shape_cast %swap3A_688 : vector<1x16xf32> to vector<16xf32>
    %swap3A_690 = vector.shape_cast %broadcast_in_dim3A_1 : vector<16xf32> to vector<1x16xf32>
    tpu.vector_store %arg10[%swap3A_686, %swap3A_687], %swap3A_690 {strides = array<i32>} : memref<16x128xf32, #tpu.memory_space<vmem>>, vector<1x16xf32>,
    %swap3A_691 = arith.constant 14 : i32
    %swap3A_692 = arith.index_cast %swap3A_691 : i32 to index
    %swap3A_693 = arith.constant 48 : index
    %swap3A_694 = tpu.vector_load %arg10[%swap3A_692, %swap3A_693] {strides = array<i32>} : memref<16x128xf32, #tpu.memory_space<vmem>>, vector<1x16xf32>,
    %swap3A_695 = vector.shape_cast %swap3A_694 : vector<1x16xf32> to vector<16xf32>
    %swap3A_696 = vector.shape_cast %broadcast_in_dim3A_1 : vector<16xf32> to vector<1x16xf32>
    tpu.vector_store %arg10[%swap3A_692, %swap3A_693], %swap3A_696 {strides = array<i32>} : memref<16x128xf32, #tpu.memory_space<vmem>>, vector<1x16xf32>,
    %swap3A_697 = arith.constant 14 : i32
    %swap3A_698 = arith.index_cast %swap3A_697 : i32 to index
    %swap3A_699 = arith.constant 64 : index
    %swap3A_700 = tpu.vector_load %arg10[%swap3A_698, %swap3A_699] {strides = array<i32>} : memref<16x128xf32, #tpu.memory_space<vmem>>, vector<1x16xf32>,
    %swap3A_701 = vector.shape_cast %swap3A_700 : vector<1x16xf32> to vector<16xf32>
    %swap3A_702 = vector.shape_cast %broadcast_in_dim3A_1 : vector<16xf32> to vector<1x16xf32>
    tpu.vector_store %arg10[%swap3A_698, %swap3A_699], %swap3A_702 {strides = array<i32>} : memref<16x128xf32, #tpu.memory_space<vmem>>, vector<1x16xf32>,
    %swap3A_703 = arith.constant 14 : i32
    %swap3A_704 = arith.index_cast %swap3A_703 : i32 to index
    %swap3A_705 = arith.constant 80 : index
    %swap3A_706 = tpu.vector_load %arg10[%swap3A_704, %swap3A_705] {strides = array<i32>} : memref<16x128xf32, #tpu.memory_space<vmem>>, vector<1x16xf32>,
    %swap3A_707 = vector.shape_cast %swap3A_706 : vector<1x16xf32> to vector<16xf32>
    %swap3A_708 = vector.shape_cast %broadcast_in_dim3A_1 : vector<16xf32> to vector<1x16xf32>
    tpu.vector_store %arg10[%swap3A_704, %swap3A_705], %swap3A_708 {strides = array<i32>} : memref<16x128xf32, #tpu.memory_space<vmem>>, vector<1x16xf32>,
    %swap3A_709 = arith.constant 14 : i32
    %swap3A_710 = arith.index_cast %swap3A_709 : i32 to index
    %swap3A_711 = arith.constant 96 : index
    %swap3A_712 = tpu.vector_load %arg10[%swap3A_710, %swap3A_711] {strides = array<i32>} : memref<16x128xf32, #tpu.memory_space<vmem>>, vector<1x16xf32>,
    %swap3A_713 = vector.shape_cast %swap3A_712 : vector<1x16xf32> to vector<16xf32>
    %swap3A_714 = vector.shape_cast %broadcast_in_dim3A_1 : vector<16xf32> to vector<1x16xf32>
    tpu.vector_store %arg10[%swap3A_710, %swap3A_711], %swap3A_714 {strides = array<i32>} : memref<16x128xf32, #tpu.memory_space<vmem>>, vector<1x16xf32>,
    %swap3A_715 = arith.constant 14 : i32
    %swap3A_716 = arith.index_cast %swap3A_715 : i32 to index
    %swap3A_717 = arith.constant 112 : index
    %swap3A_718 = tpu.vector_load %arg10[%swap3A_716, %swap3A_717] {strides = array<i32>} : memref<16x128xf32, #tpu.memory_space<vmem>>, vector<1x16xf32>,
    %swap3A_719 = vector.shape_cast %swap3A_718 : vector<1x16xf32> to vector<16xf32>
    %swap3A_720 = vector.shape_cast %broadcast_in_dim3A_1 : vector<16xf32> to vector<1x16xf32>
    tpu.vector_store %arg10[%swap3A_716, %swap3A_717], %swap3A_720 {strides = array<i32>} : memref<16x128xf32, #tpu.memory_space<vmem>>, vector<1x16xf32>,
    %swap3A_721 = arith.constant 15 : i32
    %swap3A_722 = arith.index_cast %swap3A_721 : i32 to index
    %swap3A_723 = arith.constant 0 : index
    %swap3A_724 = tpu.vector_load %arg10[%swap3A_722, %swap3A_723] {strides = array<i32>} : memref<16x128xf32, #tpu.memory_space<vmem>>, vector<1x16xf32>,
    %swap3A_725 = vector.shape_cast %swap3A_724 : vector<1x16xf32> to vector<16xf32>
    %swap3A_726 = vector.shape_cast %broadcast_in_dim3A_1 : vector<16xf32> to vector<1x16xf32>
    tpu.vector_store %arg10[%swap3A_722, %swap3A_723], %swap3A_726 {strides = array<i32>} : memref<16x128xf32, #tpu.memory_space<vmem>>, vector<1x16xf32>,
    %swap3A_727 = arith.constant 15 : i32
    %swap3A_728 = arith.index_cast %swap3A_727 : i32 to index
    %swap3A_729 = arith.constant 16 : index
    %swap3A_730 = tpu.vector_load %arg10[%swap3A_728, %swap3A_729] {strides = array<i32>} : memref<16x128xf32, #tpu.memory_space<vmem>>, vector<1x16xf32>,
    %swap3A_731 = vector.shape_cast %swap3A_730 : vector<1x16xf32> to vector<16xf32>
    %swap3A_732 = vector.shape_cast %broadcast_in_dim3A_1 : vector<16xf32> to vector<1x16xf32>
    tpu.vector_store %arg10[%swap3A_728, %swap3A_729], %swap3A_732 {strides = array<i32>} : memref<16x128xf32, #tpu.memory_space<vmem>>, vector<1x16xf32>,
    %swap3A_733 = arith.constant 15 : i32
    %swap3A_734 = arith.index_cast %swap3A_733 : i32 to index
    %swap3A_735 = arith.constant 32 : index
    %swap3A_736 = tpu.vector_load %arg10[%swap3A_734, %swap3A_735] {strides = array<i32>} : memref<16x128xf32, #tpu.memory_space<vmem>>, vector<1x16xf32>,
    %swap3A_737 = vector.shape_cast %swap3A_736 : vector<1x16xf32> to vector<16xf32>
    %swap3A_738 = vector.shape_cast %broadcast_in_dim3A_1 : vector<16xf32> to vector<1x16xf32>
    tpu.vector_store %arg10[%swap3A_734, %swap3A_735], %swap3A_738 {strides = array<i32>} : memref<16x128xf32, #tpu.memory_space<vmem>>, vector<1x16xf32>,
    %swap3A_739 = arith.constant 15 : i32
    %swap3A_740 = arith.index_cast %swap3A_739 : i32 to index
    %swap3A_741 = arith.constant 48 : index
    %swap3A_742 = tpu.vector_load %arg10[%swap3A_740, %swap3A_741] {strides = array<i32>} : memref<16x128xf32, #tpu.memory_space<vmem>>, vector<1x16xf32>,
    %swap3A_743 = vector.shape_cast %swap3A_742 : vector<1x16xf32> to vector<16xf32>
    %swap3A_744 = vector.shape_cast %broadcast_in_dim3A_1 : vector<16xf32> to vector<1x16xf32>
    tpu.vector_store %arg10[%swap3A_740, %swap3A_741], %swap3A_744 {strides = array<i32>} : memref<16x128xf32, #tpu.memory_space<vmem>>, vector<1x16xf32>,
    %swap3A_745 = arith.constant 15 : i32
    %swap3A_746 = arith.index_cast %swap3A_745 : i32 to index
    %swap3A_747 = arith.constant 64 : index
    %swap3A_748 = tpu.vector_load %arg10[%swap3A_746, %swap3A_747] {strides = array<i32>} : memref<16x128xf32, #tpu.memory_space<vmem>>, vector<1x16xf32>,
    %swap3A_749 = vector.shape_cast %swap3A_748 : vector<1x16xf32> to vector<16xf32>
    %swap3A_750 = vector.shape_cast %broadcast_in_dim3A_1 : vector<16xf32> to vector<1x16xf32>
    tpu.vector_store %arg10[%swap3A_746, %swap3A_747], %swap3A_750 {strides = array<i32>} : memref<16x128xf32, #tpu.memory_space<vmem>>, vector<1x16xf32>,
    %swap3A_751 = arith.constant 15 : i32
    %swap3A_752 = arith.index_cast %swap3A_751 : i32 to index
    %swap3A_753 = arith.constant 80 : index
    %swap3A_754 = tpu.vector_load %arg10[%swap3A_752, %swap3A_753] {strides = array<i32>} : memref<16x128xf32, #tpu.memory_space<vmem>>, vector<1x16xf32>,
    %swap3A_755 = vector.shape_cast %swap3A_754 : vector<1x16xf32> to vector<16xf32>
    %swap3A_756 = vector.shape_cast %broadcast_in_dim3A_1 : vector<16xf32> to vector<1x16xf32>
    tpu.vector_store %arg10[%swap3A_752, %swap3A_753], %swap3A_756 {strides = array<i32>} : memref<16x128xf32, #tpu.memory_space<vmem>>, vector<1x16xf32>,
    %swap3A_757 = arith.constant 15 : i32
    %swap3A_758 = arith.index_cast %swap3A_757 : i32 to index
    %swap3A_759 = arith.constant 96 : index
    %swap3A_760 = tpu.vector_load %arg10[%swap3A_758, %swap3A_759] {strides = array<i32>} : memref<16x128xf32, #tpu.memory_space<vmem>>, vector<1x16xf32>,
    %swap3A_761 = vector.shape_cast %swap3A_760 : vector<1x16xf32> to vector<16xf32>
    %swap3A_762 = vector.shape_cast %broadcast_in_dim3A_1 : vector<16xf32> to vector<1x16xf32>
    tpu.vector_store %arg10[%swap3A_758, %swap3A_759], %swap3A_762 {strides = array<i32>} : memref<16x128xf32, #tpu.memory_space<vmem>>, vector<1x16xf32>,
    %swap3A_763 = arith.constant 15 : i32
    %swap3A_764 = arith.index_cast %swap3A_763 : i32 to index
    %swap3A_765 = arith.constant 112 : index
    %swap3A_766 = tpu.vector_load %arg10[%swap3A_764, %swap3A_765] {strides = array<i32>} : memref<16x128xf32, #tpu.memory_space<vmem>>, vector<1x16xf32>,
    %swap3A_767 = vector.shape_cast %swap3A_766 : vector<1x16xf32> to vector<16xf32>
    %swap3A_768 = vector.shape_cast %broadcast_in_dim3A_1 : vector<16xf32> to vector<1x16xf32>
    tpu.vector_store %arg10[%swap3A_764, %swap3A_765], %swap3A_768 {strides = array<i32>} : memref<16x128xf32, #tpu.memory_space<vmem>>, vector<1x16xf32>,
    %mul3A_769 = arith.constant 640 : i32
    %mul3A_770 = arith.muli %arg1, %mul3A_769 : i32
    %add3A_771 = arith.constant 0 : i32
    %add3A_772 = arith.addi %mul3A_770, %add3A_771 : i32
    "tpu.region"() ({
      %run_scoped3A = tpu.sem_alloc : memref<!tpu.dma_semaphore, #tpu.memory_space<semaphore_mem>>
      %dma_start3A = arith.constant 0 : i32
      %dma_start3A_860 = tpu.memref_slice %arg11[%add3A_772, %dma_start3A] : memref<10240x128xf32, #tpu.memory_space<vmem_shared>> -> memref<16x128xf32, #tpu.memory_space<vmem_shared>>
      %dma_start3A_861 = arith.constant 0 : i32
      %dma_start3A_862 = tpu.memref_slice %arg11[%add3A_772, %dma_start3A_861] : memref<10240x128xf32, #tpu.memory_space<vmem_shared>> -> memref<16x128xf32, #tpu.memory_space<vmem_shared>>
      tpu.enqueue_dma source(%arg10 : memref<16x128xf32, #tpu.memory_space<vmem>>) target(%dma_start3A_862 : memref<16x128xf32, #tpu.memory_space<vmem_shared>>) target_semaphore(%run_scoped3A : memref<!tpu.dma_semaphore, #tpu.memory_space<semaphore_mem>>)
      %dma_wait3A = arith.constant 0 : i32
      %dma_wait3A_863 = tpu.memref_slice %arg11[%add3A_772, %dma_wait3A] : memref<10240x128xf32, #tpu.memory_space<vmem_shared>> -> memref<16x128xf32, #tpu.memory_space<vmem_shared>>
      %dma_wait3A_864 = arith.constant 0 : i32
      %dma_wait3A_865 = tpu.memref_slice %arg11[%add3A_772, %dma_wait3A_864] : memref<10240x128xf32, #tpu.memory_space<vmem_shared>> -> memref<16x128xf32, #tpu.memory_space<vmem_shared>>
      tpu.wait_dma2 semaphore(%run_scoped3A : memref<!tpu.dma_semaphore, #tpu.memory_space<semaphore_mem>>) src(%arg10 : memref<16x128xf32, #tpu.memory_space<vmem>>) dst(%dma_wait3A_865 : memref<16x128xf32, #tpu.memory_space<vmem_shared>>)
      tpu.yield
    }) : () -> ()
    %add3A_773 = arith.constant 16 : i32
    %add3A_774 = arith.addi %mul3A_770, %add3A_773 : i32
    "tpu.region"() ({
      %run_scoped3A = tpu.sem_alloc : memref<!tpu.dma_semaphore, #tpu.memory_space<semaphore_mem>>
      %dma_start3A = arith.constant 0 : i32
      %dma_start3A_860 = tpu.memref_slice %arg11[%add3A_774, %dma_start3A] : memref<10240x128xf32, #tpu.memory_space<vmem_shared>> -> memref<16x128xf32, #tpu.memory_space<vmem_shared>>
      %dma_start3A_861 = arith.constant 0 : i32
      %dma_start3A_862 = tpu.memref_slice %arg11[%add3A_774, %dma_start3A_861] : memref<10240x128xf32, #tpu.memory_space<vmem_shared>> -> memref<16x128xf32, #tpu.memory_space<vmem_shared>>
      tpu.enqueue_dma source(%arg10 : memref<16x128xf32, #tpu.memory_space<vmem>>) target(%dma_start3A_862 : memref<16x128xf32, #tpu.memory_space<vmem_shared>>) target_semaphore(%run_scoped3A : memref<!tpu.dma_semaphore, #tpu.memory_space<semaphore_mem>>)
      %dma_wait3A = arith.constant 0 : i32
      %dma_wait3A_863 = tpu.memref_slice %arg11[%add3A_774, %dma_wait3A] : memref<10240x128xf32, #tpu.memory_space<vmem_shared>> -> memref<16x128xf32, #tpu.memory_space<vmem_shared>>
      %dma_wait3A_864 = arith.constant 0 : i32
      %dma_wait3A_865 = tpu.memref_slice %arg11[%add3A_774, %dma_wait3A_864] : memref<10240x128xf32, #tpu.memory_space<vmem_shared>> -> memref<16x128xf32, #tpu.memory_space<vmem_shared>>
      tpu.wait_dma2 semaphore(%run_scoped3A : memref<!tpu.dma_semaphore, #tpu.memory_space<semaphore_mem>>) src(%arg10 : memref<16x128xf32, #tpu.memory_space<vmem>>) dst(%dma_wait3A_865 : memref<16x128xf32, #tpu.memory_space<vmem_shared>>)
      tpu.yield
    }) : () -> ()
    %add3A_775 = arith.constant 32 : i32
    %add3A_776 = arith.addi %mul3A_770, %add3A_775 : i32
    "tpu.region"() ({
      %run_scoped3A = tpu.sem_alloc : memref<!tpu.dma_semaphore, #tpu.memory_space<semaphore_mem>>
      %dma_start3A = arith.constant 0 : i32
      %dma_start3A_860 = tpu.memref_slice %arg11[%add3A_776, %dma_start3A] : memref<10240x128xf32, #tpu.memory_space<vmem_shared>> -> memref<16x128xf32, #tpu.memory_space<vmem_shared>>
      %dma_start3A_861 = arith.constant 0 : i32
      %dma_start3A_862 = tpu.memref_slice %arg11[%add3A_776, %dma_start3A_861] : memref<10240x128xf32, #tpu.memory_space<vmem_shared>> -> memref<16x128xf32, #tpu.memory_space<vmem_shared>>
      tpu.enqueue_dma source(%arg10 : memref<16x128xf32, #tpu.memory_space<vmem>>) target(%dma_start3A_862 : memref<16x128xf32, #tpu.memory_space<vmem_shared>>) target_semaphore(%run_scoped3A : memref<!tpu.dma_semaphore, #tpu.memory_space<semaphore_mem>>)
      %dma_wait3A = arith.constant 0 : i32
      %dma_wait3A_863 = tpu.memref_slice %arg11[%add3A_776, %dma_wait3A] : memref<10240x128xf32, #tpu.memory_space<vmem_shared>> -> memref<16x128xf32, #tpu.memory_space<vmem_shared>>
      %dma_wait3A_864 = arith.constant 0 : i32
      %dma_wait3A_865 = tpu.memref_slice %arg11[%add3A_776, %dma_wait3A_864] : memref<10240x128xf32, #tpu.memory_space<vmem_shared>> -> memref<16x128xf32, #tpu.memory_space<vmem_shared>>
      tpu.wait_dma2 semaphore(%run_scoped3A : memref<!tpu.dma_semaphore, #tpu.memory_space<semaphore_mem>>) src(%arg10 : memref<16x128xf32, #tpu.memory_space<vmem>>) dst(%dma_wait3A_865 : memref<16x128xf32, #tpu.memory_space<vmem_shared>>)
      tpu.yield
    }) : () -> ()
    %add3A_777 = arith.constant 48 : i32
    %add3A_778 = arith.addi %mul3A_770, %add3A_777 : i32
    "tpu.region"() ({
      %run_scoped3A = tpu.sem_alloc : memref<!tpu.dma_semaphore, #tpu.memory_space<semaphore_mem>>
      %dma_start3A = arith.constant 0 : i32
      %dma_start3A_860 = tpu.memref_slice %arg11[%add3A_778, %dma_start3A] : memref<10240x128xf32, #tpu.memory_space<vmem_shared>> -> memref<16x128xf32, #tpu.memory_space<vmem_shared>>
      %dma_start3A_861 = arith.constant 0 : i32
      %dma_start3A_862 = tpu.memref_slice %arg11[%add3A_778, %dma_start3A_861] : memref<10240x128xf32, #tpu.memory_space<vmem_shared>> -> memref<16x128xf32, #tpu.memory_space<vmem_shared>>
      tpu.enqueue_dma source(%arg10 : memref<16x128xf32, #tpu.memory_space<vmem>>) target(%dma_start3A_862 : memref<16x128xf32, #tpu.memory_space<vmem_shared>>) target_semaphore(%run_scoped3A : memref<!tpu.dma_semaphore, #tpu.memory_space<semaphore_mem>>)
      %dma_wait3A = arith.constant 0 : i32
      %dma_wait3A_863 = tpu.memref_slice %arg11[%add3A_778, %dma_wait3A] : memref<10240x128xf32, #tpu.memory_space<vmem_shared>> -> memref<16x128xf32, #tpu.memory_space<vmem_shared>>
      %dma_wait3A_864 = arith.constant 0 : i32
      %dma_wait3A_865 = tpu.memref_slice %arg11[%add3A_778, %dma_wait3A_864] : memref<10240x128xf32, #tpu.memory_space<vmem_shared>> -> memref<16x128xf32, #tpu.memory_space<vmem_shared>>
      tpu.wait_dma2 semaphore(%run_scoped3A : memref<!tpu.dma_semaphore, #tpu.memory_space<semaphore_mem>>) src(%arg10 : memref<16x128xf32, #tpu.memory_space<vmem>>) dst(%dma_wait3A_865 : memref<16x128xf32, #tpu.memory_space<vmem_shared>>)
      tpu.yield
    }) : () -> ()
    %add3A_779 = arith.constant 64 : i32
    %add3A_780 = arith.addi %mul3A_770, %add3A_779 : i32
    "tpu.region"() ({
      %run_scoped3A = tpu.sem_alloc : memref<!tpu.dma_semaphore, #tpu.memory_space<semaphore_mem>>
      %dma_start3A = arith.constant 0 : i32
      %dma_start3A_860 = tpu.memref_slice %arg11[%add3A_780, %dma_start3A] : memref<10240x128xf32, #tpu.memory_space<vmem_shared>> -> memref<16x128xf32, #tpu.memory_space<vmem_shared>>
      %dma_start3A_861 = arith.constant 0 : i32
      %dma_start3A_862 = tpu.memref_slice %arg11[%add3A_780, %dma_start3A_861] : memref<10240x128xf32, #tpu.memory_space<vmem_shared>> -> memref<16x128xf32, #tpu.memory_space<vmem_shared>>
      tpu.enqueue_dma source(%arg10 : memref<16x128xf32, #tpu.memory_space<vmem>>) target(%dma_start3A_862 : memref<16x128xf32, #tpu.memory_space<vmem_shared>>) target_semaphore(%run_scoped3A : memref<!tpu.dma_semaphore, #tpu.memory_space<semaphore_mem>>)
      %dma_wait3A = arith.constant 0 : i32
      %dma_wait3A_863 = tpu.memref_slice %arg11[%add3A_780, %dma_wait3A] : memref<10240x128xf32, #tpu.memory_space<vmem_shared>> -> memref<16x128xf32, #tpu.memory_space<vmem_shared>>
      %dma_wait3A_864 = arith.constant 0 : i32
      %dma_wait3A_865 = tpu.memref_slice %arg11[%add3A_780, %dma_wait3A_864] : memref<10240x128xf32, #tpu.memory_space<vmem_shared>> -> memref<16x128xf32, #tpu.memory_space<vmem_shared>>
      tpu.wait_dma2 semaphore(%run_scoped3A : memref<!tpu.dma_semaphore, #tpu.memory_space<semaphore_mem>>) src(%arg10 : memref<16x128xf32, #tpu.memory_space<vmem>>) dst(%dma_wait3A_865 : memref<16x128xf32, #tpu.memory_space<vmem_shared>>)
      tpu.yield
    }) : () -> ()
    %add3A_781 = arith.constant 80 : i32
    %add3A_782 = arith.addi %mul3A_770, %add3A_781 : i32
    "tpu.region"() ({
      %run_scoped3A = tpu.sem_alloc : memref<!tpu.dma_semaphore, #tpu.memory_space<semaphore_mem>>
      %dma_start3A = arith.constant 0 : i32
      %dma_start3A_860 = tpu.memref_slice %arg11[%add3A_782, %dma_start3A] : memref<10240x128xf32, #tpu.memory_space<vmem_shared>> -> memref<16x128xf32, #tpu.memory_space<vmem_shared>>
      %dma_start3A_861 = arith.constant 0 : i32
      %dma_start3A_862 = tpu.memref_slice %arg11[%add3A_782, %dma_start3A_861] : memref<10240x128xf32, #tpu.memory_space<vmem_shared>> -> memref<16x128xf32, #tpu.memory_space<vmem_shared>>
      tpu.enqueue_dma source(%arg10 : memref<16x128xf32, #tpu.memory_space<vmem>>) target(%dma_start3A_862 : memref<16x128xf32, #tpu.memory_space<vmem_shared>>) target_semaphore(%run_scoped3A : memref<!tpu.dma_semaphore, #tpu.memory_space<semaphore_mem>>)
      %dma_wait3A = arith.constant 0 : i32
      %dma_wait3A_863 = tpu.memref_slice %arg11[%add3A_782, %dma_wait3A] : memref<10240x128xf32, #tpu.memory_space<vmem_shared>> -> memref<16x128xf32, #tpu.memory_space<vmem_shared>>
      %dma_wait3A_864 = arith.constant 0 : i32
      %dma_wait3A_865 = tpu.memref_slice %arg11[%add3A_782, %dma_wait3A_864] : memref<10240x128xf32, #tpu.memory_space<vmem_shared>> -> memref<16x128xf32, #tpu.memory_space<vmem_shared>>
      tpu.wait_dma2 semaphore(%run_scoped3A : memref<!tpu.dma_semaphore, #tpu.memory_space<semaphore_mem>>) src(%arg10 : memref<16x128xf32, #tpu.memory_space<vmem>>) dst(%dma_wait3A_865 : memref<16x128xf32, #tpu.memory_space<vmem_shared>>)
      tpu.yield
    }) : () -> ()
    %add3A_783 = arith.constant 96 : i32
    %add3A_784 = arith.addi %mul3A_770, %add3A_783 : i32
    "tpu.region"() ({
      %run_scoped3A = tpu.sem_alloc : memref<!tpu.dma_semaphore, #tpu.memory_space<semaphore_mem>>
      %dma_start3A = arith.constant 0 : i32
      %dma_start3A_860 = tpu.memref_slice %arg11[%add3A_784, %dma_start3A] : memref<10240x128xf32, #tpu.memory_space<vmem_shared>> -> memref<16x128xf32, #tpu.memory_space<vmem_shared>>
      %dma_start3A_861 = arith.constant 0 : i32
      %dma_start3A_862 = tpu.memref_slice %arg11[%add3A_784, %dma_start3A_861] : memref<10240x128xf32, #tpu.memory_space<vmem_shared>> -> memref<16x128xf32, #tpu.memory_space<vmem_shared>>
      tpu.enqueue_dma source(%arg10 : memref<16x128xf32, #tpu.memory_space<vmem>>) target(%dma_start3A_862 : memref<16x128xf32, #tpu.memory_space<vmem_shared>>) target_semaphore(%run_scoped3A : memref<!tpu.dma_semaphore, #tpu.memory_space<semaphore_mem>>)
      %dma_wait3A = arith.constant 0 : i32
      %dma_wait3A_863 = tpu.memref_slice %arg11[%add3A_784, %dma_wait3A] : memref<10240x128xf32, #tpu.memory_space<vmem_shared>> -> memref<16x128xf32, #tpu.memory_space<vmem_shared>>
      %dma_wait3A_864 = arith.constant 0 : i32
      %dma_wait3A_865 = tpu.memref_slice %arg11[%add3A_784, %dma_wait3A_864] : memref<10240x128xf32, #tpu.memory_space<vmem_shared>> -> memref<16x128xf32, #tpu.memory_space<vmem_shared>>
      tpu.wait_dma2 semaphore(%run_scoped3A : memref<!tpu.dma_semaphore, #tpu.memory_space<semaphore_mem>>) src(%arg10 : memref<16x128xf32, #tpu.memory_space<vmem>>) dst(%dma_wait3A_865 : memref<16x128xf32, #tpu.memory_space<vmem_shared>>)
      tpu.yield
    }) : () -> ()
    %add3A_785 = arith.constant 112 : i32
    %add3A_786 = arith.addi %mul3A_770, %add3A_785 : i32
    "tpu.region"() ({
      %run_scoped3A = tpu.sem_alloc : memref<!tpu.dma_semaphore, #tpu.memory_space<semaphore_mem>>
      %dma_start3A = arith.constant 0 : i32
      %dma_start3A_860 = tpu.memref_slice %arg11[%add3A_786, %dma_start3A] : memref<10240x128xf32, #tpu.memory_space<vmem_shared>> -> memref<16x128xf32, #tpu.memory_space<vmem_shared>>
      %dma_start3A_861 = arith.constant 0 : i32
      %dma_start3A_862 = tpu.memref_slice %arg11[%add3A_786, %dma_start3A_861] : memref<10240x128xf32, #tpu.memory_space<vmem_shared>> -> memref<16x128xf32, #tpu.memory_space<vmem_shared>>
      tpu.enqueue_dma source(%arg10 : memref<16x128xf32, #tpu.memory_space<vmem>>) target(%dma_start3A_862 : memref<16x128xf32, #tpu.memory_space<vmem_shared>>) target_semaphore(%run_scoped3A : memref<!tpu.dma_semaphore, #tpu.memory_space<semaphore_mem>>)
      %dma_wait3A = arith.constant 0 : i32
      %dma_wait3A_863 = tpu.memref_slice %arg11[%add3A_786, %dma_wait3A] : memref<10240x128xf32, #tpu.memory_space<vmem_shared>> -> memref<16x128xf32, #tpu.memory_space<vmem_shared>>
      %dma_wait3A_864 = arith.constant 0 : i32
      %dma_wait3A_865 = tpu.memref_slice %arg11[%add3A_786, %dma_wait3A_864] : memref<10240x128xf32, #tpu.memory_space<vmem_shared>> -> memref<16x128xf32, #tpu.memory_space<vmem_shared>>
      tpu.wait_dma2 semaphore(%run_scoped3A : memref<!tpu.dma_semaphore, #tpu.memory_space<semaphore_mem>>) src(%arg10 : memref<16x128xf32, #tpu.memory_space<vmem>>) dst(%dma_wait3A_865 : memref<16x128xf32, #tpu.memory_space<vmem_shared>>)
      tpu.yield
    }) : () -> ()
    %add3A_787 = arith.constant 128 : i32
    %add3A_788 = arith.addi %mul3A_770, %add3A_787 : i32
    "tpu.region"() ({
      %run_scoped3A = tpu.sem_alloc : memref<!tpu.dma_semaphore, #tpu.memory_space<semaphore_mem>>
      %dma_start3A = arith.constant 0 : i32
      %dma_start3A_860 = tpu.memref_slice %arg11[%add3A_788, %dma_start3A] : memref<10240x128xf32, #tpu.memory_space<vmem_shared>> -> memref<16x128xf32, #tpu.memory_space<vmem_shared>>
      %dma_start3A_861 = arith.constant 0 : i32
      %dma_start3A_862 = tpu.memref_slice %arg11[%add3A_788, %dma_start3A_861] : memref<10240x128xf32, #tpu.memory_space<vmem_shared>> -> memref<16x128xf32, #tpu.memory_space<vmem_shared>>
      tpu.enqueue_dma source(%arg10 : memref<16x128xf32, #tpu.memory_space<vmem>>) target(%dma_start3A_862 : memref<16x128xf32, #tpu.memory_space<vmem_shared>>) target_semaphore(%run_scoped3A : memref<!tpu.dma_semaphore, #tpu.memory_space<semaphore_mem>>)
      %dma_wait3A = arith.constant 0 : i32
      %dma_wait3A_863 = tpu.memref_slice %arg11[%add3A_788, %dma_wait3A] : memref<10240x128xf32, #tpu.memory_space<vmem_shared>> -> memref<16x128xf32, #tpu.memory_space<vmem_shared>>
      %dma_wait3A_864 = arith.constant 0 : i32
      %dma_wait3A_865 = tpu.memref_slice %arg11[%add3A_788, %dma_wait3A_864] : memref<10240x128xf32, #tpu.memory_space<vmem_shared>> -> memref<16x128xf32, #tpu.memory_space<vmem_shared>>
      tpu.wait_dma2 semaphore(%run_scoped3A : memref<!tpu.dma_semaphore, #tpu.memory_space<semaphore_mem>>) src(%arg10 : memref<16x128xf32, #tpu.memory_space<vmem>>) dst(%dma_wait3A_865 : memref<16x128xf32, #tpu.memory_space<vmem_shared>>)
      tpu.yield
    }) : () -> ()
    %add3A_789 = arith.constant 144 : i32
    %add3A_790 = arith.addi %mul3A_770, %add3A_789 : i32
    "tpu.region"() ({
      %run_scoped3A = tpu.sem_alloc : memref<!tpu.dma_semaphore, #tpu.memory_space<semaphore_mem>>
      %dma_start3A = arith.constant 0 : i32
      %dma_start3A_860 = tpu.memref_slice %arg11[%add3A_790, %dma_start3A] : memref<10240x128xf32, #tpu.memory_space<vmem_shared>> -> memref<16x128xf32, #tpu.memory_space<vmem_shared>>
      %dma_start3A_861 = arith.constant 0 : i32
      %dma_start3A_862 = tpu.memref_slice %arg11[%add3A_790, %dma_start3A_861] : memref<10240x128xf32, #tpu.memory_space<vmem_shared>> -> memref<16x128xf32, #tpu.memory_space<vmem_shared>>
      tpu.enqueue_dma source(%arg10 : memref<16x128xf32, #tpu.memory_space<vmem>>) target(%dma_start3A_862 : memref<16x128xf32, #tpu.memory_space<vmem_shared>>) target_semaphore(%run_scoped3A : memref<!tpu.dma_semaphore, #tpu.memory_space<semaphore_mem>>)
      %dma_wait3A = arith.constant 0 : i32
      %dma_wait3A_863 = tpu.memref_slice %arg11[%add3A_790, %dma_wait3A] : memref<10240x128xf32, #tpu.memory_space<vmem_shared>> -> memref<16x128xf32, #tpu.memory_space<vmem_shared>>
      %dma_wait3A_864 = arith.constant 0 : i32
      %dma_wait3A_865 = tpu.memref_slice %arg11[%add3A_790, %dma_wait3A_864] : memref<10240x128xf32, #tpu.memory_space<vmem_shared>> -> memref<16x128xf32, #tpu.memory_space<vmem_shared>>
      tpu.wait_dma2 semaphore(%run_scoped3A : memref<!tpu.dma_semaphore, #tpu.memory_space<semaphore_mem>>) src(%arg10 : memref<16x128xf32, #tpu.memory_space<vmem>>) dst(%dma_wait3A_865 : memref<16x128xf32, #tpu.memory_space<vmem_shared>>)
      tpu.yield
    }) : () -> ()
    %add3A_791 = arith.constant 160 : i32
    %add3A_792 = arith.addi %mul3A_770, %add3A_791 : i32
    "tpu.region"() ({
      %run_scoped3A = tpu.sem_alloc : memref<!tpu.dma_semaphore, #tpu.memory_space<semaphore_mem>>
      %dma_start3A = arith.constant 0 : i32
      %dma_start3A_860 = tpu.memref_slice %arg11[%add3A_792, %dma_start3A] : memref<10240x128xf32, #tpu.memory_space<vmem_shared>> -> memref<16x128xf32, #tpu.memory_space<vmem_shared>>
      %dma_start3A_861 = arith.constant 0 : i32
      %dma_start3A_862 = tpu.memref_slice %arg11[%add3A_792, %dma_start3A_861] : memref<10240x128xf32, #tpu.memory_space<vmem_shared>> -> memref<16x128xf32, #tpu.memory_space<vmem_shared>>
      tpu.enqueue_dma source(%arg10 : memref<16x128xf32, #tpu.memory_space<vmem>>) target(%dma_start3A_862 : memref<16x128xf32, #tpu.memory_space<vmem_shared>>) target_semaphore(%run_scoped3A : memref<!tpu.dma_semaphore, #tpu.memory_space<semaphore_mem>>)
      %dma_wait3A = arith.constant 0 : i32
      %dma_wait3A_863 = tpu.memref_slice %arg11[%add3A_792, %dma_wait3A] : memref<10240x128xf32, #tpu.memory_space<vmem_shared>> -> memref<16x128xf32, #tpu.memory_space<vmem_shared>>
      %dma_wait3A_864 = arith.constant 0 : i32
      %dma_wait3A_865 = tpu.memref_slice %arg11[%add3A_792, %dma_wait3A_864] : memref<10240x128xf32, #tpu.memory_space<vmem_shared>> -> memref<16x128xf32, #tpu.memory_space<vmem_shared>>
      tpu.wait_dma2 semaphore(%run_scoped3A : memref<!tpu.dma_semaphore, #tpu.memory_space<semaphore_mem>>) src(%arg10 : memref<16x128xf32, #tpu.memory_space<vmem>>) dst(%dma_wait3A_865 : memref<16x128xf32, #tpu.memory_space<vmem_shared>>)
      tpu.yield
    }) : () -> ()
    %add3A_793 = arith.constant 176 : i32
    %add3A_794 = arith.addi %mul3A_770, %add3A_793 : i32
    "tpu.region"() ({
      %run_scoped3A = tpu.sem_alloc : memref<!tpu.dma_semaphore, #tpu.memory_space<semaphore_mem>>
      %dma_start3A = arith.constant 0 : i32
      %dma_start3A_860 = tpu.memref_slice %arg11[%add3A_794, %dma_start3A] : memref<10240x128xf32, #tpu.memory_space<vmem_shared>> -> memref<16x128xf32, #tpu.memory_space<vmem_shared>>
      %dma_start3A_861 = arith.constant 0 : i32
      %dma_start3A_862 = tpu.memref_slice %arg11[%add3A_794, %dma_start3A_861] : memref<10240x128xf32, #tpu.memory_space<vmem_shared>> -> memref<16x128xf32, #tpu.memory_space<vmem_shared>>
      tpu.enqueue_dma source(%arg10 : memref<16x128xf32, #tpu.memory_space<vmem>>) target(%dma_start3A_862 : memref<16x128xf32, #tpu.memory_space<vmem_shared>>) target_semaphore(%run_scoped3A : memref<!tpu.dma_semaphore, #tpu.memory_space<semaphore_mem>>)
      %dma_wait3A = arith.constant 0 : i32
      %dma_wait3A_863 = tpu.memref_slice %arg11[%add3A_794, %dma_wait3A] : memref<10240x128xf32, #tpu.memory_space<vmem_shared>> -> memref<16x128xf32, #tpu.memory_space<vmem_shared>>
      %dma_wait3A_864 = arith.constant 0 : i32
      %dma_wait3A_865 = tpu.memref_slice %arg11[%add3A_794, %dma_wait3A_864] : memref<10240x128xf32, #tpu.memory_space<vmem_shared>> -> memref<16x128xf32, #tpu.memory_space<vmem_shared>>
      tpu.wait_dma2 semaphore(%run_scoped3A : memref<!tpu.dma_semaphore, #tpu.memory_space<semaphore_mem>>) src(%arg10 : memref<16x128xf32, #tpu.memory_space<vmem>>) dst(%dma_wait3A_865 : memref<16x128xf32, #tpu.memory_space<vmem_shared>>)
      tpu.yield
    }) : () -> ()
    %add3A_795 = arith.constant 192 : i32
    %add3A_796 = arith.addi %mul3A_770, %add3A_795 : i32
    "tpu.region"() ({
      %run_scoped3A = tpu.sem_alloc : memref<!tpu.dma_semaphore, #tpu.memory_space<semaphore_mem>>
      %dma_start3A = arith.constant 0 : i32
      %dma_start3A_860 = tpu.memref_slice %arg11[%add3A_796, %dma_start3A] : memref<10240x128xf32, #tpu.memory_space<vmem_shared>> -> memref<16x128xf32, #tpu.memory_space<vmem_shared>>
      %dma_start3A_861 = arith.constant 0 : i32
      %dma_start3A_862 = tpu.memref_slice %arg11[%add3A_796, %dma_start3A_861] : memref<10240x128xf32, #tpu.memory_space<vmem_shared>> -> memref<16x128xf32, #tpu.memory_space<vmem_shared>>
      tpu.enqueue_dma source(%arg10 : memref<16x128xf32, #tpu.memory_space<vmem>>) target(%dma_start3A_862 : memref<16x128xf32, #tpu.memory_space<vmem_shared>>) target_semaphore(%run_scoped3A : memref<!tpu.dma_semaphore, #tpu.memory_space<semaphore_mem>>)
      %dma_wait3A = arith.constant 0 : i32
      %dma_wait3A_863 = tpu.memref_slice %arg11[%add3A_796, %dma_wait3A] : memref<10240x128xf32, #tpu.memory_space<vmem_shared>> -> memref<16x128xf32, #tpu.memory_space<vmem_shared>>
      %dma_wait3A_864 = arith.constant 0 : i32
      %dma_wait3A_865 = tpu.memref_slice %arg11[%add3A_796, %dma_wait3A_864] : memref<10240x128xf32, #tpu.memory_space<vmem_shared>> -> memref<16x128xf32, #tpu.memory_space<vmem_shared>>
      tpu.wait_dma2 semaphore(%run_scoped3A : memref<!tpu.dma_semaphore, #tpu.memory_space<semaphore_mem>>) src(%arg10 : memref<16x128xf32, #tpu.memory_space<vmem>>) dst(%dma_wait3A_865 : memref<16x128xf32, #tpu.memory_space<vmem_shared>>)
      tpu.yield
    }) : () -> ()
    %add3A_797 = arith.constant 208 : i32
    %add3A_798 = arith.addi %mul3A_770, %add3A_797 : i32
    "tpu.region"() ({
      %run_scoped3A = tpu.sem_alloc : memref<!tpu.dma_semaphore, #tpu.memory_space<semaphore_mem>>
      %dma_start3A = arith.constant 0 : i32
      %dma_start3A_860 = tpu.memref_slice %arg11[%add3A_798, %dma_start3A] : memref<10240x128xf32, #tpu.memory_space<vmem_shared>> -> memref<16x128xf32, #tpu.memory_space<vmem_shared>>
      %dma_start3A_861 = arith.constant 0 : i32
      %dma_start3A_862 = tpu.memref_slice %arg11[%add3A_798, %dma_start3A_861] : memref<10240x128xf32, #tpu.memory_space<vmem_shared>> -> memref<16x128xf32, #tpu.memory_space<vmem_shared>>
      tpu.enqueue_dma source(%arg10 : memref<16x128xf32, #tpu.memory_space<vmem>>) target(%dma_start3A_862 : memref<16x128xf32, #tpu.memory_space<vmem_shared>>) target_semaphore(%run_scoped3A : memref<!tpu.dma_semaphore, #tpu.memory_space<semaphore_mem>>)
      %dma_wait3A = arith.constant 0 : i32
      %dma_wait3A_863 = tpu.memref_slice %arg11[%add3A_798, %dma_wait3A] : memref<10240x128xf32, #tpu.memory_space<vmem_shared>> -> memref<16x128xf32, #tpu.memory_space<vmem_shared>>
      %dma_wait3A_864 = arith.constant 0 : i32
      %dma_wait3A_865 = tpu.memref_slice %arg11[%add3A_798, %dma_wait3A_864] : memref<10240x128xf32, #tpu.memory_space<vmem_shared>> -> memref<16x128xf32, #tpu.memory_space<vmem_shared>>
      tpu.wait_dma2 semaphore(%run_scoped3A : memref<!tpu.dma_semaphore, #tpu.memory_space<semaphore_mem>>) src(%arg10 : memref<16x128xf32, #tpu.memory_space<vmem>>) dst(%dma_wait3A_865 : memref<16x128xf32, #tpu.memory_space<vmem_shared>>)
      tpu.yield
    }) : () -> ()
    %add3A_799 = arith.constant 224 : i32
    %add3A_800 = arith.addi %mul3A_770, %add3A_799 : i32
    "tpu.region"() ({
      %run_scoped3A = tpu.sem_alloc : memref<!tpu.dma_semaphore, #tpu.memory_space<semaphore_mem>>
      %dma_start3A = arith.constant 0 : i32
      %dma_start3A_860 = tpu.memref_slice %arg11[%add3A_800, %dma_start3A] : memref<10240x128xf32, #tpu.memory_space<vmem_shared>> -> memref<16x128xf32, #tpu.memory_space<vmem_shared>>
      %dma_start3A_861 = arith.constant 0 : i32
      %dma_start3A_862 = tpu.memref_slice %arg11[%add3A_800, %dma_start3A_861] : memref<10240x128xf32, #tpu.memory_space<vmem_shared>> -> memref<16x128xf32, #tpu.memory_space<vmem_shared>>
      tpu.enqueue_dma source(%arg10 : memref<16x128xf32, #tpu.memory_space<vmem>>) target(%dma_start3A_862 : memref<16x128xf32, #tpu.memory_space<vmem_shared>>) target_semaphore(%run_scoped3A : memref<!tpu.dma_semaphore, #tpu.memory_space<semaphore_mem>>)
      %dma_wait3A = arith.constant 0 : i32
      %dma_wait3A_863 = tpu.memref_slice %arg11[%add3A_800, %dma_wait3A] : memref<10240x128xf32, #tpu.memory_space<vmem_shared>> -> memref<16x128xf32, #tpu.memory_space<vmem_shared>>
      %dma_wait3A_864 = arith.constant 0 : i32
      %dma_wait3A_865 = tpu.memref_slice %arg11[%add3A_800, %dma_wait3A_864] : memref<10240x128xf32, #tpu.memory_space<vmem_shared>> -> memref<16x128xf32, #tpu.memory_space<vmem_shared>>
      tpu.wait_dma2 semaphore(%run_scoped3A : memref<!tpu.dma_semaphore, #tpu.memory_space<semaphore_mem>>) src(%arg10 : memref<16x128xf32, #tpu.memory_space<vmem>>) dst(%dma_wait3A_865 : memref<16x128xf32, #tpu.memory_space<vmem_shared>>)
      tpu.yield
    }) : () -> ()
    %add3A_801 = arith.constant 240 : i32
    %add3A_802 = arith.addi %mul3A_770, %add3A_801 : i32
    "tpu.region"() ({
      %run_scoped3A = tpu.sem_alloc : memref<!tpu.dma_semaphore, #tpu.memory_space<semaphore_mem>>
      %dma_start3A = arith.constant 0 : i32
      %dma_start3A_860 = tpu.memref_slice %arg11[%add3A_802, %dma_start3A] : memref<10240x128xf32, #tpu.memory_space<vmem_shared>> -> memref<16x128xf32, #tpu.memory_space<vmem_shared>>
      %dma_start3A_861 = arith.constant 0 : i32
      %dma_start3A_862 = tpu.memref_slice %arg11[%add3A_802, %dma_start3A_861] : memref<10240x128xf32, #tpu.memory_space<vmem_shared>> -> memref<16x128xf32, #tpu.memory_space<vmem_shared>>
      tpu.enqueue_dma source(%arg10 : memref<16x128xf32, #tpu.memory_space<vmem>>) target(%dma_start3A_862 : memref<16x128xf32, #tpu.memory_space<vmem_shared>>) target_semaphore(%run_scoped3A : memref<!tpu.dma_semaphore, #tpu.memory_space<semaphore_mem>>)
      %dma_wait3A = arith.constant 0 : i32
      %dma_wait3A_863 = tpu.memref_slice %arg11[%add3A_802, %dma_wait3A] : memref<10240x128xf32, #tpu.memory_space<vmem_shared>> -> memref<16x128xf32, #tpu.memory_space<vmem_shared>>
      %dma_wait3A_864 = arith.constant 0 : i32
      %dma_wait3A_865 = tpu.memref_slice %arg11[%add3A_802, %dma_wait3A_864] : memref<10240x128xf32, #tpu.memory_space<vmem_shared>> -> memref<16x128xf32, #tpu.memory_space<vmem_shared>>
      tpu.wait_dma2 semaphore(%run_scoped3A : memref<!tpu.dma_semaphore, #tpu.memory_space<semaphore_mem>>) src(%arg10 : memref<16x128xf32, #tpu.memory_space<vmem>>) dst(%dma_wait3A_865 : memref<16x128xf32, #tpu.memory_space<vmem_shared>>)
      tpu.yield
    }) : () -> ()
    %add3A_803 = arith.constant 256 : i32
    %add3A_804 = arith.addi %mul3A_770, %add3A_803 : i32
    "tpu.region"() ({
      %run_scoped3A = tpu.sem_alloc : memref<!tpu.dma_semaphore, #tpu.memory_space<semaphore_mem>>
      %dma_start3A = arith.constant 0 : i32
      %dma_start3A_860 = tpu.memref_slice %arg11[%add3A_804, %dma_start3A] : memref<10240x128xf32, #tpu.memory_space<vmem_shared>> -> memref<16x128xf32, #tpu.memory_space<vmem_shared>>
      %dma_start3A_861 = arith.constant 0 : i32
      %dma_start3A_862 = tpu.memref_slice %arg11[%add3A_804, %dma_start3A_861] : memref<10240x128xf32, #tpu.memory_space<vmem_shared>> -> memref<16x128xf32, #tpu.memory_space<vmem_shared>>
      tpu.enqueue_dma source(%arg10 : memref<16x128xf32, #tpu.memory_space<vmem>>) target(%dma_start3A_862 : memref<16x128xf32, #tpu.memory_space<vmem_shared>>) target_semaphore(%run_scoped3A : memref<!tpu.dma_semaphore, #tpu.memory_space<semaphore_mem>>)
      %dma_wait3A = arith.constant 0 : i32
      %dma_wait3A_863 = tpu.memref_slice %arg11[%add3A_804, %dma_wait3A] : memref<10240x128xf32, #tpu.memory_space<vmem_shared>> -> memref<16x128xf32, #tpu.memory_space<vmem_shared>>
      %dma_wait3A_864 = arith.constant 0 : i32
      %dma_wait3A_865 = tpu.memref_slice %arg11[%add3A_804, %dma_wait3A_864] : memref<10240x128xf32, #tpu.memory_space<vmem_shared>> -> memref<16x128xf32, #tpu.memory_space<vmem_shared>>
      tpu.wait_dma2 semaphore(%run_scoped3A : memref<!tpu.dma_semaphore, #tpu.memory_space<semaphore_mem>>) src(%arg10 : memref<16x128xf32, #tpu.memory_space<vmem>>) dst(%dma_wait3A_865 : memref<16x128xf32, #tpu.memory_space<vmem_shared>>)
      tpu.yield
    }) : () -> ()
    %add3A_805 = arith.constant 272 : i32
    %add3A_806 = arith.addi %mul3A_770, %add3A_805 : i32
    "tpu.region"() ({
      %run_scoped3A = tpu.sem_alloc : memref<!tpu.dma_semaphore, #tpu.memory_space<semaphore_mem>>
      %dma_start3A = arith.constant 0 : i32
      %dma_start3A_860 = tpu.memref_slice %arg11[%add3A_806, %dma_start3A] : memref<10240x128xf32, #tpu.memory_space<vmem_shared>> -> memref<16x128xf32, #tpu.memory_space<vmem_shared>>
      %dma_start3A_861 = arith.constant 0 : i32
      %dma_start3A_862 = tpu.memref_slice %arg11[%add3A_806, %dma_start3A_861] : memref<10240x128xf32, #tpu.memory_space<vmem_shared>> -> memref<16x128xf32, #tpu.memory_space<vmem_shared>>
      tpu.enqueue_dma source(%arg10 : memref<16x128xf32, #tpu.memory_space<vmem>>) target(%dma_start3A_862 : memref<16x128xf32, #tpu.memory_space<vmem_shared>>) target_semaphore(%run_scoped3A : memref<!tpu.dma_semaphore, #tpu.memory_space<semaphore_mem>>)
      %dma_wait3A = arith.constant 0 : i32
      %dma_wait3A_863 = tpu.memref_slice %arg11[%add3A_806, %dma_wait3A] : memref<10240x128xf32, #tpu.memory_space<vmem_shared>> -> memref<16x128xf32, #tpu.memory_space<vmem_shared>>
      %dma_wait3A_864 = arith.constant 0 : i32
      %dma_wait3A_865 = tpu.memref_slice %arg11[%add3A_806, %dma_wait3A_864] : memref<10240x128xf32, #tpu.memory_space<vmem_shared>> -> memref<16x128xf32, #tpu.memory_space<vmem_shared>>
      tpu.wait_dma2 semaphore(%run_scoped3A : memref<!tpu.dma_semaphore, #tpu.memory_space<semaphore_mem>>) src(%arg10 : memref<16x128xf32, #tpu.memory_space<vmem>>) dst(%dma_wait3A_865 : memref<16x128xf32, #tpu.memory_space<vmem_shared>>)
      tpu.yield
    }) : () -> ()
    %add3A_807 = arith.constant 288 : i32
    %add3A_808 = arith.addi %mul3A_770, %add3A_807 : i32
    "tpu.region"() ({
      %run_scoped3A = tpu.sem_alloc : memref<!tpu.dma_semaphore, #tpu.memory_space<semaphore_mem>>
      %dma_start3A = arith.constant 0 : i32
      %dma_start3A_860 = tpu.memref_slice %arg11[%add3A_808, %dma_start3A] : memref<10240x128xf32, #tpu.memory_space<vmem_shared>> -> memref<16x128xf32, #tpu.memory_space<vmem_shared>>
      %dma_start3A_861 = arith.constant 0 : i32
      %dma_start3A_862 = tpu.memref_slice %arg11[%add3A_808, %dma_start3A_861] : memref<10240x128xf32, #tpu.memory_space<vmem_shared>> -> memref<16x128xf32, #tpu.memory_space<vmem_shared>>
      tpu.enqueue_dma source(%arg10 : memref<16x128xf32, #tpu.memory_space<vmem>>) target(%dma_start3A_862 : memref<16x128xf32, #tpu.memory_space<vmem_shared>>) target_semaphore(%run_scoped3A : memref<!tpu.dma_semaphore, #tpu.memory_space<semaphore_mem>>)
      %dma_wait3A = arith.constant 0 : i32
      %dma_wait3A_863 = tpu.memref_slice %arg11[%add3A_808, %dma_wait3A] : memref<10240x128xf32, #tpu.memory_space<vmem_shared>> -> memref<16x128xf32, #tpu.memory_space<vmem_shared>>
      %dma_wait3A_864 = arith.constant 0 : i32
      %dma_wait3A_865 = tpu.memref_slice %arg11[%add3A_808, %dma_wait3A_864] : memref<10240x128xf32, #tpu.memory_space<vmem_shared>> -> memref<16x128xf32, #tpu.memory_space<vmem_shared>>
      tpu.wait_dma2 semaphore(%run_scoped3A : memref<!tpu.dma_semaphore, #tpu.memory_space<semaphore_mem>>) src(%arg10 : memref<16x128xf32, #tpu.memory_space<vmem>>) dst(%dma_wait3A_865 : memref<16x128xf32, #tpu.memory_space<vmem_shared>>)
      tpu.yield
    }) : () -> ()
    %add3A_809 = arith.constant 304 : i32
    %add3A_810 = arith.addi %mul3A_770, %add3A_809 : i32
    "tpu.region"() ({
      %run_scoped3A = tpu.sem_alloc : memref<!tpu.dma_semaphore, #tpu.memory_space<semaphore_mem>>
      %dma_start3A = arith.constant 0 : i32
      %dma_start3A_860 = tpu.memref_slice %arg11[%add3A_810, %dma_start3A] : memref<10240x128xf32, #tpu.memory_space<vmem_shared>> -> memref<16x128xf32, #tpu.memory_space<vmem_shared>>
      %dma_start3A_861 = arith.constant 0 : i32
      %dma_start3A_862 = tpu.memref_slice %arg11[%add3A_810, %dma_start3A_861] : memref<10240x128xf32, #tpu.memory_space<vmem_shared>> -> memref<16x128xf32, #tpu.memory_space<vmem_shared>>
      tpu.enqueue_dma source(%arg10 : memref<16x128xf32, #tpu.memory_space<vmem>>) target(%dma_start3A_862 : memref<16x128xf32, #tpu.memory_space<vmem_shared>>) target_semaphore(%run_scoped3A : memref<!tpu.dma_semaphore, #tpu.memory_space<semaphore_mem>>)
      %dma_wait3A = arith.constant 0 : i32
      %dma_wait3A_863 = tpu.memref_slice %arg11[%add3A_810, %dma_wait3A] : memref<10240x128xf32, #tpu.memory_space<vmem_shared>> -> memref<16x128xf32, #tpu.memory_space<vmem_shared>>
      %dma_wait3A_864 = arith.constant 0 : i32
      %dma_wait3A_865 = tpu.memref_slice %arg11[%add3A_810, %dma_wait3A_864] : memref<10240x128xf32, #tpu.memory_space<vmem_shared>> -> memref<16x128xf32, #tpu.memory_space<vmem_shared>>
      tpu.wait_dma2 semaphore(%run_scoped3A : memref<!tpu.dma_semaphore, #tpu.memory_space<semaphore_mem>>) src(%arg10 : memref<16x128xf32, #tpu.memory_space<vmem>>) dst(%dma_wait3A_865 : memref<16x128xf32, #tpu.memory_space<vmem_shared>>)
      tpu.yield
    }) : () -> ()
    %add3A_811 = arith.constant 320 : i32
    %add3A_812 = arith.addi %mul3A_770, %add3A_811 : i32
    "tpu.region"() ({
      %run_scoped3A = tpu.sem_alloc : memref<!tpu.dma_semaphore, #tpu.memory_space<semaphore_mem>>
      %dma_start3A = arith.constant 0 : i32
      %dma_start3A_860 = tpu.memref_slice %arg11[%add3A_812, %dma_start3A] : memref<10240x128xf32, #tpu.memory_space<vmem_shared>> -> memref<16x128xf32, #tpu.memory_space<vmem_shared>>
      %dma_start3A_861 = arith.constant 0 : i32
      %dma_start3A_862 = tpu.memref_slice %arg11[%add3A_812, %dma_start3A_861] : memref<10240x128xf32, #tpu.memory_space<vmem_shared>> -> memref<16x128xf32, #tpu.memory_space<vmem_shared>>
      tpu.enqueue_dma source(%arg10 : memref<16x128xf32, #tpu.memory_space<vmem>>) target(%dma_start3A_862 : memref<16x128xf32, #tpu.memory_space<vmem_shared>>) target_semaphore(%run_scoped3A : memref<!tpu.dma_semaphore, #tpu.memory_space<semaphore_mem>>)
      %dma_wait3A = arith.constant 0 : i32
      %dma_wait3A_863 = tpu.memref_slice %arg11[%add3A_812, %dma_wait3A] : memref<10240x128xf32, #tpu.memory_space<vmem_shared>> -> memref<16x128xf32, #tpu.memory_space<vmem_shared>>
      %dma_wait3A_864 = arith.constant 0 : i32
      %dma_wait3A_865 = tpu.memref_slice %arg11[%add3A_812, %dma_wait3A_864] : memref<10240x128xf32, #tpu.memory_space<vmem_shared>> -> memref<16x128xf32, #tpu.memory_space<vmem_shared>>
      tpu.wait_dma2 semaphore(%run_scoped3A : memref<!tpu.dma_semaphore, #tpu.memory_space<semaphore_mem>>) src(%arg10 : memref<16x128xf32, #tpu.memory_space<vmem>>) dst(%dma_wait3A_865 : memref<16x128xf32, #tpu.memory_space<vmem_shared>>)
      tpu.yield
    }) : () -> ()
    %add3A_813 = arith.constant 336 : i32
    %add3A_814 = arith.addi %mul3A_770, %add3A_813 : i32
    "tpu.region"() ({
      %run_scoped3A = tpu.sem_alloc : memref<!tpu.dma_semaphore, #tpu.memory_space<semaphore_mem>>
      %dma_start3A = arith.constant 0 : i32
      %dma_start3A_860 = tpu.memref_slice %arg11[%add3A_814, %dma_start3A] : memref<10240x128xf32, #tpu.memory_space<vmem_shared>> -> memref<16x128xf32, #tpu.memory_space<vmem_shared>>
      %dma_start3A_861 = arith.constant 0 : i32
      %dma_start3A_862 = tpu.memref_slice %arg11[%add3A_814, %dma_start3A_861] : memref<10240x128xf32, #tpu.memory_space<vmem_shared>> -> memref<16x128xf32, #tpu.memory_space<vmem_shared>>
      tpu.enqueue_dma source(%arg10 : memref<16x128xf32, #tpu.memory_space<vmem>>) target(%dma_start3A_862 : memref<16x128xf32, #tpu.memory_space<vmem_shared>>) target_semaphore(%run_scoped3A : memref<!tpu.dma_semaphore, #tpu.memory_space<semaphore_mem>>)
      %dma_wait3A = arith.constant 0 : i32
      %dma_wait3A_863 = tpu.memref_slice %arg11[%add3A_814, %dma_wait3A] : memref<10240x128xf32, #tpu.memory_space<vmem_shared>> -> memref<16x128xf32, #tpu.memory_space<vmem_shared>>
      %dma_wait3A_864 = arith.constant 0 : i32
      %dma_wait3A_865 = tpu.memref_slice %arg11[%add3A_814, %dma_wait3A_864] : memref<10240x128xf32, #tpu.memory_space<vmem_shared>> -> memref<16x128xf32, #tpu.memory_space<vmem_shared>>
      tpu.wait_dma2 semaphore(%run_scoped3A : memref<!tpu.dma_semaphore, #tpu.memory_space<semaphore_mem>>) src(%arg10 : memref<16x128xf32, #tpu.memory_space<vmem>>) dst(%dma_wait3A_865 : memref<16x128xf32, #tpu.memory_space<vmem_shared>>)
      tpu.yield
    }) : () -> ()
    %add3A_815 = arith.constant 352 : i32
    %add3A_816 = arith.addi %mul3A_770, %add3A_815 : i32
    "tpu.region"() ({
      %run_scoped3A = tpu.sem_alloc : memref<!tpu.dma_semaphore, #tpu.memory_space<semaphore_mem>>
      %dma_start3A = arith.constant 0 : i32
      %dma_start3A_860 = tpu.memref_slice %arg11[%add3A_816, %dma_start3A] : memref<10240x128xf32, #tpu.memory_space<vmem_shared>> -> memref<16x128xf32, #tpu.memory_space<vmem_shared>>
      %dma_start3A_861 = arith.constant 0 : i32
      %dma_start3A_862 = tpu.memref_slice %arg11[%add3A_816, %dma_start3A_861] : memref<10240x128xf32, #tpu.memory_space<vmem_shared>> -> memref<16x128xf32, #tpu.memory_space<vmem_shared>>
      tpu.enqueue_dma source(%arg10 : memref<16x128xf32, #tpu.memory_space<vmem>>) target(%dma_start3A_862 : memref<16x128xf32, #tpu.memory_space<vmem_shared>>) target_semaphore(%run_scoped3A : memref<!tpu.dma_semaphore, #tpu.memory_space<semaphore_mem>>)
      %dma_wait3A = arith.constant 0 : i32
      %dma_wait3A_863 = tpu.memref_slice %arg11[%add3A_816, %dma_wait3A] : memref<10240x128xf32, #tpu.memory_space<vmem_shared>> -> memref<16x128xf32, #tpu.memory_space<vmem_shared>>
      %dma_wait3A_864 = arith.constant 0 : i32
      %dma_wait3A_865 = tpu.memref_slice %arg11[%add3A_816, %dma_wait3A_864] : memref<10240x128xf32, #tpu.memory_space<vmem_shared>> -> memref<16x128xf32, #tpu.memory_space<vmem_shared>>
      tpu.wait_dma2 semaphore(%run_scoped3A : memref<!tpu.dma_semaphore, #tpu.memory_space<semaphore_mem>>) src(%arg10 : memref<16x128xf32, #tpu.memory_space<vmem>>) dst(%dma_wait3A_865 : memref<16x128xf32, #tpu.memory_space<vmem_shared>>)
      tpu.yield
    }) : () -> ()
    %add3A_817 = arith.constant 368 : i32
    %add3A_818 = arith.addi %mul3A_770, %add3A_817 : i32
    "tpu.region"() ({
      %run_scoped3A = tpu.sem_alloc : memref<!tpu.dma_semaphore, #tpu.memory_space<semaphore_mem>>
      %dma_start3A = arith.constant 0 : i32
      %dma_start3A_860 = tpu.memref_slice %arg11[%add3A_818, %dma_start3A] : memref<10240x128xf32, #tpu.memory_space<vmem_shared>> -> memref<16x128xf32, #tpu.memory_space<vmem_shared>>
      %dma_start3A_861 = arith.constant 0 : i32
      %dma_start3A_862 = tpu.memref_slice %arg11[%add3A_818, %dma_start3A_861] : memref<10240x128xf32, #tpu.memory_space<vmem_shared>> -> memref<16x128xf32, #tpu.memory_space<vmem_shared>>
      tpu.enqueue_dma source(%arg10 : memref<16x128xf32, #tpu.memory_space<vmem>>) target(%dma_start3A_862 : memref<16x128xf32, #tpu.memory_space<vmem_shared>>) target_semaphore(%run_scoped3A : memref<!tpu.dma_semaphore, #tpu.memory_space<semaphore_mem>>)
      %dma_wait3A = arith.constant 0 : i32
      %dma_wait3A_863 = tpu.memref_slice %arg11[%add3A_818, %dma_wait3A] : memref<10240x128xf32, #tpu.memory_space<vmem_shared>> -> memref<16x128xf32, #tpu.memory_space<vmem_shared>>
      %dma_wait3A_864 = arith.constant 0 : i32
      %dma_wait3A_865 = tpu.memref_slice %arg11[%add3A_818, %dma_wait3A_864] : memref<10240x128xf32, #tpu.memory_space<vmem_shared>> -> memref<16x128xf32, #tpu.memory_space<vmem_shared>>
      tpu.wait_dma2 semaphore(%run_scoped3A : memref<!tpu.dma_semaphore, #tpu.memory_space<semaphore_mem>>) src(%arg10 : memref<16x128xf32, #tpu.memory_space<vmem>>) dst(%dma_wait3A_865 : memref<16x128xf32, #tpu.memory_space<vmem_shared>>)
      tpu.yield
    }) : () -> ()
    %add3A_819 = arith.constant 384 : i32
    %add3A_820 = arith.addi %mul3A_770, %add3A_819 : i32
    "tpu.region"() ({
      %run_scoped3A = tpu.sem_alloc : memref<!tpu.dma_semaphore, #tpu.memory_space<semaphore_mem>>
      %dma_start3A = arith.constant 0 : i32
      %dma_start3A_860 = tpu.memref_slice %arg11[%add3A_820, %dma_start3A] : memref<10240x128xf32, #tpu.memory_space<vmem_shared>> -> memref<16x128xf32, #tpu.memory_space<vmem_shared>>
      %dma_start3A_861 = arith.constant 0 : i32
      %dma_start3A_862 = tpu.memref_slice %arg11[%add3A_820, %dma_start3A_861] : memref<10240x128xf32, #tpu.memory_space<vmem_shared>> -> memref<16x128xf32, #tpu.memory_space<vmem_shared>>
      tpu.enqueue_dma source(%arg10 : memref<16x128xf32, #tpu.memory_space<vmem>>) target(%dma_start3A_862 : memref<16x128xf32, #tpu.memory_space<vmem_shared>>) target_semaphore(%run_scoped3A : memref<!tpu.dma_semaphore, #tpu.memory_space<semaphore_mem>>)
      %dma_wait3A = arith.constant 0 : i32
      %dma_wait3A_863 = tpu.memref_slice %arg11[%add3A_820, %dma_wait3A] : memref<10240x128xf32, #tpu.memory_space<vmem_shared>> -> memref<16x128xf32, #tpu.memory_space<vmem_shared>>
      %dma_wait3A_864 = arith.constant 0 : i32
      %dma_wait3A_865 = tpu.memref_slice %arg11[%add3A_820, %dma_wait3A_864] : memref<10240x128xf32, #tpu.memory_space<vmem_shared>> -> memref<16x128xf32, #tpu.memory_space<vmem_shared>>
      tpu.wait_dma2 semaphore(%run_scoped3A : memref<!tpu.dma_semaphore, #tpu.memory_space<semaphore_mem>>) src(%arg10 : memref<16x128xf32, #tpu.memory_space<vmem>>) dst(%dma_wait3A_865 : memref<16x128xf32, #tpu.memory_space<vmem_shared>>)
      tpu.yield
    }) : () -> ()
    %add3A_821 = arith.constant 400 : i32
    %add3A_822 = arith.addi %mul3A_770, %add3A_821 : i32
    "tpu.region"() ({
      %run_scoped3A = tpu.sem_alloc : memref<!tpu.dma_semaphore, #tpu.memory_space<semaphore_mem>>
      %dma_start3A = arith.constant 0 : i32
      %dma_start3A_860 = tpu.memref_slice %arg11[%add3A_822, %dma_start3A] : memref<10240x128xf32, #tpu.memory_space<vmem_shared>> -> memref<16x128xf32, #tpu.memory_space<vmem_shared>>
      %dma_start3A_861 = arith.constant 0 : i32
      %dma_start3A_862 = tpu.memref_slice %arg11[%add3A_822, %dma_start3A_861] : memref<10240x128xf32, #tpu.memory_space<vmem_shared>> -> memref<16x128xf32, #tpu.memory_space<vmem_shared>>
      tpu.enqueue_dma source(%arg10 : memref<16x128xf32, #tpu.memory_space<vmem>>) target(%dma_start3A_862 : memref<16x128xf32, #tpu.memory_space<vmem_shared>>) target_semaphore(%run_scoped3A : memref<!tpu.dma_semaphore, #tpu.memory_space<semaphore_mem>>)
      %dma_wait3A = arith.constant 0 : i32
      %dma_wait3A_863 = tpu.memref_slice %arg11[%add3A_822, %dma_wait3A] : memref<10240x128xf32, #tpu.memory_space<vmem_shared>> -> memref<16x128xf32, #tpu.memory_space<vmem_shared>>
      %dma_wait3A_864 = arith.constant 0 : i32
      %dma_wait3A_865 = tpu.memref_slice %arg11[%add3A_822, %dma_wait3A_864] : memref<10240x128xf32, #tpu.memory_space<vmem_shared>> -> memref<16x128xf32, #tpu.memory_space<vmem_shared>>
      tpu.wait_dma2 semaphore(%run_scoped3A : memref<!tpu.dma_semaphore, #tpu.memory_space<semaphore_mem>>) src(%arg10 : memref<16x128xf32, #tpu.memory_space<vmem>>) dst(%dma_wait3A_865 : memref<16x128xf32, #tpu.memory_space<vmem_shared>>)
      tpu.yield
    }) : () -> ()
    %add3A_823 = arith.constant 416 : i32
    %add3A_824 = arith.addi %mul3A_770, %add3A_823 : i32
    "tpu.region"() ({
      %run_scoped3A = tpu.sem_alloc : memref<!tpu.dma_semaphore, #tpu.memory_space<semaphore_mem>>
      %dma_start3A = arith.constant 0 : i32
      %dma_start3A_860 = tpu.memref_slice %arg11[%add3A_824, %dma_start3A] : memref<10240x128xf32, #tpu.memory_space<vmem_shared>> -> memref<16x128xf32, #tpu.memory_space<vmem_shared>>
      %dma_start3A_861 = arith.constant 0 : i32
      %dma_start3A_862 = tpu.memref_slice %arg11[%add3A_824, %dma_start3A_861] : memref<10240x128xf32, #tpu.memory_space<vmem_shared>> -> memref<16x128xf32, #tpu.memory_space<vmem_shared>>
      tpu.enqueue_dma source(%arg10 : memref<16x128xf32, #tpu.memory_space<vmem>>) target(%dma_start3A_862 : memref<16x128xf32, #tpu.memory_space<vmem_shared>>) target_semaphore(%run_scoped3A : memref<!tpu.dma_semaphore, #tpu.memory_space<semaphore_mem>>)
      %dma_wait3A = arith.constant 0 : i32
      %dma_wait3A_863 = tpu.memref_slice %arg11[%add3A_824, %dma_wait3A] : memref<10240x128xf32, #tpu.memory_space<vmem_shared>> -> memref<16x128xf32, #tpu.memory_space<vmem_shared>>
      %dma_wait3A_864 = arith.constant 0 : i32
      %dma_wait3A_865 = tpu.memref_slice %arg11[%add3A_824, %dma_wait3A_864] : memref<10240x128xf32, #tpu.memory_space<vmem_shared>> -> memref<16x128xf32, #tpu.memory_space<vmem_shared>>
      tpu.wait_dma2 semaphore(%run_scoped3A : memref<!tpu.dma_semaphore, #tpu.memory_space<semaphore_mem>>) src(%arg10 : memref<16x128xf32, #tpu.memory_space<vmem>>) dst(%dma_wait3A_865 : memref<16x128xf32, #tpu.memory_space<vmem_shared>>)
      tpu.yield
    }) : () -> ()
    %add3A_825 = arith.constant 432 : i32
    %add3A_826 = arith.addi %mul3A_770, %add3A_825 : i32
    "tpu.region"() ({
      %run_scoped3A = tpu.sem_alloc : memref<!tpu.dma_semaphore, #tpu.memory_space<semaphore_mem>>
      %dma_start3A = arith.constant 0 : i32
      %dma_start3A_860 = tpu.memref_slice %arg11[%add3A_826, %dma_start3A] : memref<10240x128xf32, #tpu.memory_space<vmem_shared>> -> memref<16x128xf32, #tpu.memory_space<vmem_shared>>
      %dma_start3A_861 = arith.constant 0 : i32
      %dma_start3A_862 = tpu.memref_slice %arg11[%add3A_826, %dma_start3A_861] : memref<10240x128xf32, #tpu.memory_space<vmem_shared>> -> memref<16x128xf32, #tpu.memory_space<vmem_shared>>
      tpu.enqueue_dma source(%arg10 : memref<16x128xf32, #tpu.memory_space<vmem>>) target(%dma_start3A_862 : memref<16x128xf32, #tpu.memory_space<vmem_shared>>) target_semaphore(%run_scoped3A : memref<!tpu.dma_semaphore, #tpu.memory_space<semaphore_mem>>)
      %dma_wait3A = arith.constant 0 : i32
      %dma_wait3A_863 = tpu.memref_slice %arg11[%add3A_826, %dma_wait3A] : memref<10240x128xf32, #tpu.memory_space<vmem_shared>> -> memref<16x128xf32, #tpu.memory_space<vmem_shared>>
      %dma_wait3A_864 = arith.constant 0 : i32
      %dma_wait3A_865 = tpu.memref_slice %arg11[%add3A_826, %dma_wait3A_864] : memref<10240x128xf32, #tpu.memory_space<vmem_shared>> -> memref<16x128xf32, #tpu.memory_space<vmem_shared>>
      tpu.wait_dma2 semaphore(%run_scoped3A : memref<!tpu.dma_semaphore, #tpu.memory_space<semaphore_mem>>) src(%arg10 : memref<16x128xf32, #tpu.memory_space<vmem>>) dst(%dma_wait3A_865 : memref<16x128xf32, #tpu.memory_space<vmem_shared>>)
      tpu.yield
    }) : () -> ()
    %add3A_827 = arith.constant 448 : i32
    %add3A_828 = arith.addi %mul3A_770, %add3A_827 : i32
    "tpu.region"() ({
      %run_scoped3A = tpu.sem_alloc : memref<!tpu.dma_semaphore, #tpu.memory_space<semaphore_mem>>
      %dma_start3A = arith.constant 0 : i32
      %dma_start3A_860 = tpu.memref_slice %arg11[%add3A_828, %dma_start3A] : memref<10240x128xf32, #tpu.memory_space<vmem_shared>> -> memref<16x128xf32, #tpu.memory_space<vmem_shared>>
      %dma_start3A_861 = arith.constant 0 : i32
      %dma_start3A_862 = tpu.memref_slice %arg11[%add3A_828, %dma_start3A_861] : memref<10240x128xf32, #tpu.memory_space<vmem_shared>> -> memref<16x128xf32, #tpu.memory_space<vmem_shared>>
      tpu.enqueue_dma source(%arg10 : memref<16x128xf32, #tpu.memory_space<vmem>>) target(%dma_start3A_862 : memref<16x128xf32, #tpu.memory_space<vmem_shared>>) target_semaphore(%run_scoped3A : memref<!tpu.dma_semaphore, #tpu.memory_space<semaphore_mem>>)
      %dma_wait3A = arith.constant 0 : i32
      %dma_wait3A_863 = tpu.memref_slice %arg11[%add3A_828, %dma_wait3A] : memref<10240x128xf32, #tpu.memory_space<vmem_shared>> -> memref<16x128xf32, #tpu.memory_space<vmem_shared>>
      %dma_wait3A_864 = arith.constant 0 : i32
      %dma_wait3A_865 = tpu.memref_slice %arg11[%add3A_828, %dma_wait3A_864] : memref<10240x128xf32, #tpu.memory_space<vmem_shared>> -> memref<16x128xf32, #tpu.memory_space<vmem_shared>>
      tpu.wait_dma2 semaphore(%run_scoped3A : memref<!tpu.dma_semaphore, #tpu.memory_space<semaphore_mem>>) src(%arg10 : memref<16x128xf32, #tpu.memory_space<vmem>>) dst(%dma_wait3A_865 : memref<16x128xf32, #tpu.memory_space<vmem_shared>>)
      tpu.yield
    }) : () -> ()
    %add3A_829 = arith.constant 464 : i32
    %add3A_830 = arith.addi %mul3A_770, %add3A_829 : i32
    "tpu.region"() ({
      %run_scoped3A = tpu.sem_alloc : memref<!tpu.dma_semaphore, #tpu.memory_space<semaphore_mem>>
      %dma_start3A = arith.constant 0 : i32
      %dma_start3A_860 = tpu.memref_slice %arg11[%add3A_830, %dma_start3A] : memref<10240x128xf32, #tpu.memory_space<vmem_shared>> -> memref<16x128xf32, #tpu.memory_space<vmem_shared>>
      %dma_start3A_861 = arith.constant 0 : i32
      %dma_start3A_862 = tpu.memref_slice %arg11[%add3A_830, %dma_start3A_861] : memref<10240x128xf32, #tpu.memory_space<vmem_shared>> -> memref<16x128xf32, #tpu.memory_space<vmem_shared>>
      tpu.enqueue_dma source(%arg10 : memref<16x128xf32, #tpu.memory_space<vmem>>) target(%dma_start3A_862 : memref<16x128xf32, #tpu.memory_space<vmem_shared>>) target_semaphore(%run_scoped3A : memref<!tpu.dma_semaphore, #tpu.memory_space<semaphore_mem>>)
      %dma_wait3A = arith.constant 0 : i32
      %dma_wait3A_863 = tpu.memref_slice %arg11[%add3A_830, %dma_wait3A] : memref<10240x128xf32, #tpu.memory_space<vmem_shared>> -> memref<16x128xf32, #tpu.memory_space<vmem_shared>>
      %dma_wait3A_864 = arith.constant 0 : i32
      %dma_wait3A_865 = tpu.memref_slice %arg11[%add3A_830, %dma_wait3A_864] : memref<10240x128xf32, #tpu.memory_space<vmem_shared>> -> memref<16x128xf32, #tpu.memory_space<vmem_shared>>
      tpu.wait_dma2 semaphore(%run_scoped3A : memref<!tpu.dma_semaphore, #tpu.memory_space<semaphore_mem>>) src(%arg10 : memref<16x128xf32, #tpu.memory_space<vmem>>) dst(%dma_wait3A_865 : memref<16x128xf32, #tpu.memory_space<vmem_shared>>)
      tpu.yield
    }) : () -> ()
    %add3A_831 = arith.constant 480 : i32
    %add3A_832 = arith.addi %mul3A_770, %add3A_831 : i32
    "tpu.region"() ({
      %run_scoped3A = tpu.sem_alloc : memref<!tpu.dma_semaphore, #tpu.memory_space<semaphore_mem>>
      %dma_start3A = arith.constant 0 : i32
      %dma_start3A_860 = tpu.memref_slice %arg11[%add3A_832, %dma_start3A] : memref<10240x128xf32, #tpu.memory_space<vmem_shared>> -> memref<16x128xf32, #tpu.memory_space<vmem_shared>>
      %dma_start3A_861 = arith.constant 0 : i32
      %dma_start3A_862 = tpu.memref_slice %arg11[%add3A_832, %dma_start3A_861] : memref<10240x128xf32, #tpu.memory_space<vmem_shared>> -> memref<16x128xf32, #tpu.memory_space<vmem_shared>>
      tpu.enqueue_dma source(%arg10 : memref<16x128xf32, #tpu.memory_space<vmem>>) target(%dma_start3A_862 : memref<16x128xf32, #tpu.memory_space<vmem_shared>>) target_semaphore(%run_scoped3A : memref<!tpu.dma_semaphore, #tpu.memory_space<semaphore_mem>>)
      %dma_wait3A = arith.constant 0 : i32
      %dma_wait3A_863 = tpu.memref_slice %arg11[%add3A_832, %dma_wait3A] : memref<10240x128xf32, #tpu.memory_space<vmem_shared>> -> memref<16x128xf32, #tpu.memory_space<vmem_shared>>
      %dma_wait3A_864 = arith.constant 0 : i32
      %dma_wait3A_865 = tpu.memref_slice %arg11[%add3A_832, %dma_wait3A_864] : memref<10240x128xf32, #tpu.memory_space<vmem_shared>> -> memref<16x128xf32, #tpu.memory_space<vmem_shared>>
      tpu.wait_dma2 semaphore(%run_scoped3A : memref<!tpu.dma_semaphore, #tpu.memory_space<semaphore_mem>>) src(%arg10 : memref<16x128xf32, #tpu.memory_space<vmem>>) dst(%dma_wait3A_865 : memref<16x128xf32, #tpu.memory_space<vmem_shared>>)
      tpu.yield
    }) : () -> ()
    %add3A_833 = arith.constant 496 : i32
    %add3A_834 = arith.addi %mul3A_770, %add3A_833 : i32
    "tpu.region"() ({
      %run_scoped3A = tpu.sem_alloc : memref<!tpu.dma_semaphore, #tpu.memory_space<semaphore_mem>>
      %dma_start3A = arith.constant 0 : i32
      %dma_start3A_860 = tpu.memref_slice %arg11[%add3A_834, %dma_start3A] : memref<10240x128xf32, #tpu.memory_space<vmem_shared>> -> memref<16x128xf32, #tpu.memory_space<vmem_shared>>
      %dma_start3A_861 = arith.constant 0 : i32
      %dma_start3A_862 = tpu.memref_slice %arg11[%add3A_834, %dma_start3A_861] : memref<10240x128xf32, #tpu.memory_space<vmem_shared>> -> memref<16x128xf32, #tpu.memory_space<vmem_shared>>
      tpu.enqueue_dma source(%arg10 : memref<16x128xf32, #tpu.memory_space<vmem>>) target(%dma_start3A_862 : memref<16x128xf32, #tpu.memory_space<vmem_shared>>) target_semaphore(%run_scoped3A : memref<!tpu.dma_semaphore, #tpu.memory_space<semaphore_mem>>)
      %dma_wait3A = arith.constant 0 : i32
      %dma_wait3A_863 = tpu.memref_slice %arg11[%add3A_834, %dma_wait3A] : memref<10240x128xf32, #tpu.memory_space<vmem_shared>> -> memref<16x128xf32, #tpu.memory_space<vmem_shared>>
      %dma_wait3A_864 = arith.constant 0 : i32
      %dma_wait3A_865 = tpu.memref_slice %arg11[%add3A_834, %dma_wait3A_864] : memref<10240x128xf32, #tpu.memory_space<vmem_shared>> -> memref<16x128xf32, #tpu.memory_space<vmem_shared>>
      tpu.wait_dma2 semaphore(%run_scoped3A : memref<!tpu.dma_semaphore, #tpu.memory_space<semaphore_mem>>) src(%arg10 : memref<16x128xf32, #tpu.memory_space<vmem>>) dst(%dma_wait3A_865 : memref<16x128xf32, #tpu.memory_space<vmem_shared>>)
      tpu.yield
    }) : () -> ()
    %add3A_835 = arith.constant 512 : i32
    %add3A_836 = arith.addi %mul3A_770, %add3A_835 : i32
    "tpu.region"() ({
      %run_scoped3A = tpu.sem_alloc : memref<!tpu.dma_semaphore, #tpu.memory_space<semaphore_mem>>
      %dma_start3A = arith.constant 0 : i32
      %dma_start3A_860 = tpu.memref_slice %arg11[%add3A_836, %dma_start3A] : memref<10240x128xf32, #tpu.memory_space<vmem_shared>> -> memref<16x128xf32, #tpu.memory_space<vmem_shared>>
      %dma_start3A_861 = arith.constant 0 : i32
      %dma_start3A_862 = tpu.memref_slice %arg11[%add3A_836, %dma_start3A_861] : memref<10240x128xf32, #tpu.memory_space<vmem_shared>> -> memref<16x128xf32, #tpu.memory_space<vmem_shared>>
      tpu.enqueue_dma source(%arg10 : memref<16x128xf32, #tpu.memory_space<vmem>>) target(%dma_start3A_862 : memref<16x128xf32, #tpu.memory_space<vmem_shared>>) target_semaphore(%run_scoped3A : memref<!tpu.dma_semaphore, #tpu.memory_space<semaphore_mem>>)
      %dma_wait3A = arith.constant 0 : i32
      %dma_wait3A_863 = tpu.memref_slice %arg11[%add3A_836, %dma_wait3A] : memref<10240x128xf32, #tpu.memory_space<vmem_shared>> -> memref<16x128xf32, #tpu.memory_space<vmem_shared>>
      %dma_wait3A_864 = arith.constant 0 : i32
      %dma_wait3A_865 = tpu.memref_slice %arg11[%add3A_836, %dma_wait3A_864] : memref<10240x128xf32, #tpu.memory_space<vmem_shared>> -> memref<16x128xf32, #tpu.memory_space<vmem_shared>>
      tpu.wait_dma2 semaphore(%run_scoped3A : memref<!tpu.dma_semaphore, #tpu.memory_space<semaphore_mem>>) src(%arg10 : memref<16x128xf32, #tpu.memory_space<vmem>>) dst(%dma_wait3A_865 : memref<16x128xf32, #tpu.memory_space<vmem_shared>>)
      tpu.yield
    }) : () -> ()
    %add3A_837 = arith.constant 528 : i32
    %add3A_838 = arith.addi %mul3A_770, %add3A_837 : i32
    "tpu.region"() ({
      %run_scoped3A = tpu.sem_alloc : memref<!tpu.dma_semaphore, #tpu.memory_space<semaphore_mem>>
      %dma_start3A = arith.constant 0 : i32
      %dma_start3A_860 = tpu.memref_slice %arg11[%add3A_838, %dma_start3A] : memref<10240x128xf32, #tpu.memory_space<vmem_shared>> -> memref<16x128xf32, #tpu.memory_space<vmem_shared>>
      %dma_start3A_861 = arith.constant 0 : i32
      %dma_start3A_862 = tpu.memref_slice %arg11[%add3A_838, %dma_start3A_861] : memref<10240x128xf32, #tpu.memory_space<vmem_shared>> -> memref<16x128xf32, #tpu.memory_space<vmem_shared>>
      tpu.enqueue_dma source(%arg10 : memref<16x128xf32, #tpu.memory_space<vmem>>) target(%dma_start3A_862 : memref<16x128xf32, #tpu.memory_space<vmem_shared>>) target_semaphore(%run_scoped3A : memref<!tpu.dma_semaphore, #tpu.memory_space<semaphore_mem>>)
      %dma_wait3A = arith.constant 0 : i32
      %dma_wait3A_863 = tpu.memref_slice %arg11[%add3A_838, %dma_wait3A] : memref<10240x128xf32, #tpu.memory_space<vmem_shared>> -> memref<16x128xf32, #tpu.memory_space<vmem_shared>>
      %dma_wait3A_864 = arith.constant 0 : i32
      %dma_wait3A_865 = tpu.memref_slice %arg11[%add3A_838, %dma_wait3A_864] : memref<10240x128xf32, #tpu.memory_space<vmem_shared>> -> memref<16x128xf32, #tpu.memory_space<vmem_shared>>
      tpu.wait_dma2 semaphore(%run_scoped3A : memref<!tpu.dma_semaphore, #tpu.memory_space<semaphore_mem>>) src(%arg10 : memref<16x128xf32, #tpu.memory_space<vmem>>) dst(%dma_wait3A_865 : memref<16x128xf32, #tpu.memory_space<vmem_shared>>)
      tpu.yield
    }) : () -> ()
    %add3A_839 = arith.constant 544 : i32
    %add3A_840 = arith.addi %mul3A_770, %add3A_839 : i32
    "tpu.region"() ({
      %run_scoped3A = tpu.sem_alloc : memref<!tpu.dma_semaphore, #tpu.memory_space<semaphore_mem>>
      %dma_start3A = arith.constant 0 : i32
      %dma_start3A_860 = tpu.memref_slice %arg11[%add3A_840, %dma_start3A] : memref<10240x128xf32, #tpu.memory_space<vmem_shared>> -> memref<16x128xf32, #tpu.memory_space<vmem_shared>>
      %dma_start3A_861 = arith.constant 0 : i32
      %dma_start3A_862 = tpu.memref_slice %arg11[%add3A_840, %dma_start3A_861] : memref<10240x128xf32, #tpu.memory_space<vmem_shared>> -> memref<16x128xf32, #tpu.memory_space<vmem_shared>>
      tpu.enqueue_dma source(%arg10 : memref<16x128xf32, #tpu.memory_space<vmem>>) target(%dma_start3A_862 : memref<16x128xf32, #tpu.memory_space<vmem_shared>>) target_semaphore(%run_scoped3A : memref<!tpu.dma_semaphore, #tpu.memory_space<semaphore_mem>>)
      %dma_wait3A = arith.constant 0 : i32
      %dma_wait3A_863 = tpu.memref_slice %arg11[%add3A_840, %dma_wait3A] : memref<10240x128xf32, #tpu.memory_space<vmem_shared>> -> memref<16x128xf32, #tpu.memory_space<vmem_shared>>
      %dma_wait3A_864 = arith.constant 0 : i32
      %dma_wait3A_865 = tpu.memref_slice %arg11[%add3A_840, %dma_wait3A_864] : memref<10240x128xf32, #tpu.memory_space<vmem_shared>> -> memref<16x128xf32, #tpu.memory_space<vmem_shared>>
      tpu.wait_dma2 semaphore(%run_scoped3A : memref<!tpu.dma_semaphore, #tpu.memory_space<semaphore_mem>>) src(%arg10 : memref<16x128xf32, #tpu.memory_space<vmem>>) dst(%dma_wait3A_865 : memref<16x128xf32, #tpu.memory_space<vmem_shared>>)
      tpu.yield
    }) : () -> ()
    %add3A_841 = arith.constant 560 : i32
    %add3A_842 = arith.addi %mul3A_770, %add3A_841 : i32
    "tpu.region"() ({
      %run_scoped3A = tpu.sem_alloc : memref<!tpu.dma_semaphore, #tpu.memory_space<semaphore_mem>>
      %dma_start3A = arith.constant 0 : i32
      %dma_start3A_860 = tpu.memref_slice %arg11[%add3A_842, %dma_start3A] : memref<10240x128xf32, #tpu.memory_space<vmem_shared>> -> memref<16x128xf32, #tpu.memory_space<vmem_shared>>
      %dma_start3A_861 = arith.constant 0 : i32
      %dma_start3A_862 = tpu.memref_slice %arg11[%add3A_842, %dma_start3A_861] : memref<10240x128xf32, #tpu.memory_space<vmem_shared>> -> memref<16x128xf32, #tpu.memory_space<vmem_shared>>
      tpu.enqueue_dma source(%arg10 : memref<16x128xf32, #tpu.memory_space<vmem>>) target(%dma_start3A_862 : memref<16x128xf32, #tpu.memory_space<vmem_shared>>) target_semaphore(%run_scoped3A : memref<!tpu.dma_semaphore, #tpu.memory_space<semaphore_mem>>)
      %dma_wait3A = arith.constant 0 : i32
      %dma_wait3A_863 = tpu.memref_slice %arg11[%add3A_842, %dma_wait3A] : memref<10240x128xf32, #tpu.memory_space<vmem_shared>> -> memref<16x128xf32, #tpu.memory_space<vmem_shared>>
      %dma_wait3A_864 = arith.constant 0 : i32
      %dma_wait3A_865 = tpu.memref_slice %arg11[%add3A_842, %dma_wait3A_864] : memref<10240x128xf32, #tpu.memory_space<vmem_shared>> -> memref<16x128xf32, #tpu.memory_space<vmem_shared>>
      tpu.wait_dma2 semaphore(%run_scoped3A : memref<!tpu.dma_semaphore, #tpu.memory_space<semaphore_mem>>) src(%arg10 : memref<16x128xf32, #tpu.memory_space<vmem>>) dst(%dma_wait3A_865 : memref<16x128xf32, #tpu.memory_space<vmem_shared>>)
      tpu.yield
    }) : () -> ()
    %add3A_843 = arith.constant 576 : i32
    %add3A_844 = arith.addi %mul3A_770, %add3A_843 : i32
    "tpu.region"() ({
      %run_scoped3A = tpu.sem_alloc : memref<!tpu.dma_semaphore, #tpu.memory_space<semaphore_mem>>
      %dma_start3A = arith.constant 0 : i32
      %dma_start3A_860 = tpu.memref_slice %arg11[%add3A_844, %dma_start3A] : memref<10240x128xf32, #tpu.memory_space<vmem_shared>> -> memref<16x128xf32, #tpu.memory_space<vmem_shared>>
      %dma_start3A_861 = arith.constant 0 : i32
      %dma_start3A_862 = tpu.memref_slice %arg11[%add3A_844, %dma_start3A_861] : memref<10240x128xf32, #tpu.memory_space<vmem_shared>> -> memref<16x128xf32, #tpu.memory_space<vmem_shared>>
      tpu.enqueue_dma source(%arg10 : memref<16x128xf32, #tpu.memory_space<vmem>>) target(%dma_start3A_862 : memref<16x128xf32, #tpu.memory_space<vmem_shared>>) target_semaphore(%run_scoped3A : memref<!tpu.dma_semaphore, #tpu.memory_space<semaphore_mem>>)
      %dma_wait3A = arith.constant 0 : i32
      %dma_wait3A_863 = tpu.memref_slice %arg11[%add3A_844, %dma_wait3A] : memref<10240x128xf32, #tpu.memory_space<vmem_shared>> -> memref<16x128xf32, #tpu.memory_space<vmem_shared>>
      %dma_wait3A_864 = arith.constant 0 : i32
      %dma_wait3A_865 = tpu.memref_slice %arg11[%add3A_844, %dma_wait3A_864] : memref<10240x128xf32, #tpu.memory_space<vmem_shared>> -> memref<16x128xf32, #tpu.memory_space<vmem_shared>>
      tpu.wait_dma2 semaphore(%run_scoped3A : memref<!tpu.dma_semaphore, #tpu.memory_space<semaphore_mem>>) src(%arg10 : memref<16x128xf32, #tpu.memory_space<vmem>>) dst(%dma_wait3A_865 : memref<16x128xf32, #tpu.memory_space<vmem_shared>>)
      tpu.yield
    }) : () -> ()
    %add3A_845 = arith.constant 592 : i32
    %add3A_846 = arith.addi %mul3A_770, %add3A_845 : i32
    "tpu.region"() ({
      %run_scoped3A = tpu.sem_alloc : memref<!tpu.dma_semaphore, #tpu.memory_space<semaphore_mem>>
      %dma_start3A = arith.constant 0 : i32
      %dma_start3A_860 = tpu.memref_slice %arg11[%add3A_846, %dma_start3A] : memref<10240x128xf32, #tpu.memory_space<vmem_shared>> -> memref<16x128xf32, #tpu.memory_space<vmem_shared>>
      %dma_start3A_861 = arith.constant 0 : i32
      %dma_start3A_862 = tpu.memref_slice %arg11[%add3A_846, %dma_start3A_861] : memref<10240x128xf32, #tpu.memory_space<vmem_shared>> -> memref<16x128xf32, #tpu.memory_space<vmem_shared>>
      tpu.enqueue_dma source(%arg10 : memref<16x128xf32, #tpu.memory_space<vmem>>) target(%dma_start3A_862 : memref<16x128xf32, #tpu.memory_space<vmem_shared>>) target_semaphore(%run_scoped3A : memref<!tpu.dma_semaphore, #tpu.memory_space<semaphore_mem>>)
      %dma_wait3A = arith.constant 0 : i32
      %dma_wait3A_863 = tpu.memref_slice %arg11[%add3A_846, %dma_wait3A] : memref<10240x128xf32, #tpu.memory_space<vmem_shared>> -> memref<16x128xf32, #tpu.memory_space<vmem_shared>>
      %dma_wait3A_864 = arith.constant 0 : i32
      %dma_wait3A_865 = tpu.memref_slice %arg11[%add3A_846, %dma_wait3A_864] : memref<10240x128xf32, #tpu.memory_space<vmem_shared>> -> memref<16x128xf32, #tpu.memory_space<vmem_shared>>
      tpu.wait_dma2 semaphore(%run_scoped3A : memref<!tpu.dma_semaphore, #tpu.memory_space<semaphore_mem>>) src(%arg10 : memref<16x128xf32, #tpu.memory_space<vmem>>) dst(%dma_wait3A_865 : memref<16x128xf32, #tpu.memory_space<vmem_shared>>)
      tpu.yield
    }) : () -> ()
    %add3A_847 = arith.constant 608 : i32
    %add3A_848 = arith.addi %mul3A_770, %add3A_847 : i32
    "tpu.region"() ({
      %run_scoped3A = tpu.sem_alloc : memref<!tpu.dma_semaphore, #tpu.memory_space<semaphore_mem>>
      %dma_start3A = arith.constant 0 : i32
      %dma_start3A_860 = tpu.memref_slice %arg11[%add3A_848, %dma_start3A] : memref<10240x128xf32, #tpu.memory_space<vmem_shared>> -> memref<16x128xf32, #tpu.memory_space<vmem_shared>>
      %dma_start3A_861 = arith.constant 0 : i32
      %dma_start3A_862 = tpu.memref_slice %arg11[%add3A_848, %dma_start3A_861] : memref<10240x128xf32, #tpu.memory_space<vmem_shared>> -> memref<16x128xf32, #tpu.memory_space<vmem_shared>>
      tpu.enqueue_dma source(%arg10 : memref<16x128xf32, #tpu.memory_space<vmem>>) target(%dma_start3A_862 : memref<16x128xf32, #tpu.memory_space<vmem_shared>>) target_semaphore(%run_scoped3A : memref<!tpu.dma_semaphore, #tpu.memory_space<semaphore_mem>>)
      %dma_wait3A = arith.constant 0 : i32
      %dma_wait3A_863 = tpu.memref_slice %arg11[%add3A_848, %dma_wait3A] : memref<10240x128xf32, #tpu.memory_space<vmem_shared>> -> memref<16x128xf32, #tpu.memory_space<vmem_shared>>
      %dma_wait3A_864 = arith.constant 0 : i32
      %dma_wait3A_865 = tpu.memref_slice %arg11[%add3A_848, %dma_wait3A_864] : memref<10240x128xf32, #tpu.memory_space<vmem_shared>> -> memref<16x128xf32, #tpu.memory_space<vmem_shared>>
      tpu.wait_dma2 semaphore(%run_scoped3A : memref<!tpu.dma_semaphore, #tpu.memory_space<semaphore_mem>>) src(%arg10 : memref<16x128xf32, #tpu.memory_space<vmem>>) dst(%dma_wait3A_865 : memref<16x128xf32, #tpu.memory_space<vmem_shared>>)
      tpu.yield
    }) : () -> ()
    %add3A_849 = arith.constant 624 : i32
    %add3A_850 = arith.addi %mul3A_770, %add3A_849 : i32
    "tpu.region"() ({
      %run_scoped3A = tpu.sem_alloc : memref<!tpu.dma_semaphore, #tpu.memory_space<semaphore_mem>>
      %dma_start3A = arith.constant 0 : i32
      %dma_start3A_860 = tpu.memref_slice %arg11[%add3A_850, %dma_start3A] : memref<10240x128xf32, #tpu.memory_space<vmem_shared>> -> memref<16x128xf32, #tpu.memory_space<vmem_shared>>
      %dma_start3A_861 = arith.constant 0 : i32
      %dma_start3A_862 = tpu.memref_slice %arg11[%add3A_850, %dma_start3A_861] : memref<10240x128xf32, #tpu.memory_space<vmem_shared>> -> memref<16x128xf32, #tpu.memory_space<vmem_shared>>
      tpu.enqueue_dma source(%arg10 : memref<16x128xf32, #tpu.memory_space<vmem>>) target(%dma_start3A_862 : memref<16x128xf32, #tpu.memory_space<vmem_shared>>) target_semaphore(%run_scoped3A : memref<!tpu.dma_semaphore, #tpu.memory_space<semaphore_mem>>)
      %dma_wait3A = arith.constant 0 : i32
      %dma_wait3A_863 = tpu.memref_slice %arg11[%add3A_850, %dma_wait3A] : memref<10240x128xf32, #tpu.memory_space<vmem_shared>> -> memref<16x128xf32, #tpu.memory_space<vmem_shared>>
      %dma_wait3A_864 = arith.constant 0 : i32
      %dma_wait3A_865 = tpu.memref_slice %arg11[%add3A_850, %dma_wait3A_864] : memref<10240x128xf32, #tpu.memory_space<vmem_shared>> -> memref<16x128xf32, #tpu.memory_space<vmem_shared>>
      tpu.wait_dma2 semaphore(%run_scoped3A : memref<!tpu.dma_semaphore, #tpu.memory_space<semaphore_mem>>) src(%arg10 : memref<16x128xf32, #tpu.memory_space<vmem>>) dst(%dma_wait3A_865 : memref<16x128xf32, #tpu.memory_space<vmem_shared>>)
      tpu.yield
    }) : () -> ()
    %barrier3A = arith.constant 0 : index
    tpu.barrier barrier_id(%barrier3A)
    %scan3A = arith.constant 0 : i32
    %scan3A_851 = arith.constant 0 : i32
    %scan3A_852 = arith.constant 2 : i32
    %scan3A_853 = arith.addi %scan3A_851, %scan3A_852 : i32
    %scan3A_854 = arith.constant 1 : i32
    scf.for %scan3A_860 = %scan3A_851 to %scan3A_853 step %scan3A_854  : i32 {
      %mul3A_861 = arith.constant 80 : i32
      %mul3A_862 = arith.muli %add3A, %mul3A_861 : i32
      %mul3A_863 = arith.constant 40 : i32
      %mul3A_864 = arith.muli %scan3A_860, %mul3A_863 : i32
      %add3A_865 = arith.addi %mul3A_862, %mul3A_864 : i32
      %multiple_of3A = tpu.assume_multiple %add3A_865, 8 : i32
      %dma_start3A = arith.constant 0 : i32
      %dma_start3A_866 = tpu.memref_slice %arg3[%multiple_of3A, %dma_start3A] : memref<2560x128xi32, #tpu.memory_space<hbm>> -> memref<40x128xi32, #tpu.memory_space<hbm>>
      %dma_start3A_867 = arith.constant 0 : i32
      %dma_start3A_868 = tpu.memref_slice %arg3[%multiple_of3A, %dma_start3A_867] : memref<2560x128xi32, #tpu.memory_space<hbm>> -> memref<40x128xi32, #tpu.memory_space<hbm>>
      tpu.enqueue_dma source(%dma_start3A_868 : memref<40x128xi32, #tpu.memory_space<hbm>>) target(%arg6 : memref<40x128xi32, #tpu.memory_space<vmem>>) target_semaphore(%arg12 : memref<!tpu.dma_semaphore, #tpu.memory_space<semaphore_mem>>)
      %dma_wait3A = arith.constant 0 : i32
      %dma_wait3A_869 = tpu.memref_slice %arg3[%multiple_of3A, %dma_wait3A] : memref<2560x128xi32, #tpu.memory_space<hbm>> -> memref<40x128xi32, #tpu.memory_space<hbm>>
      %dma_wait3A_870 = arith.constant 0 : i32
      %dma_wait3A_871 = tpu.memref_slice %arg3[%multiple_of3A, %dma_wait3A_870] : memref<2560x128xi32, #tpu.memory_space<hbm>> -> memref<40x128xi32, #tpu.memory_space<hbm>>
      tpu.wait_dma2 semaphore(%arg12 : memref<!tpu.dma_semaphore, #tpu.memory_space<semaphore_mem>>) src(%dma_wait3A_871 : memref<40x128xi32, #tpu.memory_space<hbm>>) dst(%arg6 : memref<40x128xi32, #tpu.memory_space<vmem>>)
      %dma_start3A_872 = arith.constant 0 : i32
      %dma_start3A_873 = tpu.memref_slice %arg4[%multiple_of3A, %dma_start3A_872] : memref<2560x128xi32, #tpu.memory_space<hbm>> -> memref<40x128xi32, #tpu.memory_space<hbm>>
      %dma_start3A_874 = arith.constant 0 : i32
      %dma_start3A_875 = tpu.memref_slice %arg4[%multiple_of3A, %dma_start3A_874] : memref<2560x128xi32, #tpu.memory_space<hbm>> -> memref<40x128xi32, #tpu.memory_space<hbm>>
      tpu.enqueue_dma source(%dma_start3A_875 : memref<40x128xi32, #tpu.memory_space<hbm>>) target(%arg7 : memref<40x128xi32, #tpu.memory_space<vmem>>) target_semaphore(%arg13 : memref<!tpu.dma_semaphore, #tpu.memory_space<semaphore_mem>>)
      %dma_wait3A_876 = arith.constant 0 : i32
      %dma_wait3A_877 = tpu.memref_slice %arg4[%multiple_of3A, %dma_wait3A_876] : memref<2560x128xi32, #tpu.memory_space<hbm>> -> memref<40x128xi32, #tpu.memory_space<hbm>>
      %dma_wait3A_878 = arith.constant 0 : i32
      %dma_wait3A_879 = tpu.memref_slice %arg4[%multiple_of3A, %dma_wait3A_878] : memref<2560x128xi32, #tpu.memory_space<hbm>> -> memref<40x128xi32, #tpu.memory_space<hbm>>
      tpu.wait_dma2 semaphore(%arg13 : memref<!tpu.dma_semaphore, #tpu.memory_space<semaphore_mem>>) src(%dma_wait3A_879 : memref<40x128xi32, #tpu.memory_space<hbm>>) dst(%arg7 : memref<40x128xi32, #tpu.memory_space<vmem>>)
      %dma_start3A_880 = arith.constant 0 : i32
      %dma_start3A_881 = arith.constant 0 : i32
      %dma_start3A_882 = tpu.memref_slice %arg6[%dma_start3A_880, %dma_start3A_881] : memref<40x128xi32, #tpu.memory_space<vmem>> -> memref<1x128xi32, #tpu.memory_space<vmem>>
      %dma_start3A_883 = tpu.memref_squeeze %dma_start3A_882 : memref<1x128xi32, #tpu.memory_space<vmem>> -> memref<128xi32, #tpu.memory_space<vmem>>
      %dma_start3A_884 = arith.constant 0 : i32
      %dma_start3A_885 = arith.constant 0 : i32
      %dma_start3A_886 = tpu.memref_slice %arg2[%dma_start3A_884, %dma_start3A_885] : memref<10240x128xf32, #tpu.memory_space<hbm>> -> memref<10240x128xf32, #tpu.memory_space<hbm>>
      tpu.enqueue_indirect_dma source(%dma_start3A_886 : memref<10240x128xf32, #tpu.memory_space<hbm>>) target(%arg8 : memref<128x128xf32, #tpu.memory_space<vmem>>) offsets(%dma_start3A_883 : memref<128xi32, #tpu.memory_space<vmem>>) semaphore(%arg12 : memref<!tpu.dma_semaphore, #tpu.memory_space<semaphore_mem>>)
      %scan3A_887 = arith.constant 0 : i32
      %scan3A_888 = arith.constant 0 : i32
      %scan3A_889 = arith.constant 20 : i32
      %scan3A_890 = arith.addi %scan3A_888, %scan3A_889 : i32
      %scan3A_891 = arith.constant 1 : i32
      scf.for %scan3A_900 = %scan3A_888 to %scan3A_890 step %scan3A_891  : i32 {
        %mul3A_901 = arith.constant 2 : i32
        %mul3A_902 = arith.muli %mul3A_901, %scan3A_900 : i32
        %mul3A_903 = arith.constant 2 : i32
        %mul3A_904 = arith.muli %mul3A_903, %scan3A_900 : i32
        %add3A_905 = arith.constant 1 : i32
        %add3A_906 = arith.addi %mul3A_904, %add3A_905 : i32
        %dma_start3A_907 = arith.constant 0 : i32
        %dma_start3A_908 = tpu.memref_slice %arg6[%add3A_906, %dma_start3A_907] : memref<40x128xi32, #tpu.memory_space<vmem>> -> memref<1x128xi32, #tpu.memory_space<vmem>>
        %dma_start3A_909 = tpu.memref_squeeze %dma_start3A_908 : memref<1x128xi32, #tpu.memory_space<vmem>> -> memref<128xi32, #tpu.memory_space<vmem>>
        %dma_start3A_910 = arith.constant 0 : i32
        %dma_start3A_911 = arith.constant 0 : i32
        %dma_start3A_912 = tpu.memref_slice %arg2[%dma_start3A_910, %dma_start3A_911] : memref<10240x128xf32, #tpu.memory_space<hbm>> -> memref<10240x128xf32, #tpu.memory_space<hbm>>
        tpu.enqueue_indirect_dma source(%dma_start3A_912 : memref<10240x128xf32, #tpu.memory_space<hbm>>) target(%arg9 : memref<128x128xf32, #tpu.memory_space<vmem>>) offsets(%dma_start3A_909 : memref<128xi32, #tpu.memory_space<vmem>>) semaphore(%arg13 : memref<!tpu.dma_semaphore, #tpu.memory_space<semaphore_mem>>)
        %dma_wait3A_913 = arith.constant 0 : i32
        %dma_wait3A_914 = tpu.memref_slice %arg6[%mul3A_902, %dma_wait3A_913] : memref<40x128xi32, #tpu.memory_space<vmem>> -> memref<1x128xi32, #tpu.memory_space<vmem>>
        %dma_wait3A_915 = tpu.memref_squeeze %dma_wait3A_914 : memref<1x128xi32, #tpu.memory_space<vmem>> -> memref<128xi32, #tpu.memory_space<vmem>>
        %dma_wait3A_916 = arith.constant 0 : i32
        %dma_wait3A_917 = arith.constant 0 : i32
        %dma_wait3A_918 = tpu.memref_slice %arg2[%dma_wait3A_916, %dma_wait3A_917] : memref<10240x128xf32, #tpu.memory_space<hbm>> -> memref<10240x128xf32, #tpu.memory_space<hbm>>
        tpu.wait_indirect_dma semaphore(%arg12 : memref<!tpu.dma_semaphore, #tpu.memory_space<semaphore_mem>>) src(%dma_wait3A_918 : memref<10240x128xf32, #tpu.memory_space<hbm>>) dst(%arg8 : memref<128x128xf32, #tpu.memory_space<vmem>>)
        "tpu.region"() ({
          %run_scoped3A = tpu.sem_alloc : memref<!tpu.dma_semaphore, #tpu.memory_space<semaphore_mem>>
          %dma_start3A_934 = arith.constant 0 : i32
          %dma_start3A_935 = tpu.memref_slice %arg7[%mul3A_902, %dma_start3A_934] : memref<40x128xi32, #tpu.memory_space<vmem>> -> memref<1x128xi32, #tpu.memory_space<vmem>>
          %dma_start3A_936 = tpu.memref_squeeze %dma_start3A_935 : memref<1x128xi32, #tpu.memory_space<vmem>> -> memref<128xi32, #tpu.memory_space<vmem>>
          %dma_start3A_937 = arith.constant 0 : i32
          %dma_start3A_938 = arith.constant 0 : i32
          %dma_start3A_939 = tpu.memref_slice %arg11[%dma_start3A_937, %dma_start3A_938] : memref<10240x128xf32, #tpu.memory_space<vmem_shared>> -> memref<10240x128xf32, #tpu.memory_space<vmem_shared>>
          tpu.enqueue_indirect_dma source(%arg8 : memref<128x128xf32, #tpu.memory_space<vmem>>) target(%dma_start3A_939 : memref<10240x128xf32, #tpu.memory_space<vmem_shared>>) offsets(%dma_start3A_936 : memref<128xi32, #tpu.memory_space<vmem>>) semaphore(%run_scoped3A : memref<!tpu.dma_semaphore, #tpu.memory_space<semaphore_mem>>) {add = true}
          %dma_wait3A_940 = arith.constant 0 : i32
          %dma_wait3A_941 = tpu.memref_slice %arg7[%mul3A_902, %dma_wait3A_940] : memref<40x128xi32, #tpu.memory_space<vmem>> -> memref<1x128xi32, #tpu.memory_space<vmem>>
          %dma_wait3A_942 = tpu.memref_squeeze %dma_wait3A_941 : memref<1x128xi32, #tpu.memory_space<vmem>> -> memref<128xi32, #tpu.memory_space<vmem>>
          %dma_wait3A_943 = arith.constant 0 : i32
          %dma_wait3A_944 = arith.constant 0 : i32
          %dma_wait3A_945 = tpu.memref_slice %arg11[%dma_wait3A_943, %dma_wait3A_944] : memref<10240x128xf32, #tpu.memory_space<vmem_shared>> -> memref<10240x128xf32, #tpu.memory_space<vmem_shared>>
          tpu.wait_indirect_dma semaphore(%run_scoped3A : memref<!tpu.dma_semaphore, #tpu.memory_space<semaphore_mem>>) src(%arg8 : memref<128x128xf32, #tpu.memory_space<vmem>>) dst(%dma_wait3A_945 : memref<10240x128xf32, #tpu.memory_space<vmem_shared>>)
          tpu.yield
        }) : () -> ()
        %add3A_919 = arith.constant 2 : i32
        %add3A_920 = arith.addi %mul3A_902, %add3A_919 : i32
        %min3A = arith.constant 39 : i32
        %min3A_921 = arith.minsi %add3A_920, %min3A : i32
        %dma_start3A_922 = arith.constant 0 : i32
        %dma_start3A_923 = tpu.memref_slice %arg6[%min3A_921, %dma_start3A_922] : memref<40x128xi32, #tpu.memory_space<vmem>> -> memref<1x128xi32, #tpu.memory_space<vmem>>
        %dma_start3A_924 = tpu.memref_squeeze %dma_start3A_923 : memref<1x128xi32, #tpu.memory_space<vmem>> -> memref<128xi32, #tpu.memory_space<vmem>>
        %dma_start3A_925 = arith.constant 0 : i32
        %dma_start3A_926 = arith.constant 0 : i32
        %dma_start3A_927 = tpu.memref_slice %arg2[%dma_start3A_925, %dma_start3A_926] : memref<10240x128xf32, #tpu.memory_space<hbm>> -> memref<10240x128xf32, #tpu.memory_space<hbm>>
        tpu.enqueue_indirect_dma source(%dma_start3A_927 : memref<10240x128xf32, #tpu.memory_space<hbm>>) target(%arg8 : memref<128x128xf32, #tpu.memory_space<vmem>>) offsets(%dma_start3A_924 : memref<128xi32, #tpu.memory_space<vmem>>) semaphore(%arg12 : memref<!tpu.dma_semaphore, #tpu.memory_space<semaphore_mem>>)
        %dma_wait3A_928 = arith.constant 0 : i32
        %dma_wait3A_929 = tpu.memref_slice %arg6[%add3A_906, %dma_wait3A_928] : memref<40x128xi32, #tpu.memory_space<vmem>> -> memref<1x128xi32, #tpu.memory_space<vmem>>
        %dma_wait3A_930 = tpu.memref_squeeze %dma_wait3A_929 : memref<1x128xi32, #tpu.memory_space<vmem>> -> memref<128xi32, #tpu.memory_space<vmem>>
        %dma_wait3A_931 = arith.constant 0 : i32
        %dma_wait3A_932 = arith.constant 0 : i32
        %dma_wait3A_933 = tpu.memref_slice %arg2[%dma_wait3A_931, %dma_wait3A_932] : memref<10240x128xf32, #tpu.memory_space<hbm>> -> memref<10240x128xf32, #tpu.memory_space<hbm>>
        tpu.wait_indirect_dma semaphore(%arg13 : memref<!tpu.dma_semaphore, #tpu.memory_space<semaphore_mem>>) src(%dma_wait3A_933 : memref<10240x128xf32, #tpu.memory_space<hbm>>) dst(%arg9 : memref<128x128xf32, #tpu.memory_space<vmem>>)
        "tpu.region"() ({
          %run_scoped3A = tpu.sem_alloc : memref<!tpu.dma_semaphore, #tpu.memory_space<semaphore_mem>>
          %dma_start3A_934 = arith.constant 0 : i32
          %dma_start3A_935 = tpu.memref_slice %arg7[%add3A_906, %dma_start3A_934] : memref<40x128xi32, #tpu.memory_space<vmem>> -> memref<1x128xi32, #tpu.memory_space<vmem>>
          %dma_start3A_936 = tpu.memref_squeeze %dma_start3A_935 : memref<1x128xi32, #tpu.memory_space<vmem>> -> memref<128xi32, #tpu.memory_space<vmem>>
          %dma_start3A_937 = arith.constant 0 : i32
          %dma_start3A_938 = arith.constant 0 : i32
          %dma_start3A_939 = tpu.memref_slice %arg11[%dma_start3A_937, %dma_start3A_938] : memref<10240x128xf32, #tpu.memory_space<vmem_shared>> -> memref<10240x128xf32, #tpu.memory_space<vmem_shared>>
          tpu.enqueue_indirect_dma source(%arg9 : memref<128x128xf32, #tpu.memory_space<vmem>>) target(%dma_start3A_939 : memref<10240x128xf32, #tpu.memory_space<vmem_shared>>) offsets(%dma_start3A_936 : memref<128xi32, #tpu.memory_space<vmem>>) semaphore(%run_scoped3A : memref<!tpu.dma_semaphore, #tpu.memory_space<semaphore_mem>>) {add = true}
          %dma_wait3A_940 = arith.constant 0 : i32
          %dma_wait3A_941 = tpu.memref_slice %arg7[%add3A_906, %dma_wait3A_940] : memref<40x128xi32, #tpu.memory_space<vmem>> -> memref<1x128xi32, #tpu.memory_space<vmem>>
          %dma_wait3A_942 = tpu.memref_squeeze %dma_wait3A_941 : memref<1x128xi32, #tpu.memory_space<vmem>> -> memref<128xi32, #tpu.memory_space<vmem>>
          %dma_wait3A_943 = arith.constant 0 : i32
          %dma_wait3A_944 = arith.constant 0 : i32
          %dma_wait3A_945 = tpu.memref_slice %arg11[%dma_wait3A_943, %dma_wait3A_944] : memref<10240x128xf32, #tpu.memory_space<vmem_shared>> -> memref<10240x128xf32, #tpu.memory_space<vmem_shared>>
          tpu.wait_indirect_dma semaphore(%run_scoped3A : memref<!tpu.dma_semaphore, #tpu.memory_space<semaphore_mem>>) src(%arg9 : memref<128x128xf32, #tpu.memory_space<vmem>>) dst(%dma_wait3A_945 : memref<10240x128xf32, #tpu.memory_space<vmem_shared>>)
          tpu.yield
        }) : () -> ()
      }
      %scan3A_892 = arith.constant 20 : i32
      %dma_wait3A_893 = arith.constant 0 : i32
      %dma_wait3A_894 = arith.constant 0 : i32
      %dma_wait3A_895 = tpu.memref_slice %arg6[%dma_wait3A_893, %dma_wait3A_894] : memref<40x128xi32, #tpu.memory_space<vmem>> -> memref<1x128xi32, #tpu.memory_space<vmem>>
      %dma_wait3A_896 = tpu.memref_squeeze %dma_wait3A_895 : memref<1x128xi32, #tpu.memory_space<vmem>> -> memref<128xi32, #tpu.memory_space<vmem>>
      %dma_wait3A_897 = arith.constant 0 : i32
      %dma_wait3A_898 = arith.constant 0 : i32
      %dma_wait3A_899 = tpu.memref_slice %arg2[%dma_wait3A_897, %dma_wait3A_898] : memref<10240x128xf32, #tpu.memory_space<hbm>> -> memref<10240x128xf32, #tpu.memory_space<hbm>>
      tpu.wait_indirect_dma semaphore(%arg12 : memref<!tpu.dma_semaphore, #tpu.memory_space<semaphore_mem>>) src(%dma_wait3A_899 : memref<10240x128xf32, #tpu.memory_space<hbm>>) dst(%arg8 : memref<128x128xf32, #tpu.memory_space<vmem>>)
    }
    %scan3A_855 = arith.constant 2 : i32
    %barrier3A_856 = arith.constant 0 : index
    tpu.barrier barrier_id(%barrier3A_856)
    %mul3A_857 = arith.constant 10240 : i32
    %mul3A_858 = arith.muli %arg0, %mul3A_857 : i32
    %add3A_859 = arith.addi %mul3A_858, %mul3A_770 : i32
    "tpu.region"() ({
      %run_scoped3A = tpu.sem_alloc : memref<!tpu.dma_semaphore, #tpu.memory_space<semaphore_mem>>
      %dma_start3A = arith.constant 0 : i32
      %dma_start3A_860 = tpu.memref_slice %arg5[%add3A_859, %dma_start3A] : memref<20480x128xf32, #tpu.memory_space<hbm>> -> memref<640x128xf32, #tpu.memory_space<hbm>>
      %dma_start3A_861 = arith.constant 0 : i32
      %dma_start3A_862 = tpu.memref_slice %arg11[%mul3A_770, %dma_start3A_861] : memref<10240x128xf32, #tpu.memory_space<vmem_shared>> -> memref<640x128xf32, #tpu.memory_space<vmem_shared>>
      tpu.enqueue_dma source(%dma_start3A_862 : memref<640x128xf32, #tpu.memory_space<vmem_shared>>) target(%dma_start3A_860 : memref<640x128xf32, #tpu.memory_space<hbm>>) target_semaphore(%run_scoped3A : memref<!tpu.dma_semaphore, #tpu.memory_space<semaphore_mem>>)
      %dma_wait3A = arith.constant 0 : i32
      %dma_wait3A_863 = tpu.memref_slice %arg5[%add3A_859, %dma_wait3A] : memref<20480x128xf32, #tpu.memory_space<hbm>> -> memref<640x128xf32, #tpu.memory_space<hbm>>
      %dma_wait3A_864 = arith.constant 0 : i32
      %dma_wait3A_865 = tpu.memref_slice %arg11[%mul3A_770, %dma_wait3A_864] : memref<10240x128xf32, #tpu.memory_space<vmem_shared>> -> memref<640x128xf32, #tpu.memory_space<vmem_shared>>
      tpu.wait_dma2 semaphore(%run_scoped3A : memref<!tpu.dma_semaphore, #tpu.memory_space<semaphore_mem>>) src(%dma_wait3A_865 : memref<640x128xf32, #tpu.memory_space<vmem_shared>>) dst(%dma_wait3A_863 : memref<640x128xf32, #tpu.memory_space<hbm>>)
      tpu.yield
    }) : () -> ()
    return
  }
}

module attributes {stable_mosaic.version = 14 : i64} {
  func.func @_tc1_body(%arg0: i32, %arg1: memref<1024x128xf32, #tpu.memory_space<vmem>>, %arg2: memref<128x128xf32, #tpu.memory_space<vmem>>, %arg3: memref<128x128xf32, #tpu.memory_space<vmem>>, %arg4: memref<1x128xf32, #tpu.memory_space<vmem>>, %arg5: memref<1024x128xf32, #tpu.memory_space<vmem>>, %arg6: memref<1024x128xf32, #tpu.memory_space<vmem>>) attributes {dimension_semantics = [#tpu.dimension_semantics<arbitrary>], iteration_bounds = array<i64: 10>, scalar_prefetch = 0 : i64, scratch_operands = 0 : i64, tpu.core_type = #tpu.core_type<tc>, window_params = [{transform_indices = @transform_0, window_bounds = array<i64: 1024, 128>}, {pipeline_mode = #tpu.pipeline_mode<synchronous>, transform_indices = @transform_1, window_bounds = array<i64: 128, 128>}, {pipeline_mode = #tpu.pipeline_mode<synchronous>, transform_indices = @transform_2, window_bounds = array<i64: 128, 128>}, {pipeline_mode = #tpu.pipeline_mode<synchronous>, transform_indices = @transform_3, window_bounds = array<i64: 1, 128>}, {transform_indices = @transform_4, window_bounds = array<i64: 1024, 128>}, {transform_indices = @transform_5, window_bounds = array<i64: 1024, 128>}]} {
    %get3A = arith.constant 0 : index
    %get3A_0 = arith.constant 0 : index
    %get3A_1 = vector.load %arg1[%get3A, %get3A_0] : memref<1024x128xf32, #tpu.memory_space<vmem>>, vector<1024x128xf32>
    %get3A_2 = arith.constant 0 : index
    %get3A_3 = arith.constant 0 : index
    %get3A_4 = vector.load %arg2[%get3A_2, %get3A_3] : memref<128x128xf32, #tpu.memory_space<vmem>>, vector<128x128xf32>
    %dot_general3A = arith.constant dense<0.000000e+00> : vector<1024x128xf32>
    %dot_general3A_5 = tpu.matmul %get3A_1, %get3A_4, %dot_general3A {dimension_numbers = #tpu.dot_dimension_numbers<[1], [1], [0], [0], [0, 0, 1, 0], [], []>, transpose_lhs_hint = false} : vector<1024x128xf32>, vector<128x128xf32>, vector<1024x128xf32> -> vector<1024x128xf32>
    %swap3A = arith.constant 0 : index
    %swap3A_6 = arith.constant 0 : index
    %swap3A_7 = vector.load %arg5[%swap3A, %swap3A_6] : memref<1024x128xf32, #tpu.memory_space<vmem>>, vector<1024x128xf32>
    tpu.vector_store %arg5[%swap3A, %swap3A_6], %dot_general3A_5 {strides = array<i32>} : memref<1024x128xf32, #tpu.memory_space<vmem>>, vector<1024x128xf32>,
    %get3A_8 = arith.constant 0 : index
    %get3A_9 = arith.constant 0 : index
    %get3A_10 = vector.load %arg3[%get3A_8, %get3A_9] : memref<128x128xf32, #tpu.memory_space<vmem>>, vector<128x128xf32>
    %dot_general3A_11 = arith.constant dense<0.000000e+00> : vector<1024x128xf32>
    %dot_general3A_12 = tpu.matmul %get3A_1, %get3A_10, %dot_general3A_11 {dimension_numbers = #tpu.dot_dimension_numbers<[1], [1], [0], [0], [0, 0, 1, 0], [], []>, transpose_lhs_hint = false} : vector<1024x128xf32>, vector<128x128xf32>, vector<1024x128xf32> -> vector<1024x128xf32>
    %get3A_13 = arith.constant 0 : index
    %get3A_14 = arith.constant 0 : index
    %get3A_15 = vector.load %arg4[%get3A_13, %get3A_14] : memref<1x128xf32, #tpu.memory_space<vmem>>, vector<1x128xf32>
    %add3A = vector.broadcast %get3A_15 : vector<1x128xf32> to vector<1024x128xf32>
    %add3A_16 = arith.addf %dot_general3A_12, %add3A : vector<1024x128xf32>
    %swap3A_17 = arith.constant 0 : index
    %swap3A_18 = arith.constant 0 : index
    %swap3A_19 = vector.load %arg6[%swap3A_17, %swap3A_18] : memref<1024x128xf32, #tpu.memory_space<vmem>>, vector<1024x128xf32>
    tpu.vector_store %arg6[%swap3A_17, %swap3A_18], %add3A_16 {strides = array<i32>} : memref<1024x128xf32, #tpu.memory_space<vmem>>, vector<1024x128xf32>,
    return
  }
  func.func @transform_0(%arg0: i32) -> (i32, i32) {
    %c0_i32 = arith.constant 0 : i32
    %c0_i32_0 = arith.constant 0 : i32
    return %arg0, %c0_i32 : i32, i32
  }
  func.func @transform_1(%arg0: i32) -> (i32, i32) {
    %c0_i32 = arith.constant 0 : i32
    %c0_i32_0 = arith.constant 0 : i32
    %c0_i32_1 = arith.constant 0 : i32
    return %c0_i32, %c0_i32_0 : i32, i32
  }
  func.func @transform_2(%arg0: i32) -> (i32, i32) {
    %c0_i32 = arith.constant 0 : i32
    %c0_i32_0 = arith.constant 0 : i32
    %c0_i32_1 = arith.constant 0 : i32
    return %c0_i32, %c0_i32_0 : i32, i32
  }
  func.func @transform_3(%arg0: i32) -> (i32, i32) {
    %c0_i32 = arith.constant 0 : i32
    %c0_i32_0 = arith.constant 0 : i32
    %c0_i32_1 = arith.constant 0 : i32
    return %c0_i32, %c0_i32_0 : i32, i32
  }
  func.func @transform_4(%arg0: i32) -> (i32, i32) {
    %c0_i32 = arith.constant 0 : i32
    %c0_i32_0 = arith.constant 0 : i32
    return %arg0, %c0_i32 : i32, i32
  }
  func.func @transform_5(%arg0: i32) -> (i32, i32) {
    %c0_i32 = arith.constant 0 : i32
    %c0_i32_0 = arith.constant 0 : i32
    return %arg0, %c0_i32 : i32, i32
  }
}

module attributes {stable_mosaic.version = 14 : i64} {
  func.func @_tc2_body(%arg0: i32, %arg1: memref<2x1024x128xf32, #tpu.memory_space<vmem>>, %arg2: memref<2x10240xf32, #tpu.memory_space<vmem>>, %arg3: memref<1024x128xf32, #tpu.memory_space<vmem>>, %arg4: memref<1x128xf32, #tpu.memory_space<vmem>>, %arg5: memref<1x128xf32, #tpu.memory_space<vmem>>, %arg6: memref<128x128xf32, #tpu.memory_space<vmem>>, %arg7: memref<128x128xf32, #tpu.memory_space<vmem>>, %arg8: memref<1x128xf32, #tpu.memory_space<vmem>>, %arg9: memref<1024x128xf32, #tpu.memory_space<vmem>>, %arg10: memref<1024x128xf32, #tpu.memory_space<vmem>>) attributes {dimension_semantics = [#tpu.dimension_semantics<arbitrary>], iteration_bounds = array<i64: 10>, scalar_prefetch = 0 : i64, scratch_operands = 0 : i64, tpu.core_type = #tpu.core_type<tc>, window_params = [{transform_indices = @transform_0, window_bounds = array<i64: 2, 1024, 128>}, {pipeline_mode = #tpu.pipeline_mode<synchronous>, transform_indices = @transform_1, window_bounds = array<i64: 2, 10240>}, {transform_indices = @transform_2, window_bounds = array<i64: 1024, 128>}, {pipeline_mode = #tpu.pipeline_mode<synchronous>, transform_indices = @transform_3, window_bounds = array<i64: 1, 128>}, {pipeline_mode = #tpu.pipeline_mode<synchronous>, transform_indices = @transform_4, window_bounds = array<i64: 1, 128>}, {pipeline_mode = #tpu.pipeline_mode<synchronous>, transform_indices = @transform_5, window_bounds = array<i64: 128, 128>}, {pipeline_mode = #tpu.pipeline_mode<synchronous>, transform_indices = @transform_6, window_bounds = array<i64: 128, 128>}, {pipeline_mode = #tpu.pipeline_mode<synchronous>, transform_indices = @transform_7, window_bounds = array<i64: 1, 128>}, {transform_indices = @transform_8, window_bounds = array<i64: 1024, 128>}, {transform_indices = @transform_9, window_bounds = array<i64: 1024, 128>}]} {
    %get3A = arith.constant 0 : index
    %get3A_0 = arith.constant 0 : index
    %get3A_1 = arith.constant 0 : index
    %get3A_2 = vector.load %arg1[%get3A, %get3A_0, %get3A_1] : memref<2x1024x128xf32, #tpu.memory_space<vmem>>, vector<1x1024x128xf32>
    %get3A_3 = vector.shape_cast %get3A_2 : vector<1x1024x128xf32> to vector<1024x128xf32>
    %get3A_4 = arith.constant 1 : index
    %get3A_5 = arith.constant 0 : index
    %get3A_6 = arith.constant 0 : index
    %get3A_7 = vector.load %arg1[%get3A_4, %get3A_5, %get3A_6] : memref<2x1024x128xf32, #tpu.memory_space<vmem>>, vector<1x1024x128xf32>
    %get3A_8 = vector.shape_cast %get3A_7 : vector<1x1024x128xf32> to vector<1024x128xf32>
    %add3A = arith.addf %get3A_3, %get3A_8 : vector<1024x128xf32>
    %mul3A = arith.constant 1024 : i32
    %mul3A_9 = arith.muli %arg0, %mul3A : i32
    %get3A_10 = arith.constant 0 : index
    %get3A_11 = arith.index_cast %mul3A_9 : i32 to index
    %get3A_12 = vector.load %arg2[%get3A_10, %get3A_11] : memref<2x10240xf32, #tpu.memory_space<vmem>>, vector<1x1024xf32>
    %get3A_13 = vector.shape_cast %get3A_12 : vector<1x1024xf32> to vector<1024xf32>
    %mul3A_14 = arith.constant 1024 : i32
    %mul3A_15 = arith.muli %arg0, %mul3A_14 : i32
    %get3A_16 = arith.constant 1 : index
    %get3A_17 = arith.index_cast %mul3A_15 : i32 to index
    %get3A_18 = vector.load %arg2[%get3A_16, %get3A_17] : memref<2x10240xf32, #tpu.memory_space<vmem>>, vector<1x1024xf32>
    %get3A_19 = vector.shape_cast %get3A_18 : vector<1x1024xf32> to vector<1024xf32>
    %add3A_20 = arith.addf %get3A_13, %get3A_19 : vector<1024xf32>
    %max3A = arith.constant 1.000000e+00 : f32
    %max3A_21 = vector.broadcast %max3A : f32 to vector<1024xf32>
    %max3A_22 = arith.maximumf %add3A_20, %max3A_21 : vector<1024xf32>
    %reshape3A = vector.shape_cast %max3A_22 : vector<1024xf32> to vector<1024x1xf32>
    %div3A = vector.broadcast %reshape3A : vector<1024x1xf32> to vector<1024x128xf32>
    %div3A_23 = arith.divf %add3A, %div3A : vector<1024x128xf32>
    %get3A_24 = arith.constant 0 : index
    %get3A_25 = arith.constant 0 : index
    %get3A_26 = vector.load %arg3[%get3A_24, %get3A_25] : memref<1024x128xf32, #tpu.memory_space<vmem>>, vector<1024x128xf32>
    %add3A_27 = arith.addf %div3A_23, %get3A_26 : vector<1024x128xf32>
    %reduce_sum3A = arith.constant dense<0.000000e+00> : vector<1024xf32>
    %reduce_sum3A_28 = vector.multi_reduction <add>, %add3A_27, %reduce_sum3A [1] : vector<1024x128xf32> to vector<1024xf32>
    %broadcast_in_dim3A = vector.shape_cast %reduce_sum3A_28 : vector<1024xf32> to vector<1024x1xf32>
    %div3A_29 = arith.constant 1.280000e+02 : f32
    %div3A_30 = vector.broadcast %div3A_29 : f32 to vector<1024x1xf32>
    %div3A_31 = arith.divf %broadcast_in_dim3A, %div3A_30 : vector<1024x1xf32>
    %sub3A = vector.broadcast %div3A_31 : vector<1024x1xf32> to vector<1024x128xf32>
    %sub3A_32 = arith.subf %add3A_27, %sub3A : vector<1024x128xf32>
    %integer_pow3A = arith.mulf %sub3A_32, %sub3A_32 : vector<1024x128xf32>
    %reduce_sum3A_33 = arith.constant dense<0.000000e+00> : vector<1024xf32>
    %reduce_sum3A_34 = vector.multi_reduction <add>, %integer_pow3A, %reduce_sum3A_33 [1] : vector<1024x128xf32> to vector<1024xf32>
    %broadcast_in_dim3A_35 = vector.shape_cast %reduce_sum3A_34 : vector<1024xf32> to vector<1024x1xf32>
    %div3A_36 = arith.constant 1.280000e+02 : f32
    %div3A_37 = vector.broadcast %div3A_36 : f32 to vector<1024x1xf32>
    %div3A_38 = arith.divf %broadcast_in_dim3A_35, %div3A_37 : vector<1024x1xf32>
    %sub3A_39 = vector.broadcast %div3A_31 : vector<1024x1xf32> to vector<1024x128xf32>
    %sub3A_40 = arith.subf %add3A_27, %sub3A_39 : vector<1024x128xf32>
    %add3A_41 = arith.constant 9.99999974E-6 : f32
    %add3A_42 = vector.broadcast %add3A_41 : f32 to vector<1024x1xf32>
    %add3A_43 = arith.addf %div3A_38, %add3A_42 : vector<1024x1xf32>
    %sqrt3A = math.sqrt %add3A_43 : vector<1024x1xf32>
    %div3A_44 = vector.broadcast %sqrt3A : vector<1024x1xf32> to vector<1024x128xf32>
    %div3A_45 = arith.divf %sub3A_40, %div3A_44 : vector<1024x128xf32>
    %get3A_46 = arith.constant 0 : index
    %get3A_47 = arith.constant 0 : index
    %get3A_48 = vector.load %arg4[%get3A_46, %get3A_47] : memref<1x128xf32, #tpu.memory_space<vmem>>, vector<1x128xf32>
    %mul3A_49 = vector.broadcast %get3A_48 : vector<1x128xf32> to vector<1024x128xf32>
    %mul3A_50 = arith.mulf %div3A_45, %mul3A_49 : vector<1024x128xf32>
    %get3A_51 = arith.constant 0 : index
    %get3A_52 = arith.constant 0 : index
    %get3A_53 = vector.load %arg5[%get3A_51, %get3A_52] : memref<1x128xf32, #tpu.memory_space<vmem>>, vector<1x128xf32>
    %add3A_54 = vector.broadcast %get3A_53 : vector<1x128xf32> to vector<1024x128xf32>
    %add3A_55 = arith.addf %mul3A_50, %add3A_54 : vector<1024x128xf32>
    %mul3A_56 = arith.constant 5.000000e-01 : f32
    %mul3A_57 = vector.broadcast %mul3A_56 : f32 to vector<1024x128xf32>
    %mul3A_58 = arith.mulf %mul3A_57, %add3A_55 : vector<1024x128xf32>
    %mul3A_59 = arith.constant 0.707106769 : f32
    %mul3A_60 = vector.broadcast %mul3A_59 : f32 to vector<1024x128xf32>
    %mul3A_61 = arith.mulf %add3A_55, %mul3A_60 : vector<1024x128xf32>
    %erf3A = math.erf %mul3A_61 : vector<1024x128xf32>
    %add3A_62 = arith.constant 1.000000e+00 : f32
    %add3A_63 = vector.broadcast %add3A_62 : f32 to vector<1024x128xf32>
    %add3A_64 = arith.addf %add3A_63, %erf3A : vector<1024x128xf32>
    %mul3A_65 = arith.mulf %mul3A_58, %add3A_64 : vector<1024x128xf32>
    %get3A_66 = arith.constant 0 : index
    %get3A_67 = arith.constant 0 : index
    %get3A_68 = vector.load %arg6[%get3A_66, %get3A_67] : memref<128x128xf32, #tpu.memory_space<vmem>>, vector<128x128xf32>
    %dot_general3A = arith.constant dense<0.000000e+00> : vector<1024x128xf32>
    %dot_general3A_69 = tpu.matmul %mul3A_65, %get3A_68, %dot_general3A {dimension_numbers = #tpu.dot_dimension_numbers<[1], [1], [0], [0], [0, 0, 1, 0], [], []>, transpose_lhs_hint = false} : vector<1024x128xf32>, vector<128x128xf32>, vector<1024x128xf32> -> vector<1024x128xf32>
    %swap3A = arith.constant 0 : index
    %swap3A_70 = arith.constant 0 : index
    %swap3A_71 = vector.load %arg9[%swap3A, %swap3A_70] : memref<1024x128xf32, #tpu.memory_space<vmem>>, vector<1024x128xf32>
    tpu.vector_store %arg9[%swap3A, %swap3A_70], %dot_general3A_69 {strides = array<i32>} : memref<1024x128xf32, #tpu.memory_space<vmem>>, vector<1024x128xf32>,
    %get3A_72 = arith.constant 0 : index
    %get3A_73 = arith.constant 0 : index
    %get3A_74 = vector.load %arg7[%get3A_72, %get3A_73] : memref<128x128xf32, #tpu.memory_space<vmem>>, vector<128x128xf32>
    %dot_general3A_75 = arith.constant dense<0.000000e+00> : vector<1024x128xf32>
    %dot_general3A_76 = tpu.matmul %mul3A_65, %get3A_74, %dot_general3A_75 {dimension_numbers = #tpu.dot_dimension_numbers<[1], [1], [0], [0], [0, 0, 1, 0], [], []>, transpose_lhs_hint = false} : vector<1024x128xf32>, vector<128x128xf32>, vector<1024x128xf32> -> vector<1024x128xf32>
    %get3A_77 = arith.constant 0 : index
    %get3A_78 = arith.constant 0 : index
    %get3A_79 = vector.load %arg8[%get3A_77, %get3A_78] : memref<1x128xf32, #tpu.memory_space<vmem>>, vector<1x128xf32>
    %add3A_80 = vector.broadcast %get3A_79 : vector<1x128xf32> to vector<1024x128xf32>
    %add3A_81 = arith.addf %dot_general3A_76, %add3A_80 : vector<1024x128xf32>
    %swap3A_82 = arith.constant 0 : index
    %swap3A_83 = arith.constant 0 : index
    %swap3A_84 = vector.load %arg10[%swap3A_82, %swap3A_83] : memref<1024x128xf32, #tpu.memory_space<vmem>>, vector<1024x128xf32>
    tpu.vector_store %arg10[%swap3A_82, %swap3A_83], %add3A_81 {strides = array<i32>} : memref<1024x128xf32, #tpu.memory_space<vmem>>, vector<1024x128xf32>,
    return
  }
  func.func @transform_0(%arg0: i32) -> (i32, i32, i32) {
    %c0_i32 = arith.constant 0 : i32
    %c0_i32_0 = arith.constant 0 : i32
    %c0_i32_1 = arith.constant 0 : i32
    return %c0_i32, %arg0, %c0_i32_0 : i32, i32, i32
  }
  func.func @transform_1(%arg0: i32) -> (i32, i32) {
    %c0_i32 = arith.constant 0 : i32
    %c0_i32_0 = arith.constant 0 : i32
    %c0_i32_1 = arith.constant 0 : i32
    return %c0_i32, %c0_i32_0 : i32, i32
  }
  func.func @transform_2(%arg0: i32) -> (i32, i32) {
    %c0_i32 = arith.constant 0 : i32
    %c0_i32_0 = arith.constant 0 : i32
    return %arg0, %c0_i32 : i32, i32
  }
  func.func @transform_3(%arg0: i32) -> (i32, i32) {
    %c0_i32 = arith.constant 0 : i32
    %c0_i32_0 = arith.constant 0 : i32
    %c0_i32_1 = arith.constant 0 : i32
    return %c0_i32, %c0_i32_0 : i32, i32
  }
  func.func @transform_4(%arg0: i32) -> (i32, i32) {
    %c0_i32 = arith.constant 0 : i32
    %c0_i32_0 = arith.constant 0 : i32
    %c0_i32_1 = arith.constant 0 : i32
    return %c0_i32, %c0_i32_0 : i32, i32
  }
  func.func @transform_5(%arg0: i32) -> (i32, i32) {
    %c0_i32 = arith.constant 0 : i32
    %c0_i32_0 = arith.constant 0 : i32
    %c0_i32_1 = arith.constant 0 : i32
    return %c0_i32, %c0_i32_0 : i32, i32
  }
  func.func @transform_6(%arg0: i32) -> (i32, i32) {
    %c0_i32 = arith.constant 0 : i32
    %c0_i32_0 = arith.constant 0 : i32
    %c0_i32_1 = arith.constant 0 : i32
    return %c0_i32, %c0_i32_0 : i32, i32
  }
  func.func @transform_7(%arg0: i32) -> (i32, i32) {
    %c0_i32 = arith.constant 0 : i32
    %c0_i32_0 = arith.constant 0 : i32
    %c0_i32_1 = arith.constant 0 : i32
    return %c0_i32, %c0_i32_0 : i32, i32
  }
  func.func @transform_8(%arg0: i32) -> (i32, i32) {
    %c0_i32 = arith.constant 0 : i32
    %c0_i32_0 = arith.constant 0 : i32
    return %arg0, %c0_i32 : i32, i32
  }
  func.func @transform_9(%arg0: i32) -> (i32, i32) {
    %c0_i32 = arith.constant 0 : i32
    %c0_i32_0 = arith.constant 0 : i32
    return %arg0, %c0_i32 : i32, i32
  }
}

module attributes {stable_mosaic.version = 14 : i64} {
  func.func @_tc3_body(%arg0: i32, %arg1: memref<2x1024x128xf32, #tpu.memory_space<vmem>>, %arg2: memref<2x10240xf32, #tpu.memory_space<vmem>>, %arg3: memref<1024x128xf32, #tpu.memory_space<vmem>>, %arg4: memref<1024x128xf32, #tpu.memory_space<vmem>>) attributes {dimension_semantics = [#tpu.dimension_semantics<arbitrary>], iteration_bounds = array<i64: 10>, scalar_prefetch = 0 : i64, scratch_operands = 0 : i64, tpu.core_type = #tpu.core_type<tc>, window_params = [{transform_indices = @transform_0, window_bounds = array<i64: 2, 1024, 128>}, {pipeline_mode = #tpu.pipeline_mode<synchronous>, transform_indices = @transform_1, window_bounds = array<i64: 2, 10240>}, {transform_indices = @transform_2, window_bounds = array<i64: 1024, 128>}, {transform_indices = @transform_3, window_bounds = array<i64: 1024, 128>}]} {
    %get3A = arith.constant 0 : index
    %get3A_0 = arith.constant 0 : index
    %get3A_1 = arith.constant 0 : index
    %get3A_2 = vector.load %arg1[%get3A, %get3A_0, %get3A_1] : memref<2x1024x128xf32, #tpu.memory_space<vmem>>, vector<1x1024x128xf32>
    %get3A_3 = vector.shape_cast %get3A_2 : vector<1x1024x128xf32> to vector<1024x128xf32>
    %get3A_4 = arith.constant 1 : index
    %get3A_5 = arith.constant 0 : index
    %get3A_6 = arith.constant 0 : index
    %get3A_7 = vector.load %arg1[%get3A_4, %get3A_5, %get3A_6] : memref<2x1024x128xf32, #tpu.memory_space<vmem>>, vector<1x1024x128xf32>
    %get3A_8 = vector.shape_cast %get3A_7 : vector<1x1024x128xf32> to vector<1024x128xf32>
    %add3A = arith.addf %get3A_3, %get3A_8 : vector<1024x128xf32>
    %mul3A = arith.constant 1024 : i32
    %mul3A_9 = arith.muli %arg0, %mul3A : i32
    %get3A_10 = arith.constant 0 : index
    %get3A_11 = arith.index_cast %mul3A_9 : i32 to index
    %get3A_12 = vector.load %arg2[%get3A_10, %get3A_11] : memref<2x10240xf32, #tpu.memory_space<vmem>>, vector<1x1024xf32>
    %get3A_13 = vector.shape_cast %get3A_12 : vector<1x1024xf32> to vector<1024xf32>
    %mul3A_14 = arith.constant 1024 : i32
    %mul3A_15 = arith.muli %arg0, %mul3A_14 : i32
    %get3A_16 = arith.constant 1 : index
    %get3A_17 = arith.index_cast %mul3A_15 : i32 to index
    %get3A_18 = vector.load %arg2[%get3A_16, %get3A_17] : memref<2x10240xf32, #tpu.memory_space<vmem>>, vector<1x1024xf32>
    %get3A_19 = vector.shape_cast %get3A_18 : vector<1x1024xf32> to vector<1024xf32>
    %add3A_20 = arith.addf %get3A_13, %get3A_19 : vector<1024xf32>
    %max3A = arith.constant 1.000000e+00 : f32
    %max3A_21 = vector.broadcast %max3A : f32 to vector<1024xf32>
    %max3A_22 = arith.maximumf %add3A_20, %max3A_21 : vector<1024xf32>
    %reshape3A = vector.shape_cast %max3A_22 : vector<1024xf32> to vector<1024x1xf32>
    %div3A = vector.broadcast %reshape3A : vector<1024x1xf32> to vector<1024x128xf32>
    %div3A_23 = arith.divf %add3A, %div3A : vector<1024x128xf32>
    %get3A_24 = arith.constant 0 : index
    %get3A_25 = arith.constant 0 : index
    %get3A_26 = vector.load %arg3[%get3A_24, %get3A_25] : memref<1024x128xf32, #tpu.memory_space<vmem>>, vector<1024x128xf32>
    %add3A_27 = arith.addf %div3A_23, %get3A_26 : vector<1024x128xf32>
    %reduce_max3A = arith.constant dense<0xFF800000> : vector<1024xf32>
    %reduce_max3A_28 = vector.multi_reduction <maximumf>, %add3A_27, %reduce_max3A [1] : vector<1024x128xf32> to vector<1024xf32>
    %broadcast_in_dim3A = vector.shape_cast %reduce_max3A_28 : vector<1024xf32> to vector<1024x1xf32>
    %sub3A = vector.broadcast %broadcast_in_dim3A : vector<1024x1xf32> to vector<1024x128xf32>
    %sub3A_29 = arith.subf %add3A_27, %sub3A : vector<1024x128xf32>
    %exp3A = math.exp %sub3A_29 : vector<1024x128xf32>
    %reduce_sum3A = arith.constant dense<0.000000e+00> : vector<1024xf32>
    %reduce_sum3A_30 = vector.multi_reduction <add>, %exp3A, %reduce_sum3A [1] : vector<1024x128xf32> to vector<1024xf32>
    %broadcast_in_dim3A_31 = vector.shape_cast %reduce_sum3A_30 : vector<1024xf32> to vector<1024x1xf32>
    %sub3A_32 = vector.broadcast %broadcast_in_dim3A : vector<1024x1xf32> to vector<1024x128xf32>
    %sub3A_33 = arith.subf %add3A_27, %sub3A_32 : vector<1024x128xf32>
    %log3A = math.log %broadcast_in_dim3A_31 : vector<1024x1xf32>
    %sub3A_34 = vector.broadcast %log3A : vector<1024x1xf32> to vector<1024x128xf32>
    %sub3A_35 = arith.subf %sub3A_33, %sub3A_34 : vector<1024x128xf32>
    %swap3A = arith.constant 0 : index
    %swap3A_36 = arith.constant 0 : index
    %swap3A_37 = vector.load %arg4[%swap3A, %swap3A_36] : memref<1024x128xf32, #tpu.memory_space<vmem>>, vector<1024x128xf32>
    tpu.vector_store %arg4[%swap3A, %swap3A_36], %sub3A_35 {strides = array<i32>} : memref<1024x128xf32, #tpu.memory_space<vmem>>, vector<1024x128xf32>,
    return
  }
  func.func @transform_0(%arg0: i32) -> (i32, i32, i32) {
    %c0_i32 = arith.constant 0 : i32
    %c0_i32_0 = arith.constant 0 : i32
    %c0_i32_1 = arith.constant 0 : i32
    return %c0_i32, %arg0, %c0_i32_0 : i32, i32, i32
  }
  func.func @transform_1(%arg0: i32) -> (i32, i32) {
    %c0_i32 = arith.constant 0 : i32
    %c0_i32_0 = arith.constant 0 : i32
    %c0_i32_1 = arith.constant 0 : i32
    return %c0_i32, %c0_i32_0 : i32, i32
  }
  func.func @transform_2(%arg0: i32) -> (i32, i32) {
    %c0_i32 = arith.constant 0 : i32
    %c0_i32_0 = arith.constant 0 : i32
    return %arg0, %c0_i32 : i32, i32
  }
  func.func @transform_3(%arg0: i32) -> (i32, i32) {
    %c0_i32 = arith.constant 0 : i32
    %c0_i32_0 = arith.constant 0 : i32
    return %arg0, %c0_i32 : i32, i32
  }
}

</mosaic_0001>

<sc_bundles>
// kernel: kernel.10.cloned.1.call-start
scs
__scs_entry_jumppad:
0x0: {  	(pc) =	sbr.rel $0x88, $3  }
0x1: {  	(tag) =	ssettag $0x0;
	lr =	simm.s32 $0x1  }
0x2: {  	[smem:$0x3F97] =	sst lr;
	_ =	strace $0xD0000000  }
0x3: {  	_ = 	snop  }
0x4: {  	_ = 	snop  }
0x5: {  	_ = 	snop  }
0x6: {  	_ = 	snop  }
0x7: {  	_ = 	snop  }
__scs_overlays_trampoline_lowered:
0x8: {  	[smem:$0x3FA6] =	sst s0  }
0x9: {  	[smem:$0x3FA7] =	sst s1  }
0xa: {  	[smem:$0x3FA8] =	sst s2  }
0xb: {  	[smem:$0x3FA9] =	sst s3  }
0xc: {  	[smem:$0x3FAA] =	sst s4  }
0xd: {  	[smem:$0x3FAB] =	sst s5  }
0xe: {  	[smem:$0x3FAC] =	sst s6  }
0xf: {  	[smem:$0x3FAD] =	sst s7  }
0x10: {  	[smem:$0x3FAE] =	sst s8  }
0x11: {  	[smem:$0x3FAF] =	sst s9;
	s0 =	simm.s32 @!p0 $0x0  }
0x12: {  	s1 =	sld [smem:$0x3F95];
	s0 =	simm.s32 @p0 $0x1  }
0x13: {  	[smem:$0x3FB0] =	sst s0;
	s0 =	simm.s32 @!p1 $0x0  }
0x14: {  	s2 =	sld [smem:$0x3F94];
	s0 =	simm.s32 @p1 $0x1  }
0x15: {  	[smem:$0x3FB1] =	sst s0;
	s0 =	simm.s32 @!p2 $0x0  }
0x16: {  	s3 =	sld [smem:$0x3FDB];
	s0 =	simm.s32 @p2 $0x1  }
0x17: {  	s4 =	simm.s32 $0x1BF5;
	[smem:$0x3FB3] =	sst s0  }
0x18: {  	s0 =	sld [smem:$0x3F96];
	_ =	swait.ge [sflag:s4], $0x0  }
0x19: {  	s7 =	sld [smem:$0x3F97]  }
0x1a: {  	s8 =	sadd.s32 $0xFFFFE003, lr  }
0x1b: {  	s9 =	sadd.s32 $0xFFFFFEF7, lr;
	s5 =	simm.s32 $0xFFFFFFFF;
	p2 =	slt.u32 s8, $0xFFFFF086  }
0x1c: {  	p1 =	slt.u32 s9, $0xF7A;
	s5 =	simm.s32 @!p2 $0x0  }
0x1d: {  	s5 =	simm.s32 @p1 $0x1;
	p0 =	seq.s32 s7, s2  }
0x1e: {  	s7 =	smul.u32 @!p0 $0xF7A, s2;
	p2 =	seq.s32 @!p0 s5, $0x0  }
0x1f: {  	s9 =	smul.u32 $0xF7A, s1;
	s8 =	simm.s32 @!p0 $0x1BF5;
	p2 =	por !p2, p0  }
0x20: {  	[sflag:s8] =	ssyncset.s32 @!p0 $0xFFFFF086;
	s6 =	sadd.s32 @!p0 s3, s7;
	s7 =	simm.s32 @!p0 $0x108  }
0x21: {  	s3 =	sadd.s32 s3, s9;
	s6 =	sadd.s32 @!p0 $0x88, s6;
	s7 =	simm.s32 @p2 $0x1082  }
0x22: {  	[simem:s7], [sflag:s8] =	dma.local @!p0 [hbm:s6], $0xF7A  }
0x23: {  	s9 =	sor.u32 $0xD0000000, s2;
	s6 =	simm.s32 $0x108;
	_ =	swait.ge @!p0 [sflag:s8], $0x0  }
0x24: {  	s3 =	sadd.s32 $0x88, s3;
	s6 =	simm.s32 @!p1 $0x1082;
	[sflag:s4] =	ssyncset.s32 $0xFFFFF086  }
0x25: {  	[simem:s6], [sflag:s4] =	dma.local [hbm:s3], $0xF7A  }
0x26: {  	[smem:$0x3F97] =	sst s1;
	(tag) =	ssettag s2;
	_ =	strace s9  }
0x27: {  	s1 =	sld [smem:$0x3FA7]  }
0x28: {  	s2 =	sld [smem:$0x3FA8]  }
0x29: {  	s4 =	sld [smem:$0x3FAA]  }
0x2a: {  	p0 =	seq.s32 s5, $0x0;
	s5 =	sld [smem:$0x3FAB]  }
0x2b: {  	s6 =	sld [smem:$0x3FAC]  }
0x2c: {  	s7 =	sld [smem:$0x3FAD]  }
0x2d: {  	s3 =	simm.s32 $0x108;
	s8 =	sld [smem:$0x3FAE]  }
0x2e: {  	s3 =	simm.s32 @!p0 $0x1082;
	s9 =	sld [smem:$0x3FAF]  }
0x2f: {  	lr =	sadd.s32 s0, s3;
	s0 =	sld [smem:$0x3FA6]  }
0x30: {  	s3 =	sld [smem:$0x3FA9]  }
0x31: {  	[smem:$0x3FB2] =	sst s10  }
0x32: {  	s10 =	sld [smem:$0x3FB0];
	_ =	sdelay $0x3  }
0x33: {  	p0 =	seq.s32 s10, $0x1;
	s10 =	sld [smem:$0x3FB2];
	_ =	sdelay $0x3  }
0x34: {  	[smem:$0x3FB2] =	sst s10  }
0x35: {  	s10 =	sld [smem:$0x3FB1];
	_ =	sdelay $0x3  }
0x36: {  	p1 =	seq.s32 s10, $0x1;
	s10 =	sld [smem:$0x3FB2];
	_ =	sdelay $0x3  }
0x37: {  	[smem:$0x3FB2] =	sst s10  }
0x38: {  	s10 =	sld [smem:$0x3FB3]  }
0x39: {  	_ = 	snop;
	(pc) =	sbr.ind lr, $3  }
0x3a: {  	_ = 	snop  }
0x3b: {  	_ = 	snop  }
0x3c: {  	p2 =	seq.s32 s10, $0x1;
	s10 =	sld [smem:$0x3FB2]  }
0x3d: {  	_ =	shalt  }
0x3e: {  	_ =	shalt  }
0x3f: {  	_ =	shalt  }
0x40: {  	_ =	shalt  }
0x41: {  	_ =	shalt  }
0x42: {  	_ =	shalt  }
0x43: {  	_ =	shalt  }
0x44: {  	_ =	shalt  }
0x45: {  	_ =	shalt  }
0x46: {  	_ =	shalt  }
0x47: {  	_ =	shalt  }
0x48: {  	_ =	shalt  }
0x49: {  	_ =	shalt  }
0x4a: {  	_ =	shalt  }
0x4b: {  	_ =	shalt  }
0x4c: {  	_ =	shalt  }
0x4d: {  	_ =	shalt  }
0x4e: {  	_ =	shalt  }
0x4f: {  	_ =	shalt  }
0x50: {  	_ =	shalt  }
0x51: {  	_ =	shalt  }
0x52: {  	_ =	shalt  }
0x53: {  	_ =	shalt  }
0x54: {  	_ =	shalt  }
0x55: {  	_ =	shalt  }
0x56: {  	_ =	shalt  }
0x57: {  	_ =	shalt  }
0x58: {  	_ =	shalt  }
0x59: {  	_ =	shalt  }
0x5a: {  	_ =	shalt  }
0x5b: {  	_ =	shalt  }
0x5c: {  	_ =	shalt  }
0x5d: {  	_ =	shalt  }
0x5e: {  	_ =	shalt  }
0x5f: {  	_ =	shalt  }
0x60: {  	_ =	shalt  }
0x61: {  	_ =	shalt  }
0x62: {  	_ =	shalt  }
0x63: {  	_ =	shalt  }
0x64: {  	_ =	shalt  }
0x65: {  	_ =	shalt  }
0x66: {  	_ =	shalt  }
0x67: {  	_ =	shalt  }
0x68: {  	_ =	shalt  }
0x69: {  	_ =	shalt  }
0x6a: {  	_ =	shalt  }
0x6b: {  	_ =	shalt  }
0x6c: {  	_ =	shalt  }
0x6d: {  	_ =	shalt  }
0x6e: {  	_ =	shalt  }
0x6f: {  	_ =	shalt  }
0x70: {  	_ =	shalt  }
0x71: {  	_ =	shalt  }
0x72: {  	_ =	shalt  }
0x73: {  	_ =	shalt  }
0x74: {  	_ =	shalt  }
0x75: {  	_ =	shalt  }
0x76: {  	_ =	shalt  }
0x77: {  	_ =	shalt  }
0x78: {  	_ =	shalt  }
0x79: {  	_ =	shalt  }
0x7a: {  	_ =	shalt  }
0x7b: {  	_ =	shalt  }
0x7c: {  	_ =	shalt  }
0x7d: {  	_ =	shalt  }
0x7e: {  	_ =	shalt  }
0x7f: {  	_ =	shalt  }
0x80: {  	_ =	shalt  }
0x81: {  	_ =	shalt  }
0x82: {  	_ =	shalt  }
0x83: {  	_ =	shalt  }
0x84: {  	_ =	shalt  }
0x85: {  	_ =	shalt  }
0x86: {  	_ =	shalt  }
0x87: {  	_ =	shalt  }
.Lfunc_end0:
.L_simem_size_0:
called_computation.1_lowered:
.L_overlay_start_0:
0x88: {  	s2 =	sld [smem:$0x3FD9]  }
0x89: {  	s3 =	sld [smem:$0x3FFE];
	_ =	sdelay $0x1  }
0x8a: {  	s1 =	srdreg.scid  }
0x8b: {  	s0 =	sand.u32 $0x1, s1  }
0x8c: {  	s17 =	sshll.u32 s0, $0xA;
	s2 =	sadd.s32 s3, s2  }
0x8d: {  	s2 =	sadd.s32 s2, s17  }
0x8e: {  	[smem:$0x3FBE] =	sst s2  }
0x8f: {  	_ = 	snop  }
0x90: {  	s2 =	sld [smem:$0x3FD0];
	(tm) =	ssettm $0x1  }
0x91: {  	s18 =	sld [smem:$0x3FFB];
	_ =	sdelay $0x3  }
0x92: {  	_ =	strace s18  }
0x93: {  	s3 =	sld [smem:$0x3FFC];
	_ =	sdelay $0x3  }
0x94: {  	_ =	strace s3  }
0x95: {  	s3 =	sld [smem:$0x3FFD];
	_ =	sdelay $0x3  }
0x96: {  	_ =	strace s3  }
0x97: {  	_ =	strace $0x8FFFFFFF  }
0x98: {  	s19 =	sld [smem:$0x3FDB];
	_ =	sdelay $0x1  }
0x99: {  	s4 =	simm.s32 $_scs_section_size  }
0x9a: {  	s5 =	simm.s32 $_size__tile_overlayer_lowered;
	s6 =	simm.s32 $_tile_overlayer_lowered  }
0x9b: {  	s22 =	simm.s32 $0x1BFF;
	s21 =	sshll.u32 s6, $0x1;
	s3 =	sadd.s32 s4, s19  }
0x9c: {  	s7 =	simm.s32 $0x0;
	s20 =	sshll.u32 s5, $0x1;
	s5 =	sadd.s32 s21, s3  }
0x9d: {  	[timem:s7], [sflag:s22] =	dma.local [hbm:s5], s20  }
0x9e: {  	_ =	swait.ge [sflag:s22], s20  }
0x9f: {  	s4 =	ssub.s32 $0x0, s20;
	[sflag:s22] =	ssyncset.done $0x0  }
0xa0: {  	[sflag:s22] =	ssyncadd.s32 s4;
	_ =	sdelay $0x1  }
0xa1: {  	s23 =	simm.s32 $0x1B8B  }
0xa2: {  	_ =	swait.ge [sflag:s23], $0x1  }
0xa3: {  	[sflag:s23] =	ssyncset.done $0x0  }
0xa4: {  	s25 =	simm.s32 $0x1B8E;
	s24 =	sld [smem:$0x3FFE];
	[sflag:s23] =	ssyncadd.s32 $0xFFFFFFFF  }
0xa5: {  	s26 =	simm.s32 $execute0_lowered;
	[smem:$0x3FD2] =	sst s25  }
0xa6: {  	s5 =	sshll.u32 s26, $0x1;
	_ =	strace $0x80000049;
	[dreg:$0x1] =	wrdreg $0xFFFFFFFF  }
0xa7: {  	s28 =	simm.s32 $_size_execute0_lowered;
	s3 =	sadd.s32 s3, s5;
	[dreg:$0x0] =	wrdreg $0x0  }
0xa8: {  	s5 =	sshll.u32 s28, $0x1;
	[dreg:$0x2] =	wrdreg s3  }
0xa9: {  	[dreg:$0x3] =	wrdreg s5  }
0xaa: {  	[dreg:$0x4] =	wrdreg $0xC0  }
0xab: {  	_ =	task [dreg:s7], $0x5FFFF  }
0xac: {  	[dreg:$0x1] =	wrdreg $0xFFFFFFFF  }
0xad: {  	[dreg:$0x0] =	wrdreg $0x60  }
0xae: {  	[dreg:$0x2] =	wrdreg s24  }
0xaf: {  	[dreg:$0x3] =	wrdreg s2  }
0xb0: {  	[dreg:$0x4] =	wrdreg $0xB0000  }
0xb1: {  	[dreg:$0x5] =	wrdreg $0x9  }
0xb2: {  	_ =	task.clear_ibuf [dreg:s7], $0x6FFFF;
	_ =	strace $0x90000049  }
0xb3: {  	s29 =	simm.s32 $0x9;
	_ =	strace $0x8000004B  }
0xb4: {  	_ =	swait.ge [sflag:s29], $0x1  }
0xb5: {  	[sflag:s29] =	ssyncadd.s32 $0xFFFFFFFF  }
0xb6: {  	_ =	strace $0x9000004B  }
0xb7: {  	_ =	sfence  }
0xb8: {  	s30 =	sld [smem:$0x0];
	_ =	sdelay $0x2  }
0xb9: {  	s31 =	sshll.u32 s1, $0xD;
	s1 =	sshrl.u32 s1, $0x2  }
0xba: {  	s3 =	sand.u32 $0x4000, s31;
	s1 =	sadd.s32 s1, s30  }
0xbb: {  	s0 =	sor.u32 s3, s0;
	s1 =	sshll.u32 s1, $0x11  }
0xbc: {  	s0 =	sor.u32 s1, s0  }
0xbd: {  	s0 =	sadd.s32 $0x8F2B, s0  }
0xbe: {  	[sflag:s0] =	ssyncadd.remote.s32 $0x1  }
0xbf: {  	_ =	sfence.sel $0xFFFF  }
0xc0: {  	[dreg:$0x0] =	wrdreg $0xFFFFFFFF;
	(pc) =	sbr.abs _section_cstart, $3  }
0xc1: {  	[dreg:$0x1] =	wrdreg $0xFFFFFFFF  }
0xc2: {  	_ =	task.clear_ibuf [dreg:s7], $0x2FFFF;
	_ =	strace $0x9FFFFFFF  }
0xc3: {  	(tm) =	ssettm $0x7FFFFFFF  }
tec
execute0_lowered:
.L_overlay_start_1:
0x0: {  	(tag) =	ssettag $0x1  }
0x1: {  	s0 =	rddreg [dreg:$0x0]  }
0x2: {  	s1 =	rddreg [dreg:$0x1]  }
0x3: {  	s2 =	rddreg [dreg:$0x2]  }
0x4: {  	s4 =	srdreg.scid;
	s10 =	stileid.u32  }
0x5: {  	s3 =	simm.s32 $0x0;
	s6 =	sand.u32 $0x1, s4;
	s5 =	smul.u32 $0x2800, s10  }
0x6: {  	[smem:$0x7FF] =	sst s3;
	s8 =	smul.u32 $0x50000, s10;
	s10 =	sshll.u32 s10, $0x1  }
0x7: {  	s7 =	smul.u32 $0x28000, s6;
	s11 =	ssub.s32 $0x2, s6;
	s6 =	sor.u32 s6, s10  }
0x8: {  	s4 =	sadd.s32 $0xC200, s0;
	s9 =	sadd.s32 $0x2200, s0;
	s6 =	smul.u32 $0x500, s6  }
0x9: {  	_ =	strace $0x8000004A;
	s12 =	sshrl.u32 s11, $0x1;
	s8 =	sshrl.u32 s8, $0x2  }
0xa: {  	s5 =	sadd.s32 s5, s7;
	s7 =	ssub.s32 s11, s12;
	s25 =	sadd.s32 s9, s6  }
0xb: {  	s0 =	sadd.s32 s5, s0;
	s26 =	sadd.s32 s1, s6;
	[dreg:$0x11] =	wrdreg s25  }
0xc: {  	s5 =	sadd.s32 s8, s2;
	s11 =	smax.u32 s7, $0x1;
	[dreg:$0x12] =	wrdreg s26  }
0xd: {  	s8 =	sadd.s32 $0x800, s5;
	[dreg:$0x17] =	wrdreg s11  }
0xe: {  	s13 =	sadd.s32 $0x1000, s5;
	[dreg:$0x4] =	wrdreg s8  }
0xf: {  	s14 =	sadd.s32 $0x1800, s5;
	[dreg:$0x5] =	wrdreg s13  }
0x10: {  	s15 =	sadd.s32 $0x2000, s5;
	[dreg:$0x6] =	wrdreg s14  }
0x11: {  	s16 =	sadd.s32 $0x2800, s5;
	[dreg:$0x7] =	wrdreg s15  }
0x12: {  	s17 =	sadd.s32 $0x3000, s5;
	[dreg:$0x8] =	wrdreg s16  }
0x13: {  	s18 =	sadd.s32 $0x3800, s5;
	[dreg:$0x9] =	wrdreg s17  }
0x14: {  	s19 =	sadd.s32 $0x4000, s5;
	[dreg:$0xa] =	wrdreg s18  }
0x15: {  	s20 =	sadd.s32 $0x4800, s5;
	[dreg:$0xb] =	wrdreg s19  }
0x16: {  	s21 =	sadd.s32 $0x5000, s5;
	[dreg:$0xc] =	wrdreg s20  }
0x17: {  	s22 =	sadd.s32 $0x5800, s5;
	[dreg:$0xd] =	wrdreg s21  }
0x18: {  	s23 =	sadd.s32 $0x6000, s5;
	[dreg:$0xe] =	wrdreg s22  }
0x19: {  	s6 =	sadd.s32 $0x280, s6;
	s24 =	sadd.s32 $0x6800, s5;
	[dreg:$0xf] =	wrdreg s23  }
0x1a: {  	s9 =	sadd.s32 s9, s6;
	[dreg:$0x10] =	wrdreg s24  }
0x1b: {  	s1 =	sadd.s32 s1, s6;
	[dreg:$0x13] =	wrdreg s9  }
0x1c: {  	s10 =	sadd.s32 $0x7000, s5;
	[dreg:$0x14] =	wrdreg s1  }
0x1d: {  	s0 =	sadd.s32 $0x34200, s0;
	[dreg:$0x15] =	wrdreg s10  }
0x1e: {  	s12 =	sadd.s32 $0x7800, s5;
	[dreg:$0x16] =	wrdreg s0  }
0x1f: {  	s25 =	sadd.s32 $0xE000, s5;
	[dreg:$0x18] =	wrdreg s12  }
0x20: {  	s26 =	sadd.s32 $0xE800, s5;
	[smem:$0x7FC] =	sst s25  }
0x21: {  	s13 =	sadd.s32 $0x8000, s5;
	[smem:$0x7FD] =	sst s26  }
0x22: {  	s28 =	simm.s32 $0x1400;
	s14 =	sadd.s32 $0x8800, s5;
	[dreg:$0x19] =	wrdreg s13  }
0x23: {  	s29 =	simm.s32 $0x2;
	s15 =	sadd.s32 $0x9000, s5;
	[dreg:$0x1a] =	wrdreg s14  }
0x24: {  	s30 =	simm.s32 $0x80;
	s16 =	sadd.s32 $0x9800, s5;
	[dreg:$0x1b] =	wrdreg s15  }
0x25: {  	s31 =	simm.s32 $0x2800;
	s17 =	sadd.s32 $0xA000, s5;
	[dreg:$0x1c] =	wrdreg s16  }
0x26: {  	s7 =	simm.s32 $0x2780;
	s18 =	sadd.s32 $0xA800, s5;
	[dreg:$0x1d] =	wrdreg s17  }
0x27: {  	s6 =	simm.s32 $0x2700;
	s19 =	sadd.s32 $0xB000, s5;
	[dreg:$0x1e] =	wrdreg s18  }
0x28: {  	s20 =	sadd.s32 $0xB800, s5;
	s21 =	sadd.s32 $0xC000, s5;
	[dreg:$0x1f] =	wrdreg s19  }
0x29: {  	s22 =	sadd.s32 $0xC800, s5;
	s23 =	sadd.s32 $0xD000, s5;
	[smem:$0x7F7] =	sst s20  }
0x2a: {  	s24 =	sadd.s32 $0xD800, s5;
	s25 =	simm.s32 $0x3;
	[smem:$0x7F8] =	sst s21  }
0x2b: {  	s26 =	simm.s32 $0x1;
	s0 =	simm.s32 $0x6800;
	[smem:$0x7F9] =	sst s22  }
0x2c: {  	s1 =	simm.s32 $0x1380;
	s8 =	simm.s32 $0x0;
	[smem:$0x7FA] =	sst s23  }
0x2d: {  	[smem:$0x7FB] =	sst s24;
	s14 =	sadd.s32 $0xF000, s5;
	s15 =	sadd.s32 $0xF800, s5  }
0x2e: {  	s16 =	sadd.s32 $0x10000, s5;
	s17 =	sadd.s32 $0x10800, s5;
	s18 =	sadd.s32 $0x11000, s5  }
0x2f: {  	s19 =	sadd.s32 $0x11800, s5;
	s20 =	sadd.s32 $0x12000, s5;
	s21 =	sadd.s32 $0x12800, s5  }
0x30: {  	v0 =	vimm.f32 $0.0e+00;
	s22 =	sadd.s32 $0x13000, s5;
	s23 =	sadd.s32 $0x13800, s5;
	s24 =	simm.s32 $0xA800  }
.LBB2_1:
0x31: {  	[tilespmem:$0xA800] =	vst v0  }
0x32: {  	[tilespmem:$0xA810] =	vst v0  }
0x33: {  	[tilespmem:$0xA820] =	vst v0  }
0x34: {  	[tilespmem:$0xA830] =	vst v0  }
0x35: {  	[tilespmem:$0xA840] =	vst v0  }
0x36: {  	[tilespmem:$0xA850] =	vst v0  }
0x37: {  	[tilespmem:$0xA860] =	vst v0  }
0x38: {  	[tilespmem:$0xA870] =	vst v0  }
0x39: {  	[tilespmem:$0xA880] =	vst v0  }
0x3a: {  	[tilespmem:$0xA890] =	vst v0  }
0x3b: {  	[tilespmem:$0xA8A0] =	vst v0  }
0x3c: {  	[tilespmem:$0xA8B0] =	vst v0  }
0x3d: {  	[tilespmem:$0xA8C0] =	vst v0  }
0x3e: {  	[tilespmem:$0xA8D0] =	vst v0  }
0x3f: {  	[tilespmem:$0xA8E0] =	vst v0  }
0x40: {  	[tilespmem:$0xA8F0] =	vst v0  }
0x41: {  	[tilespmem:$0xA900] =	vst v0  }
0x42: {  	[tilespmem:$0xA910] =	vst v0  }
0x43: {  	[tilespmem:$0xA920] =	vst v0  }
0x44: {  	[tilespmem:$0xA930] =	vst v0  }
0x45: {  	[tilespmem:$0xA940] =	vst v0  }
0x46: {  	[tilespmem:$0xA950] =	vst v0  }
0x47: {  	[tilespmem:$0xA960] =	vst v0  }
0x48: {  	[tilespmem:$0xA970] =	vst v0  }
0x49: {  	[tilespmem:$0xA980] =	vst v0  }
0x4a: {  	[tilespmem:$0xA990] =	vst v0  }
0x4b: {  	[tilespmem:$0xA9A0] =	vst v0  }
0x4c: {  	[tilespmem:$0xA9B0] =	vst v0  }
0x4d: {  	[tilespmem:$0xA9C0] =	vst v0  }
0x4e: {  	[tilespmem:$0xA9D0] =	vst v0  }
0x4f: {  	[tilespmem:$0xA9E0] =	vst v0  }
0x50: {  	[tilespmem:$0xA9F0] =	vst v0  }
0x51: {  	[tilespmem:$0xAA00] =	vst v0  }
0x52: {  	[tilespmem:$0xAA10] =	vst v0  }
0x53: {  	[tilespmem:$0xAA20] =	vst v0  }
0x54: {  	[tilespmem:$0xAA30] =	vst v0  }
0x55: {  	[tilespmem:$0xAA40] =	vst v0  }
0x56: {  	[tilespmem:$0xAA50] =	vst v0  }
0x57: {  	[tilespmem:$0xAA60] =	vst v0  }
0x58: {  	[tilespmem:$0xAA70] =	vst v0  }
0x59: {  	[tilespmem:$0xAA80] =	vst v0  }
0x5a: {  	[tilespmem:$0xAA90] =	vst v0  }
0x5b: {  	[tilespmem:$0xAAA0] =	vst v0  }
0x5c: {  	[tilespmem:$0xAAB0] =	vst v0  }
0x5d: {  	[tilespmem:$0xAAC0] =	vst v0  }
0x5e: {  	[tilespmem:$0xAAD0] =	vst v0  }
0x5f: {  	[tilespmem:$0xAAE0] =	vst v0  }
0x60: {  	[tilespmem:$0xAAF0] =	vst v0  }
0x61: {  	[tilespmem:$0xAB00] =	vst v0  }
0x62: {  	[tilespmem:$0xAB10] =	vst v0  }
0x63: {  	[tilespmem:$0xAB20] =	vst v0  }
0x64: {  	[tilespmem:$0xAB30] =	vst v0  }
0x65: {  	[tilespmem:$0xAB40] =	vst v0  }
0x66: {  	[tilespmem:$0xAB50] =	vst v0  }
0x67: {  	[tilespmem:$0xAB60] =	vst v0  }
0x68: {  	[tilespmem:$0xAB70] =	vst v0  }
0x69: {  	[tilespmem:$0xAB80] =	vst v0  }
0x6a: {  	[tilespmem:$0xAB90] =	vst v0  }
0x6b: {  	[tilespmem:$0xABA0] =	vst v0  }
0x6c: {  	[tilespmem:$0xABB0] =	vst v0  }
0x6d: {  	[tilespmem:$0xABC0] =	vst v0  }
0x6e: {  	[tilespmem:$0xABD0] =	vst v0  }
0x6f: {  	[tilespmem:$0xABE0] =	vst v0  }
0x70: {  	[tilespmem:$0xABF0] =	vst v0  }
0x71: {  	[tilespmem:$0xAC00] =	vst v0  }
0x72: {  	[tilespmem:$0xAC10] =	vst v0  }
0x73: {  	[tilespmem:$0xAC20] =	vst v0  }
0x74: {  	[tilespmem:$0xAC30] =	vst v0  }
0x75: {  	[tilespmem:$0xAC40] =	vst v0  }
0x76: {  	[tilespmem:$0xAC50] =	vst v0  }
0x77: {  	[tilespmem:$0xAC60] =	vst v0  }
0x78: {  	[tilespmem:$0xAC70] =	vst v0  }
0x79: {  	[tilespmem:$0xAC80] =	vst v0  }
0x7a: {  	[tilespmem:$0xAC90] =	vst v0  }
0x7b: {  	[tilespmem:$0xACA0] =	vst v0  }
0x7c: {  	[tilespmem:$0xACB0] =	vst v0  }
0x7d: {  	[tilespmem:$0xACC0] =	vst v0  }
0x7e: {  	[tilespmem:$0xACD0] =	vst v0  }
0x7f: {  	[tilespmem:$0xACE0] =	vst v0  }
0x80: {  	[tilespmem:$0xACF0] =	vst v0  }
0x81: {  	[tilespmem:$0xAD00] =	vst v0  }
0x82: {  	[tilespmem:$0xAD10] =	vst v0  }
0x83: {  	[tilespmem:$0xAD20] =	vst v0  }
0x84: {  	[tilespmem:$0xAD30] =	vst v0  }
0x85: {  	[tilespmem:$0xAD40] =	vst v0  }
0x86: {  	[tilespmem:$0xAD50] =	vst v0  }
0x87: {  	[tilespmem:$0xAD60] =	vst v0  }
0x88: {  	[tilespmem:$0xAD70] =	vst v0  }
0x89: {  	[tilespmem:$0xAD80] =	vst v0  }
0x8a: {  	[tilespmem:$0xAD90] =	vst v0  }
0x8b: {  	[tilespmem:$0xADA0] =	vst v0  }
0x8c: {  	[tilespmem:$0xADB0] =	vst v0  }
0x8d: {  	[tilespmem:$0xADC0] =	vst v0  }
0x8e: {  	[tilespmem:$0xADD0] =	vst v0  }
0x8f: {  	[tilespmem:$0xADE0] =	vst v0  }
0x90: {  	[tilespmem:$0xADF0] =	vst v0  }
0x91: {  	[tilespmem:$0xAE00] =	vst v0  }
0x92: {  	[tilespmem:$0xAE10] =	vst v0  }
0x93: {  	[tilespmem:$0xAE20] =	vst v0  }
0x94: {  	[tilespmem:$0xAE30] =	vst v0  }
0x95: {  	[tilespmem:$0xAE40] =	vst v0  }
0x96: {  	[tilespmem:$0xAE50] =	vst v0  }
0x97: {  	[tilespmem:$0xAE60] =	vst v0  }
0x98: {  	[tilespmem:$0xAE70] =	vst v0  }
0x99: {  	[tilespmem:$0xAE80] =	vst v0  }
0x9a: {  	[tilespmem:$0xAE90] =	vst v0  }
0x9b: {  	[tilespmem:$0xAEA0] =	vst v0  }
0x9c: {  	[tilespmem:$0xAEB0] =	vst v0  }
0x9d: {  	[tilespmem:$0xAEC0] =	vst v0  }
0x9e: {  	[tilespmem:$0xAED0] =	vst v0  }
0x9f: {  	[tilespmem:$0xAEE0] =	vst v0  }
0xa0: {  	[tilespmem:$0xAEF0] =	vst v0  }
0xa1: {  	[tilespmem:$0xAF00] =	vst v0  }
0xa2: {  	[tilespmem:$0xAF10] =	vst v0  }
0xa3: {  	[tilespmem:$0xAF20] =	vst v0  }
0xa4: {  	[tilespmem:$0xAF30] =	vst v0  }
0xa5: {  	[tilespmem:$0xAF40] =	vst v0  }
0xa6: {  	[tilespmem:$0xAF50] =	vst v0  }
0xa7: {  	[tilespmem:$0xAF60] =	vst v0  }
0xa8: {  	[tilespmem:$0xAF70] =	vst v0  }
0xa9: {  	[tilespmem:$0xAF80] =	vst v0  }
0xaa: {  	[tilespmem:$0xAF90] =	vst v0  }
0xab: {  	[tilespmem:$0xAFA0] =	vst v0  }
0xac: {  	[tilespmem:$0xAFB0] =	vst v0  }
0xad: {  	[tilespmem:$0xAFC0] =	vst v0  }
0xae: {  	[tilespmem:$0xAFD0] =	vst v0  }
0xaf: {  	[tilespmem:$0xAFE0] =	vst v0  }
0xb0: {  	[tilespmem:$0xAFF0] =	vst v0  }
0xb1: {  	[spmem:s5] =	stream.linear.scatter [tilespmem:s24], [sflag:$0x3], $0x800, $0x38;
	[tilespmem:$0x1F000] =	vst v63  }
0xb2: {  	_ =	swait.ge [sflag:s25], $0x800  }
0xb3: {  	[sflag:s25] =	ssyncset.done $0x0  }
0xb4: {  	s9 =	rddreg [dreg:$0x4];
	[sflag:s25] =	ssyncadd.s32 $0xFFFFF800  }
0xb5: {  	[spmem:s9] =	stream.linear.scatter [tilespmem:s24], [sflag:$0x3], $0x800, $0x38;
	[tilespmem:$0x1F000] =	vst v63  }
0xb6: {  	_ =	swait.ge [sflag:s25], $0x800  }
0xb7: {  	[sflag:s25] =	ssyncset.done $0x0  }
0xb8: {  	s12 =	rddreg [dreg:$0x5];
	[sflag:s25] =	ssyncadd.s32 $0xFFFFF800  }
0xb9: {  	[spmem:s12] =	stream.linear.scatter [tilespmem:s24], [sflag:$0x3], $0x800, $0x38;
	[tilespmem:$0x1F000] =	vst v63  }
0xba: {  	_ =	swait.ge [sflag:s25], $0x800  }
0xbb: {  	[sflag:s25] =	ssyncset.done $0x0  }
0xbc: {  	s13 =	rddreg [dreg:$0x6];
	[sflag:s25] =	ssyncadd.s32 $0xFFFFF800  }
0xbd: {  	[spmem:s13] =	stream.linear.scatter [tilespmem:s24], [sflag:$0x3], $0x800, $0x38;
	[tilespmem:$0x1F000] =	vst v63  }
0xbe: {  	_ =	swait.ge [sflag:s25], $0x800  }
0xbf: {  	[sflag:s25] =	ssyncset.done $0x0  }
0xc0: {  	s10 =	rddreg [dreg:$0x7];
	[sflag:s25] =	ssyncadd.s32 $0xFFFFF800  }
0xc1: {  	[spmem:s10] =	stream.linear.scatter [tilespmem:s24], [sflag:$0x3], $0x800, $0x38;
	[tilespmem:$0x1F000] =	vst v63  }
0xc2: {  	_ =	swait.ge [sflag:s25], $0x800  }
0xc3: {  	[sflag:s25] =	ssyncset.done $0x0  }
0xc4: {  	s11 =	rddreg [dreg:$0x8];
	[sflag:s25] =	ssyncadd.s32 $0xFFFFF800  }
0xc5: {  	[spmem:s11] =	stream.linear.scatter [tilespmem:s24], [sflag:$0x3], $0x800, $0x38;
	[tilespmem:$0x1F000] =	vst v63  }
0xc6: {  	_ =	swait.ge [sflag:s25], $0x800  }
0xc7: {  	[sflag:s25] =	ssyncset.done $0x0  }
0xc8: {  	s12 =	rddreg [dreg:$0x9];
	[sflag:s25] =	ssyncadd.s32 $0xFFFFF800  }
0xc9: {  	[spmem:s12] =	stream.linear.scatter [tilespmem:s24], [sflag:$0x3], $0x800, $0x38;
	[tilespmem:$0x1F000] =	vst v63  }
0xca: {  	_ =	swait.ge [sflag:s25], $0x800  }
0xcb: {  	[sflag:s25] =	ssyncset.done $0x0  }
0xcc: {  	s13 =	rddreg [dreg:$0xa];
	[sflag:s25] =	ssyncadd.s32 $0xFFFFF800  }
0xcd: {  	[spmem:s13] =	stream.linear.scatter [tilespmem:s24], [sflag:$0x3], $0x800, $0x38;
	[tilespmem:$0x1F000] =	vst v63  }
0xce: {  	_ =	swait.ge [sflag:s25], $0x800  }
0xcf: {  	[sflag:s25] =	ssyncset.done $0x0  }
0xd0: {  	s10 =	rddreg [dreg:$0xb];
	[sflag:s25] =	ssyncadd.s32 $0xFFFFF800  }
0xd1: {  	[spmem:s10] =	stream.linear.scatter [tilespmem:s24], [sflag:$0x3], $0x800, $0x38;
	[tilespmem:$0x1F000] =	vst v63  }
0xd2: {  	_ =	swait.ge [sflag:s25], $0x800  }
0xd3: {  	[sflag:s25] =	ssyncset.done $0x0  }
0xd4: {  	s11 =	rddreg [dreg:$0xc];
	[sflag:s25] =	ssyncadd.s32 $0xFFFFF800  }
0xd5: {  	[spmem:s11] =	stream.linear.scatter [tilespmem:s24], [sflag:$0x3], $0x800, $0x38;
	[tilespmem:$0x1F000] =	vst v63  }
0xd6: {  	_ =	swait.ge [sflag:s25], $0x800  }
0xd7: {  	[sflag:s25] =	ssyncset.done $0x0  }
0xd8: {  	s12 =	rddreg [dreg:$0xd];
	[sflag:s25] =	ssyncadd.s32 $0xFFFFF800  }
0xd9: {  	[spmem:s12] =	stream.linear.scatter [tilespmem:s24], [sflag:$0x3], $0x800, $0x38;
	[tilespmem:$0x1F000] =	vst v63  }
0xda: {  	_ =	swait.ge [sflag:s25], $0x800  }
0xdb: {  	[sflag:s25] =	ssyncset.done $0x0  }
0xdc: {  	s13 =	rddreg [dreg:$0xe];
	[sflag:s25] =	ssyncadd.s32 $0xFFFFF800  }
0xdd: {  	[spmem:s13] =	stream.linear.scatter [tilespmem:s24], [sflag:$0x3], $0x800, $0x38;
	[tilespmem:$0x1F000] =	vst v63  }
0xde: {  	_ =	swait.ge [sflag:s25], $0x800  }
0xdf: {  	[sflag:s25] =	ssyncset.done $0x0  }
0xe0: {  	s10 =	rddreg [dreg:$0xf];
	[sflag:s25] =	ssyncadd.s32 $0xFFFFF800  }
0xe1: {  	[spmem:s10] =	stream.linear.scatter [tilespmem:s24], [sflag:$0x3], $0x800, $0x38;
	[tilespmem:$0x1F000] =	vst v63  }
0xe2: {  	_ =	swait.ge [sflag:s25], $0x800  }
0xe3: {  	[sflag:s25] =	ssyncset.done $0x0  }
0xe4: {  	s11 =	rddreg [dreg:$0x10];
	[sflag:s25] =	ssyncadd.s32 $0xFFFFF800  }
0xe5: {  	[spmem:s11] =	stream.linear.scatter [tilespmem:s24], [sflag:$0x3], $0x800, $0x38;
	[tilespmem:$0x1F000] =	vst v63  }
0xe6: {  	_ =	swait.ge [sflag:s25], $0x800  }
0xe7: {  	[sflag:s25] =	ssyncset.done $0x0  }
0xe8: {  	s12 =	rddreg [dreg:$0x15];
	[sflag:s25] =	ssyncadd.s32 $0xFFFFF800  }
0xe9: {  	[spmem:s12] =	stream.linear.scatter [tilespmem:s24], [sflag:$0x3], $0x800, $0x38;
	[tilespmem:$0x1F000] =	vst v63  }
0xea: {  	_ =	swait.ge [sflag:s25], $0x800  }
0xeb: {  	[sflag:s25] =	ssyncset.done $0x0  }
0xec: {  	s13 =	rddreg [dreg:$0x18];
	[sflag:s25] =	ssyncadd.s32 $0xFFFFF800  }
0xed: {  	[spmem:s13] =	stream.linear.scatter [tilespmem:s24], [sflag:$0x3], $0x800, $0x38;
	[tilespmem:$0x1F000] =	vst v63  }
0xee: {  	_ =	swait.ge [sflag:s25], $0x800  }
0xef: {  	[sflag:s25] =	ssyncset.done $0x0  }
0xf0: {  	s10 =	rddreg [dreg:$0x19];
	[sflag:s25] =	ssyncadd.s32 $0xFFFFF800  }
0xf1: {  	[spmem:s10] =	stream.linear.scatter [tilespmem:s24], [sflag:$0x3], $0x800, $0x38;
	[tilespmem:$0x1F000] =	vst v63  }
0xf2: {  	_ =	swait.ge [sflag:s25], $0x800  }
0xf3: {  	[sflag:s25] =	ssyncset.done $0x0  }
0xf4: {  	s11 =	rddreg [dreg:$0x1a];
	[sflag:s25] =	ssyncadd.s32 $0xFFFFF800  }
0xf5: {  	[spmem:s11] =	stream.linear.scatter [tilespmem:s24], [sflag:$0x3], $0x800, $0x38;
	[tilespmem:$0x1F000] =	vst v63  }
0xf6: {  	_ =	swait.ge [sflag:s25], $0x800  }
0xf7: {  	[sflag:s25] =	ssyncset.done $0x0  }
0xf8: {  	s12 =	rddreg [dreg:$0x1b];
	[sflag:s25] =	ssyncadd.s32 $0xFFFFF800  }
0xf9: {  	[spmem:s12] =	stream.linear.scatter [tilespmem:s24], [sflag:$0x3], $0x800, $0x38;
	[tilespmem:$0x1F000] =	vst v63  }
0xfa: {  	_ =	swait.ge [sflag:s25], $0x800  }
0xfb: {  	[sflag:s25] =	ssyncset.done $0x0  }
0xfc: {  	s13 =	rddreg [dreg:$0x1c];
	[sflag:s25] =	ssyncadd.s32 $0xFFFFF800  }
0xfd: {  	[spmem:s13] =	stream.linear.scatter [tilespmem:s24], [sflag:$0x3], $0x800, $0x38;
	[tilespmem:$0x1F000] =	vst v63  }
0xfe: {  	_ =	swait.ge [sflag:s25], $0x800  }
0xff: {  	[sflag:s25] =	ssyncset.done $0x0  }
0x100: {  	s10 =	rddreg [dreg:$0x1d];
	[sflag:s25] =	ssyncadd.s32 $0xFFFFF800  }
0x101: {  	[spmem:s10] =	stream.linear.scatter [tilespmem:s24], [sflag:$0x3], $0x800, $0x38;
	[tilespmem:$0x1F000] =	vst v63  }
0x102: {  	_ =	swait.ge [sflag:s25], $0x800  }
0x103: {  	[sflag:s25] =	ssyncset.done $0x0  }
0x104: {  	s11 =	rddreg [dreg:$0x1e];
	[sflag:s25] =	ssyncadd.s32 $0xFFFFF800  }
0x105: {  	[spmem:s11] =	stream.linear.scatter [tilespmem:s24], [sflag:$0x3], $0x800, $0x38;
	[tilespmem:$0x1F000] =	vst v63  }
0x106: {  	_ =	swait.ge [sflag:s25], $0x800  }
0x107: {  	[sflag:s25] =	ssyncset.done $0x0  }
0x108: {  	s12 =	rddreg [dreg:$0x1f];
	[sflag:s25] =	ssyncadd.s32 $0xFFFFF800  }
0x109: {  	[spmem:s12] =	stream.linear.scatter [tilespmem:s24], [sflag:$0x3], $0x800, $0x38;
	[tilespmem:$0x1F000] =	vst v63  }
0x10a: {  	_ =	swait.ge [sflag:s25], $0x800  }
0x10b: {  	s13 =	sld [smem:$0x7F7]  }
0x10c: {  	[sflag:s25] =	ssyncset.done $0x0  }
0x10d: {  	[sflag:s25] =	ssyncadd.s32 $0xFFFFF800  }
0x10e: {  	[spmem:s13] =	stream.linear.scatter [tilespmem:s24], [sflag:$0x3], $0x800, $0x38;
	[tilespmem:$0x1F000] =	vst v63  }
0x10f: {  	_ =	swait.ge [sflag:s25], $0x800  }
0x110: {  	s10 =	sld [smem:$0x7F8]  }
0x111: {  	[sflag:s25] =	ssyncset.done $0x0  }
0x112: {  	[sflag:s25] =	ssyncadd.s32 $0xFFFFF800  }
0x113: {  	[spmem:s10] =	stream.linear.scatter [tilespmem:s24], [sflag:$0x3], $0x800, $0x38;
	[tilespmem:$0x1F000] =	vst v63  }
0x114: {  	_ =	swait.ge [sflag:s25], $0x800  }
0x115: {  	s11 =	sld [smem:$0x7F9]  }
0x116: {  	[sflag:s25] =	ssyncset.done $0x0  }
0x117: {  	[sflag:s25] =	ssyncadd.s32 $0xFFFFF800  }
0x118: {  	[spmem:s11] =	stream.linear.scatter [tilespmem:s24], [sflag:$0x3], $0x800, $0x38;
	[tilespmem:$0x1F000] =	vst v63  }
0x119: {  	_ =	swait.ge [sflag:s25], $0x800  }
0x11a: {  	s12 =	sld [smem:$0x7FA]  }
0x11b: {  	[sflag:s25] =	ssyncset.done $0x0  }
0x11c: {  	[sflag:s25] =	ssyncadd.s32 $0xFFFFF800  }
0x11d: {  	[spmem:s12] =	stream.linear.scatter [tilespmem:s24], [sflag:$0x3], $0x800, $0x38;
	[tilespmem:$0x1F000] =	vst v63  }
0x11e: {  	_ =	swait.ge [sflag:s25], $0x800  }
0x11f: {  	s13 =	sld [smem:$0x7FB]  }
0x120: {  	[sflag:s25] =	ssyncset.done $0x0  }
0x121: {  	[sflag:s25] =	ssyncadd.s32 $0xFFFFF800  }
0x122: {  	[spmem:s13] =	stream.linear.scatter [tilespmem:s24], [sflag:$0x3], $0x800, $0x38;
	[tilespmem:$0x1F000] =	vst v63  }
0x123: {  	_ =	swait.ge [sflag:s25], $0x800  }
0x124: {  	s10 =	sld [smem:$0x7FC]  }
0x125: {  	[sflag:s25] =	ssyncset.done $0x0  }
0x126: {  	[sflag:s25] =	ssyncadd.s32 $0xFFFFF800  }
0x127: {  	[spmem:s10] =	stream.linear.scatter [tilespmem:s24], [sflag:$0x3], $0x800, $0x38;
	[tilespmem:$0x1F000] =	vst v63  }
0x128: {  	_ =	swait.ge [sflag:s25], $0x800  }
0x129: {  	s11 =	sld [smem:$0x7FD]  }
0x12a: {  	[sflag:s25] =	ssyncset.done $0x0  }
0x12b: {  	[sflag:s25] =	ssyncadd.s32 $0xFFFFF800  }
0x12c: {  	[spmem:s11] =	stream.linear.scatter [tilespmem:s24], [sflag:$0x3], $0x800, $0x38;
	[tilespmem:$0x1F000] =	vst v63  }
0x12d: {  	_ =	swait.ge [sflag:s25], $0x800  }
0x12e: {  	[sflag:s25] =	ssyncset.done $0x0  }
0x12f: {  	[sflag:s25] =	ssyncadd.s32 $0xFFFFF800  }
0x130: {  	[spmem:s14] =	stream.linear.scatter [tilespmem:s24], [sflag:$0x3], $0x800, $0x38;
	[tilespmem:$0x1F000] =	vst v63  }
0x131: {  	_ =	swait.ge [sflag:s25], $0x800  }
0x132: {  	[sflag:s25] =	ssyncset.done $0x0  }
0x133: {  	[sflag:s25] =	ssyncadd.s32 $0xFFFFF800  }
0x134: {  	[spmem:s15] =	stream.linear.scatter [tilespmem:s24], [sflag:$0x3], $0x800, $0x38;
	[tilespmem:$0x1F000] =	vst v63  }
0x135: {  	_ =	swait.ge [sflag:s25], $0x800  }
0x136: {  	[sflag:s25] =	ssyncset.done $0x0  }
0x137: {  	[sflag:s25] =	ssyncadd.s32 $0xFFFFF800  }
0x138: {  	[spmem:s16] =	stream.linear.scatter [tilespmem:s24], [sflag:$0x3], $0x800, $0x38;
	[tilespmem:$0x1F000] =	vst v63  }
0x139: {  	_ =	swait.ge [sflag:s25], $0x800  }
0x13a: {  	[sflag:s25] =	ssyncset.done $0x0  }
0x13b: {  	[sflag:s25] =	ssyncadd.s32 $0xFFFFF800  }
0x13c: {  	[spmem:s17] =	stream.linear.scatter [tilespmem:s24], [sflag:$0x3], $0x800, $0x38;
	[tilespmem:$0x1F000] =	vst v63  }
0x13d: {  	_ =	swait.ge [sflag:s25], $0x800  }
0x13e: {  	[sflag:s25] =	ssyncset.done $0x0  }
0x13f: {  	[sflag:s25] =	ssyncadd.s32 $0xFFFFF800  }
0x140: {  	[spmem:s18] =	stream.linear.scatter [tilespmem:s24], [sflag:$0x3], $0x800, $0x38;
	[tilespmem:$0x1F000] =	vst v63  }
0x141: {  	_ =	swait.ge [sflag:s25], $0x800  }
0x142: {  	[sflag:s25] =	ssyncset.done $0x0  }
0x143: {  	[sflag:s25] =	ssyncadd.s32 $0xFFFFF800  }
0x144: {  	[spmem:s19] =	stream.linear.scatter [tilespmem:s24], [sflag:$0x3], $0x800, $0x38;
	[tilespmem:$0x1F000] =	vst v63  }
0x145: {  	_ =	swait.ge [sflag:s25], $0x800  }
0x146: {  	[sflag:s25] =	ssyncset.done $0x0  }
0x147: {  	[sflag:s25] =	ssyncadd.s32 $0xFFFFF800  }
0x148: {  	[spmem:s20] =	stream.linear.scatter [tilespmem:s24], [sflag:$0x3], $0x800, $0x38;
	[tilespmem:$0x1F000] =	vst v63  }
0x149: {  	_ =	swait.ge [sflag:s25], $0x800  }
0x14a: {  	[sflag:s25] =	ssyncset.done $0x0  }
0x14b: {  	[sflag:s25] =	ssyncadd.s32 $0xFFFFF800  }
0x14c: {  	[spmem:s21] =	stream.linear.scatter [tilespmem:s24], [sflag:$0x3], $0x800, $0x38;
	[tilespmem:$0x1F000] =	vst v63  }
0x14d: {  	_ =	swait.ge [sflag:s25], $0x800  }
0x14e: {  	[sflag:s25] =	ssyncset.done $0x0  }
0x14f: {  	[sflag:s25] =	ssyncadd.s32 $0xFFFFF800  }
0x150: {  	[spmem:s22] =	stream.linear.scatter [tilespmem:s24], [sflag:$0x3], $0x800, $0x38;
	[tilespmem:$0x1F000] =	vst v63  }
0x151: {  	_ =	swait.ge [sflag:s25], $0x800  }
0x152: {  	[sflag:s25] =	ssyncset.done $0x0  }
0x153: {  	[sflag:s25] =	ssyncadd.s32 $0xFFFFF800  }
0x154: {  	[spmem:s23] =	stream.linear.scatter [tilespmem:s24], [sflag:$0x3], $0x800, $0x38;
	[tilespmem:$0x1F000] =	vst v63  }
0x155: {  	_ =	swait.ge [sflag:s25], $0x800  }
0x156: {  	[sflag:s25] =	ssyncset.done $0x0  }
0x157: {  	[sflag:s25] =	ssyncadd.s32 $0xFFFFF800  }
0x158: {  	[bflag:$0x0] =	sbarrier.arrive $0xFFFF  }
0x159: {  	s12 =	rddreg [dreg:$0x11]  }
0x15a: {  	[tilespmem:s3], [sflag:$0x1] =	stream.linear.gather [hbm4b:s12+s3], $0x1400, $0x38;
	[tilespmem:$0x1F000] =	vst v63  }
0x15b: {  	_ =	swait.ge [sflag:s26], $0x1400  }
0x15c: {  	[sflag:s26] =	ssyncset.done $0x0  }
0x15d: {  	s13 =	rddreg [dreg:$0x12];
	[sflag:s26] =	ssyncadd.s32 $0xFFFFEC00  }
0x15e: {  	[tilespmem:s28], [sflag:$0x2] =	stream.linear.gather [hbm4b:s13+s3], $0x1400, $0x38;
	[tilespmem:$0x1F000] =	vst v63  }
0x15f: {  	_ =	swait.ge [sflag:s29], $0x1400  }
0x160: {  	[sflag:s29] =	ssyncset.done $0x0  }
0x161: {  	[sflag:s29] =	ssyncadd.s32 $0xFFFFEC00  }
0x162: {  	[tilespmem:s31], [sflag:$0x1] =	stream.indirect.gather [hbm4b:s4+s30], $0x80, s3, s30, $0xb8;
	[tilespmem:$0x1F000] =	vst v63  }
0x163: {  	s10 =	simm.s32 $0x80  }
0x164: {  	[tilespmem:s0], [sflag:$0x2] =	stream.indirect.gather [hbm4b:s4+s30], $0x80, s10, s30, $0xb8;
	[tilespmem:$0x1F000] =	vst v63  }
0x165: {  	_ =	swait.ge [sflag:s26], $0x4000  }
0x166: {  	[sflag:s26] =	ssyncset.done $0x0  }
0x167: {  	s11 =	simm.s32 $0x1400;
	[sflag:s26] =	ssyncadd.s32 $0xFFFFC000  }
0x168: {  	[spmem:s2] =	stream.indirect.scatter.add.f32 [tilespmem:s31], [sflag:$0x3], $0x80, s11, s30, $0xb8;
	[tilespmem:$0x1F000] =	vst v63  }
0x169: {  	_ =	swait.ge [sflag:s25], $0x4000  }
0x16a: {  	[sflag:s25] =	ssyncset.done $0x0  }
0x16b: {  	s12 =	simm.s32 $0x100;
	[sflag:s25] =	ssyncadd.s32 $0xFFFFC000  }
0x16c: {  	[tilespmem:s31], [sflag:$0x1] =	stream.indirect.gather [hbm4b:s4+s30], $0x80, s12, s30, $0xb8;
	[tilespmem:$0x1F000] =	vst v63  }
0x16d: {  	_ =	swait.ge [sflag:s29], $0x4000  }
0x16e: {  	[sflag:s29] =	ssyncset.done $0x0  }
0x16f: {  	s13 =	simm.s32 $0x1480;
	[sflag:s29] =	ssyncadd.s32 $0xFFFFC000  }
0x170: {  	[spmem:s2] =	stream.indirect.scatter.add.f32 [tilespmem:s0], [sflag:$0x3], $0x80, s13, s30, $0xb8;
	[tilespmem:$0x1F000] =	vst v63  }
0x171: {  	_ =	swait.ge [sflag:s25], $0x4000  }
0x172: {  	s9 =	simm.s32 $0x100;
	s10 =	simm.s32 $0x800;
	[sflag:s25] =	ssyncset.done $0x0  }
.LBB2_2:
0x173: {  	s11 =	sadd.s32 $0x80, s9  }
0x174: {  	[sflag:s25] =	ssyncadd.s32 $0xFFFFC000;
	s12 =	smov.u32 s10;
	s13 =	sadd.s32 $0x400, s10  }
0x175: {  	[tilespmem:s0], [sflag:$0x2] =	stream.indirect.gather [hbm4b:s4+s30], $0x80, s11, s30, $0xb8;
	[tilespmem:$0x1F000] =	vst v63  }
0x176: {  	p0 =	sne.s32 s10, $0x4800;
	_ =	swait.ge [sflag:s26], $0x4000  }
0x177: {  	[sflag:s26] =	ssyncset.done $0x0  }
0x178: {  	s10 =	sadd.s32 $0x1400, s9;
	[sflag:s26] =	ssyncadd.s32 $0xFFFFC000  }
0x179: {  	[spmem:s2] =	stream.indirect.scatter.add.f32 [tilespmem:s31], [sflag:$0x3], $0x80, s10, s30, $0xb8;
	[tilespmem:$0x1F000] =	vst v63  }
0x17a: {  	_ =	swait.ge [sflag:s25], $0x4000  }
0x17b: {  	[sflag:s25] =	ssyncset.done $0x0  }
0x17c: {  	s10 =	sadd.s32 $0x100, s9;
	[sflag:s25] =	ssyncadd.s32 $0xFFFFC000  }
0x17d: {  	[tilespmem:s31], [sflag:$0x1] =	stream.indirect.gather [hbm4b:s4+s30], $0x80, s10, s30, $0xb8;
	[tilespmem:$0x1F000] =	vst v63  }
0x17e: {  	_ =	swait.ge [sflag:s29], $0x4000  }
.Ltmp0:
0x17f: {  	[sflag:s29] =	ssyncset.done $0x0;
	(pc) =	sbr.rel @p0 .LBB2_2-.Ltmp0, $4  }
0x180: {  	s9 =	sadd.s32 $0x1480, s9;
	[sflag:s29] =	ssyncadd.s32 $0xFFFFC000  }
0x181: {  	[spmem:s2] =	stream.indirect.scatter.add.f32 [tilespmem:s0], [sflag:$0x3], $0x80, s9, s30, $0xb8;
	[tilespmem:$0x1F000] =	vst v63  }
0x182: {  	_ =	swait.ge [sflag:s25], $0x4000  }
0x183: {  	s10 =	smov.u32 s13;
	s9 =	sshra.s32 s12, $0x2;
	[sflag:s25] =	ssyncset.done $0x0  }
0x184: {  	s10 =	sadd.s32 $0x80, s9;
	[sflag:s25] =	ssyncadd.s32 $0xFFFFC000  }
0x185: {  	[tilespmem:s0], [sflag:$0x2] =	stream.indirect.gather [hbm4b:s4+s30], $0x80, s10, s30, $0xb8;
	[tilespmem:$0x1F000] =	vst v63  }
0x186: {  	_ =	swait.ge [sflag:s26], $0x4000  }
0x187: {  	[sflag:s26] =	ssyncset.done $0x0  }
0x188: {  	s12 =	sadd.s32 $0x1400, s9;
	[sflag:s26] =	ssyncadd.s32 $0xFFFFC000  }
0x189: {  	[spmem:s2] =	stream.indirect.scatter.add.f32 [tilespmem:s31], [sflag:$0x3], $0x80, s12, s30, $0xb8;
	[tilespmem:$0x1F000] =	vst v63  }
0x18a: {  	_ =	swait.ge [sflag:s25], $0x4000  }
0x18b: {  	[sflag:s25] =	ssyncset.done $0x0  }
0x18c: {  	s13 =	sadd.s32 $0x100, s9;
	[sflag:s25] =	ssyncadd.s32 $0xFFFFC000  }
0x18d: {  	[tilespmem:s31], [sflag:$0x1] =	stream.indirect.gather [hbm4b:s4+s30], $0x80, s13, s30, $0xb8;
	[tilespmem:$0x1F000] =	vst v63  }
0x18e: {  	_ =	swait.ge [sflag:s29], $0x4000  }
0x18f: {  	[sflag:s29] =	ssyncset.done $0x0  }
0x190: {  	s10 =	sadd.s32 $0x1480, s9;
	[sflag:s29] =	ssyncadd.s32 $0xFFFFC000  }
0x191: {  	[spmem:s2] =	stream.indirect.scatter.add.f32 [tilespmem:s0], [sflag:$0x3], $0x80, s10, s30, $0xb8;
	[tilespmem:$0x1F000] =	vst v63  }
0x192: {  	_ =	swait.ge [sflag:s25], $0x4000  }
0x193: {  	[sflag:s25] =	ssyncset.done $0x0  }
0x194: {  	[sflag:s25] =	ssyncadd.s32 $0xFFFFC000  }
0x195: {  	[tilespmem:s0], [sflag:$0x2] =	stream.indirect.gather [hbm4b:s4+s30], $0x80, s1, s30, $0xb8;
	[tilespmem:$0x1F000] =	vst v63  }
0x196: {  	_ =	swait.ge [sflag:s26], $0x4000  }
0x197: {  	[sflag:s26] =	ssyncset.done $0x0  }
0x198: {  	[sflag:s26] =	ssyncadd.s32 $0xFFFFC000  }
0x199: {  	[spmem:s2] =	stream.indirect.scatter.add.f32 [tilespmem:s31], [sflag:$0x3], $0x80, s6, s30, $0xb8;
	[tilespmem:$0x1F000] =	vst v63  }
0x19a: {  	_ =	swait.ge [sflag:s25], $0x4000  }
0x19b: {  	[sflag:s25] =	ssyncset.done $0x0  }
0x19c: {  	[sflag:s25] =	ssyncadd.s32 $0xFFFFC000  }
0x19d: {  	[tilespmem:s31], [sflag:$0x1] =	stream.indirect.gather [hbm4b:s4+s30], $0x80, s1, s30, $0xb8;
	[tilespmem:$0x1F000] =	vst v63  }
0x19e: {  	_ =	swait.ge [sflag:s29], $0x4000  }
0x19f: {  	[sflag:s29] =	ssyncset.done $0x0  }
0x1a0: {  	[sflag:s29] =	ssyncadd.s32 $0xFFFFC000  }
0x1a1: {  	[spmem:s2] =	stream.indirect.scatter.add.f32 [tilespmem:s0], [sflag:$0x3], $0x80, s7, s30, $0xb8;
	[tilespmem:$0x1F000] =	vst v63  }
0x1a2: {  	_ =	swait.ge [sflag:s25], $0x4000  }
0x1a3: {  	[sflag:s25] =	ssyncset.done $0x0  }
0x1a4: {  	[sflag:s25] =	ssyncadd.s32 $0xFFFFC000  }
0x1a5: {  	_ =	swait.ge [sflag:s26], $0x4000  }
0x1a6: {  	[sflag:s26] =	ssyncset.done $0x0  }
0x1a7: {  	s11 =	simm.s32 $0x0;
	s12 =	rddreg [dreg:$0x13];
	[sflag:s26] =	ssyncadd.s32 $0xFFFFC000  }
0x1a8: {  	[tilespmem:s11], [sflag:$0x1] =	stream.linear.gather [hbm4b:s12+s11], $0x1400, $0x38;
	[tilespmem:$0x1F000] =	vst v63  }
0x1a9: {  	_ =	swait.ge [sflag:s26], $0x1400  }
0x1aa: {  	[sflag:s26] =	ssyncset.done $0x0  }
0x1ab: {  	s13 =	rddreg [dreg:$0x14];
	[sflag:s26] =	ssyncadd.s32 $0xFFFFEC00  }
0x1ac: {  	[tilespmem:s28], [sflag:$0x2] =	stream.linear.gather [hbm4b:s13+s11], $0x1400, $0x38;
	[tilespmem:$0x1F000] =	vst v63  }
0x1ad: {  	_ =	swait.ge [sflag:s29], $0x1400  }
0x1ae: {  	[sflag:s29] =	ssyncset.done $0x0  }
0x1af: {  	[sflag:s29] =	ssyncadd.s32 $0xFFFFEC00  }
0x1b0: {  	[tilespmem:s31], [sflag:$0x1] =	stream.indirect.gather [hbm4b:s4+s30], $0x80, s11, s30, $0xb8;
	[tilespmem:$0x1F000] =	vst v63  }
0x1b1: {  	s10 =	simm.s32 $0x80  }
0x1b2: {  	[tilespmem:s0], [sflag:$0x2] =	stream.indirect.gather [hbm4b:s4+s30], $0x80, s10, s30, $0xb8;
	[tilespmem:$0x1F000] =	vst v63  }
0x1b3: {  	_ =	swait.ge [sflag:s26], $0x4000  }
0x1b4: {  	[sflag:s26] =	ssyncset.done $0x0  }
0x1b5: {  	s11 =	simm.s32 $0x1400;
	[sflag:s26] =	ssyncadd.s32 $0xFFFFC000  }
0x1b6: {  	[spmem:s2] =	stream.indirect.scatter.add.f32 [tilespmem:s31], [sflag:$0x3], $0x80, s11, s30, $0xb8;
	[tilespmem:$0x1F000] =	vst v63  }
0x1b7: {  	_ =	swait.ge [sflag:s25], $0x4000  }
0x1b8: {  	[sflag:s25] =	ssyncset.done $0x0  }
0x1b9: {  	s12 =	simm.s32 $0x100;
	[sflag:s25] =	ssyncadd.s32 $0xFFFFC000  }
0x1ba: {  	[tilespmem:s31], [sflag:$0x1] =	stream.indirect.gather [hbm4b:s4+s30], $0x80, s12, s30, $0xb8;
	[tilespmem:$0x1F000] =	vst v63  }
0x1bb: {  	_ =	swait.ge [sflag:s29], $0x4000  }
0x1bc: {  	[sflag:s29] =	ssyncset.done $0x0  }
0x1bd: {  	s13 =	simm.s32 $0x1480;
	[sflag:s29] =	ssyncadd.s32 $0xFFFFC000  }
0x1be: {  	[spmem:s2] =	stream.indirect.scatter.add.f32 [tilespmem:s0], [sflag:$0x3], $0x80, s13, s30, $0xb8;
	[tilespmem:$0x1F000] =	vst v63  }
0x1bf: {  	_ =	swait.ge [sflag:s25], $0x4000  }
0x1c0: {  	s9 =	simm.s32 $0x100;
	s10 =	simm.s32 $0x800;
	[sflag:s25] =	ssyncset.done $0x0  }
.LBB2_4:
0x1c1: {  	s11 =	sadd.s32 $0x80, s9  }
0x1c2: {  	[sflag:s25] =	ssyncadd.s32 $0xFFFFC000;
	s12 =	smov.u32 s10;
	s13 =	sadd.s32 $0x400, s10  }
0x1c3: {  	[tilespmem:s0], [sflag:$0x2] =	stream.indirect.gather [hbm4b:s4+s30], $0x80, s11, s30, $0xb8;
	[tilespmem:$0x1F000] =	vst v63  }
0x1c4: {  	p0 =	sne.s32 s10, $0x4800;
	_ =	swait.ge [sflag:s26], $0x4000  }
0x1c5: {  	[sflag:s26] =	ssyncset.done $0x0  }
0x1c6: {  	s10 =	sadd.s32 $0x1400, s9;
	[sflag:s26] =	ssyncadd.s32 $0xFFFFC000  }
0x1c7: {  	[spmem:s2] =	stream.indirect.scatter.add.f32 [tilespmem:s31], [sflag:$0x3], $0x80, s10, s30, $0xb8;
	[tilespmem:$0x1F000] =	vst v63  }
0x1c8: {  	_ =	swait.ge [sflag:s25], $0x4000  }
0x1c9: {  	[sflag:s25] =	ssyncset.done $0x0  }
0x1ca: {  	s10 =	sadd.s32 $0x100, s9;
	[sflag:s25] =	ssyncadd.s32 $0xFFFFC000  }
0x1cb: {  	[tilespmem:s31], [sflag:$0x1] =	stream.indirect.gather [hbm4b:s4+s30], $0x80, s10, s30, $0xb8;
	[tilespmem:$0x1F000] =	vst v63  }
0x1cc: {  	_ =	swait.ge [sflag:s29], $0x4000  }
.Ltmp1:
0x1cd: {  	[sflag:s29] =	ssyncset.done $0x0;
	(pc) =	sbr.rel @p0 .LBB2_4-.Ltmp1, $4  }
0x1ce: {  	s9 =	sadd.s32 $0x1480, s9;
	[sflag:s29] =	ssyncadd.s32 $0xFFFFC000  }
0x1cf: {  	[spmem:s2] =	stream.indirect.scatter.add.f32 [tilespmem:s0], [sflag:$0x3], $0x80, s9, s30, $0xb8;
	[tilespmem:$0x1F000] =	vst v63  }
0x1d0: {  	_ =	swait.ge [sflag:s25], $0x4000  }
0x1d1: {  	s10 =	smov.u32 s13;
	s9 =	sshra.s32 s12, $0x2;
	[sflag:s25] =	ssyncset.done $0x0  }
0x1d2: {  	s10 =	sadd.s32 $0x80, s9;
	[sflag:s25] =	ssyncadd.s32 $0xFFFFC000  }
0x1d3: {  	[tilespmem:s0], [sflag:$0x2] =	stream.indirect.gather [hbm4b:s4+s30], $0x80, s10, s30, $0xb8;
	[tilespmem:$0x1F000] =	vst v63  }
0x1d4: {  	_ =	swait.ge [sflag:s26], $0x4000  }
0x1d5: {  	[sflag:s26] =	ssyncset.done $0x0  }
0x1d6: {  	s12 =	sadd.s32 $0x1400, s9;
	[sflag:s26] =	ssyncadd.s32 $0xFFFFC000  }
0x1d7: {  	[spmem:s2] =	stream.indirect.scatter.add.f32 [tilespmem:s31], [sflag:$0x3], $0x80, s12, s30, $0xb8;
	[tilespmem:$0x1F000] =	vst v63  }
0x1d8: {  	_ =	swait.ge [sflag:s25], $0x4000  }
0x1d9: {  	[sflag:s25] =	ssyncset.done $0x0  }
0x1da: {  	s13 =	sadd.s32 $0x100, s9;
	[sflag:s25] =	ssyncadd.s32 $0xFFFFC000  }
0x1db: {  	[tilespmem:s31], [sflag:$0x1] =	stream.indirect.gather [hbm4b:s4+s30], $0x80, s13, s30, $0xb8;
	[tilespmem:$0x1F000] =	vst v63  }
0x1dc: {  	_ =	swait.ge [sflag:s29], $0x4000  }
0x1dd: {  	[sflag:s29] =	ssyncset.done $0x0  }
0x1de: {  	s10 =	sadd.s32 $0x1480, s9;
	[sflag:s29] =	ssyncadd.s32 $0xFFFFC000  }
0x1df: {  	[spmem:s2] =	stream.indirect.scatter.add.f32 [tilespmem:s0], [sflag:$0x3], $0x80, s10, s30, $0xb8;
	[tilespmem:$0x1F000] =	vst v63  }
0x1e0: {  	_ =	swait.ge [sflag:s25], $0x4000  }
0x1e1: {  	[sflag:s25] =	ssyncset.done $0x0  }
0x1e2: {  	[sflag:s25] =	ssyncadd.s32 $0xFFFFC000  }
0x1e3: {  	[tilespmem:s0], [sflag:$0x2] =	stream.indirect.gather [hbm4b:s4+s30], $0x80, s1, s30, $0xb8;
	[tilespmem:$0x1F000] =	vst v63  }
0x1e4: {  	_ =	swait.ge [sflag:s26], $0x4000  }
0x1e5: {  	[sflag:s26] =	ssyncset.done $0x0  }
0x1e6: {  	[sflag:s26] =	ssyncadd.s32 $0xFFFFC000  }
0x1e7: {  	[spmem:s2] =	stream.indirect.scatter.add.f32 [tilespmem:s31], [sflag:$0x3], $0x80, s6, s30, $0xb8;
	[tilespmem:$0x1F000] =	vst v63  }
0x1e8: {  	_ =	swait.ge [sflag:s25], $0x4000  }
0x1e9: {  	[sflag:s25] =	ssyncset.done $0x0  }
0x1ea: {  	[sflag:s25] =	ssyncadd.s32 $0xFFFFC000  }
0x1eb: {  	[tilespmem:s31], [sflag:$0x1] =	stream.indirect.gather [hbm4b:s4+s30], $0x80, s1, s30, $0xb8;
	[tilespmem:$0x1F000] =	vst v63  }
0x1ec: {  	_ =	swait.ge [sflag:s29], $0x4000  }
0x1ed: {  	[sflag:s29] =	ssyncset.done $0x0  }
0x1ee: {  	[sflag:s29] =	ssyncadd.s32 $0xFFFFC000  }
0x1ef: {  	[spmem:s2] =	stream.indirect.scatter.add.f32 [tilespmem:s0], [sflag:$0x3], $0x80, s7, s30, $0xb8;
	[tilespmem:$0x1F000] =	vst v63  }
0x1f0: {  	_ =	swait.ge [sflag:s25], $0x4000  }
0x1f1: {  	[sflag:s25] =	ssyncset.done $0x0  }
0x1f2: {  	[sflag:s25] =	ssyncadd.s32 $0xFFFFC000  }
0x1f3: {  	_ =	swait.ge [sflag:s26], $0x4000  }
0x1f4: {  	[sflag:s26] =	ssyncset.done $0x0  }
0x1f5: {  	s11 =	stileid.u32;
	[sflag:s26] =	ssyncadd.s32 $0xFFFFC000  }
0x1f6: {  	s9 =	sshll.u32 s11, $0x6;
	[bflag:$0x0] =	sbarrier.arrive $0xFFFF  }
0x1f7: {  	s9 =	sor.u32 $0x1C03, s9;
	s12 =	sshrl.u32 s5, $0x3;
	s11 =	rddreg [dreg:$0x16]  }
0x1f8: {  	[hbm:s11], [sflag:s9] =	dma.local [spmem:s12], $0x2800  }
0x1f9: {  	_ =	swait.ge [sflag:s25], $0x2800  }
0x1fa: {  	s8 =	sadd.s32 $0x1, s8;
	s13 =	rddreg [dreg:$0x17]  }
0x1fb: {  	p0 =	sne.s32 s8, s13  }
.Ltmp2:
0x1fc: {  	_ = 	snop;
	(pc) =	sbr.rel @p0 .LBB2_1-.Ltmp2, $3  }
0x1fd: {  	_ =	sdelay $0x1  }
0x1fe: {  	[sflag:s25] =	ssyncset.done $0x0  }
0x1ff: {  	[sflag:s25] =	ssyncadd.s32 $0xFFFFD800  }
0x200: {  	_ =	sfence.sel $0x180000  }
0x201: {  	[bflag:$0x0] =	sbarrier.arrive $0xFFFF  }
0x202: {  	_ =	strace $0x9000004A  }
0x203: {  	s0 =	stileid.u32;
	[bflag:$0x2] =	sbarrier.arrive $0xFFFF  }
0x204: {  	p0 =	sne.s32 s0, $0x0;
	s0 =	rddreg [dreg:$0x3]  }
0x205: {  	s0 =	sadd.s32 @!p0 $0x100000, s0  }
0x206: {  	[sflag:s0] =	ssyncadd.tile.s32 @!p0 $0x1;
	_ =	shalt  }
.Lfunc_end2:
_tile_overlayer_lowered:
.L_overlay_start_2:
0x207: {  	(tag) =	ssettag $0x2  }
0x208: {  	s0 =	rddreg [dreg:$0x0];
	s2 =	stileid.u32  }
0x209: {  	s1 =	rddreg [dreg:$0x1];
	p0 =	sne.s32 s2, $0x0  }
0x20a: {  	s3 =	rddreg [dreg:$0x2];
	[bflag:$0x3] =	sbarrier.arrive $0xFFFF;
	s2 =	simm.s32 @!p0 $0x1C03  }
0x20b: {  	[timem:s3], [sflag:s2] =	dma.local @!p0 [hbm:s0], s1  }
0x20c: {  	s0 =	simm.s32 @!p0 $0x3  }
0x20d: {  	_ =	swait.ge @!p0 [sflag:s0], s1  }
0x20e: {  	s1 =	ssub.s32 @!p0 $0x0, s1;
	[sflag:s0] =	ssyncset.done @!p0 $0x0  }
0x20f: {  	[sflag:s0] =	ssyncadd.s32 @!p0 s1  }
0x210: {  	[bflag:$0x3] =	sbarrier.arrive $0xFFFF  }
0x211: {  	_ =	shalt  }

// kernel: kernel.7.cloned.1.call-start
scs
__scs_entry_jumppad:
0x0: {  	(pc) =	sbr.rel $0x88, $3  }
0x1: {  	(tag) =	ssettag $0x0;
	lr =	simm.s32 $0x1  }
0x2: {  	[smem:$0x3F97] =	sst lr;
	_ =	strace $0xD0000000  }
0x3: {  	_ = 	snop  }
0x4: {  	_ = 	snop  }
0x5: {  	_ = 	snop  }
0x6: {  	_ = 	snop  }
0x7: {  	_ = 	snop  }
__scs_overlays_trampoline_lowered:
0x8: {  	[smem:$0x3FA6] =	sst s0  }
0x9: {  	[smem:$0x3FA7] =	sst s1  }
0xa: {  	[smem:$0x3FA8] =	sst s2  }
0xb: {  	[smem:$0x3FA9] =	sst s3  }
0xc: {  	[smem:$0x3FAA] =	sst s4  }
0xd: {  	[smem:$0x3FAB] =	sst s5  }
0xe: {  	[smem:$0x3FAC] =	sst s6  }
0xf: {  	[smem:$0x3FAD] =	sst s7  }
0x10: {  	[smem:$0x3FAE] =	sst s8  }
0x11: {  	[smem:$0x3FAF] =	sst s9;
	s0 =	simm.s32 @!p0 $0x0  }
0x12: {  	s1 =	sld [smem:$0x3F95];
	s0 =	simm.s32 @p0 $0x1  }
0x13: {  	[smem:$0x3FB0] =	sst s0;
	s0 =	simm.s32 @!p1 $0x0  }
0x14: {  	s2 =	sld [smem:$0x3F94];
	s0 =	simm.s32 @p1 $0x1  }
0x15: {  	[smem:$0x3FB1] =	sst s0;
	s0 =	simm.s32 @!p2 $0x0  }
0x16: {  	s3 =	sld [smem:$0x3FDB];
	s0 =	simm.s32 @p2 $0x1  }
0x17: {  	s4 =	simm.s32 $0x1BF5;
	[smem:$0x3FB3] =	sst s0  }
0x18: {  	s0 =	sld [smem:$0x3F96];
	_ =	swait.ge [sflag:s4], $0x0  }
0x19: {  	s7 =	sld [smem:$0x3F97]  }
0x1a: {  	s8 =	sadd.s32 $0xFFFFE003, lr  }
0x1b: {  	s9 =	sadd.s32 $0xFFFFFEF7, lr;
	s5 =	simm.s32 $0xFFFFFFFF;
	p2 =	slt.u32 s8, $0xFFFFF086  }
0x1c: {  	p1 =	slt.u32 s9, $0xF7A;
	s5 =	simm.s32 @!p2 $0x0  }
0x1d: {  	s5 =	simm.s32 @p1 $0x1;
	p0 =	seq.s32 s7, s2  }
0x1e: {  	s7 =	smul.u32 @!p0 $0xF7A, s2;
	p2 =	seq.s32 @!p0 s5, $0x0  }
0x1f: {  	s9 =	smul.u32 $0xF7A, s1;
	s8 =	simm.s32 @!p0 $0x1BF5;
	p2 =	por !p2, p0  }
0x20: {  	[sflag:s8] =	ssyncset.s32 @!p0 $0xFFFFF086;
	s6 =	sadd.s32 @!p0 s3, s7;
	s7 =	simm.s32 @!p0 $0x108  }
0x21: {  	s3 =	sadd.s32 s3, s9;
	s6 =	sadd.s32 @!p0 $0x88, s6;
	s7 =	simm.s32 @p2 $0x1082  }
0x22: {  	[simem:s7], [sflag:s8] =	dma.local @!p0 [hbm:s6], $0xF7A  }
0x23: {  	s9 =	sor.u32 $0xD0000000, s2;
	s6 =	simm.s32 $0x108;
	_ =	swait.ge @!p0 [sflag:s8], $0x0  }
0x24: {  	s3 =	sadd.s32 $0x88, s3;
	s6 =	simm.s32 @!p1 $0x1082;
	[sflag:s4] =	ssyncset.s32 $0xFFFFF086  }
0x25: {  	[simem:s6], [sflag:s4] =	dma.local [hbm:s3], $0xF7A  }
0x26: {  	[smem:$0x3F97] =	sst s1;
	(tag) =	ssettag s2;
	_ =	strace s9  }
0x27: {  	s1 =	sld [smem:$0x3FA7]  }
0x28: {  	s2 =	sld [smem:$0x3FA8]  }
0x29: {  	s4 =	sld [smem:$0x3FAA]  }
0x2a: {  	p0 =	seq.s32 s5, $0x0;
	s5 =	sld [smem:$0x3FAB]  }
0x2b: {  	s6 =	sld [smem:$0x3FAC]  }
0x2c: {  	s7 =	sld [smem:$0x3FAD]  }
0x2d: {  	s3 =	simm.s32 $0x108;
	s8 =	sld [smem:$0x3FAE]  }
0x2e: {  	s3 =	simm.s32 @!p0 $0x1082;
	s9 =	sld [smem:$0x3FAF]  }
0x2f: {  	lr =	sadd.s32 s0, s3;
	s0 =	sld [smem:$0x3FA6]  }
0x30: {  	s3 =	sld [smem:$0x3FA9]  }
0x31: {  	[smem:$0x3FB2] =	sst s10  }
0x32: {  	s10 =	sld [smem:$0x3FB0];
	_ =	sdelay $0x3  }
0x33: {  	p0 =	seq.s32 s10, $0x1;
	s10 =	sld [smem:$0x3FB2];
	_ =	sdelay $0x3  }
0x34: {  	[smem:$0x3FB2] =	sst s10  }
0x35: {  	s10 =	sld [smem:$0x3FB1];
	_ =	sdelay $0x3  }
0x36: {  	p1 =	seq.s32 s10, $0x1;
	s10 =	sld [smem:$0x3FB2];
	_ =	sdelay $0x3  }
0x37: {  	[smem:$0x3FB2] =	sst s10  }
0x38: {  	s10 =	sld [smem:$0x3FB3]  }
0x39: {  	_ = 	snop;
	(pc) =	sbr.ind lr, $3  }
0x3a: {  	_ = 	snop  }
0x3b: {  	_ = 	snop  }
0x3c: {  	p2 =	seq.s32 s10, $0x1;
	s10 =	sld [smem:$0x3FB2]  }
0x3d: {  	_ =	shalt  }
0x3e: {  	_ =	shalt  }
0x3f: {  	_ =	shalt  }
0x40: {  	_ =	shalt  }
0x41: {  	_ =	shalt  }
0x42: {  	_ =	shalt  }
0x43: {  	_ =	shalt  }
0x44: {  	_ =	shalt  }
0x45: {  	_ =	shalt  }
0x46: {  	_ =	shalt  }
0x47: {  	_ =	shalt  }
0x48: {  	_ =	shalt  }
0x49: {  	_ =	shalt  }
0x4a: {  	_ =	shalt  }
0x4b: {  	_ =	shalt  }
0x4c: {  	_ =	shalt  }
0x4d: {  	_ =	shalt  }
0x4e: {  	_ =	shalt  }
0x4f: {  	_ =	shalt  }
0x50: {  	_ =	shalt  }
0x51: {  	_ =	shalt  }
0x52: {  	_ =	shalt  }
0x53: {  	_ =	shalt  }
0x54: {  	_ =	shalt  }
0x55: {  	_ =	shalt  }
0x56: {  	_ =	shalt  }
0x57: {  	_ =	shalt  }
0x58: {  	_ =	shalt  }
0x59: {  	_ =	shalt  }
0x5a: {  	_ =	shalt  }
0x5b: {  	_ =	shalt  }
0x5c: {  	_ =	shalt  }
0x5d: {  	_ =	shalt  }
0x5e: {  	_ =	shalt  }
0x5f: {  	_ =	shalt  }
0x60: {  	_ =	shalt  }
0x61: {  	_ =	shalt  }
0x62: {  	_ =	shalt  }
0x63: {  	_ =	shalt  }
0x64: {  	_ =	shalt  }
0x65: {  	_ =	shalt  }
0x66: {  	_ =	shalt  }
0x67: {  	_ =	shalt  }
0x68: {  	_ =	shalt  }
0x69: {  	_ =	shalt  }
0x6a: {  	_ =	shalt  }
0x6b: {  	_ =	shalt  }
0x6c: {  	_ =	shalt  }
0x6d: {  	_ =	shalt  }
0x6e: {  	_ =	shalt  }
0x6f: {  	_ =	shalt  }
0x70: {  	_ =	shalt  }
0x71: {  	_ =	shalt  }
0x72: {  	_ =	shalt  }
0x73: {  	_ =	shalt  }
0x74: {  	_ =	shalt  }
0x75: {  	_ =	shalt  }
0x76: {  	_ =	shalt  }
0x77: {  	_ =	shalt  }
0x78: {  	_ =	shalt  }
0x79: {  	_ =	shalt  }
0x7a: {  	_ =	shalt  }
0x7b: {  	_ =	shalt  }
0x7c: {  	_ =	shalt  }
0x7d: {  	_ =	shalt  }
0x7e: {  	_ =	shalt  }
0x7f: {  	_ =	shalt  }
0x80: {  	_ =	shalt  }
0x81: {  	_ =	shalt  }
0x82: {  	_ =	shalt  }
0x83: {  	_ =	shalt  }
0x84: {  	_ =	shalt  }
0x85: {  	_ =	shalt  }
0x86: {  	_ =	shalt  }
0x87: {  	_ =	shalt  }
.Lfunc_end0:
.L_simem_size_0:
called_computation_lowered:
.L_overlay_start_0:
0x88: {  	s2 =	sld [smem:$0x3FD9]  }
0x89: {  	s3 =	sld [smem:$0x3FFE];
	_ =	sdelay $0x1  }
0x8a: {  	s1 =	srdreg.scid  }
0x8b: {  	s0 =	sand.u32 $0x1, s1  }
0x8c: {  	s17 =	sshll.u32 s0, $0xA;
	s2 =	sadd.s32 s3, s2  }
0x8d: {  	s2 =	sadd.s32 s2, s17  }
0x8e: {  	[smem:$0x3FBE] =	sst s2  }
0x8f: {  	_ = 	snop  }
0x90: {  	s2 =	sld [smem:$0x3FD0];
	(tm) =	ssettm $0x1  }
0x91: {  	s18 =	sld [smem:$0x3FFB];
	_ =	sdelay $0x3  }
0x92: {  	_ =	strace s18  }
0x93: {  	s3 =	sld [smem:$0x3FFC];
	_ =	sdelay $0x3  }
0x94: {  	_ =	strace s3  }
0x95: {  	s3 =	sld [smem:$0x3FFD];
	_ =	sdelay $0x3  }
0x96: {  	_ =	strace s3  }
0x97: {  	_ =	strace $0x8FFFFFFF  }
0x98: {  	s19 =	sld [smem:$0x3FDB];
	_ =	sdelay $0x1  }
0x99: {  	s4 =	simm.s32 $_scs_section_size  }
0x9a: {  	s5 =	simm.s32 $_size__tile_overlayer_lowered;
	s6 =	simm.s32 $_tile_overlayer_lowered  }
0x9b: {  	s22 =	simm.s32 $0x1BFF;
	s21 =	sshll.u32 s6, $0x1;
	s3 =	sadd.s32 s4, s19  }
0x9c: {  	s7 =	simm.s32 $0x0;
	s20 =	sshll.u32 s5, $0x1;
	s5 =	sadd.s32 s21, s3  }
0x9d: {  	[timem:s7], [sflag:s22] =	dma.local [hbm:s5], s20  }
0x9e: {  	_ =	swait.ge [sflag:s22], s20  }
0x9f: {  	s4 =	ssub.s32 $0x0, s20;
	[sflag:s22] =	ssyncset.done $0x0  }
0xa0: {  	[sflag:s22] =	ssyncadd.s32 s4;
	_ =	sdelay $0x1  }
0xa1: {  	s23 =	simm.s32 $0x1B8B  }
0xa2: {  	_ =	swait.ge [sflag:s23], $0x1  }
0xa3: {  	[sflag:s23] =	ssyncset.done $0x0  }
0xa4: {  	s25 =	simm.s32 $0x1B8E;
	s24 =	sld [smem:$0x3FFE];
	[sflag:s23] =	ssyncadd.s32 $0xFFFFFFFF  }
0xa5: {  	s26 =	simm.s32 $execute0_lowered;
	[smem:$0x3FD2] =	sst s25  }
0xa6: {  	s5 =	sshll.u32 s26, $0x1;
	_ =	strace $0x80000046;
	[dreg:$0x1] =	wrdreg $0xFFFFFFFF  }
0xa7: {  	s28 =	simm.s32 $_size_execute0_lowered;
	s3 =	sadd.s32 s3, s5;
	[dreg:$0x0] =	wrdreg $0x0  }
0xa8: {  	s5 =	sshll.u32 s28, $0x1;
	[dreg:$0x2] =	wrdreg s3  }
0xa9: {  	[dreg:$0x3] =	wrdreg s5  }
0xaa: {  	[dreg:$0x4] =	wrdreg $0xC0  }
0xab: {  	_ =	task [dreg:s7], $0x5FFFF  }
0xac: {  	[dreg:$0x1] =	wrdreg $0xFFFFFFFF  }
0xad: {  	[dreg:$0x0] =	wrdreg $0x60  }
0xae: {  	[dreg:$0x2] =	wrdreg s24  }
0xaf: {  	[dreg:$0x3] =	wrdreg s2  }
0xb0: {  	[dreg:$0x4] =	wrdreg $0xB0000  }
0xb1: {  	[dreg:$0x5] =	wrdreg $0x1F3000  }
0xb2: {  	[dreg:$0x6] =	wrdreg $0x9  }
0xb3: {  	_ =	task.clear_ibuf [dreg:s7], $0x7FFFF;
	_ =	strace $0x90000046  }
0xb4: {  	s29 =	simm.s32 $0x9;
	_ =	strace $0x80000048  }
0xb5: {  	_ =	swait.ge [sflag:s29], $0x1  }
0xb6: {  	[sflag:s29] =	ssyncadd.s32 $0xFFFFFFFF  }
0xb7: {  	_ =	strace $0x90000048  }
0xb8: {  	_ =	sfence  }
0xb9: {  	s30 =	sld [smem:$0x0];
	_ =	sdelay $0x2  }
0xba: {  	s31 =	sshll.u32 s1, $0xD;
	s1 =	sshrl.u32 s1, $0x2  }
0xbb: {  	s3 =	sand.u32 $0x4000, s31;
	s1 =	sadd.s32 s1, s30  }
0xbc: {  	s0 =	sor.u32 s3, s0;
	s1 =	sshll.u32 s1, $0x11  }
0xbd: {  	s0 =	sor.u32 s1, s0  }
0xbe: {  	s0 =	sadd.s32 $0x8F2B, s0  }
0xbf: {  	[sflag:s0] =	ssyncadd.remote.s32 $0x1  }
0xc0: {  	_ =	sfence.sel $0xFFFF  }
0xc1: {  	[dreg:$0x0] =	wrdreg $0xFFFFFFFF;
	(pc) =	sbr.abs _section_cstart, $3  }
0xc2: {  	[dreg:$0x1] =	wrdreg $0xFFFFFFFF  }
0xc3: {  	_ =	task.clear_ibuf [dreg:s7], $0x2FFFF;
	_ =	strace $0x9FFFFFFF  }
0xc4: {  	(tm) =	ssettm $0x7FFFFFFF  }
0xc5: {  	_ =	shalt  }
tec
execute0_lowered:
.L_overlay_start_1:
0x0: {  	(tag) =	ssettag $0x1  }
0x1: {  	s0 =	rddreg [dreg:$0x0]  }
0x2: {  	s1 =	rddreg [dreg:$0x1]  }
0x3: {  	s3 =	rddreg [dreg:$0x2]  }
0x4: {  	s4 =	rddreg [dreg:$0x3];
	s13 =	stileid.u32  }
0x5: {  	s2 =	srdreg.scid;
	s9 =	smul.u32 $0x280, s13  }
0x6: {  	s5 =	simm.s32 $0x0;
	s2 =	sand.u32 $0x1, s2;
	s11 =	smul.u32 $0x50000, s13  }
0x7: {  	[smem:$0x7FF] =	sst s5;
	s8 =	smul.u32 $0x2800, s2;
	s20 =	ssub.s32 $0x2, s2  }
0x8: {  	s6 =	sadd.s32 $0xC200, s0;
	s7 =	sadd.s32 $0x2200, s0;
	s12 =	sshrl.u32 s20, $0x1  }
0x9: {  	s11 =	sshrl.u32 s11, $0x2;
	s8 =	sadd.s32 s9, s8;
	s12 =	ssub.s32 s20, s12  }
0xa: {  	s10 =	sshll.u32 s8, $0x4;
	s8 =	sshrl.u32 s8, $0x3;
	s19 =	smax.u32 s12, $0x1  }
0xb: {  	s10 =	sadd.s32 s10, s0;
	s0 =	sadd.s32 s8, s0;
	s8 =	sadd.s32 s11, s3  }
0xc: {  	_ =	strace $0x80000047;
	[dreg:$0x13] =	wrdreg s19;
	s11 =	sadd.s32 $0x800, s8  }
0xd: {  	s21 =	sadd.s32 $0x1000, s8;
	[dreg:$0x5] =	wrdreg s11  }
0xe: {  	s22 =	sadd.s32 $0x1800, s8;
	[dreg:$0x6] =	wrdreg s21  }
0xf: {  	s23 =	sadd.s32 $0x2000, s8;
	[dreg:$0x7] =	wrdreg s22  }
0x10: {  	s24 =	sadd.s32 $0x2800, s8;
	[dreg:$0x8] =	wrdreg s23  }
0x11: {  	s25 =	sadd.s32 $0x3000, s8;
	[dreg:$0x9] =	wrdreg s24  }
0x12: {  	s13 =	sshll.u32 s13, $0x1;
	s26 =	sadd.s32 $0x3800, s8;
	[dreg:$0xa] =	wrdreg s25  }
0x13: {  	s2 =	sor.u32 s2, s13;
	s13 =	sadd.s32 $0x4000, s8;
	[dreg:$0xb] =	wrdreg s26  }
0x14: {  	s14 =	sadd.s32 $0x4800, s8;
	[dreg:$0xc] =	wrdreg s13  }
0x15: {  	s15 =	sadd.s32 $0x5000, s8;
	[dreg:$0xd] =	wrdreg s14  }
0x16: {  	s16 =	sadd.s32 $0x5800, s8;
	[dreg:$0xe] =	wrdreg s15  }
0x17: {  	s17 =	sadd.s32 $0x6000, s8;
	[dreg:$0xf] =	wrdreg s16  }
0x18: {  	s18 =	sadd.s32 $0x34C00, s10;
	[dreg:$0x10] =	wrdreg s17  }
0x19: {  	s0 =	sadd.s32 $0x34200, s0;
	[dreg:$0x11] =	wrdreg s18  }
0x1a: {  	s20 =	sadd.s32 $0x6800, s8;
	[dreg:$0x12] =	wrdreg s0  }
0x1b: {  	s10 =	sadd.s32 $0xA000, s8;
	[dreg:$0x14] =	wrdreg s20  }
0x1c: {  	s12 =	sadd.s32 $0xB000, s8;
	[dreg:$0x1b] =	wrdreg s10  }
0x1d: {  	s19 =	sadd.s32 $0xE800, s8;
	[dreg:$0x1d] =	wrdreg s12  }
0x1e: {  	s23 =	sadd.s32 $0x7000, s8;
	[smem:$0x7F8] =	sst s19  }
0x1f: {  	s24 =	sadd.s32 $0x7800, s8;
	[dreg:$0x15] =	wrdreg s23  }
0x20: {  	s25 =	sadd.s32 $0x8000, s8;
	[dreg:$0x16] =	wrdreg s24  }
0x21: {  	s26 =	sadd.s32 $0x8800, s8;
	[dreg:$0x17] =	wrdreg s25  }
0x22: {  	s22 =	smul.u32 $0x50, s2;
	s2 =	sadd.s32 $0x9000, s8;
	[dreg:$0x18] =	wrdreg s26  }
0x23: {  	s21 =	sadd.s32 s9, s4;
	s9 =	sadd.s32 $0x9800, s8;
	[dreg:$0x19] =	wrdreg s2  }
0x24: {  	s11 =	sadd.s32 $0xA800, s8;
	[dreg:$0x1a] =	wrdreg s9  }
0x25: {  	s13 =	sadd.s32 $0xB800, s8;
	[dreg:$0x1c] =	wrdreg s11  }
0x26: {  	s14 =	sadd.s32 $0xC000, s8;
	[dreg:$0x1e] =	wrdreg s13  }
0x27: {  	s28 =	sadd.s32 $0x12000, s8;
	s15 =	sadd.s32 $0xC800, s8;
	[dreg:$0x1f] =	wrdreg s14  }
0x28: {  	s29 =	sadd.s32 $0x12800, s8;
	s16 =	sadd.s32 $0xD000, s8;
	[smem:$0x7F4] =	sst s15  }
0x29: {  	s30 =	sadd.s32 $0x13000, s8;
	s17 =	sadd.s32 $0xD800, s8;
	[smem:$0x7F5] =	sst s16  }
0x2a: {  	s31 =	sadd.s32 $0x13800, s8;
	s18 =	sadd.s32 $0xE000, s8;
	[smem:$0x7F6] =	sst s17  }
0x2b: {  	s20 =	sadd.s32 $0xF000, s8;
	s0 =	simm.s32 $0xA800;
	[smem:$0x7F7] =	sst s18  }
0x2c: {  	s10 =	simm.s32 $0x1400;
	s12 =	simm.s32 $0x80;
	[smem:$0x7F9] =	sst s20  }
0x2d: {  	s23 =	sadd.s32 $0xF800, s8;
	s24 =	sadd.s32 $0x10000, s8;
	s25 =	sadd.s32 $0x10800, s8  }
0x2e: {  	s26 =	sadd.s32 $0x11000, s8;
	s2 =	simm.s32 $0x3;
	s9 =	simm.s32 $0x1  }
0x2f: {  	s11 =	simm.s32 $0x2;
	s13 =	simm.s32 $0x2800;
	[smem:$0x7FA] =	sst s23  }
0x30: {  	s14 =	simm.s32 $0x6800;
	s15 =	simm.s32 $0x1F000;
	[smem:$0x7FB] =	sst s24  }
0x31: {  	s16 =	simm.s32 $0x1380;
	s17 =	simm.s32 $0x2700;
	[smem:$0x7FC] =	sst s25  }
0x32: {  	v0 =	vimm.f32 $0.0e+00;
	v1 =	vimm.f32 $1.000000000e+00;
	s18 =	simm.s32 $0x2780;
	[smem:$0x7FD] =	sst s26;
	s26 =	sadd.s32 $0x11800, s8  }
.LBB2_1:
0x33: {  	[tilespmem:$0xA800] =	vst v0  }
0x34: {  	[tilespmem:$0xA810] =	vst v0  }
0x35: {  	[tilespmem:$0xA820] =	vst v0  }
0x36: {  	[tilespmem:$0xA830] =	vst v0  }
0x37: {  	[tilespmem:$0xA840] =	vst v0  }
0x38: {  	[tilespmem:$0xA850] =	vst v0  }
0x39: {  	[tilespmem:$0xA860] =	vst v0  }
0x3a: {  	[tilespmem:$0xA870] =	vst v0  }
0x3b: {  	[tilespmem:$0xA880] =	vst v0  }
0x3c: {  	[tilespmem:$0xA890] =	vst v0  }
0x3d: {  	[tilespmem:$0xA8A0] =	vst v0  }
0x3e: {  	[tilespmem:$0xA8B0] =	vst v0  }
0x3f: {  	[tilespmem:$0xA8C0] =	vst v0  }
0x40: {  	[tilespmem:$0xA8D0] =	vst v0  }
0x41: {  	[tilespmem:$0xA8E0] =	vst v0  }
0x42: {  	[tilespmem:$0xA8F0] =	vst v0  }
0x43: {  	[tilespmem:$0xA900] =	vst v0  }
0x44: {  	[tilespmem:$0xA910] =	vst v0  }
0x45: {  	[tilespmem:$0xA920] =	vst v0  }
0x46: {  	[tilespmem:$0xA930] =	vst v0  }
0x47: {  	[tilespmem:$0xA940] =	vst v0  }
0x48: {  	[tilespmem:$0xA950] =	vst v0  }
0x49: {  	[tilespmem:$0xA960] =	vst v0  }
0x4a: {  	[tilespmem:$0xA970] =	vst v0  }
0x4b: {  	[tilespmem:$0xA980] =	vst v0  }
0x4c: {  	[tilespmem:$0xA990] =	vst v0  }
0x4d: {  	[tilespmem:$0xA9A0] =	vst v0  }
0x4e: {  	[tilespmem:$0xA9B0] =	vst v0  }
0x4f: {  	[tilespmem:$0xA9C0] =	vst v0  }
0x50: {  	[tilespmem:$0xA9D0] =	vst v0  }
0x51: {  	[tilespmem:$0xA9E0] =	vst v0  }
0x52: {  	[tilespmem:$0xA9F0] =	vst v0  }
0x53: {  	[tilespmem:$0xAA00] =	vst v0  }
0x54: {  	[tilespmem:$0xAA10] =	vst v0  }
0x55: {  	[tilespmem:$0xAA20] =	vst v0  }
0x56: {  	[tilespmem:$0xAA30] =	vst v0  }
0x57: {  	[tilespmem:$0xAA40] =	vst v0  }
0x58: {  	[tilespmem:$0xAA50] =	vst v0  }
0x59: {  	[tilespmem:$0xAA60] =	vst v0  }
0x5a: {  	[tilespmem:$0xAA70] =	vst v0  }
0x5b: {  	[tilespmem:$0xAA80] =	vst v0  }
0x5c: {  	[tilespmem:$0xAA90] =	vst v0  }
0x5d: {  	[tilespmem:$0xAAA0] =	vst v0  }
0x5e: {  	[tilespmem:$0xAAB0] =	vst v0  }
0x5f: {  	[tilespmem:$0xAAC0] =	vst v0  }
0x60: {  	[tilespmem:$0xAAD0] =	vst v0  }
0x61: {  	[tilespmem:$0xAAE0] =	vst v0  }
0x62: {  	[tilespmem:$0xAAF0] =	vst v0  }
0x63: {  	[tilespmem:$0xAB00] =	vst v0  }
0x64: {  	[tilespmem:$0xAB10] =	vst v0  }
0x65: {  	[tilespmem:$0xAB20] =	vst v0  }
0x66: {  	[tilespmem:$0xAB30] =	vst v0  }
0x67: {  	[tilespmem:$0xAB40] =	vst v0  }
0x68: {  	[tilespmem:$0xAB50] =	vst v0  }
0x69: {  	[tilespmem:$0xAB60] =	vst v0  }
0x6a: {  	[tilespmem:$0xAB70] =	vst v0  }
0x6b: {  	[tilespmem:$0xAB80] =	vst v0  }
0x6c: {  	[tilespmem:$0xAB90] =	vst v0  }
0x6d: {  	[tilespmem:$0xABA0] =	vst v0  }
0x6e: {  	[tilespmem:$0xABB0] =	vst v0  }
0x6f: {  	[tilespmem:$0xABC0] =	vst v0  }
0x70: {  	[tilespmem:$0xABD0] =	vst v0  }
0x71: {  	[tilespmem:$0xABE0] =	vst v0  }
0x72: {  	[tilespmem:$0xABF0] =	vst v0  }
0x73: {  	[tilespmem:$0xAC00] =	vst v0  }
0x74: {  	[tilespmem:$0xAC10] =	vst v0  }
0x75: {  	[tilespmem:$0xAC20] =	vst v0  }
0x76: {  	[tilespmem:$0xAC30] =	vst v0  }
0x77: {  	[tilespmem:$0xAC40] =	vst v0  }
0x78: {  	[tilespmem:$0xAC50] =	vst v0  }
0x79: {  	[tilespmem:$0xAC60] =	vst v0  }
0x7a: {  	[tilespmem:$0xAC70] =	vst v0  }
0x7b: {  	[tilespmem:$0xAC80] =	vst v0  }
0x7c: {  	[tilespmem:$0xAC90] =	vst v0  }
0x7d: {  	[tilespmem:$0xACA0] =	vst v0  }
0x7e: {  	[tilespmem:$0xACB0] =	vst v0  }
0x7f: {  	[tilespmem:$0xACC0] =	vst v0  }
0x80: {  	[tilespmem:$0xACD0] =	vst v0  }
0x81: {  	[tilespmem:$0xACE0] =	vst v0  }
0x82: {  	[tilespmem:$0xACF0] =	vst v0  }
0x83: {  	[tilespmem:$0xAD00] =	vst v0  }
0x84: {  	[tilespmem:$0xAD10] =	vst v0  }
0x85: {  	[tilespmem:$0xAD20] =	vst v0  }
0x86: {  	[tilespmem:$0xAD30] =	vst v0  }
0x87: {  	[tilespmem:$0xAD40] =	vst v0  }
0x88: {  	[tilespmem:$0xAD50] =	vst v0  }
0x89: {  	[tilespmem:$0xAD60] =	vst v0  }
0x8a: {  	[tilespmem:$0xAD70] =	vst v0  }
0x8b: {  	[tilespmem:$0xAD80] =	vst v0  }
0x8c: {  	[tilespmem:$0xAD90] =	vst v0  }
0x8d: {  	[tilespmem:$0xADA0] =	vst v0  }
0x8e: {  	[tilespmem:$0xADB0] =	vst v0  }
0x8f: {  	[tilespmem:$0xADC0] =	vst v0  }
0x90: {  	[tilespmem:$0xADD0] =	vst v0  }
0x91: {  	[tilespmem:$0xADE0] =	vst v0  }
0x92: {  	[tilespmem:$0xADF0] =	vst v0  }
0x93: {  	[tilespmem:$0xAE00] =	vst v0  }
0x94: {  	[tilespmem:$0xAE10] =	vst v0  }
0x95: {  	[tilespmem:$0xAE20] =	vst v0  }
0x96: {  	[tilespmem:$0xAE30] =	vst v0  }
0x97: {  	[tilespmem:$0xAE40] =	vst v0  }
0x98: {  	[tilespmem:$0xAE50] =	vst v0  }
0x99: {  	[tilespmem:$0xAE60] =	vst v0  }
0x9a: {  	[tilespmem:$0xAE70] =	vst v0  }
0x9b: {  	[tilespmem:$0xAE80] =	vst v0  }
0x9c: {  	[tilespmem:$0xAE90] =	vst v0  }
0x9d: {  	[tilespmem:$0xAEA0] =	vst v0  }
0x9e: {  	[tilespmem:$0xAEB0] =	vst v0  }
0x9f: {  	[tilespmem:$0xAEC0] =	vst v0  }
0xa0: {  	[tilespmem:$0xAED0] =	vst v0  }
0xa1: {  	[tilespmem:$0xAEE0] =	vst v0  }
0xa2: {  	[tilespmem:$0xAEF0] =	vst v0  }
0xa3: {  	[tilespmem:$0xAF00] =	vst v0  }
0xa4: {  	[tilespmem:$0xAF10] =	vst v0  }
0xa5: {  	[tilespmem:$0xAF20] =	vst v0  }
0xa6: {  	[tilespmem:$0xAF30] =	vst v0  }
0xa7: {  	[tilespmem:$0xAF40] =	vst v0  }
0xa8: {  	[tilespmem:$0xAF50] =	vst v0  }
0xa9: {  	[tilespmem:$0xAF60] =	vst v0  }
0xaa: {  	[tilespmem:$0xAF70] =	vst v0  }
0xab: {  	[tilespmem:$0xAF80] =	vst v0  }
0xac: {  	[tilespmem:$0xAF90] =	vst v0  }
0xad: {  	[tilespmem:$0xAFA0] =	vst v0  }
0xae: {  	[tilespmem:$0xAFB0] =	vst v0  }
0xaf: {  	[tilespmem:$0xAFC0] =	vst v0  }
0xb0: {  	[tilespmem:$0xAFD0] =	vst v0  }
0xb1: {  	[tilespmem:$0xAFE0] =	vst v0  }
0xb2: {  	[tilespmem:$0xAFF0] =	vst v0  }
0xb3: {  	[tilespmem:$0x1F000] =	vst v1  }
0xb4: {  	[tilespmem:$0x1F010] =	vst v1  }
0xb5: {  	[tilespmem:$0x1F020] =	vst v1  }
0xb6: {  	[tilespmem:$0x1F030] =	vst v1  }
0xb7: {  	[tilespmem:$0x1F040] =	vst v1  }
0xb8: {  	[tilespmem:$0x1F050] =	vst v1  }
0xb9: {  	[tilespmem:$0x1F060] =	vst v1  }
0xba: {  	[tilespmem:$0x1F070] =	vst v1  }
0xbb: {  	[tilespmem:$0x1F080] =	vst v0  }
0xbc: {  	[tilespmem:$0x1F090] =	vst v0  }
0xbd: {  	[tilespmem:$0x1F0A0] =	vst v0  }
0xbe: {  	[tilespmem:$0x1F0B0] =	vst v0  }
0xbf: {  	[tilespmem:$0x1F0C0] =	vst v0  }
0xc0: {  	[tilespmem:$0x1F0D0] =	vst v0  }
0xc1: {  	[tilespmem:$0x1F0E0] =	vst v0  }
0xc2: {  	[tilespmem:$0x1F0F0] =	vst v0  }
0xc3: {  	[tilespmem:$0x1F100] =	vst v0  }
0xc4: {  	[tilespmem:$0x1F110] =	vst v0  }
0xc5: {  	[tilespmem:$0x1F120] =	vst v0  }
0xc6: {  	[tilespmem:$0x1F130] =	vst v0  }
0xc7: {  	[tilespmem:$0x1F140] =	vst v0  }
0xc8: {  	[tilespmem:$0x1F150] =	vst v0  }
0xc9: {  	[tilespmem:$0x1F160] =	vst v0  }
0xca: {  	[tilespmem:$0x1F170] =	vst v0  }
0xcb: {  	[tilespmem:$0x1F180] =	vst v0  }
0xcc: {  	[tilespmem:$0x1F190] =	vst v0  }
0xcd: {  	[tilespmem:$0x1F1A0] =	vst v0  }
0xce: {  	[tilespmem:$0x1F1B0] =	vst v0  }
0xcf: {  	[tilespmem:$0x1F1C0] =	vst v0  }
0xd0: {  	[tilespmem:$0x1F1D0] =	vst v0  }
0xd1: {  	[tilespmem:$0x1F1E0] =	vst v0  }
0xd2: {  	[tilespmem:$0x1F1F0] =	vst v0  }
0xd3: {  	[tilespmem:$0x1F200] =	vst v0  }
0xd4: {  	[tilespmem:$0x1F210] =	vst v0  }
0xd5: {  	[tilespmem:$0x1F220] =	vst v0  }
0xd6: {  	[tilespmem:$0x1F230] =	vst v0  }
0xd7: {  	[tilespmem:$0x1F240] =	vst v0  }
0xd8: {  	[tilespmem:$0x1F250] =	vst v0  }
0xd9: {  	[tilespmem:$0x1F260] =	vst v0  }
0xda: {  	[tilespmem:$0x1F270] =	vst v0  }
0xdb: {  	[tilespmem:$0x1F280] =	vst v0  }
0xdc: {  	[tilespmem:$0x1F290] =	vst v0  }
0xdd: {  	[tilespmem:$0x1F2A0] =	vst v0  }
0xde: {  	[tilespmem:$0x1F2B0] =	vst v0  }
0xdf: {  	[tilespmem:$0x1F2C0] =	vst v0  }
0xe0: {  	[tilespmem:$0x1F2D0] =	vst v0  }
0xe1: {  	[tilespmem:$0x1F2E0] =	vst v0  }
0xe2: {  	[tilespmem:$0x1F2F0] =	vst v0  }
0xe3: {  	[spmem:s8] =	stream.linear.scatter [tilespmem:s0], [sflag:$0x3], $0x800, $0x38;
	[tilespmem:$0x1F580] =	vst v63  }
0xe4: {  	_ =	swait.ge [sflag:s2], $0x800  }
0xe5: {  	[sflag:s2] =	ssyncset.done $0x0  }
0xe6: {  	s19 =	rddreg [dreg:$0x5];
	[sflag:s2] =	ssyncadd.s32 $0xFFFFF800  }
0xe7: {  	[spmem:s19] =	stream.linear.scatter [tilespmem:s0], [sflag:$0x3], $0x800, $0x38;
	[tilespmem:$0x1F580] =	vst v63  }
0xe8: {  	_ =	swait.ge [sflag:s2], $0x800  }
0xe9: {  	[sflag:s2] =	ssyncset.done $0x0  }
0xea: {  	s24 =	rddreg [dreg:$0x6];
	[sflag:s2] =	ssyncadd.s32 $0xFFFFF800  }
0xeb: {  	[spmem:s24] =	stream.linear.scatter [tilespmem:s0], [sflag:$0x3], $0x800, $0x38;
	[tilespmem:$0x1F580] =	vst v63  }
0xec: {  	_ =	swait.ge [sflag:s2], $0x800  }
0xed: {  	[sflag:s2] =	ssyncset.done $0x0  }
0xee: {  	s25 =	rddreg [dreg:$0x7];
	[sflag:s2] =	ssyncadd.s32 $0xFFFFF800  }
0xef: {  	[spmem:s25] =	stream.linear.scatter [tilespmem:s0], [sflag:$0x3], $0x800, $0x38;
	[tilespmem:$0x1F580] =	vst v63  }
0xf0: {  	_ =	swait.ge [sflag:s2], $0x800  }
0xf1: {  	[sflag:s2] =	ssyncset.done $0x0  }
0xf2: {  	s20 =	rddreg [dreg:$0x8];
	[sflag:s2] =	ssyncadd.s32 $0xFFFFF800  }
0xf3: {  	[spmem:s20] =	stream.linear.scatter [tilespmem:s0], [sflag:$0x3], $0x800, $0x38;
	[tilespmem:$0x1F580] =	vst v63  }
0xf4: {  	_ =	swait.ge [sflag:s2], $0x800  }
0xf5: {  	[sflag:s2] =	ssyncset.done $0x0  }
0xf6: {  	s23 =	rddreg [dreg:$0x9];
	[sflag:s2] =	ssyncadd.s32 $0xFFFFF800  }
0xf7: {  	[spmem:s23] =	stream.linear.scatter [tilespmem:s0], [sflag:$0x3], $0x800, $0x38;
	[tilespmem:$0x1F580] =	vst v63  }
0xf8: {  	_ =	swait.ge [sflag:s2], $0x800  }
0xf9: {  	[sflag:s2] =	ssyncset.done $0x0  }
0xfa: {  	s24 =	rddreg [dreg:$0xa];
	[sflag:s2] =	ssyncadd.s32 $0xFFFFF800  }
0xfb: {  	[spmem:s24] =	stream.linear.scatter [tilespmem:s0], [sflag:$0x3], $0x800, $0x38;
	[tilespmem:$0x1F580] =	vst v63  }
0xfc: {  	_ =	swait.ge [sflag:s2], $0x800  }
0xfd: {  	[sflag:s2] =	ssyncset.done $0x0  }
0xfe: {  	s25 =	rddreg [dreg:$0xb];
	[sflag:s2] =	ssyncadd.s32 $0xFFFFF800  }
0xff: {  	[spmem:s25] =	stream.linear.scatter [tilespmem:s0], [sflag:$0x3], $0x800, $0x38;
	[tilespmem:$0x1F580] =	vst v63  }
0x100: {  	_ =	swait.ge [sflag:s2], $0x800  }
0x101: {  	[sflag:s2] =	ssyncset.done $0x0  }
0x102: {  	s20 =	rddreg [dreg:$0xc];
	[sflag:s2] =	ssyncadd.s32 $0xFFFFF800  }
0x103: {  	[spmem:s20] =	stream.linear.scatter [tilespmem:s0], [sflag:$0x3], $0x800, $0x38;
	[tilespmem:$0x1F580] =	vst v63  }
0x104: {  	_ =	swait.ge [sflag:s2], $0x800  }
0x105: {  	[sflag:s2] =	ssyncset.done $0x0  }
0x106: {  	s23 =	rddreg [dreg:$0xd];
	[sflag:s2] =	ssyncadd.s32 $0xFFFFF800  }
0x107: {  	[spmem:s23] =	stream.linear.scatter [tilespmem:s0], [sflag:$0x3], $0x800, $0x38;
	[tilespmem:$0x1F580] =	vst v63  }
0x108: {  	_ =	swait.ge [sflag:s2], $0x800  }
0x109: {  	[sflag:s2] =	ssyncset.done $0x0  }
0x10a: {  	s24 =	rddreg [dreg:$0xe];
	[sflag:s2] =	ssyncadd.s32 $0xFFFFF800  }
0x10b: {  	[spmem:s24] =	stream.linear.scatter [tilespmem:s0], [sflag:$0x3], $0x800, $0x38;
	[tilespmem:$0x1F580] =	vst v63  }
0x10c: {  	_ =	swait.ge [sflag:s2], $0x800  }
0x10d: {  	[sflag:s2] =	ssyncset.done $0x0  }
0x10e: {  	s25 =	rddreg [dreg:$0xf];
	[sflag:s2] =	ssyncadd.s32 $0xFFFFF800  }
0x10f: {  	[spmem:s25] =	stream.linear.scatter [tilespmem:s0], [sflag:$0x3], $0x800, $0x38;
	[tilespmem:$0x1F580] =	vst v63  }
0x110: {  	_ =	swait.ge [sflag:s2], $0x800  }
0x111: {  	[sflag:s2] =	ssyncset.done $0x0  }
0x112: {  	s20 =	rddreg [dreg:$0x10];
	[sflag:s2] =	ssyncadd.s32 $0xFFFFF800  }
0x113: {  	[spmem:s20] =	stream.linear.scatter [tilespmem:s0], [sflag:$0x3], $0x800, $0x38;
	[tilespmem:$0x1F580] =	vst v63  }
0x114: {  	_ =	swait.ge [sflag:s2], $0x800  }
0x115: {  	[sflag:s2] =	ssyncset.done $0x0  }
0x116: {  	s23 =	rddreg [dreg:$0x14];
	[sflag:s2] =	ssyncadd.s32 $0xFFFFF800  }
0x117: {  	[spmem:s23] =	stream.linear.scatter [tilespmem:s0], [sflag:$0x3], $0x800, $0x38;
	[tilespmem:$0x1F580] =	vst v63  }
0x118: {  	_ =	swait.ge [sflag:s2], $0x800  }
0x119: {  	[sflag:s2] =	ssyncset.done $0x0  }
0x11a: {  	s24 =	rddreg [dreg:$0x15];
	[sflag:s2] =	ssyncadd.s32 $0xFFFFF800  }
0x11b: {  	[spmem:s24] =	stream.linear.scatter [tilespmem:s0], [sflag:$0x3], $0x800, $0x38;
	[tilespmem:$0x1F580] =	vst v63  }
0x11c: {  	_ =	swait.ge [sflag:s2], $0x800  }
0x11d: {  	[sflag:s2] =	ssyncset.done $0x0  }
0x11e: {  	s25 =	rddreg [dreg:$0x16];
	[sflag:s2] =	ssyncadd.s32 $0xFFFFF800  }
0x11f: {  	[spmem:s25] =	stream.linear.scatter [tilespmem:s0], [sflag:$0x3], $0x800, $0x38;
	[tilespmem:$0x1F580] =	vst v63  }
0x120: {  	_ =	swait.ge [sflag:s2], $0x800  }
0x121: {  	[sflag:s2] =	ssyncset.done $0x0  }
0x122: {  	s20 =	rddreg [dreg:$0x17];
	[sflag:s2] =	ssyncadd.s32 $0xFFFFF800  }
0x123: {  	[spmem:s20] =	stream.linear.scatter [tilespmem:s0], [sflag:$0x3], $0x800, $0x38;
	[tilespmem:$0x1F580] =	vst v63  }
0x124: {  	_ =	swait.ge [sflag:s2], $0x800  }
0x125: {  	[sflag:s2] =	ssyncset.done $0x0  }
0x126: {  	s23 =	rddreg [dreg:$0x18];
	[sflag:s2] =	ssyncadd.s32 $0xFFFFF800  }
0x127: {  	[spmem:s23] =	stream.linear.scatter [tilespmem:s0], [sflag:$0x3], $0x800, $0x38;
	[tilespmem:$0x1F580] =	vst v63  }
0x128: {  	_ =	swait.ge [sflag:s2], $0x800  }
0x129: {  	[sflag:s2] =	ssyncset.done $0x0  }
0x12a: {  	s24 =	rddreg [dreg:$0x19];
	[sflag:s2] =	ssyncadd.s32 $0xFFFFF800  }
0x12b: {  	[spmem:s24] =	stream.linear.scatter [tilespmem:s0], [sflag:$0x3], $0x800, $0x38;
	[tilespmem:$0x1F580] =	vst v63  }
0x12c: {  	_ =	swait.ge [sflag:s2], $0x800  }
0x12d: {  	[sflag:s2] =	ssyncset.done $0x0  }
0x12e: {  	s25 =	rddreg [dreg:$0x1a];
	[sflag:s2] =	ssyncadd.s32 $0xFFFFF800  }
0x12f: {  	[spmem:s25] =	stream.linear.scatter [tilespmem:s0], [sflag:$0x3], $0x800, $0x38;
	[tilespmem:$0x1F580] =	vst v63  }
0x130: {  	_ =	swait.ge [sflag:s2], $0x800  }
0x131: {  	[sflag:s2] =	ssyncset.done $0x0  }
0x132: {  	s20 =	rddreg [dreg:$0x1b];
	[sflag:s2] =	ssyncadd.s32 $0xFFFFF800  }
0x133: {  	[spmem:s20] =	stream.linear.scatter [tilespmem:s0], [sflag:$0x3], $0x800, $0x38;
	[tilespmem:$0x1F580] =	vst v63  }
0x134: {  	_ =	swait.ge [sflag:s2], $0x800  }
0x135: {  	[sflag:s2] =	ssyncset.done $0x0  }
0x136: {  	s23 =	rddreg [dreg:$0x1c];
	[sflag:s2] =	ssyncadd.s32 $0xFFFFF800  }
0x137: {  	[spmem:s23] =	stream.linear.scatter [tilespmem:s0], [sflag:$0x3], $0x800, $0x38;
	[tilespmem:$0x1F580] =	vst v63  }
0x138: {  	_ =	swait.ge [sflag:s2], $0x800  }
0x139: {  	[sflag:s2] =	ssyncset.done $0x0  }
0x13a: {  	s24 =	rddreg [dreg:$0x1d];
	[sflag:s2] =	ssyncadd.s32 $0xFFFFF800  }
0x13b: {  	[spmem:s24] =	stream.linear.scatter [tilespmem:s0], [sflag:$0x3], $0x800, $0x38;
	[tilespmem:$0x1F580] =	vst v63  }
0x13c: {  	_ =	swait.ge [sflag:s2], $0x800  }
0x13d: {  	[sflag:s2] =	ssyncset.done $0x0  }
0x13e: {  	s25 =	rddreg [dreg:$0x1e];
	[sflag:s2] =	ssyncadd.s32 $0xFFFFF800  }
0x13f: {  	[spmem:s25] =	stream.linear.scatter [tilespmem:s0], [sflag:$0x3], $0x800, $0x38;
	[tilespmem:$0x1F580] =	vst v63  }
0x140: {  	_ =	swait.ge [sflag:s2], $0x800  }
0x141: {  	[sflag:s2] =	ssyncset.done $0x0  }
0x142: {  	s20 =	rddreg [dreg:$0x1f];
	[sflag:s2] =	ssyncadd.s32 $0xFFFFF800  }
0x143: {  	[spmem:s20] =	stream.linear.scatter [tilespmem:s0], [sflag:$0x3], $0x800, $0x38;
	[tilespmem:$0x1F580] =	vst v63  }
0x144: {  	_ =	swait.ge [sflag:s2], $0x800  }
0x145: {  	s23 =	sld [smem:$0x7F4]  }
0x146: {  	[sflag:s2] =	ssyncset.done $0x0  }
0x147: {  	[sflag:s2] =	ssyncadd.s32 $0xFFFFF800  }
0x148: {  	[spmem:s23] =	stream.linear.scatter [tilespmem:s0], [sflag:$0x3], $0x800, $0x38;
	[tilespmem:$0x1F580] =	vst v63  }
0x149: {  	_ =	swait.ge [sflag:s2], $0x800  }
0x14a: {  	s24 =	sld [smem:$0x7F5]  }
0x14b: {  	[sflag:s2] =	ssyncset.done $0x0  }
0x14c: {  	[sflag:s2] =	ssyncadd.s32 $0xFFFFF800  }
0x14d: {  	[spmem:s24] =	stream.linear.scatter [tilespmem:s0], [sflag:$0x3], $0x800, $0x38;
	[tilespmem:$0x1F580] =	vst v63  }
0x14e: {  	_ =	swait.ge [sflag:s2], $0x800  }
0x14f: {  	s25 =	sld [smem:$0x7F6]  }
0x150: {  	[sflag:s2] =	ssyncset.done $0x0  }
0x151: {  	[sflag:s2] =	ssyncadd.s32 $0xFFFFF800  }
0x152: {  	[spmem:s25] =	stream.linear.scatter [tilespmem:s0], [sflag:$0x3], $0x800, $0x38;
	[tilespmem:$0x1F580] =	vst v63  }
0x153: {  	_ =	swait.ge [sflag:s2], $0x800  }
0x154: {  	s20 =	sld [smem:$0x7F7]  }
0x155: {  	[sflag:s2] =	ssyncset.done $0x0  }
0x156: {  	[sflag:s2] =	ssyncadd.s32 $0xFFFFF800  }
0x157: {  	[spmem:s20] =	stream.linear.scatter [tilespmem:s0], [sflag:$0x3], $0x800, $0x38;
	[tilespmem:$0x1F580] =	vst v63  }
0x158: {  	_ =	swait.ge [sflag:s2], $0x800  }
0x159: {  	s23 =	sld [smem:$0x7F8]  }
0x15a: {  	[sflag:s2] =	ssyncset.done $0x0  }
0x15b: {  	[sflag:s2] =	ssyncadd.s32 $0xFFFFF800  }
0x15c: {  	[spmem:s23] =	stream.linear.scatter [tilespmem:s0], [sflag:$0x3], $0x800, $0x38;
	[tilespmem:$0x1F580] =	vst v63  }
0x15d: {  	_ =	swait.ge [sflag:s2], $0x800  }
0x15e: {  	s24 =	sld [smem:$0x7F9]  }
0x15f: {  	[sflag:s2] =	ssyncset.done $0x0  }
0x160: {  	[sflag:s2] =	ssyncadd.s32 $0xFFFFF800  }
0x161: {  	[spmem:s24] =	stream.linear.scatter [tilespmem:s0], [sflag:$0x3], $0x800, $0x38;
	[tilespmem:$0x1F580] =	vst v63  }
0x162: {  	_ =	swait.ge [sflag:s2], $0x800  }
0x163: {  	s25 =	sld [smem:$0x7FA]  }
0x164: {  	[sflag:s2] =	ssyncset.done $0x0  }
0x165: {  	[sflag:s2] =	ssyncadd.s32 $0xFFFFF800  }
0x166: {  	[spmem:s25] =	stream.linear.scatter [tilespmem:s0], [sflag:$0x3], $0x800, $0x38;
	[tilespmem:$0x1F580] =	vst v63  }
0x167: {  	_ =	swait.ge [sflag:s2], $0x800  }
0x168: {  	s20 =	sld [smem:$0x7FB]  }
0x169: {  	[sflag:s2] =	ssyncset.done $0x0  }
0x16a: {  	[sflag:s2] =	ssyncadd.s32 $0xFFFFF800  }
0x16b: {  	[spmem:s20] =	stream.linear.scatter [tilespmem:s0], [sflag:$0x3], $0x800, $0x38;
	[tilespmem:$0x1F580] =	vst v63  }
0x16c: {  	_ =	swait.ge [sflag:s2], $0x800  }
0x16d: {  	s23 =	sld [smem:$0x7FC]  }
0x16e: {  	[sflag:s2] =	ssyncset.done $0x0  }
0x16f: {  	[sflag:s2] =	ssyncadd.s32 $0xFFFFF800  }
0x170: {  	[spmem:s23] =	stream.linear.scatter [tilespmem:s0], [sflag:$0x3], $0x800, $0x38;
	[tilespmem:$0x1F580] =	vst v63  }
0x171: {  	_ =	swait.ge [sflag:s2], $0x800  }
0x172: {  	s24 =	sld [smem:$0x7FD]  }
0x173: {  	[sflag:s2] =	ssyncset.done $0x0  }
0x174: {  	[sflag:s2] =	ssyncadd.s32 $0xFFFFF800  }
0x175: {  	[spmem:s24] =	stream.linear.scatter [tilespmem:s0], [sflag:$0x3], $0x800, $0x38;
	[tilespmem:$0x1F580] =	vst v63  }
0x176: {  	_ =	swait.ge [sflag:s2], $0x800  }
0x177: {  	[sflag:s2] =	ssyncset.done $0x0  }
0x178: {  	[sflag:s2] =	ssyncadd.s32 $0xFFFFF800  }
0x179: {  	[spmem:s26] =	stream.linear.scatter [tilespmem:s0], [sflag:$0x3], $0x800, $0x38;
	[tilespmem:$0x1F580] =	vst v63  }
0x17a: {  	_ =	swait.ge [sflag:s2], $0x800  }
0x17b: {  	[sflag:s2] =	ssyncset.done $0x0  }
0x17c: {  	[sflag:s2] =	ssyncadd.s32 $0xFFFFF800  }
0x17d: {  	[spmem:s28] =	stream.linear.scatter [tilespmem:s0], [sflag:$0x3], $0x800, $0x38;
	[tilespmem:$0x1F580] =	vst v63  }
0x17e: {  	_ =	swait.ge [sflag:s2], $0x800  }
0x17f: {  	[sflag:s2] =	ssyncset.done $0x0  }
0x180: {  	[sflag:s2] =	ssyncadd.s32 $0xFFFFF800  }
0x181: {  	[spmem:s29] =	stream.linear.scatter [tilespmem:s0], [sflag:$0x3], $0x800, $0x38;
	[tilespmem:$0x1F580] =	vst v63  }
0x182: {  	_ =	swait.ge [sflag:s2], $0x800  }
0x183: {  	[sflag:s2] =	ssyncset.done $0x0  }
0x184: {  	[sflag:s2] =	ssyncadd.s32 $0xFFFFF800  }
0x185: {  	[spmem:s30] =	stream.linear.scatter [tilespmem:s0], [sflag:$0x3], $0x800, $0x38;
	[tilespmem:$0x1F580] =	vst v63  }
0x186: {  	_ =	swait.ge [sflag:s2], $0x800  }
0x187: {  	[sflag:s2] =	ssyncset.done $0x0  }
0x188: {  	[sflag:s2] =	ssyncadd.s32 $0xFFFFF800  }
0x189: {  	[spmem:s31] =	stream.linear.scatter [tilespmem:s0], [sflag:$0x3], $0x800, $0x38;
	[tilespmem:$0x1F580] =	vst v63  }
0x18a: {  	_ =	swait.ge [sflag:s2], $0x800  }
0x18b: {  	[sflag:s2] =	ssyncset.done $0x0  }
0x18c: {  	s25 =	simm.s32 $0x1F080;
	[sflag:s2] =	ssyncadd.s32 $0xFFFFF800  }
0x18d: {  	[spmem:s21] =	stream.linear.scatter [tilespmem:s25], [sflag:$0x3], $0x280, $0x38;
	[tilespmem:$0x1F580] =	vst v63  }
0x18e: {  	_ =	swait.ge [sflag:s2], $0x280  }
0x18f: {  	[sflag:s2] =	ssyncset.done $0x0  }
0x190: {  	[sflag:s2] =	ssyncadd.s32 $0xFFFFFD80  }
0x191: {  	p1 =	por $0x1, $0x1;
	s19 =	simm.s32 $0x0;
	[bflag:$0x0] =	sbarrier.arrive $0xFFFF  }
.LBB2_2:
0x192: {  	s19 =	sadd.s32 s22, s19  }
0x193: {  	s19 =	sshll.u32 s19, $0x4  }
0x194: {  	s23 =	simm.s32 $0x0;
	s20 =	sadd.s32 s7, s19  }
0x195: {  	[tilespmem:s23], [sflag:$0x1] =	stream.linear.gather [hbm4b:s20+s23], $0x1400, $0x38;
	[tilespmem:$0x1F580] =	vst v63  }
0x196: {  	_ =	swait.ge [sflag:s9], $0x1400  }
0x197: {  	[sflag:s9] =	ssyncset.done $0x0  }
0x198: {  	s19 =	sadd.s32 s1, s19;
	[sflag:s9] =	ssyncadd.s32 $0xFFFFEC00  }
0x199: {  	[tilespmem:s10], [sflag:$0x2] =	stream.linear.gather [hbm4b:s19+s23], $0x1400, $0x38;
	[tilespmem:$0x1F580] =	vst v63  }
0x19a: {  	_ =	swait.ge [sflag:s11], $0x1400  }
0x19b: {  	[sflag:s11] =	ssyncset.done $0x0  }
0x19c: {  	[sflag:s11] =	ssyncadd.s32 $0xFFFFEC00  }
0x19d: {  	[tilespmem:s13], [sflag:$0x1] =	stream.indirect.gather [hbm4b:s6+s12], $0x80, s23, s12, $0xb8;
	[tilespmem:$0x1F580] =	vst v63  }
0x19e: {  	s20 =	simm.s32 $0x80  }
0x19f: {  	[tilespmem:s14], [sflag:$0x2] =	stream.indirect.gather [hbm4b:s6+s12], $0x80, s20, s12, $0xb8;
	[tilespmem:$0x1F580] =	vst v63  }
0x1a0: {  	_ =	swait.ge [sflag:s9], $0x4000  }
0x1a1: {  	[sflag:s9] =	ssyncset.done $0x0  }
0x1a2: {  	s23 =	simm.s32 $0x1400;
	[sflag:s9] =	ssyncadd.s32 $0xFFFFC000  }
0x1a3: {  	[spmem:s3] =	stream.indirect.scatter.add.f32 [tilespmem:s13], [sflag:$0x3], $0x80, s23, s12, $0xb8;
	[tilespmem:$0x1F580] =	vst v63  }
0x1a4: {  	_ =	swait.ge [sflag:s2], $0x4000  }
0x1a5: {  	[sflag:s2] =	ssyncset.done $0x0  }
0x1a6: {  	[sflag:s2] =	ssyncadd.s32 $0xFFFFC000  }
0x1a7: {  	[spmem:s4] =	stream.indirect.scatter.add.f32 [tilespmem:s15], [sflag:$0x3], $0x1, s23, s12, $0xb8;
	[tilespmem:$0x1F580] =	vst v63  }
0x1a8: {  	_ =	swait.ge [sflag:s2], $0x80  }
0x1a9: {  	[sflag:s2] =	ssyncset.done $0x0  }
0x1aa: {  	s24 =	simm.s32 $0x100;
	[sflag:s2] =	ssyncadd.s32 $0xFFFFFF80  }
0x1ab: {  	[tilespmem:s13], [sflag:$0x1] =	stream.indirect.gather [hbm4b:s6+s12], $0x80, s24, s12, $0xb8;
	[tilespmem:$0x1F580] =	vst v63  }
0x1ac: {  	_ =	swait.ge [sflag:s11], $0x4000  }
0x1ad: {  	[sflag:s11] =	ssyncset.done $0x0  }
0x1ae: {  	s25 =	simm.s32 $0x1480;
	[sflag:s11] =	ssyncadd.s32 $0xFFFFC000  }
0x1af: {  	[spmem:s3] =	stream.indirect.scatter.add.f32 [tilespmem:s14], [sflag:$0x3], $0x80, s25, s12, $0xb8;
	[tilespmem:$0x1F580] =	vst v63  }
0x1b0: {  	_ =	swait.ge [sflag:s2], $0x4000  }
0x1b1: {  	[sflag:s2] =	ssyncset.done $0x0  }
0x1b2: {  	[sflag:s2] =	ssyncadd.s32 $0xFFFFC000  }
0x1b3: {  	[spmem:s4] =	stream.indirect.scatter.add.f32 [tilespmem:s15], [sflag:$0x3], $0x1, s25, s12, $0xb8;
	[tilespmem:$0x1F580] =	vst v63  }
0x1b4: {  	p0 =	por p1, p1;
	_ =	swait.ge [sflag:s2], $0x80  }
0x1b5: {  	s19 =	simm.s32 $0x100;
	s20 =	simm.s32 $0x800;
	[sflag:s2] =	ssyncset.done $0x0  }
.LBB2_3:
0x1b6: {  	s23 =	sadd.s32 $0x80, s19  }
0x1b7: {  	[sflag:s2] =	ssyncadd.s32 $0xFFFFFF80;
	s24 =	smov.u32 s20;
	s25 =	sadd.s32 $0x400, s20  }
0x1b8: {  	[tilespmem:s14], [sflag:$0x2] =	stream.indirect.gather [hbm4b:s6+s12], $0x80, s23, s12, $0xb8;
	[tilespmem:$0x1F580] =	vst v63  }
0x1b9: {  	p1 =	sne.s32 s20, $0x4800;
	_ =	swait.ge [sflag:s9], $0x4000  }
0x1ba: {  	[sflag:s9] =	ssyncset.done $0x0  }
0x1bb: {  	s20 =	sadd.s32 $0x1400, s19;
	[sflag:s9] =	ssyncadd.s32 $0xFFFFC000  }
0x1bc: {  	[spmem:s3] =	stream.indirect.scatter.add.f32 [tilespmem:s13], [sflag:$0x3], $0x80, s20, s12, $0xb8;
	[tilespmem:$0x1F580] =	vst v63  }
0x1bd: {  	_ =	swait.ge [sflag:s2], $0x4000  }
0x1be: {  	[sflag:s2] =	ssyncset.done $0x0  }
0x1bf: {  	[sflag:s2] =	ssyncadd.s32 $0xFFFFC000  }
0x1c0: {  	[spmem:s4] =	stream.indirect.scatter.add.f32 [tilespmem:s15], [sflag:$0x3], $0x1, s20, s12, $0xb8;
	[tilespmem:$0x1F580] =	vst v63  }
0x1c1: {  	_ =	swait.ge [sflag:s2], $0x80  }
0x1c2: {  	[sflag:s2] =	ssyncset.done $0x0  }
0x1c3: {  	s20 =	sadd.s32 $0x100, s19;
	[sflag:s2] =	ssyncadd.s32 $0xFFFFFF80  }
0x1c4: {  	[tilespmem:s13], [sflag:$0x1] =	stream.indirect.gather [hbm4b:s6+s12], $0x80, s20, s12, $0xb8;
	[tilespmem:$0x1F580] =	vst v63  }
0x1c5: {  	_ =	swait.ge [sflag:s11], $0x4000  }
0x1c6: {  	[sflag:s11] =	ssyncset.done $0x0  }
0x1c7: {  	s19 =	sadd.s32 $0x1480, s19;
	[sflag:s11] =	ssyncadd.s32 $0xFFFFC000  }
0x1c8: {  	[spmem:s3] =	stream.indirect.scatter.add.f32 [tilespmem:s14], [sflag:$0x3], $0x80, s19, s12, $0xb8;
	[tilespmem:$0x1F580] =	vst v63  }
0x1c9: {  	_ =	swait.ge [sflag:s2], $0x4000  }
.Ltmp0:
0x1ca: {  	[sflag:s2] =	ssyncset.done $0x0;
	(pc) =	sbr.rel @p1 .LBB2_3-.Ltmp0, $4  }
0x1cb: {  	[sflag:s2] =	ssyncadd.s32 $0xFFFFC000  }
0x1cc: {  	[spmem:s4] =	stream.indirect.scatter.add.f32 [tilespmem:s15], [sflag:$0x3], $0x1, s19, s12, $0xb8;
	[tilespmem:$0x1F580] =	vst v63  }
0x1cd: {  	_ =	swait.ge [sflag:s2], $0x80  }
0x1ce: {  	s20 =	smov.u32 s25;
	s19 =	sshra.s32 s24, $0x2;
	[sflag:s2] =	ssyncset.done $0x0  }
0x1cf: {  	s20 =	sadd.s32 $0x80, s19;
	[sflag:s2] =	ssyncadd.s32 $0xFFFFFF80  }
0x1d0: {  	[tilespmem:s14], [sflag:$0x2] =	stream.indirect.gather [hbm4b:s6+s12], $0x80, s20, s12, $0xb8;
	[tilespmem:$0x1F580] =	vst v63  }
0x1d1: {  	_ =	swait.ge [sflag:s9], $0x4000  }
0x1d2: {  	[sflag:s9] =	ssyncset.done $0x0  }
0x1d3: {  	s23 =	sadd.s32 $0x1400, s19;
	[sflag:s9] =	ssyncadd.s32 $0xFFFFC000  }
0x1d4: {  	[spmem:s3] =	stream.indirect.scatter.add.f32 [tilespmem:s13], [sflag:$0x3], $0x80, s23, s12, $0xb8;
	[tilespmem:$0x1F580] =	vst v63  }
0x1d5: {  	_ =	swait.ge [sflag:s2], $0x4000  }
0x1d6: {  	[sflag:s2] =	ssyncset.done $0x0  }
0x1d7: {  	[sflag:s2] =	ssyncadd.s32 $0xFFFFC000  }
0x1d8: {  	[spmem:s4] =	stream.indirect.scatter.add.f32 [tilespmem:s15], [sflag:$0x3], $0x1, s23, s12, $0xb8;
	[tilespmem:$0x1F580] =	vst v63  }
0x1d9: {  	_ =	swait.ge [sflag:s2], $0x80  }
0x1da: {  	[sflag:s2] =	ssyncset.done $0x0  }
0x1db: {  	s24 =	sadd.s32 $0x100, s19;
	[sflag:s2] =	ssyncadd.s32 $0xFFFFFF80  }
0x1dc: {  	[tilespmem:s13], [sflag:$0x1] =	stream.indirect.gather [hbm4b:s6+s12], $0x80, s24, s12, $0xb8;
	[tilespmem:$0x1F580] =	vst v63  }
0x1dd: {  	_ =	swait.ge [sflag:s11], $0x4000  }
0x1de: {  	[sflag:s11] =	ssyncset.done $0x0  }
0x1df: {  	s25 =	sadd.s32 $0x1480, s19;
	[sflag:s11] =	ssyncadd.s32 $0xFFFFC000  }
0x1e0: {  	[spmem:s3] =	stream.indirect.scatter.add.f32 [tilespmem:s14], [sflag:$0x3], $0x80, s25, s12, $0xb8;
	[tilespmem:$0x1F580] =	vst v63  }
0x1e1: {  	_ =	swait.ge [sflag:s2], $0x4000  }
0x1e2: {  	[sflag:s2] =	ssyncset.done $0x0  }
0x1e3: {  	[sflag:s2] =	ssyncadd.s32 $0xFFFFC000  }
0x1e4: {  	[spmem:s4] =	stream.indirect.scatter.add.f32 [tilespmem:s15], [sflag:$0x3], $0x1, s25, s12, $0xb8;
	[tilespmem:$0x1F580] =	vst v63  }
0x1e5: {  	_ =	swait.ge [sflag:s2], $0x80  }
0x1e6: {  	[sflag:s2] =	ssyncset.done $0x0  }
0x1e7: {  	[sflag:s2] =	ssyncadd.s32 $0xFFFFFF80  }
0x1e8: {  	[tilespmem:s14], [sflag:$0x2] =	stream.indirect.gather [hbm4b:s6+s12], $0x80, s16, s12, $0xb8;
	[tilespmem:$0x1F580] =	vst v63  }
0x1e9: {  	_ =	swait.ge [sflag:s9], $0x4000  }
0x1ea: {  	[sflag:s9] =	ssyncset.done $0x0  }
0x1eb: {  	[sflag:s9] =	ssyncadd.s32 $0xFFFFC000  }
0x1ec: {  	[spmem:s3] =	stream.indirect.scatter.add.f32 [tilespmem:s13], [sflag:$0x3], $0x80, s17, s12, $0xb8;
	[tilespmem:$0x1F580] =	vst v63  }
0x1ed: {  	_ =	swait.ge [sflag:s2], $0x4000  }
0x1ee: {  	[sflag:s2] =	ssyncset.done $0x0  }
0x1ef: {  	[sflag:s2] =	ssyncadd.s32 $0xFFFFC000  }
0x1f0: {  	[spmem:s4] =	stream.indirect.scatter.add.f32 [tilespmem:s15], [sflag:$0x3], $0x1, s17, s12, $0xb8;
	[tilespmem:$0x1F580] =	vst v63  }
0x1f1: {  	_ =	swait.ge [sflag:s2], $0x80  }
0x1f2: {  	[sflag:s2] =	ssyncset.done $0x0  }
0x1f3: {  	[sflag:s2] =	ssyncadd.s32 $0xFFFFFF80  }
0x1f4: {  	[tilespmem:s13], [sflag:$0x1] =	stream.indirect.gather [hbm4b:s6+s12], $0x80, s16, s12, $0xb8;
	[tilespmem:$0x1F580] =	vst v63  }
0x1f5: {  	_ =	swait.ge [sflag:s11], $0x4000  }
0x1f6: {  	[sflag:s11] =	ssyncset.done $0x0  }
0x1f7: {  	[sflag:s11] =	ssyncadd.s32 $0xFFFFC000  }
0x1f8: {  	[spmem:s3] =	stream.indirect.scatter.add.f32 [tilespmem:s14], [sflag:$0x3], $0x80, s18, s12, $0xb8;
	[tilespmem:$0x1F580] =	vst v63  }
0x1f9: {  	_ =	swait.ge [sflag:s2], $0x4000  }
0x1fa: {  	[sflag:s2] =	ssyncset.done $0x0  }
0x1fb: {  	[sflag:s2] =	ssyncadd.s32 $0xFFFFC000  }
0x1fc: {  	[spmem:s4] =	stream.indirect.scatter.add.f32 [tilespmem:s15], [sflag:$0x3], $0x1, s18, s12, $0xb8;
	[tilespmem:$0x1F580] =	vst v63  }
0x1fd: {  	_ =	swait.ge [sflag:s2], $0x80  }
.Ltmp1:
0x1fe: {  	[sflag:s2] =	ssyncset.done $0x0;
	(pc) =	sbr.rel @p0 .LBB2_2-.Ltmp1, $4  }
0x1ff: {  	[sflag:s2] =	ssyncadd.s32 $0xFFFFFF80  }
0x200: {  	_ =	swait.ge [sflag:s9], $0x4000  }
0x201: {  	[sflag:s9] =	ssyncset.done $0x0  }
0x202: {  	s19 =	simm.s32 $0x28;
	p1 =	por $0x0, $0x0;
	[sflag:s9] =	ssyncadd.s32 $0xFFFFC000  }
0x203: {  	s19 =	stileid.u32  }
0x204: {  	[bflag:$0x0] =	sbarrier.arrive $0xFFFF;
	s19 =	sshll.u32 s19, $0x6  }
0x205: {  	s20 =	sshrl.u32 s8, $0x3;
	s23 =	rddreg [dreg:$0x11];
	s19 =	sor.u32 $0x1C03, s19  }
0x206: {  	[hbm:s23], [sflag:s19] =	dma.local [spmem:s20], $0x2800  }
0x207: {  	_ =	swait.ge [sflag:s2], $0x2800  }
0x208: {  	[sflag:s2] =	ssyncset.done $0x0  }
0x209: {  	s23 =	sshrl.u32 s21, $0x3;
	s24 =	rddreg [dreg:$0x12];
	[sflag:s2] =	ssyncadd.s32 $0xFFFFD800  }
0x20a: {  	[hbm:s24], [sflag:s19] =	dma.local [spmem:s23], $0x50  }
0x20b: {  	_ =	swait.ge [sflag:s2], $0x50  }
0x20c: {  	s5 =	sadd.s32 $0x1, s5;
	s25 =	rddreg [dreg:$0x13]  }
0x20d: {  	p0 =	sne.s32 s5, s25  }
.Ltmp2:
0x20e: {  	_ = 	snop;
	(pc) =	sbr.rel @p0 .LBB2_1-.Ltmp2, $3  }
0x20f: {  	_ =	sdelay $0x1  }
0x210: {  	[sflag:s2] =	ssyncset.done $0x0  }
0x211: {  	[sflag:s2] =	ssyncadd.s32 $0xFFFFFFB0  }
0x212: {  	_ =	sfence.sel $0x180000  }
0x213: {  	[bflag:$0x0] =	sbarrier.arrive $0xFFFF  }
0x214: {  	_ =	strace $0x90000047  }
0x215: {  	s0 =	stileid.u32;
	[bflag:$0x2] =	sbarrier.arrive $0xFFFF  }
0x216: {  	p0 =	sne.s32 s0, $0x0;
	s0 =	rddreg [dreg:$0x4]  }
0x217: {  	s0 =	sadd.s32 @!p0 $0x100000, s0  }
0x218: {  	[sflag:s0] =	ssyncadd.tile.s32 @!p0 $0x1;
	_ =	shalt  }
.Lfunc_end2:
_tile_overlayer_lowered:
.L_overlay_start_2:
0x219: {  	(tag) =	ssettag $0x2  }
0x21a: {  	s0 =	rddreg [dreg:$0x0];
	s2 =	stileid.u32  }
0x21b: {  	s1 =	rddreg [dreg:$0x1];
	p0 =	sne.s32 s2, $0x0  }
0x21c: {  	s3 =	rddreg [dreg:$0x2];
	[bflag:$0x3] =	sbarrier.arrive $0xFFFF;
	s2 =	simm.s32 @!p0 $0x1C03  }
0x21d: {  	[timem:s3], [sflag:s2] =	dma.local @!p0 [hbm:s0], s1  }
0x21e: {  	s0 =	simm.s32 @!p0 $0x3  }
0x21f: {  	_ =	swait.ge @!p0 [sflag:s0], s1  }
0x220: {  	s1 =	ssub.s32 @!p0 $0x0, s1;
	[sflag:s0] =	ssyncset.done @!p0 $0x0  }
0x221: {  	[sflag:s0] =	ssyncadd.s32 @!p0 s1  }
0x222: {  	[bflag:$0x3] =	sbarrier.arrive $0xFFFF  }
0x223: {  	_ =	shalt  }

</sc_bundles>
